<compile_context>
chip_gen: v7x
topology: tpu7x:2x2x1
jax: 0.10.2.dev20260603
libtpu: 0.0.44.dev20260713+nightly
codegen_flags: <defaults>
</compile_context>

<pallas_src>
import functools

import jax
import jax.numpy as jnp
from jax import lax
from jax.experimental import pallas as pl
from jax.experimental.pallas import tpu as pltpu
from jax.experimental.pallas import tpu_sc as plsc

_NC = 2
_NS = 16
_NW = _NC * _NS

_TR = 16
_NBUF = 6
_LOOKAHEAD = _NBUF - 2


def _sc_body(B, L, D, x_hbm, pe_hbm, o_hbm, pe_bufs, xbufs, spe, sin, sout):
    w = lax.axis_index("s") * _NC + lax.axis_index("c")
    rows_per_w = L // _NW
    pe_row0 = w * rows_per_w
    n_chunks = rows_per_w // _TR
    nsteps = n_chunks * B

    def xrow(t):
        c, b = divmod(t, B)
        return b * L + pe_row0 + c * _TR

    def start_in(t):
        pltpu.async_copy(
            x_hbm.at[pl.ds(xrow(t), _TR)], xbufs[t % _NBUF], sin[t % _NBUF])

    def wait_in(t):
        pltpu.make_async_copy(
            x_hbm.at[pl.ds(xrow(t), _TR)], xbufs[t % _NBUF],
            sin[t % _NBUF]).wait()

    def start_out(t):
        pltpu.async_copy(
            xbufs[t % _NBUF], o_hbm.at[pl.ds(xrow(t), _TR)], sout[t % _NBUF])

    def wait_out(t):
        pltpu.make_async_copy(
            xbufs[t % _NBUF], o_hbm.at[pl.ds(xrow(t), _TR)],
            sout[t % _NBUF]).wait()

    def start_pe(c):
        pltpu.async_copy(
            pe_hbm.at[pl.ds(pe_row0 + c * _TR, _TR)], pe_bufs[c % 2],
            spe[c % 2])

    def wait_pe(c):
        pltpu.make_async_copy(
            pe_hbm.at[pl.ds(pe_row0 + c * _TR, _TR)], pe_bufs[c % 2],
            spe[c % 2]).wait()

    start_pe(0)
    for t in range(_LOOKAHEAD):
        start_in(t)
    for t in range(nsteps):
        c, b = divmod(t, B)
        if b == 0:
            wait_pe(c)
            if c + 1 < n_chunks:
                start_pe(c + 1)
        wait_in(t)
        if t + _LOOKAHEAD < nsteps:
            if t - 2 >= 0:
                wait_out(t - 2)
            start_in(t + _LOOKAHEAD)

        xb = xbufs[t % _NBUF]
        pe_buf = pe_bufs[c % 2]

        def row_add(r, _):
            @plsc.parallel_loop(0, D, 16, unroll=16)
            def _vec_add(i):
                s = pl.ds(i, 16)
                plsc.addupdate(xb.at[r, s], pe_buf[r, s])
            return 0

        lax.fori_loop(0, _TR, row_add, 0)
        start_out(t)

    for t in range(max(0, nsteps - 2), nsteps):
        wait_out(t)


def kernel(x, pe):
    B, L, D = x.shape
    xf = x.reshape(B * L, D)
    mesh = plsc.VectorSubcoreMesh(core_axis_name="c", subcore_axis_name="s")

    def body(x_hbm, pe_hbm, o_hbm, *scratch):
        pe_bufs = scratch[0:2]
        xbufs = scratch[2:2 + _NBUF]
        spe = scratch[2 + _NBUF:4 + _NBUF]
        sin = scratch[4 + _NBUF:4 + 2 * _NBUF]
        sout = scratch[4 + 2 * _NBUF:4 + 3 * _NBUF]
        _sc_body(B, L, D, x_hbm, pe_hbm, o_hbm, pe_bufs, xbufs, spe, sin,
                 sout)

    sc_call = functools.partial(
        pl.kernel,
        mesh=mesh,
        out_type=jax.ShapeDtypeStruct((B * L, D), x.dtype),
        compiler_params=pltpu.CompilerParams(use_tc_tiling_on_sc=True),
        scratch_types=(
            [pltpu.VMEM((_TR, D), jnp.float32)] * (2 + _NBUF)
            + [pltpu.SemaphoreType.DMA] * (2 + 2 * _NBUF)
        ),
    )(body)
    out = sc_call(xf, pe)
    return out.reshape(B, L, D)

# --- scband reference (transcript-rebuilt; emitter-appended) ---
"""Pipeline reference for scband-learned-absolute-pe-57011395887757 (READ-ONLY COPY).

The authoritative reference and input builder live on the scoring server;
editing this copy changes nothing except your own understanding.
"""

import jax, jax.numpy as jnp
import numpy as np

D_MODEL = 1024
MAX_LEN = 8192
B = 4
L = 4096

def setup_inputs(seed: int = 0) -> dict:
    key = jax.random.key(seed)
    k1, k2 = jax.random.split(key)
    x = jax.random.normal(k1, (B, L, D_MODEL), dtype=jnp.float32)
    # learned positional embedding table (nn.Embedding default init ~ N(0,1))
    pe = jax.random.normal(k2, (MAX_LEN, D_MODEL), dtype=jnp.float32)
    return {"x": x, "pe": pe}

def reference(x, pe):
    Lcur = x.shape[1]
    pos = jnp.arange(Lcur)[None, :]  # [1, L]
    # embedding lookup: gather rows of pe by position index
    pe_rows = jnp.take(pe, pos, axis=0)  # [1, L, d_model]
    out = x + pe_rows
    # dropout is identity in eval/reference mode
    return out

if __name__ == "__main__":
    import jax
    _d = setup_inputs()
    print(jax.jit(kernel)(*tuple(_d.values())))

</pallas_src>

<mosaic_0001>
#map = affine_map<(d0, d1) -> (0, 0)>
module attributes {stable_mosaic.version = 14 : i64} {
  func.func @body(%arg0: i32, %arg1: i32, %arg2: memref<16384x1024xf32, #tpu.memory_space<hbm>>, %arg3: memref<8192x1024xf32, #tpu.memory_space<hbm>>, %arg4: memref<16384x1024xf32, #tpu.memory_space<hbm>>, %arg5: memref<16x1024xf32, #tpu.memory_space<vmem>>, %arg6: memref<16x1024xf32, #tpu.memory_space<vmem>>, %arg7: memref<16x1024xf32, #tpu.memory_space<vmem>>, %arg8: memref<16x1024xf32, #tpu.memory_space<vmem>>, %arg9: memref<16x1024xf32, #tpu.memory_space<vmem>>, %arg10: memref<16x1024xf32, #tpu.memory_space<vmem>>, %arg11: memref<16x1024xf32, #tpu.memory_space<vmem>>, %arg12: memref<16x1024xf32, #tpu.memory_space<vmem>>, %arg13: memref<!tpu.dma_semaphore, #tpu.memory_space<semaphore_mem>>, %arg14: memref<!tpu.dma_semaphore, #tpu.memory_space<semaphore_mem>>, %arg15: memref<!tpu.dma_semaphore, #tpu.memory_space<semaphore_mem>>, %arg16: memref<!tpu.dma_semaphore, #tpu.memory_space<semaphore_mem>>, %arg17: memref<!tpu.dma_semaphore, #tpu.memory_space<semaphore_mem>>, %arg18: memref<!tpu.dma_semaphore, #tpu.memory_space<semaphore_mem>>, %arg19: memref<!tpu.dma_semaphore, #tpu.memory_space<semaphore_mem>>, %arg20: memref<!tpu.dma_semaphore, #tpu.memory_space<semaphore_mem>>, %arg21: memref<!tpu.dma_semaphore, #tpu.memory_space<semaphore_mem>>, %arg22: memref<!tpu.dma_semaphore, #tpu.memory_space<semaphore_mem>>, %arg23: memref<!tpu.dma_semaphore, #tpu.memory_space<semaphore_mem>>, %arg24: memref<!tpu.dma_semaphore, #tpu.memory_space<semaphore_mem>>, %arg25: memref<!tpu.dma_semaphore, #tpu.memory_space<semaphore_mem>>, %arg26: memref<!tpu.dma_semaphore, #tpu.memory_space<semaphore_mem>>) attributes {dimension_semantics = [#tpu.dimension_semantics<core_parallel>, #tpu.dimension_semantics<subcore_parallel>], iteration_bounds = array<i64: 2, 16>, scalar_prefetch = 0 : i64, scratch_operands = 22 : i64, tpu.core_type = #tpu.core_type<sc_vector_subcore>, window_params = [{transform_indices = #map}, {transform_indices = #map}, {transform_indices = #map}]} {
    %mul3A = arith.constant 2 : i32
    %mul3A_0 = arith.muli %arg1, %mul3A : i32
    %add3A = arith.addi %mul3A_0, %arg0 : i32
    %mul3A_1 = arith.constant 128 : i32
    %mul3A_2 = arith.muli %add3A, %mul3A_1 : i32
    %add3A_3 = arith.constant 0 : i32
    %add3A_4 = arith.addi %mul3A_2, %add3A_3 : i32
    %dma_start3A = arith.constant 0 : i32
    %dma_start3A_5 = tpu.memref_slice %arg3[%add3A_4, %dma_start3A] : memref<8192x1024xf32, #tpu.memory_space<hbm>> -> memref<16x1024xf32, #tpu.memory_space<hbm>>
    %dma_start3A_6 = arith.constant 0 : i32
    %dma_start3A_7 = tpu.memref_slice %arg3[%add3A_4, %dma_start3A_6] : memref<8192x1024xf32, #tpu.memory_space<hbm>> -> memref<16x1024xf32, #tpu.memory_space<hbm>>
    tpu.enqueue_dma source(%dma_start3A_7 : memref<16x1024xf32, #tpu.memory_space<hbm>>) target(%arg5 : memref<16x1024xf32, #tpu.memory_space<vmem>>) target_semaphore(%arg13 : memref<!tpu.dma_semaphore, #tpu.memory_space<semaphore_mem>>)
    %add3A_8 = arith.constant 0 : i32
    %add3A_9 = arith.addi %add3A_8, %mul3A_2 : i32
    %add3A_10 = arith.constant 0 : i32
    %add3A_11 = arith.addi %add3A_9, %add3A_10 : i32
    %dma_start3A_12 = arith.constant 0 : i32
    %dma_start3A_13 = tpu.memref_slice %arg2[%add3A_11, %dma_start3A_12] : memref<16384x1024xf32, #tpu.memory_space<hbm>> -> memref<16x1024xf32, #tpu.memory_space<hbm>>
    %dma_start3A_14 = arith.constant 0 : i32
    %dma_start3A_15 = tpu.memref_slice %arg2[%add3A_11, %dma_start3A_14] : memref<16384x1024xf32, #tpu.memory_space<hbm>> -> memref<16x1024xf32, #tpu.memory_space<hbm>>
    tpu.enqueue_dma source(%dma_start3A_15 : memref<16x1024xf32, #tpu.memory_space<hbm>>) target(%arg7 : memref<16x1024xf32, #tpu.memory_space<vmem>>) target_semaphore(%arg15 : memref<!tpu.dma_semaphore, #tpu.memory_space<semaphore_mem>>)
    %add3A_16 = arith.constant 4096 : i32
    %add3A_17 = arith.addi %add3A_16, %mul3A_2 : i32
    %add3A_18 = arith.constant 0 : i32
    %add3A_19 = arith.addi %add3A_17, %add3A_18 : i32
    %dma_start3A_20 = arith.constant 0 : i32
    %dma_start3A_21 = tpu.memref_slice %arg2[%add3A_19, %dma_start3A_20] : memref<16384x1024xf32, #tpu.memory_space<hbm>> -> memref<16x1024xf32, #tpu.memory_space<hbm>>
    %dma_start3A_22 = arith.constant 0 : i32
    %dma_start3A_23 = tpu.memref_slice %arg2[%add3A_19, %dma_start3A_22] : memref<16384x1024xf32, #tpu.memory_space<hbm>> -> memref<16x1024xf32, #tpu.memory_space<hbm>>
    tpu.enqueue_dma source(%dma_start3A_23 : memref<16x1024xf32, #tpu.memory_space<hbm>>) target(%arg8 : memref<16x1024xf32, #tpu.memory_space<vmem>>) target_semaphore(%arg16 : memref<!tpu.dma_semaphore, #tpu.memory_space<semaphore_mem>>)
    %add3A_24 = arith.constant 8192 : i32
    %add3A_25 = arith.addi %add3A_24, %mul3A_2 : i32
    %add3A_26 = arith.constant 0 : i32
    %add3A_27 = arith.addi %add3A_25, %add3A_26 : i32
    %dma_start3A_28 = arith.constant 0 : i32
    %dma_start3A_29 = tpu.memref_slice %arg2[%add3A_27, %dma_start3A_28] : memref<16384x1024xf32, #tpu.memory_space<hbm>> -> memref<16x1024xf32, #tpu.memory_space<hbm>>
    %dma_start3A_30 = arith.constant 0 : i32
    %dma_start3A_31 = tpu.memref_slice %arg2[%add3A_27, %dma_start3A_30] : memref<16384x1024xf32, #tpu.memory_space<hbm>> -> memref<16x1024xf32, #tpu.memory_space<hbm>>
    tpu.enqueue_dma source(%dma_start3A_31 : memref<16x1024xf32, #tpu.memory_space<hbm>>) target(%arg9 : memref<16x1024xf32, #tpu.memory_space<vmem>>) target_semaphore(%arg17 : memref<!tpu.dma_semaphore, #tpu.memory_space<semaphore_mem>>)
    %add3A_32 = arith.constant 12288 : i32
    %add3A_33 = arith.addi %add3A_32, %mul3A_2 : i32
    %add3A_34 = arith.constant 0 : i32
    %add3A_35 = arith.addi %add3A_33, %add3A_34 : i32
    %dma_start3A_36 = arith.constant 0 : i32
    %dma_start3A_37 = tpu.memref_slice %arg2[%add3A_35, %dma_start3A_36] : memref<16384x1024xf32, #tpu.memory_space<hbm>> -> memref<16x1024xf32, #tpu.memory_space<hbm>>
    %dma_start3A_38 = arith.constant 0 : i32
    %dma_start3A_39 = tpu.memref_slice %arg2[%add3A_35, %dma_start3A_38] : memref<16384x1024xf32, #tpu.memory_space<hbm>> -> memref<16x1024xf32, #tpu.memory_space<hbm>>
    tpu.enqueue_dma source(%dma_start3A_39 : memref<16x1024xf32, #tpu.memory_space<hbm>>) target(%arg10 : memref<16x1024xf32, #tpu.memory_space<vmem>>) target_semaphore(%arg18 : memref<!tpu.dma_semaphore, #tpu.memory_space<semaphore_mem>>)
    %add3A_40 = arith.constant 0 : i32
    %add3A_41 = arith.addi %mul3A_2, %add3A_40 : i32
    %dma_wait3A = arith.constant 0 : i32
    %dma_wait3A_42 = tpu.memref_slice %arg3[%add3A_41, %dma_wait3A] : memref<8192x1024xf32, #tpu.memory_space<hbm>> -> memref<16x1024xf32, #tpu.memory_space<hbm>>
    %dma_wait3A_43 = arith.constant 0 : i32
    %dma_wait3A_44 = tpu.memref_slice %arg3[%add3A_41, %dma_wait3A_43] : memref<8192x1024xf32, #tpu.memory_space<hbm>> -> memref<16x1024xf32, #tpu.memory_space<hbm>>
    tpu.wait_dma2 semaphore(%arg13 : memref<!tpu.dma_semaphore, #tpu.memory_space<semaphore_mem>>) src(%dma_wait3A_44 : memref<16x1024xf32, #tpu.memory_space<hbm>>) dst(%arg5 : memref<16x1024xf32, #tpu.memory_space<vmem>>)
    %add3A_45 = arith.constant 16 : i32
    %add3A_46 = arith.addi %mul3A_2, %add3A_45 : i32
    %dma_start3A_47 = arith.constant 0 : i32
    %dma_start3A_48 = tpu.memref_slice %arg3[%add3A_46, %dma_start3A_47] : memref<8192x1024xf32, #tpu.memory_space<hbm>> -> memref<16x1024xf32, #tpu.memory_space<hbm>>
    %dma_start3A_49 = arith.constant 0 : i32
    %dma_start3A_50 = tpu.memref_slice %arg3[%add3A_46, %dma_start3A_49] : memref<8192x1024xf32, #tpu.memory_space<hbm>> -> memref<16x1024xf32, #tpu.memory_space<hbm>>
    tpu.enqueue_dma source(%dma_start3A_50 : memref<16x1024xf32, #tpu.memory_space<hbm>>) target(%arg6 : memref<16x1024xf32, #tpu.memory_space<vmem>>) target_semaphore(%arg14 : memref<!tpu.dma_semaphore, #tpu.memory_space<semaphore_mem>>)
    %add3A_51 = arith.constant 0 : i32
    %add3A_52 = arith.addi %add3A_51, %mul3A_2 : i32
    %add3A_53 = arith.constant 0 : i32
    %add3A_54 = arith.addi %add3A_52, %add3A_53 : i32
    %dma_wait3A_55 = arith.constant 0 : i32
    %dma_wait3A_56 = tpu.memref_slice %arg2[%add3A_54, %dma_wait3A_55] : memref<16384x1024xf32, #tpu.memory_space<hbm>> -> memref<16x1024xf32, #tpu.memory_space<hbm>>
    %dma_wait3A_57 = arith.constant 0 : i32
    %dma_wait3A_58 = tpu.memref_slice %arg2[%add3A_54, %dma_wait3A_57] : memref<16384x1024xf32, #tpu.memory_space<hbm>> -> memref<16x1024xf32, #tpu.memory_space<hbm>>
    tpu.wait_dma2 semaphore(%arg15 : memref<!tpu.dma_semaphore, #tpu.memory_space<semaphore_mem>>) src(%dma_wait3A_58 : memref<16x1024xf32, #tpu.memory_space<hbm>>) dst(%arg7 : memref<16x1024xf32, #tpu.memory_space<vmem>>)
    %add3A_59 = arith.constant 0 : i32
    %add3A_60 = arith.addi %add3A_59, %mul3A_2 : i32
    %add3A_61 = arith.constant 16 : i32
    %add3A_62 = arith.addi %add3A_60, %add3A_61 : i32
    %dma_start3A_63 = arith.constant 0 : i32
    %dma_start3A_64 = tpu.memref_slice %arg2[%add3A_62, %dma_start3A_63] : memref<16384x1024xf32, #tpu.memory_space<hbm>> -> memref<16x1024xf32, #tpu.memory_space<hbm>>
    %dma_start3A_65 = arith.constant 0 : i32
    %dma_start3A_66 = tpu.memref_slice %arg2[%add3A_62, %dma_start3A_65] : memref<16384x1024xf32, #tpu.memory_space<hbm>> -> memref<16x1024xf32, #tpu.memory_space<hbm>>
    tpu.enqueue_dma source(%dma_start3A_66 : memref<16x1024xf32, #tpu.memory_space<hbm>>) target(%arg11 : memref<16x1024xf32, #tpu.memory_space<vmem>>) target_semaphore(%arg19 : memref<!tpu.dma_semaphore, #tpu.memory_space<semaphore_mem>>)
    %scan3A = arith.constant 0 : i32
    %scan3A_67 = arith.constant 0 : i32
    %scan3A_68 = arith.constant 16 : i32
    %scan3A_69 = arith.addi %scan3A_67, %scan3A_68 : i32
    %scan3A_70 = arith.constant 1 : i32
    %scan3A_71 = scf.for %scan3A_1312 = %scan3A_67 to %scan3A_69 step %scan3A_70 iter_args(%scan3A_1313 = %scan3A) -> (i32)  : i32 {
      %parallel_loop3A = arith.constant 0 : i32
      %parallel_loop3A_1314 = arith.constant 1024 : i32
      %parallel_loop3A_1315 = arith.constant 16 : i32
      scf.for %parallel_loop3A_1317 = %parallel_loop3A to %parallel_loop3A_1314 step %parallel_loop3A_1315  : i32 {
        %parallel_loop3A_1318 = arith.index_cast %scan3A_1312 : i32 to index
        %parallel_loop3A_1319 = arith.index_cast %parallel_loop3A_1317 : i32 to index
        %parallel_loop3A_1320 = tpu.vector_load %arg5[%parallel_loop3A_1318, %parallel_loop3A_1319] {strides = array<i32>} : memref<16x1024xf32, #tpu.memory_space<vmem>>, vector<1x16xf32>,
        %parallel_loop3A_1321 = vector.shape_cast %parallel_loop3A_1320 : vector<1x16xf32> to vector<16xf32>
        %parallel_loop3A_1322 = arith.index_cast %scan3A_1312 : i32 to index
        %parallel_loop3A_1323 = arith.index_cast %parallel_loop3A_1317 : i32 to index
        %parallel_loop3A_1324 = tpu.vector_load %arg7[%parallel_loop3A_1322, %parallel_loop3A_1323] {strides = array<i32>} : memref<16x1024xf32, #tpu.memory_space<vmem>>, vector<1x16xf32>,
        %parallel_loop3A_1325 = vector.shape_cast %parallel_loop3A_1324 : vector<1x16xf32> to vector<16xf32>
        %parallel_loop3A_1326 = vector.shape_cast %parallel_loop3A_1321 : vector<16xf32> to vector<1x16xf32>
        tpu.vector_store %arg7[%parallel_loop3A_1322, %parallel_loop3A_1323], %parallel_loop3A_1326 {add = true, strides = array<i32>} : memref<16x1024xf32, #tpu.memory_space<vmem>>, vector<1x16xf32>,
      } {sc.loop_unroll_factor = 16 : i64, sc.parallel_access}
      %scan3A_1316 = arith.constant 0 : i32
      scf.yield %scan3A_1316 : i32
    }
    %scan3A_72 = arith.constant 16 : i32
    %add3A_73 = arith.constant 0 : i32
    %add3A_74 = arith.addi %add3A_73, %mul3A_2 : i32
    %add3A_75 = arith.constant 0 : i32
    %add3A_76 = arith.addi %add3A_74, %add3A_75 : i32
    %dma_start3A_77 = arith.constant 0 : i32
    %dma_start3A_78 = tpu.memref_slice %arg4[%add3A_76, %dma_start3A_77] : memref<16384x1024xf32, #tpu.memory_space<hbm>> -> memref<16x1024xf32, #tpu.memory_space<hbm>>
    %dma_start3A_79 = arith.constant 0 : i32
    %dma_start3A_80 = tpu.memref_slice %arg4[%add3A_76, %dma_start3A_79] : memref<16384x1024xf32, #tpu.memory_space<hbm>> -> memref<16x1024xf32, #tpu.memory_space<hbm>>
    tpu.enqueue_dma source(%arg7 : memref<16x1024xf32, #tpu.memory_space<vmem>>) target(%dma_start3A_80 : memref<16x1024xf32, #tpu.memory_space<hbm>>) target_semaphore(%arg21 : memref<!tpu.dma_semaphore, #tpu.memory_space<semaphore_mem>>)
    %add3A_81 = arith.constant 4096 : i32
    %add3A_82 = arith.addi %add3A_81, %mul3A_2 : i32
    %add3A_83 = arith.constant 0 : i32
    %add3A_84 = arith.addi %add3A_82, %add3A_83 : i32
    %dma_wait3A_85 = arith.constant 0 : i32
    %dma_wait3A_86 = tpu.memref_slice %arg2[%add3A_84, %dma_wait3A_85] : memref<16384x1024xf32, #tpu.memory_space<hbm>> -> memref<16x1024xf32, #tpu.memory_space<hbm>>
    %dma_wait3A_87 = arith.constant 0 : i32
    %dma_wait3A_88 = tpu.memref_slice %arg2[%add3A_84, %dma_wait3A_87] : memref<16384x1024xf32, #tpu.memory_space<hbm>> -> memref<16x1024xf32, #tpu.memory_space<hbm>>
    tpu.wait_dma2 semaphore(%arg16 : memref<!tpu.dma_semaphore, #tpu.memory_space<semaphore_mem>>) src(%dma_wait3A_88 : memref<16x1024xf32, #tpu.memory_space<hbm>>) dst(%arg8 : memref<16x1024xf32, #tpu.memory_space<vmem>>)
    %add3A_89 = arith.constant 4096 : i32
    %add3A_90 = arith.addi %add3A_89, %mul3A_2 : i32
    %add3A_91 = arith.constant 16 : i32
    %add3A_92 = arith.addi %add3A_90, %add3A_91 : i32
    %dma_start3A_93 = arith.constant 0 : i32
    %dma_start3A_94 = tpu.memref_slice %arg2[%add3A_92, %dma_start3A_93] : memref<16384x1024xf32, #tpu.memory_space<hbm>> -> memref<16x1024xf32, #tpu.memory_space<hbm>>
    %dma_start3A_95 = arith.constant 0 : i32
    %dma_start3A_96 = tpu.memref_slice %arg2[%add3A_92, %dma_start3A_95] : memref<16384x1024xf32, #tpu.memory_space<hbm>> -> memref<16x1024xf32, #tpu.memory_space<hbm>>
    tpu.enqueue_dma source(%dma_start3A_96 : memref<16x1024xf32, #tpu.memory_space<hbm>>) target(%arg12 : memref<16x1024xf32, #tpu.memory_space<vmem>>) target_semaphore(%arg20 : memref<!tpu.dma_semaphore, #tpu.memory_space<semaphore_mem>>)
    %scan3A_97 = arith.constant 0 : i32
    %scan3A_98 = arith.constant 0 : i32
    %scan3A_99 = arith.constant 16 : i32
    %scan3A_100 = arith.addi %scan3A_98, %scan3A_99 : i32
    %scan3A_101 = arith.constant 1 : i32
    %scan3A_102 = scf.for %scan3A_1312 = %scan3A_98 to %scan3A_100 step %scan3A_101 iter_args(%scan3A_1313 = %scan3A_97) -> (i32)  : i32 {
      %parallel_loop3A = arith.constant 0 : i32
      %parallel_loop3A_1314 = arith.constant 1024 : i32
      %parallel_loop3A_1315 = arith.constant 16 : i32
      scf.for %parallel_loop3A_1317 = %parallel_loop3A to %parallel_loop3A_1314 step %parallel_loop3A_1315  : i32 {
        %parallel_loop3A_1318 = arith.index_cast %scan3A_1312 : i32 to index
        %parallel_loop3A_1319 = arith.index_cast %parallel_loop3A_1317 : i32 to index
        %parallel_loop3A_1320 = tpu.vector_load %arg5[%parallel_loop3A_1318, %parallel_loop3A_1319] {strides = array<i32>} : memref<16x1024xf32, #tpu.memory_space<vmem>>, vector<1x16xf32>,
        %parallel_loop3A_1321 = vector.shape_cast %parallel_loop3A_1320 : vector<1x16xf32> to vector<16xf32>
        %parallel_loop3A_1322 = arith.index_cast %scan3A_1312 : i32 to index
        %parallel_loop3A_1323 = arith.index_cast %parallel_loop3A_1317 : i32 to index
        %parallel_loop3A_1324 = tpu.vector_load %arg8[%parallel_loop3A_1322, %parallel_loop3A_1323] {strides = array<i32>} : memref<16x1024xf32, #tpu.memory_space<vmem>>, vector<1x16xf32>,
        %parallel_loop3A_1325 = vector.shape_cast %parallel_loop3A_1324 : vector<1x16xf32> to vector<16xf32>
        %parallel_loop3A_1326 = vector.shape_cast %parallel_loop3A_1321 : vector<16xf32> to vector<1x16xf32>
        tpu.vector_store %arg8[%parallel_loop3A_1322, %parallel_loop3A_1323], %parallel_loop3A_1326 {add = true, strides = array<i32>} : memref<16x1024xf32, #tpu.memory_space<vmem>>, vector<1x16xf32>,
      } {sc.loop_unroll_factor = 16 : i64, sc.parallel_access}
      %scan3A_1316 = arith.constant 0 : i32
      scf.yield %scan3A_1316 : i32
    }
    %scan3A_103 = arith.constant 16 : i32
    %add3A_104 = arith.constant 4096 : i32
    %add3A_105 = arith.addi %add3A_104, %mul3A_2 : i32
    %add3A_106 = arith.constant 0 : i32
    %add3A_107 = arith.addi %add3A_105, %add3A_106 : i32
    %dma_start3A_108 = arith.constant 0 : i32
    %dma_start3A_109 = tpu.memref_slice %arg4[%add3A_107, %dma_start3A_108] : memref<16384x1024xf32, #tpu.memory_space<hbm>> -> memref<16x1024xf32, #tpu.memory_space<hbm>>
    %dma_start3A_110 = arith.constant 0 : i32
    %dma_start3A_111 = tpu.memref_slice %arg4[%add3A_107, %dma_start3A_110] : memref<16384x1024xf32, #tpu.memory_space<hbm>> -> memref<16x1024xf32, #tpu.memory_space<hbm>>
    tpu.enqueue_dma source(%arg8 : memref<16x1024xf32, #tpu.memory_space<vmem>>) target(%dma_start3A_111 : memref<16x1024xf32, #tpu.memory_space<hbm>>) target_semaphore(%arg22 : memref<!tpu.dma_semaphore, #tpu.memory_space<semaphore_mem>>)
    %add3A_112 = arith.constant 8192 : i32
    %add3A_113 = arith.addi %add3A_112, %mul3A_2 : i32
    %add3A_114 = arith.constant 0 : i32
    %add3A_115 = arith.addi %add3A_113, %add3A_114 : i32
    %dma_wait3A_116 = arith.constant 0 : i32
    %dma_wait3A_117 = tpu.memref_slice %arg2[%add3A_115, %dma_wait3A_116] : memref<16384x1024xf32, #tpu.memory_space<hbm>> -> memref<16x1024xf32, #tpu.memory_space<hbm>>
    %dma_wait3A_118 = arith.constant 0 : i32
    %dma_wait3A_119 = tpu.memref_slice %arg2[%add3A_115, %dma_wait3A_118] : memref<16384x1024xf32, #tpu.memory_space<hbm>> -> memref<16x1024xf32, #tpu.memory_space<hbm>>
    tpu.wait_dma2 semaphore(%arg17 : memref<!tpu.dma_semaphore, #tpu.memory_space<semaphore_mem>>) src(%dma_wait3A_119 : memref<16x1024xf32, #tpu.memory_space<hbm>>) dst(%arg9 : memref<16x1024xf32, #tpu.memory_space<vmem>>)
    %add3A_120 = arith.constant 0 : i32
    %add3A_121 = arith.addi %add3A_120, %mul3A_2 : i32
    %add3A_122 = arith.constant 0 : i32
    %add3A_123 = arith.addi %add3A_121, %add3A_122 : i32
    %dma_wait3A_124 = arith.constant 0 : i32
    %dma_wait3A_125 = tpu.memref_slice %arg4[%add3A_123, %dma_wait3A_124] : memref<16384x1024xf32, #tpu.memory_space<hbm>> -> memref<16x1024xf32, #tpu.memory_space<hbm>>
    %dma_wait3A_126 = arith.constant 0 : i32
    %dma_wait3A_127 = tpu.memref_slice %arg4[%add3A_123, %dma_wait3A_126] : memref<16384x1024xf32, #tpu.memory_space<hbm>> -> memref<16x1024xf32, #tpu.memory_space<hbm>>
    tpu.wait_dma2 semaphore(%arg21 : memref<!tpu.dma_semaphore, #tpu.memory_space<semaphore_mem>>) src(%arg7 : memref<16x1024xf32, #tpu.memory_space<vmem>>) dst(%dma_wait3A_127 : memref<16x1024xf32, #tpu.memory_space<hbm>>)
    %add3A_128 = arith.constant 8192 : i32
    %add3A_129 = arith.addi %add3A_128, %mul3A_2 : i32
    %add3A_130 = arith.constant 16 : i32
    %add3A_131 = arith.addi %add3A_129, %add3A_130 : i32
    %dma_start3A_132 = arith.constant 0 : i32
    %dma_start3A_133 = tpu.memref_slice %arg2[%add3A_131, %dma_start3A_132] : memref<16384x1024xf32, #tpu.memory_space<hbm>> -> memref<16x1024xf32, #tpu.memory_space<hbm>>
    %dma_start3A_134 = arith.constant 0 : i32
    %dma_start3A_135 = tpu.memref_slice %arg2[%add3A_131, %dma_start3A_134] : memref<16384x1024xf32, #tpu.memory_space<hbm>> -> memref<16x1024xf32, #tpu.memory_space<hbm>>
    tpu.enqueue_dma source(%dma_start3A_135 : memref<16x1024xf32, #tpu.memory_space<hbm>>) target(%arg7 : memref<16x1024xf32, #tpu.memory_space<vmem>>) target_semaphore(%arg15 : memref<!tpu.dma_semaphore, #tpu.memory_space<semaphore_mem>>)
    %scan3A_136 = arith.constant 0 : i32
    %scan3A_137 = arith.constant 0 : i32
    %scan3A_138 = arith.constant 16 : i32
    %scan3A_139 = arith.addi %scan3A_137, %scan3A_138 : i32
    %scan3A_140 = arith.constant 1 : i32
    %scan3A_141 = scf.for %scan3A_1312 = %scan3A_137 to %scan3A_139 step %scan3A_140 iter_args(%scan3A_1313 = %scan3A_136) -> (i32)  : i32 {
      %parallel_loop3A = arith.constant 0 : i32
      %parallel_loop3A_1314 = arith.constant 1024 : i32
      %parallel_loop3A_1315 = arith.constant 16 : i32
      scf.for %parallel_loop3A_1317 = %parallel_loop3A to %parallel_loop3A_1314 step %parallel_loop3A_1315  : i32 {
        %parallel_loop3A_1318 = arith.index_cast %scan3A_1312 : i32 to index
        %parallel_loop3A_1319 = arith.index_cast %parallel_loop3A_1317 : i32 to index
        %parallel_loop3A_1320 = tpu.vector_load %arg5[%parallel_loop3A_1318, %parallel_loop3A_1319] {strides = array<i32>} : memref<16x1024xf32, #tpu.memory_space<vmem>>, vector<1x16xf32>,
        %parallel_loop3A_1321 = vector.shape_cast %parallel_loop3A_1320 : vector<1x16xf32> to vector<16xf32>
        %parallel_loop3A_1322 = arith.index_cast %scan3A_1312 : i32 to index
        %parallel_loop3A_1323 = arith.index_cast %parallel_loop3A_1317 : i32 to index
        %parallel_loop3A_1324 = tpu.vector_load %arg9[%parallel_loop3A_1322, %parallel_loop3A_1323] {strides = array<i32>} : memref<16x1024xf32, #tpu.memory_space<vmem>>, vector<1x16xf32>,
        %parallel_loop3A_1325 = vector.shape_cast %parallel_loop3A_1324 : vector<1x16xf32> to vector<16xf32>
        %parallel_loop3A_1326 = vector.shape_cast %parallel_loop3A_1321 : vector<16xf32> to vector<1x16xf32>
        tpu.vector_store %arg9[%parallel_loop3A_1322, %parallel_loop3A_1323], %parallel_loop3A_1326 {add = true, strides = array<i32>} : memref<16x1024xf32, #tpu.memory_space<vmem>>, vector<1x16xf32>,
      } {sc.loop_unroll_factor = 16 : i64, sc.parallel_access}
      %scan3A_1316 = arith.constant 0 : i32
      scf.yield %scan3A_1316 : i32
    }
    %scan3A_142 = arith.constant 16 : i32
    %add3A_143 = arith.constant 8192 : i32
    %add3A_144 = arith.addi %add3A_143, %mul3A_2 : i32
    %add3A_145 = arith.constant 0 : i32
    %add3A_146 = arith.addi %add3A_144, %add3A_145 : i32
    %dma_start3A_147 = arith.constant 0 : i32
    %dma_start3A_148 = tpu.memref_slice %arg4[%add3A_146, %dma_start3A_147] : memref<16384x1024xf32, #tpu.memory_space<hbm>> -> memref<16x1024xf32, #tpu.memory_space<hbm>>
    %dma_start3A_149 = arith.constant 0 : i32
    %dma_start3A_150 = tpu.memref_slice %arg4[%add3A_146, %dma_start3A_149] : memref<16384x1024xf32, #tpu.memory_space<hbm>> -> memref<16x1024xf32, #tpu.memory_space<hbm>>
    tpu.enqueue_dma source(%arg9 : memref<16x1024xf32, #tpu.memory_space<vmem>>) target(%dma_start3A_150 : memref<16x1024xf32, #tpu.memory_space<hbm>>) target_semaphore(%arg23 : memref<!tpu.dma_semaphore, #tpu.memory_space<semaphore_mem>>)
    %add3A_151 = arith.constant 12288 : i32
    %add3A_152 = arith.addi %add3A_151, %mul3A_2 : i32
    %add3A_153 = arith.constant 0 : i32
    %add3A_154 = arith.addi %add3A_152, %add3A_153 : i32
    %dma_wait3A_155 = arith.constant 0 : i32
    %dma_wait3A_156 = tpu.memref_slice %arg2[%add3A_154, %dma_wait3A_155] : memref<16384x1024xf32, #tpu.memory_space<hbm>> -> memref<16x1024xf32, #tpu.memory_space<hbm>>
    %dma_wait3A_157 = arith.constant 0 : i32
    %dma_wait3A_158 = tpu.memref_slice %arg2[%add3A_154, %dma_wait3A_157] : memref<16384x1024xf32, #tpu.memory_space<hbm>> -> memref<16x1024xf32, #tpu.memory_space<hbm>>
    tpu.wait_dma2 semaphore(%arg18 : memref<!tpu.dma_semaphore, #tpu.memory_space<semaphore_mem>>) src(%dma_wait3A_158 : memref<16x1024xf32, #tpu.memory_space<hbm>>) dst(%arg10 : memref<16x1024xf32, #tpu.memory_space<vmem>>)
    %add3A_159 = arith.constant 4096 : i32
    %add3A_160 = arith.addi %add3A_159, %mul3A_2 : i32
    %add3A_161 = arith.constant 0 : i32
    %add3A_162 = arith.addi %add3A_160, %add3A_161 : i32
    %dma_wait3A_163 = arith.constant 0 : i32
    %dma_wait3A_164 = tpu.memref_slice %arg4[%add3A_162, %dma_wait3A_163] : memref<16384x1024xf32, #tpu.memory_space<hbm>> -> memref<16x1024xf32, #tpu.memory_space<hbm>>
    %dma_wait3A_165 = arith.constant 0 : i32
    %dma_wait3A_166 = tpu.memref_slice %arg4[%add3A_162, %dma_wait3A_165] : memref<16384x1024xf32, #tpu.memory_space<hbm>> -> memref<16x1024xf32, #tpu.memory_space<hbm>>
    tpu.wait_dma2 semaphore(%arg22 : memref<!tpu.dma_semaphore, #tpu.memory_space<semaphore_mem>>) src(%arg8 : memref<16x1024xf32, #tpu.memory_space<vmem>>) dst(%dma_wait3A_166 : memref<16x1024xf32, #tpu.memory_space<hbm>>)
    %add3A_167 = arith.constant 12288 : i32
    %add3A_168 = arith.addi %add3A_167, %mul3A_2 : i32
    %add3A_169 = arith.constant 16 : i32
    %add3A_170 = arith.addi %add3A_168, %add3A_169 : i32
    %dma_start3A_171 = arith.constant 0 : i32
    %dma_start3A_172 = tpu.memref_slice %arg2[%add3A_170, %dma_start3A_171] : memref<16384x1024xf32, #tpu.memory_space<hbm>> -> memref<16x1024xf32, #tpu.memory_space<hbm>>
    %dma_start3A_173 = arith.constant 0 : i32
    %dma_start3A_174 = tpu.memref_slice %arg2[%add3A_170, %dma_start3A_173] : memref<16384x1024xf32, #tpu.memory_space<hbm>> -> memref<16x1024xf32, #tpu.memory_space<hbm>>
    tpu.enqueue_dma source(%dma_start3A_174 : memref<16x1024xf32, #tpu.memory_space<hbm>>) target(%arg8 : memref<16x1024xf32, #tpu.memory_space<vmem>>) target_semaphore(%arg16 : memref<!tpu.dma_semaphore, #tpu.memory_space<semaphore_mem>>)
    %scan3A_175 = arith.constant 0 : i32
    %scan3A_176 = arith.constant 0 : i32
    %scan3A_177 = arith.constant 16 : i32
    %scan3A_178 = arith.addi %scan3A_176, %scan3A_177 : i32
    %scan3A_179 = arith.constant 1 : i32
    %scan3A_180 = scf.for %scan3A_1312 = %scan3A_176 to %scan3A_178 step %scan3A_179 iter_args(%scan3A_1313 = %scan3A_175) -> (i32)  : i32 {
      %parallel_loop3A = arith.constant 0 : i32
      %parallel_loop3A_1314 = arith.constant 1024 : i32
      %parallel_loop3A_1315 = arith.constant 16 : i32
      scf.for %parallel_loop3A_1317 = %parallel_loop3A to %parallel_loop3A_1314 step %parallel_loop3A_1315  : i32 {
        %parallel_loop3A_1318 = arith.index_cast %scan3A_1312 : i32 to index
        %parallel_loop3A_1319 = arith.index_cast %parallel_loop3A_1317 : i32 to index
        %parallel_loop3A_1320 = tpu.vector_load %arg5[%parallel_loop3A_1318, %parallel_loop3A_1319] {strides = array<i32>} : memref<16x1024xf32, #tpu.memory_space<vmem>>, vector<1x16xf32>,
        %parallel_loop3A_1321 = vector.shape_cast %parallel_loop3A_1320 : vector<1x16xf32> to vector<16xf32>
        %parallel_loop3A_1322 = arith.index_cast %scan3A_1312 : i32 to index
        %parallel_loop3A_1323 = arith.index_cast %parallel_loop3A_1317 : i32 to index
        %parallel_loop3A_1324 = tpu.vector_load %arg10[%parallel_loop3A_1322, %parallel_loop3A_1323] {strides = array<i32>} : memref<16x1024xf32, #tpu.memory_space<vmem>>, vector<1x16xf32>,
        %parallel_loop3A_1325 = vector.shape_cast %parallel_loop3A_1324 : vector<1x16xf32> to vector<16xf32>
        %parallel_loop3A_1326 = vector.shape_cast %parallel_loop3A_1321 : vector<16xf32> to vector<1x16xf32>
        tpu.vector_store %arg10[%parallel_loop3A_1322, %parallel_loop3A_1323], %parallel_loop3A_1326 {add = true, strides = array<i32>} : memref<16x1024xf32, #tpu.memory_space<vmem>>, vector<1x16xf32>,
      } {sc.loop_unroll_factor = 16 : i64, sc.parallel_access}
      %scan3A_1316 = arith.constant 0 : i32
      scf.yield %scan3A_1316 : i32
    }
    %scan3A_181 = arith.constant 16 : i32
    %add3A_182 = arith.constant 12288 : i32
    %add3A_183 = arith.addi %add3A_182, %mul3A_2 : i32
    %add3A_184 = arith.constant 0 : i32
    %add3A_185 = arith.addi %add3A_183, %add3A_184 : i32
    %dma_start3A_186 = arith.constant 0 : i32
    %dma_start3A_187 = tpu.memref_slice %arg4[%add3A_185, %dma_start3A_186] : memref<16384x1024xf32, #tpu.memory_space<hbm>> -> memref<16x1024xf32, #tpu.memory_space<hbm>>
    %dma_start3A_188 = arith.constant 0 : i32
    %dma_start3A_189 = tpu.memref_slice %arg4[%add3A_185, %dma_start3A_188] : memref<16384x1024xf32, #tpu.memory_space<hbm>> -> memref<16x1024xf32, #tpu.memory_space<hbm>>
    tpu.enqueue_dma source(%arg10 : memref<16x1024xf32, #tpu.memory_space<vmem>>) target(%dma_start3A_189 : memref<16x1024xf32, #tpu.memory_space<hbm>>) target_semaphore(%arg24 : memref<!tpu.dma_semaphore, #tpu.memory_space<semaphore_mem>>)
    %add3A_190 = arith.constant 16 : i32
    %add3A_191 = arith.addi %mul3A_2, %add3A_190 : i32
    %dma_wait3A_192 = arith.constant 0 : i32
    %dma_wait3A_193 = tpu.memref_slice %arg3[%add3A_191, %dma_wait3A_192] : memref<8192x1024xf32, #tpu.memory_space<hbm>> -> memref<16x1024xf32, #tpu.memory_space<hbm>>
    %dma_wait3A_194 = arith.constant 0 : i32
    %dma_wait3A_195 = tpu.memref_slice %arg3[%add3A_191, %dma_wait3A_194] : memref<8192x1024xf32, #tpu.memory_space<hbm>> -> memref<16x1024xf32, #tpu.memory_space<hbm>>
    tpu.wait_dma2 semaphore(%arg14 : memref<!tpu.dma_semaphore, #tpu.memory_space<semaphore_mem>>) src(%dma_wait3A_195 : memref<16x1024xf32, #tpu.memory_space<hbm>>) dst(%arg6 : memref<16x1024xf32, #tpu.memory_space<vmem>>)
    %add3A_196 = arith.constant 32 : i32
    %add3A_197 = arith.addi %mul3A_2, %add3A_196 : i32
    %dma_start3A_198 = arith.constant 0 : i32
    %dma_start3A_199 = tpu.memref_slice %arg3[%add3A_197, %dma_start3A_198] : memref<8192x1024xf32, #tpu.memory_space<hbm>> -> memref<16x1024xf32, #tpu.memory_space<hbm>>
    %dma_start3A_200 = arith.constant 0 : i32
    %dma_start3A_201 = tpu.memref_slice %arg3[%add3A_197, %dma_start3A_200] : memref<8192x1024xf32, #tpu.memory_space<hbm>> -> memref<16x1024xf32, #tpu.memory_space<hbm>>
    tpu.enqueue_dma source(%dma_start3A_201 : memref<16x1024xf32, #tpu.memory_space<hbm>>) target(%arg5 : memref<16x1024xf32, #tpu.memory_space<vmem>>) target_semaphore(%arg13 : memref<!tpu.dma_semaphore, #tpu.memory_space<semaphore_mem>>)
    %add3A_202 = arith.constant 0 : i32
    %add3A_203 = arith.addi %add3A_202, %mul3A_2 : i32
    %add3A_204 = arith.constant 16 : i32
    %add3A_205 = arith.addi %add3A_203, %add3A_204 : i32
    %dma_wait3A_206 = arith.constant 0 : i32
    %dma_wait3A_207 = tpu.memref_slice %arg2[%add3A_205, %dma_wait3A_206] : memref<16384x1024xf32, #tpu.memory_space<hbm>> -> memref<16x1024xf32, #tpu.memory_space<hbm>>
    %dma_wait3A_208 = arith.constant 0 : i32
    %dma_wait3A_209 = tpu.memref_slice %arg2[%add3A_205, %dma_wait3A_208] : memref<16384x1024xf32, #tpu.memory_space<hbm>> -> memref<16x1024xf32, #tpu.memory_space<hbm>>
    tpu.wait_dma2 semaphore(%arg19 : memref<!tpu.dma_semaphore, #tpu.memory_space<semaphore_mem>>) src(%dma_wait3A_209 : memref<16x1024xf32, #tpu.memory_space<hbm>>) dst(%arg11 : memref<16x1024xf32, #tpu.memory_space<vmem>>)
    %add3A_210 = arith.constant 8192 : i32
    %add3A_211 = arith.addi %add3A_210, %mul3A_2 : i32
    %add3A_212 = arith.constant 0 : i32
    %add3A_213 = arith.addi %add3A_211, %add3A_212 : i32
    %dma_wait3A_214 = arith.constant 0 : i32
    %dma_wait3A_215 = tpu.memref_slice %arg4[%add3A_213, %dma_wait3A_214] : memref<16384x1024xf32, #tpu.memory_space<hbm>> -> memref<16x1024xf32, #tpu.memory_space<hbm>>
    %dma_wait3A_216 = arith.constant 0 : i32
    %dma_wait3A_217 = tpu.memref_slice %arg4[%add3A_213, %dma_wait3A_216] : memref<16384x1024xf32, #tpu.memory_space<hbm>> -> memref<16x1024xf32, #tpu.memory_space<hbm>>
    tpu.wait_dma2 semaphore(%arg23 : memref<!tpu.dma_semaphore, #tpu.memory_space<semaphore_mem>>) src(%arg9 : memref<16x1024xf32, #tpu.memory_space<vmem>>) dst(%dma_wait3A_217 : memref<16x1024xf32, #tpu.memory_space<hbm>>)
    %add3A_218 = arith.constant 0 : i32
    %add3A_219 = arith.addi %add3A_218, %mul3A_2 : i32
    %add3A_220 = arith.constant 32 : i32
    %add3A_221 = arith.addi %add3A_219, %add3A_220 : i32
    %dma_start3A_222 = arith.constant 0 : i32
    %dma_start3A_223 = tpu.memref_slice %arg2[%add3A_221, %dma_start3A_222] : memref<16384x1024xf32, #tpu.memory_space<hbm>> -> memref<16x1024xf32, #tpu.memory_space<hbm>>
    %dma_start3A_224 = arith.constant 0 : i32
    %dma_start3A_225 = tpu.memref_slice %arg2[%add3A_221, %dma_start3A_224] : memref<16384x1024xf32, #tpu.memory_space<hbm>> -> memref<16x1024xf32, #tpu.memory_space<hbm>>
    tpu.enqueue_dma source(%dma_start3A_225 : memref<16x1024xf32, #tpu.memory_space<hbm>>) target(%arg9 : memref<16x1024xf32, #tpu.memory_space<vmem>>) target_semaphore(%arg17 : memref<!tpu.dma_semaphore, #tpu.memory_space<semaphore_mem>>)
    %scan3A_226 = arith.constant 0 : i32
    %scan3A_227 = arith.constant 0 : i32
    %scan3A_228 = arith.constant 16 : i32
    %scan3A_229 = arith.addi %scan3A_227, %scan3A_228 : i32
    %scan3A_230 = arith.constant 1 : i32
    %scan3A_231 = scf.for %scan3A_1312 = %scan3A_227 to %scan3A_229 step %scan3A_230 iter_args(%scan3A_1313 = %scan3A_226) -> (i32)  : i32 {
      %parallel_loop3A = arith.constant 0 : i32
      %parallel_loop3A_1314 = arith.constant 1024 : i32
      %parallel_loop3A_1315 = arith.constant 16 : i32
      scf.for %parallel_loop3A_1317 = %parallel_loop3A to %parallel_loop3A_1314 step %parallel_loop3A_1315  : i32 {
        %parallel_loop3A_1318 = arith.index_cast %scan3A_1312 : i32 to index
        %parallel_loop3A_1319 = arith.index_cast %parallel_loop3A_1317 : i32 to index
        %parallel_loop3A_1320 = tpu.vector_load %arg6[%parallel_loop3A_1318, %parallel_loop3A_1319] {strides = array<i32>} : memref<16x1024xf32, #tpu.memory_space<vmem>>, vector<1x16xf32>,
        %parallel_loop3A_1321 = vector.shape_cast %parallel_loop3A_1320 : vector<1x16xf32> to vector<16xf32>
        %parallel_loop3A_1322 = arith.index_cast %scan3A_1312 : i32 to index
        %parallel_loop3A_1323 = arith.index_cast %parallel_loop3A_1317 : i32 to index
        %parallel_loop3A_1324 = tpu.vector_load %arg11[%parallel_loop3A_1322, %parallel_loop3A_1323] {strides = array<i32>} : memref<16x1024xf32, #tpu.memory_space<vmem>>, vector<1x16xf32>,
        %parallel_loop3A_1325 = vector.shape_cast %parallel_loop3A_1324 : vector<1x16xf32> to vector<16xf32>
        %parallel_loop3A_1326 = vector.shape_cast %parallel_loop3A_1321 : vector<16xf32> to vector<1x16xf32>
        tpu.vector_store %arg11[%parallel_loop3A_1322, %parallel_loop3A_1323], %parallel_loop3A_1326 {add = true, strides = array<i32>} : memref<16x1024xf32, #tpu.memory_space<vmem>>, vector<1x16xf32>,
      } {sc.loop_unroll_factor = 16 : i64, sc.parallel_access}
      %scan3A_1316 = arith.constant 0 : i32
      scf.yield %scan3A_1316 : i32
    }
    %scan3A_232 = arith.constant 16 : i32
    %add3A_233 = arith.constant 0 : i32
    %add3A_234 = arith.addi %add3A_233, %mul3A_2 : i32
    %add3A_235 = arith.constant 16 : i32
    %add3A_236 = arith.addi %add3A_234, %add3A_235 : i32
    %dma_start3A_237 = arith.constant 0 : i32
    %dma_start3A_238 = tpu.memref_slice %arg4[%add3A_236, %dma_start3A_237] : memref<16384x1024xf32, #tpu.memory_space<hbm>> -> memref<16x1024xf32, #tpu.memory_space<hbm>>
    %dma_start3A_239 = arith.constant 0 : i32
    %dma_start3A_240 = tpu.memref_slice %arg4[%add3A_236, %dma_start3A_239] : memref<16384x1024xf32, #tpu.memory_space<hbm>> -> memref<16x1024xf32, #tpu.memory_space<hbm>>
    tpu.enqueue_dma source(%arg11 : memref<16x1024xf32, #tpu.memory_space<vmem>>) target(%dma_start3A_240 : memref<16x1024xf32, #tpu.memory_space<hbm>>) target_semaphore(%arg25 : memref<!tpu.dma_semaphore, #tpu.memory_space<semaphore_mem>>)
    %add3A_241 = arith.constant 4096 : i32
    %add3A_242 = arith.addi %add3A_241, %mul3A_2 : i32
    %add3A_243 = arith.constant 16 : i32
    %add3A_244 = arith.addi %add3A_242, %add3A_243 : i32
    %dma_wait3A_245 = arith.constant 0 : i32
    %dma_wait3A_246 = tpu.memref_slice %arg2[%add3A_244, %dma_wait3A_245] : memref<16384x1024xf32, #tpu.memory_space<hbm>> -> memref<16x1024xf32, #tpu.memory_space<hbm>>
    %dma_wait3A_247 = arith.constant 0 : i32
    %dma_wait3A_248 = tpu.memref_slice %arg2[%add3A_244, %dma_wait3A_247] : memref<16384x1024xf32, #tpu.memory_space<hbm>> -> memref<16x1024xf32, #tpu.memory_space<hbm>>
    tpu.wait_dma2 semaphore(%arg20 : memref<!tpu.dma_semaphore, #tpu.memory_space<semaphore_mem>>) src(%dma_wait3A_248 : memref<16x1024xf32, #tpu.memory_space<hbm>>) dst(%arg12 : memref<16x1024xf32, #tpu.memory_space<vmem>>)
    %add3A_249 = arith.constant 12288 : i32
    %add3A_250 = arith.addi %add3A_249, %mul3A_2 : i32
    %add3A_251 = arith.constant 0 : i32
    %add3A_252 = arith.addi %add3A_250, %add3A_251 : i32
    %dma_wait3A_253 = arith.constant 0 : i32
    %dma_wait3A_254 = tpu.memref_slice %arg4[%add3A_252, %dma_wait3A_253] : memref<16384x1024xf32, #tpu.memory_space<hbm>> -> memref<16x1024xf32, #tpu.memory_space<hbm>>
    %dma_wait3A_255 = arith.constant 0 : i32
    %dma_wait3A_256 = tpu.memref_slice %arg4[%add3A_252, %dma_wait3A_255] : memref<16384x1024xf32, #tpu.memory_space<hbm>> -> memref<16x1024xf32, #tpu.memory_space<hbm>>
    tpu.wait_dma2 semaphore(%arg24 : memref<!tpu.dma_semaphore, #tpu.memory_space<semaphore_mem>>) src(%arg10 : memref<16x1024xf32, #tpu.memory_space<vmem>>) dst(%dma_wait3A_256 : memref<16x1024xf32, #tpu.memory_space<hbm>>)
    %add3A_257 = arith.constant 4096 : i32
    %add3A_258 = arith.addi %add3A_257, %mul3A_2 : i32
    %add3A_259 = arith.constant 32 : i32
    %add3A_260 = arith.addi %add3A_258, %add3A_259 : i32
    %dma_start3A_261 = arith.constant 0 : i32
    %dma_start3A_262 = tpu.memref_slice %arg2[%add3A_260, %dma_start3A_261] : memref<16384x1024xf32, #tpu.memory_space<hbm>> -> memref<16x1024xf32, #tpu.memory_space<hbm>>
    %dma_start3A_263 = arith.constant 0 : i32
    %dma_start3A_264 = tpu.memref_slice %arg2[%add3A_260, %dma_start3A_263] : memref<16384x1024xf32, #tpu.memory_space<hbm>> -> memref<16x1024xf32, #tpu.memory_space<hbm>>
    tpu.enqueue_dma source(%dma_start3A_264 : memref<16x1024xf32, #tpu.memory_space<hbm>>) target(%arg10 : memref<16x1024xf32, #tpu.memory_space<vmem>>) target_semaphore(%arg18 : memref<!tpu.dma_semaphore, #tpu.memory_space<semaphore_mem>>)
    %scan3A_265 = arith.constant 0 : i32
    %scan3A_266 = arith.constant 0 : i32
    %scan3A_267 = arith.constant 16 : i32
    %scan3A_268 = arith.addi %scan3A_266, %scan3A_267 : i32
    %scan3A_269 = arith.constant 1 : i32
    %scan3A_270 = scf.for %scan3A_1312 = %scan3A_266 to %scan3A_268 step %scan3A_269 iter_args(%scan3A_1313 = %scan3A_265) -> (i32)  : i32 {
      %parallel_loop3A = arith.constant 0 : i32
      %parallel_loop3A_1314 = arith.constant 1024 : i32
      %parallel_loop3A_1315 = arith.constant 16 : i32
      scf.for %parallel_loop3A_1317 = %parallel_loop3A to %parallel_loop3A_1314 step %parallel_loop3A_1315  : i32 {
        %parallel_loop3A_1318 = arith.index_cast %scan3A_1312 : i32 to index
        %parallel_loop3A_1319 = arith.index_cast %parallel_loop3A_1317 : i32 to index
        %parallel_loop3A_1320 = tpu.vector_load %arg6[%parallel_loop3A_1318, %parallel_loop3A_1319] {strides = array<i32>} : memref<16x1024xf32, #tpu.memory_space<vmem>>, vector<1x16xf32>,
        %parallel_loop3A_1321 = vector.shape_cast %parallel_loop3A_1320 : vector<1x16xf32> to vector<16xf32>
        %parallel_loop3A_1322 = arith.index_cast %scan3A_1312 : i32 to index
        %parallel_loop3A_1323 = arith.index_cast %parallel_loop3A_1317 : i32 to index
        %parallel_loop3A_1324 = tpu.vector_load %arg12[%parallel_loop3A_1322, %parallel_loop3A_1323] {strides = array<i32>} : memref<16x1024xf32, #tpu.memory_space<vmem>>, vector<1x16xf32>,
        %parallel_loop3A_1325 = vector.shape_cast %parallel_loop3A_1324 : vector<1x16xf32> to vector<16xf32>
        %parallel_loop3A_1326 = vector.shape_cast %parallel_loop3A_1321 : vector<16xf32> to vector<1x16xf32>
        tpu.vector_store %arg12[%parallel_loop3A_1322, %parallel_loop3A_1323], %parallel_loop3A_1326 {add = true, strides = array<i32>} : memref<16x1024xf32, #tpu.memory_space<vmem>>, vector<1x16xf32>,
      } {sc.loop_unroll_factor = 16 : i64, sc.parallel_access}
      %scan3A_1316 = arith.constant 0 : i32
      scf.yield %scan3A_1316 : i32
    }
    %scan3A_271 = arith.constant 16 : i32
    %add3A_272 = arith.constant 4096 : i32
    %add3A_273 = arith.addi %add3A_272, %mul3A_2 : i32
    %add3A_274 = arith.constant 16 : i32
    %add3A_275 = arith.addi %add3A_273, %add3A_274 : i32
    %dma_start3A_276 = arith.constant 0 : i32
    %dma_start3A_277 = tpu.memref_slice %arg4[%add3A_275, %dma_start3A_276] : memref<16384x1024xf32, #tpu.memory_space<hbm>> -> memref<16x1024xf32, #tpu.memory_space<hbm>>
    %dma_start3A_278 = arith.constant 0 : i32
    %dma_start3A_279 = tpu.memref_slice %arg4[%add3A_275, %dma_start3A_278] : memref<16384x1024xf32, #tpu.memory_space<hbm>> -> memref<16x1024xf32, #tpu.memory_space<hbm>>
    tpu.enqueue_dma source(%arg12 : memref<16x1024xf32, #tpu.memory_space<vmem>>) target(%dma_start3A_279 : memref<16x1024xf32, #tpu.memory_space<hbm>>) target_semaphore(%arg26 : memref<!tpu.dma_semaphore, #tpu.memory_space<semaphore_mem>>)
    %add3A_280 = arith.constant 8192 : i32
    %add3A_281 = arith.addi %add3A_280, %mul3A_2 : i32
    %add3A_282 = arith.constant 16 : i32
    %add3A_283 = arith.addi %add3A_281, %add3A_282 : i32
    %dma_wait3A_284 = arith.constant 0 : i32
    %dma_wait3A_285 = tpu.memref_slice %arg2[%add3A_283, %dma_wait3A_284] : memref<16384x1024xf32, #tpu.memory_space<hbm>> -> memref<16x1024xf32, #tpu.memory_space<hbm>>
    %dma_wait3A_286 = arith.constant 0 : i32
    %dma_wait3A_287 = tpu.memref_slice %arg2[%add3A_283, %dma_wait3A_286] : memref<16384x1024xf32, #tpu.memory_space<hbm>> -> memref<16x1024xf32, #tpu.memory_space<hbm>>
    tpu.wait_dma2 semaphore(%arg15 : memref<!tpu.dma_semaphore, #tpu.memory_space<semaphore_mem>>) src(%dma_wait3A_287 : memref<16x1024xf32, #tpu.memory_space<hbm>>) dst(%arg7 : memref<16x1024xf32, #tpu.memory_space<vmem>>)
    %add3A_288 = arith.constant 0 : i32
    %add3A_289 = arith.addi %add3A_288, %mul3A_2 : i32
    %add3A_290 = arith.constant 16 : i32
    %add3A_291 = arith.addi %add3A_289, %add3A_290 : i32
    %dma_wait3A_292 = arith.constant 0 : i32
    %dma_wait3A_293 = tpu.memref_slice %arg4[%add3A_291, %dma_wait3A_292] : memref<16384x1024xf32, #tpu.memory_space<hbm>> -> memref<16x1024xf32, #tpu.memory_space<hbm>>
    %dma_wait3A_294 = arith.constant 0 : i32
    %dma_wait3A_295 = tpu.memref_slice %arg4[%add3A_291, %dma_wait3A_294] : memref<16384x1024xf32, #tpu.memory_space<hbm>> -> memref<16x1024xf32, #tpu.memory_space<hbm>>
    tpu.wait_dma2 semaphore(%arg25 : memref<!tpu.dma_semaphore, #tpu.memory_space<semaphore_mem>>) src(%arg11 : memref<16x1024xf32, #tpu.memory_space<vmem>>) dst(%dma_wait3A_295 : memref<16x1024xf32, #tpu.memory_space<hbm>>)
    %add3A_296 = arith.constant 8192 : i32
    %add3A_297 = arith.addi %add3A_296, %mul3A_2 : i32
    %add3A_298 = arith.constant 32 : i32
    %add3A_299 = arith.addi %add3A_297, %add3A_298 : i32
    %dma_start3A_300 = arith.constant 0 : i32
    %dma_start3A_301 = tpu.memref_slice %arg2[%add3A_299, %dma_start3A_300] : memref<16384x1024xf32, #tpu.memory_space<hbm>> -> memref<16x1024xf32, #tpu.memory_space<hbm>>
    %dma_start3A_302 = arith.constant 0 : i32
    %dma_start3A_303 = tpu.memref_slice %arg2[%add3A_299, %dma_start3A_302] : memref<16384x1024xf32, #tpu.memory_space<hbm>> -> memref<16x1024xf32, #tpu.memory_space<hbm>>
    tpu.enqueue_dma source(%dma_start3A_303 : memref<16x1024xf32, #tpu.memory_space<hbm>>) target(%arg11 : memref<16x1024xf32, #tpu.memory_space<vmem>>) target_semaphore(%arg19 : memref<!tpu.dma_semaphore, #tpu.memory_space<semaphore_mem>>)
    %scan3A_304 = arith.constant 0 : i32
    %scan3A_305 = arith.constant 0 : i32
    %scan3A_306 = arith.constant 16 : i32
    %scan3A_307 = arith.addi %scan3A_305, %scan3A_306 : i32
    %scan3A_308 = arith.constant 1 : i32
    %scan3A_309 = scf.for %scan3A_1312 = %scan3A_305 to %scan3A_307 step %scan3A_308 iter_args(%scan3A_1313 = %scan3A_304) -> (i32)  : i32 {
      %parallel_loop3A = arith.constant 0 : i32
      %parallel_loop3A_1314 = arith.constant 1024 : i32
      %parallel_loop3A_1315 = arith.constant 16 : i32
      scf.for %parallel_loop3A_1317 = %parallel_loop3A to %parallel_loop3A_1314 step %parallel_loop3A_1315  : i32 {
        %parallel_loop3A_1318 = arith.index_cast %scan3A_1312 : i32 to index
        %parallel_loop3A_1319 = arith.index_cast %parallel_loop3A_1317 : i32 to index
        %parallel_loop3A_1320 = tpu.vector_load %arg6[%parallel_loop3A_1318, %parallel_loop3A_1319] {strides = array<i32>} : memref<16x1024xf32, #tpu.memory_space<vmem>>, vector<1x16xf32>,
        %parallel_loop3A_1321 = vector.shape_cast %parallel_loop3A_1320 : vector<1x16xf32> to vector<16xf32>
        %parallel_loop3A_1322 = arith.index_cast %scan3A_1312 : i32 to index
        %parallel_loop3A_1323 = arith.index_cast %parallel_loop3A_1317 : i32 to index
        %parallel_loop3A_1324 = tpu.vector_load %arg7[%parallel_loop3A_1322, %parallel_loop3A_1323] {strides = array<i32>} : memref<16x1024xf32, #tpu.memory_space<vmem>>, vector<1x16xf32>,
        %parallel_loop3A_1325 = vector.shape_cast %parallel_loop3A_1324 : vector<1x16xf32> to vector<16xf32>
        %parallel_loop3A_1326 = vector.shape_cast %parallel_loop3A_1321 : vector<16xf32> to vector<1x16xf32>
        tpu.vector_store %arg7[%parallel_loop3A_1322, %parallel_loop3A_1323], %parallel_loop3A_1326 {add = true, strides = array<i32>} : memref<16x1024xf32, #tpu.memory_space<vmem>>, vector<1x16xf32>,
      } {sc.loop_unroll_factor = 16 : i64, sc.parallel_access}
      %scan3A_1316 = arith.constant 0 : i32
      scf.yield %scan3A_1316 : i32
    }
    %scan3A_310 = arith.constant 16 : i32
    %add3A_311 = arith.constant 8192 : i32
    %add3A_312 = arith.addi %add3A_311, %mul3A_2 : i32
    %add3A_313 = arith.constant 16 : i32
    %add3A_314 = arith.addi %add3A_312, %add3A_313 : i32
    %dma_start3A_315 = arith.constant 0 : i32
    %dma_start3A_316 = tpu.memref_slice %arg4[%add3A_314, %dma_start3A_315] : memref<16384x1024xf32, #tpu.memory_space<hbm>> -> memref<16x1024xf32, #tpu.memory_space<hbm>>
    %dma_start3A_317 = arith.constant 0 : i32
    %dma_start3A_318 = tpu.memref_slice %arg4[%add3A_314, %dma_start3A_317] : memref<16384x1024xf32, #tpu.memory_space<hbm>> -> memref<16x1024xf32, #tpu.memory_space<hbm>>
    tpu.enqueue_dma source(%arg7 : memref<16x1024xf32, #tpu.memory_space<vmem>>) target(%dma_start3A_318 : memref<16x1024xf32, #tpu.memory_space<hbm>>) target_semaphore(%arg21 : memref<!tpu.dma_semaphore, #tpu.memory_space<semaphore_mem>>)
    %add3A_319 = arith.constant 12288 : i32
    %add3A_320 = arith.addi %add3A_319, %mul3A_2 : i32
    %add3A_321 = arith.constant 16 : i32
    %add3A_322 = arith.addi %add3A_320, %add3A_321 : i32
    %dma_wait3A_323 = arith.constant 0 : i32
    %dma_wait3A_324 = tpu.memref_slice %arg2[%add3A_322, %dma_wait3A_323] : memref<16384x1024xf32, #tpu.memory_space<hbm>> -> memref<16x1024xf32, #tpu.memory_space<hbm>>
    %dma_wait3A_325 = arith.constant 0 : i32
    %dma_wait3A_326 = tpu.memref_slice %arg2[%add3A_322, %dma_wait3A_325] : memref<16384x1024xf32, #tpu.memory_space<hbm>> -> memref<16x1024xf32, #tpu.memory_space<hbm>>
    tpu.wait_dma2 semaphore(%arg16 : memref<!tpu.dma_semaphore, #tpu.memory_space<semaphore_mem>>) src(%dma_wait3A_326 : memref<16x1024xf32, #tpu.memory_space<hbm>>) dst(%arg8 : memref<16x1024xf32, #tpu.memory_space<vmem>>)
    %add3A_327 = arith.constant 4096 : i32
    %add3A_328 = arith.addi %add3A_327, %mul3A_2 : i32
    %add3A_329 = arith.constant 16 : i32
    %add3A_330 = arith.addi %add3A_328, %add3A_329 : i32
    %dma_wait3A_331 = arith.constant 0 : i32
    %dma_wait3A_332 = tpu.memref_slice %arg4[%add3A_330, %dma_wait3A_331] : memref<16384x1024xf32, #tpu.memory_space<hbm>> -> memref<16x1024xf32, #tpu.memory_space<hbm>>
    %dma_wait3A_333 = arith.constant 0 : i32
    %dma_wait3A_334 = tpu.memref_slice %arg4[%add3A_330, %dma_wait3A_333] : memref<16384x1024xf32, #tpu.memory_space<hbm>> -> memref<16x1024xf32, #tpu.memory_space<hbm>>
    tpu.wait_dma2 semaphore(%arg26 : memref<!tpu.dma_semaphore, #tpu.memory_space<semaphore_mem>>) src(%arg12 : memref<16x1024xf32, #tpu.memory_space<vmem>>) dst(%dma_wait3A_334 : memref<16x1024xf32, #tpu.memory_space<hbm>>)
    %add3A_335 = arith.constant 12288 : i32
    %add3A_336 = arith.addi %add3A_335, %mul3A_2 : i32
    %add3A_337 = arith.constant 32 : i32
    %add3A_338 = arith.addi %add3A_336, %add3A_337 : i32
    %dma_start3A_339 = arith.constant 0 : i32
    %dma_start3A_340 = tpu.memref_slice %arg2[%add3A_338, %dma_start3A_339] : memref<16384x1024xf32, #tpu.memory_space<hbm>> -> memref<16x1024xf32, #tpu.memory_space<hbm>>
    %dma_start3A_341 = arith.constant 0 : i32
    %dma_start3A_342 = tpu.memref_slice %arg2[%add3A_338, %dma_start3A_341] : memref<16384x1024xf32, #tpu.memory_space<hbm>> -> memref<16x1024xf32, #tpu.memory_space<hbm>>
    tpu.enqueue_dma source(%dma_start3A_342 : memref<16x1024xf32, #tpu.memory_space<hbm>>) target(%arg12 : memref<16x1024xf32, #tpu.memory_space<vmem>>) target_semaphore(%arg20 : memref<!tpu.dma_semaphore, #tpu.memory_space<semaphore_mem>>)
    %scan3A_343 = arith.constant 0 : i32
    %scan3A_344 = arith.constant 0 : i32
    %scan3A_345 = arith.constant 16 : i32
    %scan3A_346 = arith.addi %scan3A_344, %scan3A_345 : i32
    %scan3A_347 = arith.constant 1 : i32
    %scan3A_348 = scf.for %scan3A_1312 = %scan3A_344 to %scan3A_346 step %scan3A_347 iter_args(%scan3A_1313 = %scan3A_343) -> (i32)  : i32 {
      %parallel_loop3A = arith.constant 0 : i32
      %parallel_loop3A_1314 = arith.constant 1024 : i32
      %parallel_loop3A_1315 = arith.constant 16 : i32
      scf.for %parallel_loop3A_1317 = %parallel_loop3A to %parallel_loop3A_1314 step %parallel_loop3A_1315  : i32 {
        %parallel_loop3A_1318 = arith.index_cast %scan3A_1312 : i32 to index
        %parallel_loop3A_1319 = arith.index_cast %parallel_loop3A_1317 : i32 to index
        %parallel_loop3A_1320 = tpu.vector_load %arg6[%parallel_loop3A_1318, %parallel_loop3A_1319] {strides = array<i32>} : memref<16x1024xf32, #tpu.memory_space<vmem>>, vector<1x16xf32>,
        %parallel_loop3A_1321 = vector.shape_cast %parallel_loop3A_1320 : vector<1x16xf32> to vector<16xf32>
        %parallel_loop3A_1322 = arith.index_cast %scan3A_1312 : i32 to index
        %parallel_loop3A_1323 = arith.index_cast %parallel_loop3A_1317 : i32 to index
        %parallel_loop3A_1324 = tpu.vector_load %arg8[%parallel_loop3A_1322, %parallel_loop3A_1323] {strides = array<i32>} : memref<16x1024xf32, #tpu.memory_space<vmem>>, vector<1x16xf32>,
        %parallel_loop3A_1325 = vector.shape_cast %parallel_loop3A_1324 : vector<1x16xf32> to vector<16xf32>
        %parallel_loop3A_1326 = vector.shape_cast %parallel_loop3A_1321 : vector<16xf32> to vector<1x16xf32>
        tpu.vector_store %arg8[%parallel_loop3A_1322, %parallel_loop3A_1323], %parallel_loop3A_1326 {add = true, strides = array<i32>} : memref<16x1024xf32, #tpu.memory_space<vmem>>, vector<1x16xf32>,
      } {sc.loop_unroll_factor = 16 : i64, sc.parallel_access}
      %scan3A_1316 = arith.constant 0 : i32
      scf.yield %scan3A_1316 : i32
    }
    %scan3A_349 = arith.constant 16 : i32
    %add3A_350 = arith.constant 12288 : i32
    %add3A_351 = arith.addi %add3A_350, %mul3A_2 : i32
    %add3A_352 = arith.constant 16 : i32
    %add3A_353 = arith.addi %add3A_351, %add3A_352 : i32
    %dma_start3A_354 = arith.constant 0 : i32
    %dma_start3A_355 = tpu.memref_slice %arg4[%add3A_353, %dma_start3A_354] : memref<16384x1024xf32, #tpu.memory_space<hbm>> -> memref<16x1024xf32, #tpu.memory_space<hbm>>
    %dma_start3A_356 = arith.constant 0 : i32
    %dma_start3A_357 = tpu.memref_slice %arg4[%add3A_353, %dma_start3A_356] : memref<16384x1024xf32, #tpu.memory_space<hbm>> -> memref<16x1024xf32, #tpu.memory_space<hbm>>
    tpu.enqueue_dma source(%arg8 : memref<16x1024xf32, #tpu.memory_space<vmem>>) target(%dma_start3A_357 : memref<16x1024xf32, #tpu.memory_space<hbm>>) target_semaphore(%arg22 : memref<!tpu.dma_semaphore, #tpu.memory_space<semaphore_mem>>)
    %add3A_358 = arith.constant 32 : i32
    %add3A_359 = arith.addi %mul3A_2, %add3A_358 : i32
    %dma_wait3A_360 = arith.constant 0 : i32
    %dma_wait3A_361 = tpu.memref_slice %arg3[%add3A_359, %dma_wait3A_360] : memref<8192x1024xf32, #tpu.memory_space<hbm>> -> memref<16x1024xf32, #tpu.memory_space<hbm>>
    %dma_wait3A_362 = arith.constant 0 : i32
    %dma_wait3A_363 = tpu.memref_slice %arg3[%add3A_359, %dma_wait3A_362] : memref<8192x1024xf32, #tpu.memory_space<hbm>> -> memref<16x1024xf32, #tpu.memory_space<hbm>>
    tpu.wait_dma2 semaphore(%arg13 : memref<!tpu.dma_semaphore, #tpu.memory_space<semaphore_mem>>) src(%dma_wait3A_363 : memref<16x1024xf32, #tpu.memory_space<hbm>>) dst(%arg5 : memref<16x1024xf32, #tpu.memory_space<vmem>>)
    %add3A_364 = arith.constant 48 : i32
    %add3A_365 = arith.addi %mul3A_2, %add3A_364 : i32
    %dma_start3A_366 = arith.constant 0 : i32
    %dma_start3A_367 = tpu.memref_slice %arg3[%add3A_365, %dma_start3A_366] : memref<8192x1024xf32, #tpu.memory_space<hbm>> -> memref<16x1024xf32, #tpu.memory_space<hbm>>
    %dma_start3A_368 = arith.constant 0 : i32
    %dma_start3A_369 = tpu.memref_slice %arg3[%add3A_365, %dma_start3A_368] : memref<8192x1024xf32, #tpu.memory_space<hbm>> -> memref<16x1024xf32, #tpu.memory_space<hbm>>
    tpu.enqueue_dma source(%dma_start3A_369 : memref<16x1024xf32, #tpu.memory_space<hbm>>) target(%arg6 : memref<16x1024xf32, #tpu.memory_space<vmem>>) target_semaphore(%arg14 : memref<!tpu.dma_semaphore, #tpu.memory_space<semaphore_mem>>)
    %add3A_370 = arith.constant 0 : i32
    %add3A_371 = arith.addi %add3A_370, %mul3A_2 : i32
    %add3A_372 = arith.constant 32 : i32
    %add3A_373 = arith.addi %add3A_371, %add3A_372 : i32
    %dma_wait3A_374 = arith.constant 0 : i32
    %dma_wait3A_375 = tpu.memref_slice %arg2[%add3A_373, %dma_wait3A_374] : memref<16384x1024xf32, #tpu.memory_space<hbm>> -> memref<16x1024xf32, #tpu.memory_space<hbm>>
    %dma_wait3A_376 = arith.constant 0 : i32
    %dma_wait3A_377 = tpu.memref_slice %arg2[%add3A_373, %dma_wait3A_376] : memref<16384x1024xf32, #tpu.memory_space<hbm>> -> memref<16x1024xf32, #tpu.memory_space<hbm>>
    tpu.wait_dma2 semaphore(%arg17 : memref<!tpu.dma_semaphore, #tpu.memory_space<semaphore_mem>>) src(%dma_wait3A_377 : memref<16x1024xf32, #tpu.memory_space<hbm>>) dst(%arg9 : memref<16x1024xf32, #tpu.memory_space<vmem>>)
    %add3A_378 = arith.constant 8192 : i32
    %add3A_379 = arith.addi %add3A_378, %mul3A_2 : i32
    %add3A_380 = arith.constant 16 : i32
    %add3A_381 = arith.addi %add3A_379, %add3A_380 : i32
    %dma_wait3A_382 = arith.constant 0 : i32
    %dma_wait3A_383 = tpu.memref_slice %arg4[%add3A_381, %dma_wait3A_382] : memref<16384x1024xf32, #tpu.memory_space<hbm>> -> memref<16x1024xf32, #tpu.memory_space<hbm>>
    %dma_wait3A_384 = arith.constant 0 : i32
    %dma_wait3A_385 = tpu.memref_slice %arg4[%add3A_381, %dma_wait3A_384] : memref<16384x1024xf32, #tpu.memory_space<hbm>> -> memref<16x1024xf32, #tpu.memory_space<hbm>>
    tpu.wait_dma2 semaphore(%arg21 : memref<!tpu.dma_semaphore, #tpu.memory_space<semaphore_mem>>) src(%arg7 : memref<16x1024xf32, #tpu.memory_space<vmem>>) dst(%dma_wait3A_385 : memref<16x1024xf32, #tpu.memory_space<hbm>>)
    %add3A_386 = arith.constant 0 : i32
    %add3A_387 = arith.addi %add3A_386, %mul3A_2 : i32
    %add3A_388 = arith.constant 48 : i32
    %add3A_389 = arith.addi %add3A_387, %add3A_388 : i32
    %dma_start3A_390 = arith.constant 0 : i32
    %dma_start3A_391 = tpu.memref_slice %arg2[%add3A_389, %dma_start3A_390] : memref<16384x1024xf32, #tpu.memory_space<hbm>> -> memref<16x1024xf32, #tpu.memory_space<hbm>>
    %dma_start3A_392 = arith.constant 0 : i32
    %dma_start3A_393 = tpu.memref_slice %arg2[%add3A_389, %dma_start3A_392] : memref<16384x1024xf32, #tpu.memory_space<hbm>> -> memref<16x1024xf32, #tpu.memory_space<hbm>>
    tpu.enqueue_dma source(%dma_start3A_393 : memref<16x1024xf32, #tpu.memory_space<hbm>>) target(%arg7 : memref<16x1024xf32, #tpu.memory_space<vmem>>) target_semaphore(%arg15 : memref<!tpu.dma_semaphore, #tpu.memory_space<semaphore_mem>>)
    %scan3A_394 = arith.constant 0 : i32
    %scan3A_395 = arith.constant 0 : i32
    %scan3A_396 = arith.constant 16 : i32
    %scan3A_397 = arith.addi %scan3A_395, %scan3A_396 : i32
    %scan3A_398 = arith.constant 1 : i32
    %scan3A_399 = scf.for %scan3A_1312 = %scan3A_395 to %scan3A_397 step %scan3A_398 iter_args(%scan3A_1313 = %scan3A_394) -> (i32)  : i32 {
      %parallel_loop3A = arith.constant 0 : i32
      %parallel_loop3A_1314 = arith.constant 1024 : i32
      %parallel_loop3A_1315 = arith.constant 16 : i32
      scf.for %parallel_loop3A_1317 = %parallel_loop3A to %parallel_loop3A_1314 step %parallel_loop3A_1315  : i32 {
        %parallel_loop3A_1318 = arith.index_cast %scan3A_1312 : i32 to index
        %parallel_loop3A_1319 = arith.index_cast %parallel_loop3A_1317 : i32 to index
        %parallel_loop3A_1320 = tpu.vector_load %arg5[%parallel_loop3A_1318, %parallel_loop3A_1319] {strides = array<i32>} : memref<16x1024xf32, #tpu.memory_space<vmem>>, vector<1x16xf32>,
        %parallel_loop3A_1321 = vector.shape_cast %parallel_loop3A_1320 : vector<1x16xf32> to vector<16xf32>
        %parallel_loop3A_1322 = arith.index_cast %scan3A_1312 : i32 to index
        %parallel_loop3A_1323 = arith.index_cast %parallel_loop3A_1317 : i32 to index
        %parallel_loop3A_1324 = tpu.vector_load %arg9[%parallel_loop3A_1322, %parallel_loop3A_1323] {strides = array<i32>} : memref<16x1024xf32, #tpu.memory_space<vmem>>, vector<1x16xf32>,
        %parallel_loop3A_1325 = vector.shape_cast %parallel_loop3A_1324 : vector<1x16xf32> to vector<16xf32>
        %parallel_loop3A_1326 = vector.shape_cast %parallel_loop3A_1321 : vector<16xf32> to vector<1x16xf32>
        tpu.vector_store %arg9[%parallel_loop3A_1322, %parallel_loop3A_1323], %parallel_loop3A_1326 {add = true, strides = array<i32>} : memref<16x1024xf32, #tpu.memory_space<vmem>>, vector<1x16xf32>,
      } {sc.loop_unroll_factor = 16 : i64, sc.parallel_access}
      %scan3A_1316 = arith.constant 0 : i32
      scf.yield %scan3A_1316 : i32
    }
    %scan3A_400 = arith.constant 16 : i32
    %add3A_401 = arith.constant 0 : i32
    %add3A_402 = arith.addi %add3A_401, %mul3A_2 : i32
    %add3A_403 = arith.constant 32 : i32
    %add3A_404 = arith.addi %add3A_402, %add3A_403 : i32
    %dma_start3A_405 = arith.constant 0 : i32
    %dma_start3A_406 = tpu.memref_slice %arg4[%add3A_404, %dma_start3A_405] : memref<16384x1024xf32, #tpu.memory_space<hbm>> -> memref<16x1024xf32, #tpu.memory_space<hbm>>
    %dma_start3A_407 = arith.constant 0 : i32
    %dma_start3A_408 = tpu.memref_slice %arg4[%add3A_404, %dma_start3A_407] : memref<16384x1024xf32, #tpu.memory_space<hbm>> -> memref<16x1024xf32, #tpu.memory_space<hbm>>
    tpu.enqueue_dma source(%arg9 : memref<16x1024xf32, #tpu.memory_space<vmem>>) target(%dma_start3A_408 : memref<16x1024xf32, #tpu.memory_space<hbm>>) target_semaphore(%arg23 : memref<!tpu.dma_semaphore, #tpu.memory_space<semaphore_mem>>)
    %add3A_409 = arith.constant 4096 : i32
    %add3A_410 = arith.addi %add3A_409, %mul3A_2 : i32
    %add3A_411 = arith.constant 32 : i32
    %add3A_412 = arith.addi %add3A_410, %add3A_411 : i32
    %dma_wait3A_413 = arith.constant 0 : i32
    %dma_wait3A_414 = tpu.memref_slice %arg2[%add3A_412, %dma_wait3A_413] : memref<16384x1024xf32, #tpu.memory_space<hbm>> -> memref<16x1024xf32, #tpu.memory_space<hbm>>
    %dma_wait3A_415 = arith.constant 0 : i32
    %dma_wait3A_416 = tpu.memref_slice %arg2[%add3A_412, %dma_wait3A_415] : memref<16384x1024xf32, #tpu.memory_space<hbm>> -> memref<16x1024xf32, #tpu.memory_space<hbm>>
    tpu.wait_dma2 semaphore(%arg18 : memref<!tpu.dma_semaphore, #tpu.memory_space<semaphore_mem>>) src(%dma_wait3A_416 : memref<16x1024xf32, #tpu.memory_space<hbm>>) dst(%arg10 : memref<16x1024xf32, #tpu.memory_space<vmem>>)
    %add3A_417 = arith.constant 12288 : i32
    %add3A_418 = arith.addi %add3A_417, %mul3A_2 : i32
    %add3A_419 = arith.constant 16 : i32
    %add3A_420 = arith.addi %add3A_418, %add3A_419 : i32
    %dma_wait3A_421 = arith.constant 0 : i32
    %dma_wait3A_422 = tpu.memref_slice %arg4[%add3A_420, %dma_wait3A_421] : memref<16384x1024xf32, #tpu.memory_space<hbm>> -> memref<16x1024xf32, #tpu.memory_space<hbm>>
    %dma_wait3A_423 = arith.constant 0 : i32
    %dma_wait3A_424 = tpu.memref_slice %arg4[%add3A_420, %dma_wait3A_423] : memref<16384x1024xf32, #tpu.memory_space<hbm>> -> memref<16x1024xf32, #tpu.memory_space<hbm>>
    tpu.wait_dma2 semaphore(%arg22 : memref<!tpu.dma_semaphore, #tpu.memory_space<semaphore_mem>>) src(%arg8 : memref<16x1024xf32, #tpu.memory_space<vmem>>) dst(%dma_wait3A_424 : memref<16x1024xf32, #tpu.memory_space<hbm>>)
    %add3A_425 = arith.constant 4096 : i32
    %add3A_426 = arith.addi %add3A_425, %mul3A_2 : i32
    %add3A_427 = arith.constant 48 : i32
    %add3A_428 = arith.addi %add3A_426, %add3A_427 : i32
    %dma_start3A_429 = arith.constant 0 : i32
    %dma_start3A_430 = tpu.memref_slice %arg2[%add3A_428, %dma_start3A_429] : memref<16384x1024xf32, #tpu.memory_space<hbm>> -> memref<16x1024xf32, #tpu.memory_space<hbm>>
    %dma_start3A_431 = arith.constant 0 : i32
    %dma_start3A_432 = tpu.memref_slice %arg2[%add3A_428, %dma_start3A_431] : memref<16384x1024xf32, #tpu.memory_space<hbm>> -> memref<16x1024xf32, #tpu.memory_space<hbm>>
    tpu.enqueue_dma source(%dma_start3A_432 : memref<16x1024xf32, #tpu.memory_space<hbm>>) target(%arg8 : memref<16x1024xf32, #tpu.memory_space<vmem>>) target_semaphore(%arg16 : memref<!tpu.dma_semaphore, #tpu.memory_space<semaphore_mem>>)
    %scan3A_433 = arith.constant 0 : i32
    %scan3A_434 = arith.constant 0 : i32
    %scan3A_435 = arith.constant 16 : i32
    %scan3A_436 = arith.addi %scan3A_434, %scan3A_435 : i32
    %scan3A_437 = arith.constant 1 : i32
    %scan3A_438 = scf.for %scan3A_1312 = %scan3A_434 to %scan3A_436 step %scan3A_437 iter_args(%scan3A_1313 = %scan3A_433) -> (i32)  : i32 {
      %parallel_loop3A = arith.constant 0 : i32
      %parallel_loop3A_1314 = arith.constant 1024 : i32
      %parallel_loop3A_1315 = arith.constant 16 : i32
      scf.for %parallel_loop3A_1317 = %parallel_loop3A to %parallel_loop3A_1314 step %parallel_loop3A_1315  : i32 {
        %parallel_loop3A_1318 = arith.index_cast %scan3A_1312 : i32 to index
        %parallel_loop3A_1319 = arith.index_cast %parallel_loop3A_1317 : i32 to index
        %parallel_loop3A_1320 = tpu.vector_load %arg5[%parallel_loop3A_1318, %parallel_loop3A_1319] {strides = array<i32>} : memref<16x1024xf32, #tpu.memory_space<vmem>>, vector<1x16xf32>,
        %parallel_loop3A_1321 = vector.shape_cast %parallel_loop3A_1320 : vector<1x16xf32> to vector<16xf32>
        %parallel_loop3A_1322 = arith.index_cast %scan3A_1312 : i32 to index
        %parallel_loop3A_1323 = arith.index_cast %parallel_loop3A_1317 : i32 to index
        %parallel_loop3A_1324 = tpu.vector_load %arg10[%parallel_loop3A_1322, %parallel_loop3A_1323] {strides = array<i32>} : memref<16x1024xf32, #tpu.memory_space<vmem>>, vector<1x16xf32>,
        %parallel_loop3A_1325 = vector.shape_cast %parallel_loop3A_1324 : vector<1x16xf32> to vector<16xf32>
        %parallel_loop3A_1326 = vector.shape_cast %parallel_loop3A_1321 : vector<16xf32> to vector<1x16xf32>
        tpu.vector_store %arg10[%parallel_loop3A_1322, %parallel_loop3A_1323], %parallel_loop3A_1326 {add = true, strides = array<i32>} : memref<16x1024xf32, #tpu.memory_space<vmem>>, vector<1x16xf32>,
      } {sc.loop_unroll_factor = 16 : i64, sc.parallel_access}
      %scan3A_1316 = arith.constant 0 : i32
      scf.yield %scan3A_1316 : i32
    }
    %scan3A_439 = arith.constant 16 : i32
    %add3A_440 = arith.constant 4096 : i32
    %add3A_441 = arith.addi %add3A_440, %mul3A_2 : i32
    %add3A_442 = arith.constant 32 : i32
    %add3A_443 = arith.addi %add3A_441, %add3A_442 : i32
    %dma_start3A_444 = arith.constant 0 : i32
    %dma_start3A_445 = tpu.memref_slice %arg4[%add3A_443, %dma_start3A_444] : memref<16384x1024xf32, #tpu.memory_space<hbm>> -> memref<16x1024xf32, #tpu.memory_space<hbm>>
    %dma_start3A_446 = arith.constant 0 : i32
    %dma_start3A_447 = tpu.memref_slice %arg4[%add3A_443, %dma_start3A_446] : memref<16384x1024xf32, #tpu.memory_space<hbm>> -> memref<16x1024xf32, #tpu.memory_space<hbm>>
    tpu.enqueue_dma source(%arg10 : memref<16x1024xf32, #tpu.memory_space<vmem>>) target(%dma_start3A_447 : memref<16x1024xf32, #tpu.memory_space<hbm>>) target_semaphore(%arg24 : memref<!tpu.dma_semaphore, #tpu.memory_space<semaphore_mem>>)
    %add3A_448 = arith.constant 8192 : i32
    %add3A_449 = arith.addi %add3A_448, %mul3A_2 : i32
    %add3A_450 = arith.constant 32 : i32
    %add3A_451 = arith.addi %add3A_449, %add3A_450 : i32
    %dma_wait3A_452 = arith.constant 0 : i32
    %dma_wait3A_453 = tpu.memref_slice %arg2[%add3A_451, %dma_wait3A_452] : memref<16384x1024xf32, #tpu.memory_space<hbm>> -> memref<16x1024xf32, #tpu.memory_space<hbm>>
    %dma_wait3A_454 = arith.constant 0 : i32
    %dma_wait3A_455 = tpu.memref_slice %arg2[%add3A_451, %dma_wait3A_454] : memref<16384x1024xf32, #tpu.memory_space<hbm>> -> memref<16x1024xf32, #tpu.memory_space<hbm>>
    tpu.wait_dma2 semaphore(%arg19 : memref<!tpu.dma_semaphore, #tpu.memory_space<semaphore_mem>>) src(%dma_wait3A_455 : memref<16x1024xf32, #tpu.memory_space<hbm>>) dst(%arg11 : memref<16x1024xf32, #tpu.memory_space<vmem>>)
    %add3A_456 = arith.constant 0 : i32
    %add3A_457 = arith.addi %add3A_456, %mul3A_2 : i32
    %add3A_458 = arith.constant 32 : i32
    %add3A_459 = arith.addi %add3A_457, %add3A_458 : i32
    %dma_wait3A_460 = arith.constant 0 : i32
    %dma_wait3A_461 = tpu.memref_slice %arg4[%add3A_459, %dma_wait3A_460] : memref<16384x1024xf32, #tpu.memory_space<hbm>> -> memref<16x1024xf32, #tpu.memory_space<hbm>>
    %dma_wait3A_462 = arith.constant 0 : i32
    %dma_wait3A_463 = tpu.memref_slice %arg4[%add3A_459, %dma_wait3A_462] : memref<16384x1024xf32, #tpu.memory_space<hbm>> -> memref<16x1024xf32, #tpu.memory_space<hbm>>
    tpu.wait_dma2 semaphore(%arg23 : memref<!tpu.dma_semaphore, #tpu.memory_space<semaphore_mem>>) src(%arg9 : memref<16x1024xf32, #tpu.memory_space<vmem>>) dst(%dma_wait3A_463 : memref<16x1024xf32, #tpu.memory_space<hbm>>)
    %add3A_464 = arith.constant 8192 : i32
    %add3A_465 = arith.addi %add3A_464, %mul3A_2 : i32
    %add3A_466 = arith.constant 48 : i32
    %add3A_467 = arith.addi %add3A_465, %add3A_466 : i32
    %dma_start3A_468 = arith.constant 0 : i32
    %dma_start3A_469 = tpu.memref_slice %arg2[%add3A_467, %dma_start3A_468] : memref<16384x1024xf32, #tpu.memory_space<hbm>> -> memref<16x1024xf32, #tpu.memory_space<hbm>>
    %dma_start3A_470 = arith.constant 0 : i32
    %dma_start3A_471 = tpu.memref_slice %arg2[%add3A_467, %dma_start3A_470] : memref<16384x1024xf32, #tpu.memory_space<hbm>> -> memref<16x1024xf32, #tpu.memory_space<hbm>>
    tpu.enqueue_dma source(%dma_start3A_471 : memref<16x1024xf32, #tpu.memory_space<hbm>>) target(%arg9 : memref<16x1024xf32, #tpu.memory_space<vmem>>) target_semaphore(%arg17 : memref<!tpu.dma_semaphore, #tpu.memory_space<semaphore_mem>>)
    %scan3A_472 = arith.constant 0 : i32
    %scan3A_473 = arith.constant 0 : i32
    %scan3A_474 = arith.constant 16 : i32
    %scan3A_475 = arith.addi %scan3A_473, %scan3A_474 : i32
    %scan3A_476 = arith.constant 1 : i32
    %scan3A_477 = scf.for %scan3A_1312 = %scan3A_473 to %scan3A_475 step %scan3A_476 iter_args(%scan3A_1313 = %scan3A_472) -> (i32)  : i32 {
      %parallel_loop3A = arith.constant 0 : i32
      %parallel_loop3A_1314 = arith.constant 1024 : i32
      %parallel_loop3A_1315 = arith.constant 16 : i32
      scf.for %parallel_loop3A_1317 = %parallel_loop3A to %parallel_loop3A_1314 step %parallel_loop3A_1315  : i32 {
        %parallel_loop3A_1318 = arith.index_cast %scan3A_1312 : i32 to index
        %parallel_loop3A_1319 = arith.index_cast %parallel_loop3A_1317 : i32 to index
        %parallel_loop3A_1320 = tpu.vector_load %arg5[%parallel_loop3A_1318, %parallel_loop3A_1319] {strides = array<i32>} : memref<16x1024xf32, #tpu.memory_space<vmem>>, vector<1x16xf32>,
        %parallel_loop3A_1321 = vector.shape_cast %parallel_loop3A_1320 : vector<1x16xf32> to vector<16xf32>
        %parallel_loop3A_1322 = arith.index_cast %scan3A_1312 : i32 to index
        %parallel_loop3A_1323 = arith.index_cast %parallel_loop3A_1317 : i32 to index
        %parallel_loop3A_1324 = tpu.vector_load %arg11[%parallel_loop3A_1322, %parallel_loop3A_1323] {strides = array<i32>} : memref<16x1024xf32, #tpu.memory_space<vmem>>, vector<1x16xf32>,
        %parallel_loop3A_1325 = vector.shape_cast %parallel_loop3A_1324 : vector<1x16xf32> to vector<16xf32>
        %parallel_loop3A_1326 = vector.shape_cast %parallel_loop3A_1321 : vector<16xf32> to vector<1x16xf32>
        tpu.vector_store %arg11[%parallel_loop3A_1322, %parallel_loop3A_1323], %parallel_loop3A_1326 {add = true, strides = array<i32>} : memref<16x1024xf32, #tpu.memory_space<vmem>>, vector<1x16xf32>,
      } {sc.loop_unroll_factor = 16 : i64, sc.parallel_access}
      %scan3A_1316 = arith.constant 0 : i32
      scf.yield %scan3A_1316 : i32
    }
    %scan3A_478 = arith.constant 16 : i32
    %add3A_479 = arith.constant 8192 : i32
    %add3A_480 = arith.addi %add3A_479, %mul3A_2 : i32
    %add3A_481 = arith.constant 32 : i32
    %add3A_482 = arith.addi %add3A_480, %add3A_481 : i32
    %dma_start3A_483 = arith.constant 0 : i32
    %dma_start3A_484 = tpu.memref_slice %arg4[%add3A_482, %dma_start3A_483] : memref<16384x1024xf32, #tpu.memory_space<hbm>> -> memref<16x1024xf32, #tpu.memory_space<hbm>>
    %dma_start3A_485 = arith.constant 0 : i32
    %dma_start3A_486 = tpu.memref_slice %arg4[%add3A_482, %dma_start3A_485] : memref<16384x1024xf32, #tpu.memory_space<hbm>> -> memref<16x1024xf32, #tpu.memory_space<hbm>>
    tpu.enqueue_dma source(%arg11 : memref<16x1024xf32, #tpu.memory_space<vmem>>) target(%dma_start3A_486 : memref<16x1024xf32, #tpu.memory_space<hbm>>) target_semaphore(%arg25 : memref<!tpu.dma_semaphore, #tpu.memory_space<semaphore_mem>>)
    %add3A_487 = arith.constant 12288 : i32
    %add3A_488 = arith.addi %add3A_487, %mul3A_2 : i32
    %add3A_489 = arith.constant 32 : i32
    %add3A_490 = arith.addi %add3A_488, %add3A_489 : i32
    %dma_wait3A_491 = arith.constant 0 : i32
    %dma_wait3A_492 = tpu.memref_slice %arg2[%add3A_490, %dma_wait3A_491] : memref<16384x1024xf32, #tpu.memory_space<hbm>> -> memref<16x1024xf32, #tpu.memory_space<hbm>>
    %dma_wait3A_493 = arith.constant 0 : i32
    %dma_wait3A_494 = tpu.memref_slice %arg2[%add3A_490, %dma_wait3A_493] : memref<16384x1024xf32, #tpu.memory_space<hbm>> -> memref<16x1024xf32, #tpu.memory_space<hbm>>
    tpu.wait_dma2 semaphore(%arg20 : memref<!tpu.dma_semaphore, #tpu.memory_space<semaphore_mem>>) src(%dma_wait3A_494 : memref<16x1024xf32, #tpu.memory_space<hbm>>) dst(%arg12 : memref<16x1024xf32, #tpu.memory_space<vmem>>)
    %add3A_495 = arith.constant 4096 : i32
    %add3A_496 = arith.addi %add3A_495, %mul3A_2 : i32
    %add3A_497 = arith.constant 32 : i32
    %add3A_498 = arith.addi %add3A_496, %add3A_497 : i32
    %dma_wait3A_499 = arith.constant 0 : i32
    %dma_wait3A_500 = tpu.memref_slice %arg4[%add3A_498, %dma_wait3A_499] : memref<16384x1024xf32, #tpu.memory_space<hbm>> -> memref<16x1024xf32, #tpu.memory_space<hbm>>
    %dma_wait3A_501 = arith.constant 0 : i32
    %dma_wait3A_502 = tpu.memref_slice %arg4[%add3A_498, %dma_wait3A_501] : memref<16384x1024xf32, #tpu.memory_space<hbm>> -> memref<16x1024xf32, #tpu.memory_space<hbm>>
    tpu.wait_dma2 semaphore(%arg24 : memref<!tpu.dma_semaphore, #tpu.memory_space<semaphore_mem>>) src(%arg10 : memref<16x1024xf32, #tpu.memory_space<vmem>>) dst(%dma_wait3A_502 : memref<16x1024xf32, #tpu.memory_space<hbm>>)
    %add3A_503 = arith.constant 12288 : i32
    %add3A_504 = arith.addi %add3A_503, %mul3A_2 : i32
    %add3A_505 = arith.constant 48 : i32
    %add3A_506 = arith.addi %add3A_504, %add3A_505 : i32
    %dma_start3A_507 = arith.constant 0 : i32
    %dma_start3A_508 = tpu.memref_slice %arg2[%add3A_506, %dma_start3A_507] : memref<16384x1024xf32, #tpu.memory_space<hbm>> -> memref<16x1024xf32, #tpu.memory_space<hbm>>
    %dma_start3A_509 = arith.constant 0 : i32
    %dma_start3A_510 = tpu.memref_slice %arg2[%add3A_506, %dma_start3A_509] : memref<16384x1024xf32, #tpu.memory_space<hbm>> -> memref<16x1024xf32, #tpu.memory_space<hbm>>
    tpu.enqueue_dma source(%dma_start3A_510 : memref<16x1024xf32, #tpu.memory_space<hbm>>) target(%arg10 : memref<16x1024xf32, #tpu.memory_space<vmem>>) target_semaphore(%arg18 : memref<!tpu.dma_semaphore, #tpu.memory_space<semaphore_mem>>)
    %scan3A_511 = arith.constant 0 : i32
    %scan3A_512 = arith.constant 0 : i32
    %scan3A_513 = arith.constant 16 : i32
    %scan3A_514 = arith.addi %scan3A_512, %scan3A_513 : i32
    %scan3A_515 = arith.constant 1 : i32
    %scan3A_516 = scf.for %scan3A_1312 = %scan3A_512 to %scan3A_514 step %scan3A_515 iter_args(%scan3A_1313 = %scan3A_511) -> (i32)  : i32 {
      %parallel_loop3A = arith.constant 0 : i32
      %parallel_loop3A_1314 = arith.constant 1024 : i32
      %parallel_loop3A_1315 = arith.constant 16 : i32
      scf.for %parallel_loop3A_1317 = %parallel_loop3A to %parallel_loop3A_1314 step %parallel_loop3A_1315  : i32 {
        %parallel_loop3A_1318 = arith.index_cast %scan3A_1312 : i32 to index
        %parallel_loop3A_1319 = arith.index_cast %parallel_loop3A_1317 : i32 to index
        %parallel_loop3A_1320 = tpu.vector_load %arg5[%parallel_loop3A_1318, %parallel_loop3A_1319] {strides = array<i32>} : memref<16x1024xf32, #tpu.memory_space<vmem>>, vector<1x16xf32>,
        %parallel_loop3A_1321 = vector.shape_cast %parallel_loop3A_1320 : vector<1x16xf32> to vector<16xf32>
        %parallel_loop3A_1322 = arith.index_cast %scan3A_1312 : i32 to index
        %parallel_loop3A_1323 = arith.index_cast %parallel_loop3A_1317 : i32 to index
        %parallel_loop3A_1324 = tpu.vector_load %arg12[%parallel_loop3A_1322, %parallel_loop3A_1323] {strides = array<i32>} : memref<16x1024xf32, #tpu.memory_space<vmem>>, vector<1x16xf32>,
        %parallel_loop3A_1325 = vector.shape_cast %parallel_loop3A_1324 : vector<1x16xf32> to vector<16xf32>
        %parallel_loop3A_1326 = vector.shape_cast %parallel_loop3A_1321 : vector<16xf32> to vector<1x16xf32>
        tpu.vector_store %arg12[%parallel_loop3A_1322, %parallel_loop3A_1323], %parallel_loop3A_1326 {add = true, strides = array<i32>} : memref<16x1024xf32, #tpu.memory_space<vmem>>, vector<1x16xf32>,
      } {sc.loop_unroll_factor = 16 : i64, sc.parallel_access}
      %scan3A_1316 = arith.constant 0 : i32
      scf.yield %scan3A_1316 : i32
    }
    %scan3A_517 = arith.constant 16 : i32
    %add3A_518 = arith.constant 12288 : i32
    %add3A_519 = arith.addi %add3A_518, %mul3A_2 : i32
    %add3A_520 = arith.constant 32 : i32
    %add3A_521 = arith.addi %add3A_519, %add3A_520 : i32
    %dma_start3A_522 = arith.constant 0 : i32
    %dma_start3A_523 = tpu.memref_slice %arg4[%add3A_521, %dma_start3A_522] : memref<16384x1024xf32, #tpu.memory_space<hbm>> -> memref<16x1024xf32, #tpu.memory_space<hbm>>
    %dma_start3A_524 = arith.constant 0 : i32
    %dma_start3A_525 = tpu.memref_slice %arg4[%add3A_521, %dma_start3A_524] : memref<16384x1024xf32, #tpu.memory_space<hbm>> -> memref<16x1024xf32, #tpu.memory_space<hbm>>
    tpu.enqueue_dma source(%arg12 : memref<16x1024xf32, #tpu.memory_space<vmem>>) target(%dma_start3A_525 : memref<16x1024xf32, #tpu.memory_space<hbm>>) target_semaphore(%arg26 : memref<!tpu.dma_semaphore, #tpu.memory_space<semaphore_mem>>)
    %add3A_526 = arith.constant 48 : i32
    %add3A_527 = arith.addi %mul3A_2, %add3A_526 : i32
    %dma_wait3A_528 = arith.constant 0 : i32
    %dma_wait3A_529 = tpu.memref_slice %arg3[%add3A_527, %dma_wait3A_528] : memref<8192x1024xf32, #tpu.memory_space<hbm>> -> memref<16x1024xf32, #tpu.memory_space<hbm>>
    %dma_wait3A_530 = arith.constant 0 : i32
    %dma_wait3A_531 = tpu.memref_slice %arg3[%add3A_527, %dma_wait3A_530] : memref<8192x1024xf32, #tpu.memory_space<hbm>> -> memref<16x1024xf32, #tpu.memory_space<hbm>>
    tpu.wait_dma2 semaphore(%arg14 : memref<!tpu.dma_semaphore, #tpu.memory_space<semaphore_mem>>) src(%dma_wait3A_531 : memref<16x1024xf32, #tpu.memory_space<hbm>>) dst(%arg6 : memref<16x1024xf32, #tpu.memory_space<vmem>>)
    %add3A_532 = arith.constant 64 : i32
    %add3A_533 = arith.addi %mul3A_2, %add3A_532 : i32
    %dma_start3A_534 = arith.constant 0 : i32
    %dma_start3A_535 = tpu.memref_slice %arg3[%add3A_533, %dma_start3A_534] : memref<8192x1024xf32, #tpu.memory_space<hbm>> -> memref<16x1024xf32, #tpu.memory_space<hbm>>
    %dma_start3A_536 = arith.constant 0 : i32
    %dma_start3A_537 = tpu.memref_slice %arg3[%add3A_533, %dma_start3A_536] : memref<8192x1024xf32, #tpu.memory_space<hbm>> -> memref<16x1024xf32, #tpu.memory_space<hbm>>
    tpu.enqueue_dma source(%dma_start3A_537 : memref<16x1024xf32, #tpu.memory_space<hbm>>) target(%arg5 : memref<16x1024xf32, #tpu.memory_space<vmem>>) target_semaphore(%arg13 : memref<!tpu.dma_semaphore, #tpu.memory_space<semaphore_mem>>)
    %add3A_538 = arith.constant 0 : i32
    %add3A_539 = arith.addi %add3A_538, %mul3A_2 : i32
    %add3A_540 = arith.constant 48 : i32
    %add3A_541 = arith.addi %add3A_539, %add3A_540 : i32
    %dma_wait3A_542 = arith.constant 0 : i32
    %dma_wait3A_543 = tpu.memref_slice %arg2[%add3A_541, %dma_wait3A_542] : memref<16384x1024xf32, #tpu.memory_space<hbm>> -> memref<16x1024xf32, #tpu.memory_space<hbm>>
    %dma_wait3A_544 = arith.constant 0 : i32
    %dma_wait3A_545 = tpu.memref_slice %arg2[%add3A_541, %dma_wait3A_544] : memref<16384x1024xf32, #tpu.memory_space<hbm>> -> memref<16x1024xf32, #tpu.memory_space<hbm>>
    tpu.wait_dma2 semaphore(%arg15 : memref<!tpu.dma_semaphore, #tpu.memory_space<semaphore_mem>>) src(%dma_wait3A_545 : memref<16x1024xf32, #tpu.memory_space<hbm>>) dst(%arg7 : memref<16x1024xf32, #tpu.memory_space<vmem>>)
    %add3A_546 = arith.constant 8192 : i32
    %add3A_547 = arith.addi %add3A_546, %mul3A_2 : i32
    %add3A_548 = arith.constant 32 : i32
    %add3A_549 = arith.addi %add3A_547, %add3A_548 : i32
    %dma_wait3A_550 = arith.constant 0 : i32
    %dma_wait3A_551 = tpu.memref_slice %arg4[%add3A_549, %dma_wait3A_550] : memref<16384x1024xf32, #tpu.memory_space<hbm>> -> memref<16x1024xf32, #tpu.memory_space<hbm>>
    %dma_wait3A_552 = arith.constant 0 : i32
    %dma_wait3A_553 = tpu.memref_slice %arg4[%add3A_549, %dma_wait3A_552] : memref<16384x1024xf32, #tpu.memory_space<hbm>> -> memref<16x1024xf32, #tpu.memory_space<hbm>>
    tpu.wait_dma2 semaphore(%arg25 : memref<!tpu.dma_semaphore, #tpu.memory_space<semaphore_mem>>) src(%arg11 : memref<16x1024xf32, #tpu.memory_space<vmem>>) dst(%dma_wait3A_553 : memref<16x1024xf32, #tpu.memory_space<hbm>>)
    %add3A_554 = arith.constant 0 : i32
    %add3A_555 = arith.addi %add3A_554, %mul3A_2 : i32
    %add3A_556 = arith.constant 64 : i32
    %add3A_557 = arith.addi %add3A_555, %add3A_556 : i32
    %dma_start3A_558 = arith.constant 0 : i32
    %dma_start3A_559 = tpu.memref_slice %arg2[%add3A_557, %dma_start3A_558] : memref<16384x1024xf32, #tpu.memory_space<hbm>> -> memref<16x1024xf32, #tpu.memory_space<hbm>>
    %dma_start3A_560 = arith.constant 0 : i32
    %dma_start3A_561 = tpu.memref_slice %arg2[%add3A_557, %dma_start3A_560] : memref<16384x1024xf32, #tpu.memory_space<hbm>> -> memref<16x1024xf32, #tpu.memory_space<hbm>>
    tpu.enqueue_dma source(%dma_start3A_561 : memref<16x1024xf32, #tpu.memory_space<hbm>>) target(%arg11 : memref<16x1024xf32, #tpu.memory_space<vmem>>) target_semaphore(%arg19 : memref<!tpu.dma_semaphore, #tpu.memory_space<semaphore_mem>>)
    %scan3A_562 = arith.constant 0 : i32
    %scan3A_563 = arith.constant 0 : i32
    %scan3A_564 = arith.constant 16 : i32
    %scan3A_565 = arith.addi %scan3A_563, %scan3A_564 : i32
    %scan3A_566 = arith.constant 1 : i32
    %scan3A_567 = scf.for %scan3A_1312 = %scan3A_563 to %scan3A_565 step %scan3A_566 iter_args(%scan3A_1313 = %scan3A_562) -> (i32)  : i32 {
      %parallel_loop3A = arith.constant 0 : i32
      %parallel_loop3A_1314 = arith.constant 1024 : i32
      %parallel_loop3A_1315 = arith.constant 16 : i32
      scf.for %parallel_loop3A_1317 = %parallel_loop3A to %parallel_loop3A_1314 step %parallel_loop3A_1315  : i32 {
        %parallel_loop3A_1318 = arith.index_cast %scan3A_1312 : i32 to index
        %parallel_loop3A_1319 = arith.index_cast %parallel_loop3A_1317 : i32 to index
        %parallel_loop3A_1320 = tpu.vector_load %arg6[%parallel_loop3A_1318, %parallel_loop3A_1319] {strides = array<i32>} : memref<16x1024xf32, #tpu.memory_space<vmem>>, vector<1x16xf32>,
        %parallel_loop3A_1321 = vector.shape_cast %parallel_loop3A_1320 : vector<1x16xf32> to vector<16xf32>
        %parallel_loop3A_1322 = arith.index_cast %scan3A_1312 : i32 to index
        %parallel_loop3A_1323 = arith.index_cast %parallel_loop3A_1317 : i32 to index
        %parallel_loop3A_1324 = tpu.vector_load %arg7[%parallel_loop3A_1322, %parallel_loop3A_1323] {strides = array<i32>} : memref<16x1024xf32, #tpu.memory_space<vmem>>, vector<1x16xf32>,
        %parallel_loop3A_1325 = vector.shape_cast %parallel_loop3A_1324 : vector<1x16xf32> to vector<16xf32>
        %parallel_loop3A_1326 = vector.shape_cast %parallel_loop3A_1321 : vector<16xf32> to vector<1x16xf32>
        tpu.vector_store %arg7[%parallel_loop3A_1322, %parallel_loop3A_1323], %parallel_loop3A_1326 {add = true, strides = array<i32>} : memref<16x1024xf32, #tpu.memory_space<vmem>>, vector<1x16xf32>,
      } {sc.loop_unroll_factor = 16 : i64, sc.parallel_access}
      %scan3A_1316 = arith.constant 0 : i32
      scf.yield %scan3A_1316 : i32
    }
    %scan3A_568 = arith.constant 16 : i32
    %add3A_569 = arith.constant 0 : i32
    %add3A_570 = arith.addi %add3A_569, %mul3A_2 : i32
    %add3A_571 = arith.constant 48 : i32
    %add3A_572 = arith.addi %add3A_570, %add3A_571 : i32
    %dma_start3A_573 = arith.constant 0 : i32
    %dma_start3A_574 = tpu.memref_slice %arg4[%add3A_572, %dma_start3A_573] : memref<16384x1024xf32, #tpu.memory_space<hbm>> -> memref<16x1024xf32, #tpu.memory_space<hbm>>
    %dma_start3A_575 = arith.constant 0 : i32
    %dma_start3A_576 = tpu.memref_slice %arg4[%add3A_572, %dma_start3A_575] : memref<16384x1024xf32, #tpu.memory_space<hbm>> -> memref<16x1024xf32, #tpu.memory_space<hbm>>
    tpu.enqueue_dma source(%arg7 : memref<16x1024xf32, #tpu.memory_space<vmem>>) target(%dma_start3A_576 : memref<16x1024xf32, #tpu.memory_space<hbm>>) target_semaphore(%arg21 : memref<!tpu.dma_semaphore, #tpu.memory_space<semaphore_mem>>)
    %add3A_577 = arith.constant 4096 : i32
    %add3A_578 = arith.addi %add3A_577, %mul3A_2 : i32
    %add3A_579 = arith.constant 48 : i32
    %add3A_580 = arith.addi %add3A_578, %add3A_579 : i32
    %dma_wait3A_581 = arith.constant 0 : i32
    %dma_wait3A_582 = tpu.memref_slice %arg2[%add3A_580, %dma_wait3A_581] : memref<16384x1024xf32, #tpu.memory_space<hbm>> -> memref<16x1024xf32, #tpu.memory_space<hbm>>
    %dma_wait3A_583 = arith.constant 0 : i32
    %dma_wait3A_584 = tpu.memref_slice %arg2[%add3A_580, %dma_wait3A_583] : memref<16384x1024xf32, #tpu.memory_space<hbm>> -> memref<16x1024xf32, #tpu.memory_space<hbm>>
    tpu.wait_dma2 semaphore(%arg16 : memref<!tpu.dma_semaphore, #tpu.memory_space<semaphore_mem>>) src(%dma_wait3A_584 : memref<16x1024xf32, #tpu.memory_space<hbm>>) dst(%arg8 : memref<16x1024xf32, #tpu.memory_space<vmem>>)
    %add3A_585 = arith.constant 12288 : i32
    %add3A_586 = arith.addi %add3A_585, %mul3A_2 : i32
    %add3A_587 = arith.constant 32 : i32
    %add3A_588 = arith.addi %add3A_586, %add3A_587 : i32
    %dma_wait3A_589 = arith.constant 0 : i32
    %dma_wait3A_590 = tpu.memref_slice %arg4[%add3A_588, %dma_wait3A_589] : memref<16384x1024xf32, #tpu.memory_space<hbm>> -> memref<16x1024xf32, #tpu.memory_space<hbm>>
    %dma_wait3A_591 = arith.constant 0 : i32
    %dma_wait3A_592 = tpu.memref_slice %arg4[%add3A_588, %dma_wait3A_591] : memref<16384x1024xf32, #tpu.memory_space<hbm>> -> memref<16x1024xf32, #tpu.memory_space<hbm>>
    tpu.wait_dma2 semaphore(%arg26 : memref<!tpu.dma_semaphore, #tpu.memory_space<semaphore_mem>>) src(%arg12 : memref<16x1024xf32, #tpu.memory_space<vmem>>) dst(%dma_wait3A_592 : memref<16x1024xf32, #tpu.memory_space<hbm>>)
    %add3A_593 = arith.constant 4096 : i32
    %add3A_594 = arith.addi %add3A_593, %mul3A_2 : i32
    %add3A_595 = arith.constant 64 : i32
    %add3A_596 = arith.addi %add3A_594, %add3A_595 : i32
    %dma_start3A_597 = arith.constant 0 : i32
    %dma_start3A_598 = tpu.memref_slice %arg2[%add3A_596, %dma_start3A_597] : memref<16384x1024xf32, #tpu.memory_space<hbm>> -> memref<16x1024xf32, #tpu.memory_space<hbm>>
    %dma_start3A_599 = arith.constant 0 : i32
    %dma_start3A_600 = tpu.memref_slice %arg2[%add3A_596, %dma_start3A_599] : memref<16384x1024xf32, #tpu.memory_space<hbm>> -> memref<16x1024xf32, #tpu.memory_space<hbm>>
    tpu.enqueue_dma source(%dma_start3A_600 : memref<16x1024xf32, #tpu.memory_space<hbm>>) target(%arg12 : memref<16x1024xf32, #tpu.memory_space<vmem>>) target_semaphore(%arg20 : memref<!tpu.dma_semaphore, #tpu.memory_space<semaphore_mem>>)
    %scan3A_601 = arith.constant 0 : i32
    %scan3A_602 = arith.constant 0 : i32
    %scan3A_603 = arith.constant 16 : i32
    %scan3A_604 = arith.addi %scan3A_602, %scan3A_603 : i32
    %scan3A_605 = arith.constant 1 : i32
    %scan3A_606 = scf.for %scan3A_1312 = %scan3A_602 to %scan3A_604 step %scan3A_605 iter_args(%scan3A_1313 = %scan3A_601) -> (i32)  : i32 {
      %parallel_loop3A = arith.constant 0 : i32
      %parallel_loop3A_1314 = arith.constant 1024 : i32
      %parallel_loop3A_1315 = arith.constant 16 : i32
      scf.for %parallel_loop3A_1317 = %parallel_loop3A to %parallel_loop3A_1314 step %parallel_loop3A_1315  : i32 {
        %parallel_loop3A_1318 = arith.index_cast %scan3A_1312 : i32 to index
        %parallel_loop3A_1319 = arith.index_cast %parallel_loop3A_1317 : i32 to index
        %parallel_loop3A_1320 = tpu.vector_load %arg6[%parallel_loop3A_1318, %parallel_loop3A_1319] {strides = array<i32>} : memref<16x1024xf32, #tpu.memory_space<vmem>>, vector<1x16xf32>,
        %parallel_loop3A_1321 = vector.shape_cast %parallel_loop3A_1320 : vector<1x16xf32> to vector<16xf32>
        %parallel_loop3A_1322 = arith.index_cast %scan3A_1312 : i32 to index
        %parallel_loop3A_1323 = arith.index_cast %parallel_loop3A_1317 : i32 to index
        %parallel_loop3A_1324 = tpu.vector_load %arg8[%parallel_loop3A_1322, %parallel_loop3A_1323] {strides = array<i32>} : memref<16x1024xf32, #tpu.memory_space<vmem>>, vector<1x16xf32>,
        %parallel_loop3A_1325 = vector.shape_cast %parallel_loop3A_1324 : vector<1x16xf32> to vector<16xf32>
        %parallel_loop3A_1326 = vector.shape_cast %parallel_loop3A_1321 : vector<16xf32> to vector<1x16xf32>
        tpu.vector_store %arg8[%parallel_loop3A_1322, %parallel_loop3A_1323], %parallel_loop3A_1326 {add = true, strides = array<i32>} : memref<16x1024xf32, #tpu.memory_space<vmem>>, vector<1x16xf32>,
      } {sc.loop_unroll_factor = 16 : i64, sc.parallel_access}
      %scan3A_1316 = arith.constant 0 : i32
      scf.yield %scan3A_1316 : i32
    }
    %scan3A_607 = arith.constant 16 : i32
    %add3A_608 = arith.constant 4096 : i32
    %add3A_609 = arith.addi %add3A_608, %mul3A_2 : i32
    %add3A_610 = arith.constant 48 : i32
    %add3A_611 = arith.addi %add3A_609, %add3A_610 : i32
    %dma_start3A_612 = arith.constant 0 : i32
    %dma_start3A_613 = tpu.memref_slice %arg4[%add3A_611, %dma_start3A_612] : memref<16384x1024xf32, #tpu.memory_space<hbm>> -> memref<16x1024xf32, #tpu.memory_space<hbm>>
    %dma_start3A_614 = arith.constant 0 : i32
    %dma_start3A_615 = tpu.memref_slice %arg4[%add3A_611, %dma_start3A_614] : memref<16384x1024xf32, #tpu.memory_space<hbm>> -> memref<16x1024xf32, #tpu.memory_space<hbm>>
    tpu.enqueue_dma source(%arg8 : memref<16x1024xf32, #tpu.memory_space<vmem>>) target(%dma_start3A_615 : memref<16x1024xf32, #tpu.memory_space<hbm>>) target_semaphore(%arg22 : memref<!tpu.dma_semaphore, #tpu.memory_space<semaphore_mem>>)
    %add3A_616 = arith.constant 8192 : i32
    %add3A_617 = arith.addi %add3A_616, %mul3A_2 : i32
    %add3A_618 = arith.constant 48 : i32
    %add3A_619 = arith.addi %add3A_617, %add3A_618 : i32
    %dma_wait3A_620 = arith.constant 0 : i32
    %dma_wait3A_621 = tpu.memref_slice %arg2[%add3A_619, %dma_wait3A_620] : memref<16384x1024xf32, #tpu.memory_space<hbm>> -> memref<16x1024xf32, #tpu.memory_space<hbm>>
    %dma_wait3A_622 = arith.constant 0 : i32
    %dma_wait3A_623 = tpu.memref_slice %arg2[%add3A_619, %dma_wait3A_622] : memref<16384x1024xf32, #tpu.memory_space<hbm>> -> memref<16x1024xf32, #tpu.memory_space<hbm>>
    tpu.wait_dma2 semaphore(%arg17 : memref<!tpu.dma_semaphore, #tpu.memory_space<semaphore_mem>>) src(%dma_wait3A_623 : memref<16x1024xf32, #tpu.memory_space<hbm>>) dst(%arg9 : memref<16x1024xf32, #tpu.memory_space<vmem>>)
    %add3A_624 = arith.constant 0 : i32
    %add3A_625 = arith.addi %add3A_624, %mul3A_2 : i32
    %add3A_626 = arith.constant 48 : i32
    %add3A_627 = arith.addi %add3A_625, %add3A_626 : i32
    %dma_wait3A_628 = arith.constant 0 : i32
    %dma_wait3A_629 = tpu.memref_slice %arg4[%add3A_627, %dma_wait3A_628] : memref<16384x1024xf32, #tpu.memory_space<hbm>> -> memref<16x1024xf32, #tpu.memory_space<hbm>>
    %dma_wait3A_630 = arith.constant 0 : i32
    %dma_wait3A_631 = tpu.memref_slice %arg4[%add3A_627, %dma_wait3A_630] : memref<16384x1024xf32, #tpu.memory_space<hbm>> -> memref<16x1024xf32, #tpu.memory_space<hbm>>
    tpu.wait_dma2 semaphore(%arg21 : memref<!tpu.dma_semaphore, #tpu.memory_space<semaphore_mem>>) src(%arg7 : memref<16x1024xf32, #tpu.memory_space<vmem>>) dst(%dma_wait3A_631 : memref<16x1024xf32, #tpu.memory_space<hbm>>)
    %add3A_632 = arith.constant 8192 : i32
    %add3A_633 = arith.addi %add3A_632, %mul3A_2 : i32
    %add3A_634 = arith.constant 64 : i32
    %add3A_635 = arith.addi %add3A_633, %add3A_634 : i32
    %dma_start3A_636 = arith.constant 0 : i32
    %dma_start3A_637 = tpu.memref_slice %arg2[%add3A_635, %dma_start3A_636] : memref<16384x1024xf32, #tpu.memory_space<hbm>> -> memref<16x1024xf32, #tpu.memory_space<hbm>>
    %dma_start3A_638 = arith.constant 0 : i32
    %dma_start3A_639 = tpu.memref_slice %arg2[%add3A_635, %dma_start3A_638] : memref<16384x1024xf32, #tpu.memory_space<hbm>> -> memref<16x1024xf32, #tpu.memory_space<hbm>>
    tpu.enqueue_dma source(%dma_start3A_639 : memref<16x1024xf32, #tpu.memory_space<hbm>>) target(%arg7 : memref<16x1024xf32, #tpu.memory_space<vmem>>) target_semaphore(%arg15 : memref<!tpu.dma_semaphore, #tpu.memory_space<semaphore_mem>>)
    %scan3A_640 = arith.constant 0 : i32
    %scan3A_641 = arith.constant 0 : i32
    %scan3A_642 = arith.constant 16 : i32
    %scan3A_643 = arith.addi %scan3A_641, %scan3A_642 : i32
    %scan3A_644 = arith.constant 1 : i32
    %scan3A_645 = scf.for %scan3A_1312 = %scan3A_641 to %scan3A_643 step %scan3A_644 iter_args(%scan3A_1313 = %scan3A_640) -> (i32)  : i32 {
      %parallel_loop3A = arith.constant 0 : i32
      %parallel_loop3A_1314 = arith.constant 1024 : i32
      %parallel_loop3A_1315 = arith.constant 16 : i32
      scf.for %parallel_loop3A_1317 = %parallel_loop3A to %parallel_loop3A_1314 step %parallel_loop3A_1315  : i32 {
        %parallel_loop3A_1318 = arith.index_cast %scan3A_1312 : i32 to index
        %parallel_loop3A_1319 = arith.index_cast %parallel_loop3A_1317 : i32 to index
        %parallel_loop3A_1320 = tpu.vector_load %arg6[%parallel_loop3A_1318, %parallel_loop3A_1319] {strides = array<i32>} : memref<16x1024xf32, #tpu.memory_space<vmem>>, vector<1x16xf32>,
        %parallel_loop3A_1321 = vector.shape_cast %parallel_loop3A_1320 : vector<1x16xf32> to vector<16xf32>
        %parallel_loop3A_1322 = arith.index_cast %scan3A_1312 : i32 to index
        %parallel_loop3A_1323 = arith.index_cast %parallel_loop3A_1317 : i32 to index
        %parallel_loop3A_1324 = tpu.vector_load %arg9[%parallel_loop3A_1322, %parallel_loop3A_1323] {strides = array<i32>} : memref<16x1024xf32, #tpu.memory_space<vmem>>, vector<1x16xf32>,
        %parallel_loop3A_1325 = vector.shape_cast %parallel_loop3A_1324 : vector<1x16xf32> to vector<16xf32>
        %parallel_loop3A_1326 = vector.shape_cast %parallel_loop3A_1321 : vector<16xf32> to vector<1x16xf32>
        tpu.vector_store %arg9[%parallel_loop3A_1322, %parallel_loop3A_1323], %parallel_loop3A_1326 {add = true, strides = array<i32>} : memref<16x1024xf32, #tpu.memory_space<vmem>>, vector<1x16xf32>,
      } {sc.loop_unroll_factor = 16 : i64, sc.parallel_access}
      %scan3A_1316 = arith.constant 0 : i32
      scf.yield %scan3A_1316 : i32
    }
    %scan3A_646 = arith.constant 16 : i32
    %add3A_647 = arith.constant 8192 : i32
    %add3A_648 = arith.addi %add3A_647, %mul3A_2 : i32
    %add3A_649 = arith.constant 48 : i32
    %add3A_650 = arith.addi %add3A_648, %add3A_649 : i32
    %dma_start3A_651 = arith.constant 0 : i32
    %dma_start3A_652 = tpu.memref_slice %arg4[%add3A_650, %dma_start3A_651] : memref<16384x1024xf32, #tpu.memory_space<hbm>> -> memref<16x1024xf32, #tpu.memory_space<hbm>>
    %dma_start3A_653 = arith.constant 0 : i32
    %dma_start3A_654 = tpu.memref_slice %arg4[%add3A_650, %dma_start3A_653] : memref<16384x1024xf32, #tpu.memory_space<hbm>> -> memref<16x1024xf32, #tpu.memory_space<hbm>>
    tpu.enqueue_dma source(%arg9 : memref<16x1024xf32, #tpu.memory_space<vmem>>) target(%dma_start3A_654 : memref<16x1024xf32, #tpu.memory_space<hbm>>) target_semaphore(%arg23 : memref<!tpu.dma_semaphore, #tpu.memory_space<semaphore_mem>>)
    %add3A_655 = arith.constant 12288 : i32
    %add3A_656 = arith.addi %add3A_655, %mul3A_2 : i32
    %add3A_657 = arith.constant 48 : i32
    %add3A_658 = arith.addi %add3A_656, %add3A_657 : i32
    %dma_wait3A_659 = arith.constant 0 : i32
    %dma_wait3A_660 = tpu.memref_slice %arg2[%add3A_658, %dma_wait3A_659] : memref<16384x1024xf32, #tpu.memory_space<hbm>> -> memref<16x1024xf32, #tpu.memory_space<hbm>>
    %dma_wait3A_661 = arith.constant 0 : i32
    %dma_wait3A_662 = tpu.memref_slice %arg2[%add3A_658, %dma_wait3A_661] : memref<16384x1024xf32, #tpu.memory_space<hbm>> -> memref<16x1024xf32, #tpu.memory_space<hbm>>
    tpu.wait_dma2 semaphore(%arg18 : memref<!tpu.dma_semaphore, #tpu.memory_space<semaphore_mem>>) src(%dma_wait3A_662 : memref<16x1024xf32, #tpu.memory_space<hbm>>) dst(%arg10 : memref<16x1024xf32, #tpu.memory_space<vmem>>)
    %add3A_663 = arith.constant 4096 : i32
    %add3A_664 = arith.addi %add3A_663, %mul3A_2 : i32
    %add3A_665 = arith.constant 48 : i32
    %add3A_666 = arith.addi %add3A_664, %add3A_665 : i32
    %dma_wait3A_667 = arith.constant 0 : i32
    %dma_wait3A_668 = tpu.memref_slice %arg4[%add3A_666, %dma_wait3A_667] : memref<16384x1024xf32, #tpu.memory_space<hbm>> -> memref<16x1024xf32, #tpu.memory_space<hbm>>
    %dma_wait3A_669 = arith.constant 0 : i32
    %dma_wait3A_670 = tpu.memref_slice %arg4[%add3A_666, %dma_wait3A_669] : memref<16384x1024xf32, #tpu.memory_space<hbm>> -> memref<16x1024xf32, #tpu.memory_space<hbm>>
    tpu.wait_dma2 semaphore(%arg22 : memref<!tpu.dma_semaphore, #tpu.memory_space<semaphore_mem>>) src(%arg8 : memref<16x1024xf32, #tpu.memory_space<vmem>>) dst(%dma_wait3A_670 : memref<16x1024xf32, #tpu.memory_space<hbm>>)
    %add3A_671 = arith.constant 12288 : i32
    %add3A_672 = arith.addi %add3A_671, %mul3A_2 : i32
    %add3A_673 = arith.constant 64 : i32
    %add3A_674 = arith.addi %add3A_672, %add3A_673 : i32
    %dma_start3A_675 = arith.constant 0 : i32
    %dma_start3A_676 = tpu.memref_slice %arg2[%add3A_674, %dma_start3A_675] : memref<16384x1024xf32, #tpu.memory_space<hbm>> -> memref<16x1024xf32, #tpu.memory_space<hbm>>
    %dma_start3A_677 = arith.constant 0 : i32
    %dma_start3A_678 = tpu.memref_slice %arg2[%add3A_674, %dma_start3A_677] : memref<16384x1024xf32, #tpu.memory_space<hbm>> -> memref<16x1024xf32, #tpu.memory_space<hbm>>
    tpu.enqueue_dma source(%dma_start3A_678 : memref<16x1024xf32, #tpu.memory_space<hbm>>) target(%arg8 : memref<16x1024xf32, #tpu.memory_space<vmem>>) target_semaphore(%arg16 : memref<!tpu.dma_semaphore, #tpu.memory_space<semaphore_mem>>)
    %scan3A_679 = arith.constant 0 : i32
    %scan3A_680 = arith.constant 0 : i32
    %scan3A_681 = arith.constant 16 : i32
    %scan3A_682 = arith.addi %scan3A_680, %scan3A_681 : i32
    %scan3A_683 = arith.constant 1 : i32
    %scan3A_684 = scf.for %scan3A_1312 = %scan3A_680 to %scan3A_682 step %scan3A_683 iter_args(%scan3A_1313 = %scan3A_679) -> (i32)  : i32 {
      %parallel_loop3A = arith.constant 0 : i32
      %parallel_loop3A_1314 = arith.constant 1024 : i32
      %parallel_loop3A_1315 = arith.constant 16 : i32
      scf.for %parallel_loop3A_1317 = %parallel_loop3A to %parallel_loop3A_1314 step %parallel_loop3A_1315  : i32 {
        %parallel_loop3A_1318 = arith.index_cast %scan3A_1312 : i32 to index
        %parallel_loop3A_1319 = arith.index_cast %parallel_loop3A_1317 : i32 to index
        %parallel_loop3A_1320 = tpu.vector_load %arg6[%parallel_loop3A_1318, %parallel_loop3A_1319] {strides = array<i32>} : memref<16x1024xf32, #tpu.memory_space<vmem>>, vector<1x16xf32>,
        %parallel_loop3A_1321 = vector.shape_cast %parallel_loop3A_1320 : vector<1x16xf32> to vector<16xf32>
        %parallel_loop3A_1322 = arith.index_cast %scan3A_1312 : i32 to index
        %parallel_loop3A_1323 = arith.index_cast %parallel_loop3A_1317 : i32 to index
        %parallel_loop3A_1324 = tpu.vector_load %arg10[%parallel_loop3A_1322, %parallel_loop3A_1323] {strides = array<i32>} : memref<16x1024xf32, #tpu.memory_space<vmem>>, vector<1x16xf32>,
        %parallel_loop3A_1325 = vector.shape_cast %parallel_loop3A_1324 : vector<1x16xf32> to vector<16xf32>
        %parallel_loop3A_1326 = vector.shape_cast %parallel_loop3A_1321 : vector<16xf32> to vector<1x16xf32>
        tpu.vector_store %arg10[%parallel_loop3A_1322, %parallel_loop3A_1323], %parallel_loop3A_1326 {add = true, strides = array<i32>} : memref<16x1024xf32, #tpu.memory_space<vmem>>, vector<1x16xf32>,
      } {sc.loop_unroll_factor = 16 : i64, sc.parallel_access}
      %scan3A_1316 = arith.constant 0 : i32
      scf.yield %scan3A_1316 : i32
    }
    %scan3A_685 = arith.constant 16 : i32
    %add3A_686 = arith.constant 12288 : i32
    %add3A_687 = arith.addi %add3A_686, %mul3A_2 : i32
    %add3A_688 = arith.constant 48 : i32
    %add3A_689 = arith.addi %add3A_687, %add3A_688 : i32
    %dma_start3A_690 = arith.constant 0 : i32
    %dma_start3A_691 = tpu.memref_slice %arg4[%add3A_689, %dma_start3A_690] : memref<16384x1024xf32, #tpu.memory_space<hbm>> -> memref<16x1024xf32, #tpu.memory_space<hbm>>
    %dma_start3A_692 = arith.constant 0 : i32
    %dma_start3A_693 = tpu.memref_slice %arg4[%add3A_689, %dma_start3A_692] : memref<16384x1024xf32, #tpu.memory_space<hbm>> -> memref<16x1024xf32, #tpu.memory_space<hbm>>
    tpu.enqueue_dma source(%arg10 : memref<16x1024xf32, #tpu.memory_space<vmem>>) target(%dma_start3A_693 : memref<16x1024xf32, #tpu.memory_space<hbm>>) target_semaphore(%arg24 : memref<!tpu.dma_semaphore, #tpu.memory_space<semaphore_mem>>)
    %add3A_694 = arith.constant 64 : i32
    %add3A_695 = arith.addi %mul3A_2, %add3A_694 : i32
    %dma_wait3A_696 = arith.constant 0 : i32
    %dma_wait3A_697 = tpu.memref_slice %arg3[%add3A_695, %dma_wait3A_696] : memref<8192x1024xf32, #tpu.memory_space<hbm>> -> memref<16x1024xf32, #tpu.memory_space<hbm>>
    %dma_wait3A_698 = arith.constant 0 : i32
    %dma_wait3A_699 = tpu.memref_slice %arg3[%add3A_695, %dma_wait3A_698] : memref<8192x1024xf32, #tpu.memory_space<hbm>> -> memref<16x1024xf32, #tpu.memory_space<hbm>>
    tpu.wait_dma2 semaphore(%arg13 : memref<!tpu.dma_semaphore, #tpu.memory_space<semaphore_mem>>) src(%dma_wait3A_699 : memref<16x1024xf32, #tpu.memory_space<hbm>>) dst(%arg5 : memref<16x1024xf32, #tpu.memory_space<vmem>>)
    %add3A_700 = arith.constant 80 : i32
    %add3A_701 = arith.addi %mul3A_2, %add3A_700 : i32
    %dma_start3A_702 = arith.constant 0 : i32
    %dma_start3A_703 = tpu.memref_slice %arg3[%add3A_701, %dma_start3A_702] : memref<8192x1024xf32, #tpu.memory_space<hbm>> -> memref<16x1024xf32, #tpu.memory_space<hbm>>
    %dma_start3A_704 = arith.constant 0 : i32
    %dma_start3A_705 = tpu.memref_slice %arg3[%add3A_701, %dma_start3A_704] : memref<8192x1024xf32, #tpu.memory_space<hbm>> -> memref<16x1024xf32, #tpu.memory_space<hbm>>
    tpu.enqueue_dma source(%dma_start3A_705 : memref<16x1024xf32, #tpu.memory_space<hbm>>) target(%arg6 : memref<16x1024xf32, #tpu.memory_space<vmem>>) target_semaphore(%arg14 : memref<!tpu.dma_semaphore, #tpu.memory_space<semaphore_mem>>)
    %add3A_706 = arith.constant 0 : i32
    %add3A_707 = arith.addi %add3A_706, %mul3A_2 : i32
    %add3A_708 = arith.constant 64 : i32
    %add3A_709 = arith.addi %add3A_707, %add3A_708 : i32
    %dma_wait3A_710 = arith.constant 0 : i32
    %dma_wait3A_711 = tpu.memref_slice %arg2[%add3A_709, %dma_wait3A_710] : memref<16384x1024xf32, #tpu.memory_space<hbm>> -> memref<16x1024xf32, #tpu.memory_space<hbm>>
    %dma_wait3A_712 = arith.constant 0 : i32
    %dma_wait3A_713 = tpu.memref_slice %arg2[%add3A_709, %dma_wait3A_712] : memref<16384x1024xf32, #tpu.memory_space<hbm>> -> memref<16x1024xf32, #tpu.memory_space<hbm>>
    tpu.wait_dma2 semaphore(%arg19 : memref<!tpu.dma_semaphore, #tpu.memory_space<semaphore_mem>>) src(%dma_wait3A_713 : memref<16x1024xf32, #tpu.memory_space<hbm>>) dst(%arg11 : memref<16x1024xf32, #tpu.memory_space<vmem>>)
    %add3A_714 = arith.constant 8192 : i32
    %add3A_715 = arith.addi %add3A_714, %mul3A_2 : i32
    %add3A_716 = arith.constant 48 : i32
    %add3A_717 = arith.addi %add3A_715, %add3A_716 : i32
    %dma_wait3A_718 = arith.constant 0 : i32
    %dma_wait3A_719 = tpu.memref_slice %arg4[%add3A_717, %dma_wait3A_718] : memref<16384x1024xf32, #tpu.memory_space<hbm>> -> memref<16x1024xf32, #tpu.memory_space<hbm>>
    %dma_wait3A_720 = arith.constant 0 : i32
    %dma_wait3A_721 = tpu.memref_slice %arg4[%add3A_717, %dma_wait3A_720] : memref<16384x1024xf32, #tpu.memory_space<hbm>> -> memref<16x1024xf32, #tpu.memory_space<hbm>>
    tpu.wait_dma2 semaphore(%arg23 : memref<!tpu.dma_semaphore, #tpu.memory_space<semaphore_mem>>) src(%arg9 : memref<16x1024xf32, #tpu.memory_space<vmem>>) dst(%dma_wait3A_721 : memref<16x1024xf32, #tpu.memory_space<hbm>>)
    %add3A_722 = arith.constant 0 : i32
    %add3A_723 = arith.addi %add3A_722, %mul3A_2 : i32
    %add3A_724 = arith.constant 80 : i32
    %add3A_725 = arith.addi %add3A_723, %add3A_724 : i32
    %dma_start3A_726 = arith.constant 0 : i32
    %dma_start3A_727 = tpu.memref_slice %arg2[%add3A_725, %dma_start3A_726] : memref<16384x1024xf32, #tpu.memory_space<hbm>> -> memref<16x1024xf32, #tpu.memory_space<hbm>>
    %dma_start3A_728 = arith.constant 0 : i32
    %dma_start3A_729 = tpu.memref_slice %arg2[%add3A_725, %dma_start3A_728] : memref<16384x1024xf32, #tpu.memory_space<hbm>> -> memref<16x1024xf32, #tpu.memory_space<hbm>>
    tpu.enqueue_dma source(%dma_start3A_729 : memref<16x1024xf32, #tpu.memory_space<hbm>>) target(%arg9 : memref<16x1024xf32, #tpu.memory_space<vmem>>) target_semaphore(%arg17 : memref<!tpu.dma_semaphore, #tpu.memory_space<semaphore_mem>>)
    %scan3A_730 = arith.constant 0 : i32
    %scan3A_731 = arith.constant 0 : i32
    %scan3A_732 = arith.constant 16 : i32
    %scan3A_733 = arith.addi %scan3A_731, %scan3A_732 : i32
    %scan3A_734 = arith.constant 1 : i32
    %scan3A_735 = scf.for %scan3A_1312 = %scan3A_731 to %scan3A_733 step %scan3A_734 iter_args(%scan3A_1313 = %scan3A_730) -> (i32)  : i32 {
      %parallel_loop3A = arith.constant 0 : i32
      %parallel_loop3A_1314 = arith.constant 1024 : i32
      %parallel_loop3A_1315 = arith.constant 16 : i32
      scf.for %parallel_loop3A_1317 = %parallel_loop3A to %parallel_loop3A_1314 step %parallel_loop3A_1315  : i32 {
        %parallel_loop3A_1318 = arith.index_cast %scan3A_1312 : i32 to index
        %parallel_loop3A_1319 = arith.index_cast %parallel_loop3A_1317 : i32 to index
        %parallel_loop3A_1320 = tpu.vector_load %arg5[%parallel_loop3A_1318, %parallel_loop3A_1319] {strides = array<i32>} : memref<16x1024xf32, #tpu.memory_space<vmem>>, vector<1x16xf32>,
        %parallel_loop3A_1321 = vector.shape_cast %parallel_loop3A_1320 : vector<1x16xf32> to vector<16xf32>
        %parallel_loop3A_1322 = arith.index_cast %scan3A_1312 : i32 to index
        %parallel_loop3A_1323 = arith.index_cast %parallel_loop3A_1317 : i32 to index
        %parallel_loop3A_1324 = tpu.vector_load %arg11[%parallel_loop3A_1322, %parallel_loop3A_1323] {strides = array<i32>} : memref<16x1024xf32, #tpu.memory_space<vmem>>, vector<1x16xf32>,
        %parallel_loop3A_1325 = vector.shape_cast %parallel_loop3A_1324 : vector<1x16xf32> to vector<16xf32>
        %parallel_loop3A_1326 = vector.shape_cast %parallel_loop3A_1321 : vector<16xf32> to vector<1x16xf32>
        tpu.vector_store %arg11[%parallel_loop3A_1322, %parallel_loop3A_1323], %parallel_loop3A_1326 {add = true, strides = array<i32>} : memref<16x1024xf32, #tpu.memory_space<vmem>>, vector<1x16xf32>,
      } {sc.loop_unroll_factor = 16 : i64, sc.parallel_access}
      %scan3A_1316 = arith.constant 0 : i32
      scf.yield %scan3A_1316 : i32
    }
    %scan3A_736 = arith.constant 16 : i32
    %add3A_737 = arith.constant 0 : i32
    %add3A_738 = arith.addi %add3A_737, %mul3A_2 : i32
    %add3A_739 = arith.constant 64 : i32
    %add3A_740 = arith.addi %add3A_738, %add3A_739 : i32
    %dma_start3A_741 = arith.constant 0 : i32
    %dma_start3A_742 = tpu.memref_slice %arg4[%add3A_740, %dma_start3A_741] : memref<16384x1024xf32, #tpu.memory_space<hbm>> -> memref<16x1024xf32, #tpu.memory_space<hbm>>
    %dma_start3A_743 = arith.constant 0 : i32
    %dma_start3A_744 = tpu.memref_slice %arg4[%add3A_740, %dma_start3A_743] : memref<16384x1024xf32, #tpu.memory_space<hbm>> -> memref<16x1024xf32, #tpu.memory_space<hbm>>
    tpu.enqueue_dma source(%arg11 : memref<16x1024xf32, #tpu.memory_space<vmem>>) target(%dma_start3A_744 : memref<16x1024xf32, #tpu.memory_space<hbm>>) target_semaphore(%arg25 : memref<!tpu.dma_semaphore, #tpu.memory_space<semaphore_mem>>)
    %add3A_745 = arith.constant 4096 : i32
    %add3A_746 = arith.addi %add3A_745, %mul3A_2 : i32
    %add3A_747 = arith.constant 64 : i32
    %add3A_748 = arith.addi %add3A_746, %add3A_747 : i32
    %dma_wait3A_749 = arith.constant 0 : i32
    %dma_wait3A_750 = tpu.memref_slice %arg2[%add3A_748, %dma_wait3A_749] : memref<16384x1024xf32, #tpu.memory_space<hbm>> -> memref<16x1024xf32, #tpu.memory_space<hbm>>
    %dma_wait3A_751 = arith.constant 0 : i32
    %dma_wait3A_752 = tpu.memref_slice %arg2[%add3A_748, %dma_wait3A_751] : memref<16384x1024xf32, #tpu.memory_space<hbm>> -> memref<16x1024xf32, #tpu.memory_space<hbm>>
    tpu.wait_dma2 semaphore(%arg20 : memref<!tpu.dma_semaphore, #tpu.memory_space<semaphore_mem>>) src(%dma_wait3A_752 : memref<16x1024xf32, #tpu.memory_space<hbm>>) dst(%arg12 : memref<16x1024xf32, #tpu.memory_space<vmem>>)
    %add3A_753 = arith.constant 12288 : i32
    %add3A_754 = arith.addi %add3A_753, %mul3A_2 : i32
    %add3A_755 = arith.constant 48 : i32
    %add3A_756 = arith.addi %add3A_754, %add3A_755 : i32
    %dma_wait3A_757 = arith.constant 0 : i32
    %dma_wait3A_758 = tpu.memref_slice %arg4[%add3A_756, %dma_wait3A_757] : memref<16384x1024xf32, #tpu.memory_space<hbm>> -> memref<16x1024xf32, #tpu.memory_space<hbm>>
    %dma_wait3A_759 = arith.constant 0 : i32
    %dma_wait3A_760 = tpu.memref_slice %arg4[%add3A_756, %dma_wait3A_759] : memref<16384x1024xf32, #tpu.memory_space<hbm>> -> memref<16x1024xf32, #tpu.memory_space<hbm>>
    tpu.wait_dma2 semaphore(%arg24 : memref<!tpu.dma_semaphore, #tpu.memory_space<semaphore_mem>>) src(%arg10 : memref<16x1024xf32, #tpu.memory_space<vmem>>) dst(%dma_wait3A_760 : memref<16x1024xf32, #tpu.memory_space<hbm>>)
    %add3A_761 = arith.constant 4096 : i32
    %add3A_762 = arith.addi %add3A_761, %mul3A_2 : i32
    %add3A_763 = arith.constant 80 : i32
    %add3A_764 = arith.addi %add3A_762, %add3A_763 : i32
    %dma_start3A_765 = arith.constant 0 : i32
    %dma_start3A_766 = tpu.memref_slice %arg2[%add3A_764, %dma_start3A_765] : memref<16384x1024xf32, #tpu.memory_space<hbm>> -> memref<16x1024xf32, #tpu.memory_space<hbm>>
    %dma_start3A_767 = arith.constant 0 : i32
    %dma_start3A_768 = tpu.memref_slice %arg2[%add3A_764, %dma_start3A_767] : memref<16384x1024xf32, #tpu.memory_space<hbm>> -> memref<16x1024xf32, #tpu.memory_space<hbm>>
    tpu.enqueue_dma source(%dma_start3A_768 : memref<16x1024xf32, #tpu.memory_space<hbm>>) target(%arg10 : memref<16x1024xf32, #tpu.memory_space<vmem>>) target_semaphore(%arg18 : memref<!tpu.dma_semaphore, #tpu.memory_space<semaphore_mem>>)
    %scan3A_769 = arith.constant 0 : i32
    %scan3A_770 = arith.constant 0 : i32
    %scan3A_771 = arith.constant 16 : i32
    %scan3A_772 = arith.addi %scan3A_770, %scan3A_771 : i32
    %scan3A_773 = arith.constant 1 : i32
    %scan3A_774 = scf.for %scan3A_1312 = %scan3A_770 to %scan3A_772 step %scan3A_773 iter_args(%scan3A_1313 = %scan3A_769) -> (i32)  : i32 {
      %parallel_loop3A = arith.constant 0 : i32
      %parallel_loop3A_1314 = arith.constant 1024 : i32
      %parallel_loop3A_1315 = arith.constant 16 : i32
      scf.for %parallel_loop3A_1317 = %parallel_loop3A to %parallel_loop3A_1314 step %parallel_loop3A_1315  : i32 {
        %parallel_loop3A_1318 = arith.index_cast %scan3A_1312 : i32 to index
        %parallel_loop3A_1319 = arith.index_cast %parallel_loop3A_1317 : i32 to index
        %parallel_loop3A_1320 = tpu.vector_load %arg5[%parallel_loop3A_1318, %parallel_loop3A_1319] {strides = array<i32>} : memref<16x1024xf32, #tpu.memory_space<vmem>>, vector<1x16xf32>,
        %parallel_loop3A_1321 = vector.shape_cast %parallel_loop3A_1320 : vector<1x16xf32> to vector<16xf32>
        %parallel_loop3A_1322 = arith.index_cast %scan3A_1312 : i32 to index
        %parallel_loop3A_1323 = arith.index_cast %parallel_loop3A_1317 : i32 to index
        %parallel_loop3A_1324 = tpu.vector_load %arg12[%parallel_loop3A_1322, %parallel_loop3A_1323] {strides = array<i32>} : memref<16x1024xf32, #tpu.memory_space<vmem>>, vector<1x16xf32>,
        %parallel_loop3A_1325 = vector.shape_cast %parallel_loop3A_1324 : vector<1x16xf32> to vector<16xf32>
        %parallel_loop3A_1326 = vector.shape_cast %parallel_loop3A_1321 : vector<16xf32> to vector<1x16xf32>
        tpu.vector_store %arg12[%parallel_loop3A_1322, %parallel_loop3A_1323], %parallel_loop3A_1326 {add = true, strides = array<i32>} : memref<16x1024xf32, #tpu.memory_space<vmem>>, vector<1x16xf32>,
      } {sc.loop_unroll_factor = 16 : i64, sc.parallel_access}
      %scan3A_1316 = arith.constant 0 : i32
      scf.yield %scan3A_1316 : i32
    }
    %scan3A_775 = arith.constant 16 : i32
    %add3A_776 = arith.constant 4096 : i32
    %add3A_777 = arith.addi %add3A_776, %mul3A_2 : i32
    %add3A_778 = arith.constant 64 : i32
    %add3A_779 = arith.addi %add3A_777, %add3A_778 : i32
    %dma_start3A_780 = arith.constant 0 : i32
    %dma_start3A_781 = tpu.memref_slice %arg4[%add3A_779, %dma_start3A_780] : memref<16384x1024xf32, #tpu.memory_space<hbm>> -> memref<16x1024xf32, #tpu.memory_space<hbm>>
    %dma_start3A_782 = arith.constant 0 : i32
    %dma_start3A_783 = tpu.memref_slice %arg4[%add3A_779, %dma_start3A_782] : memref<16384x1024xf32, #tpu.memory_space<hbm>> -> memref<16x1024xf32, #tpu.memory_space<hbm>>
    tpu.enqueue_dma source(%arg12 : memref<16x1024xf32, #tpu.memory_space<vmem>>) target(%dma_start3A_783 : memref<16x1024xf32, #tpu.memory_space<hbm>>) target_semaphore(%arg26 : memref<!tpu.dma_semaphore, #tpu.memory_space<semaphore_mem>>)
    %add3A_784 = arith.constant 8192 : i32
    %add3A_785 = arith.addi %add3A_784, %mul3A_2 : i32
    %add3A_786 = arith.constant 64 : i32
    %add3A_787 = arith.addi %add3A_785, %add3A_786 : i32
    %dma_wait3A_788 = arith.constant 0 : i32
    %dma_wait3A_789 = tpu.memref_slice %arg2[%add3A_787, %dma_wait3A_788] : memref<16384x1024xf32, #tpu.memory_space<hbm>> -> memref<16x1024xf32, #tpu.memory_space<hbm>>
    %dma_wait3A_790 = arith.constant 0 : i32
    %dma_wait3A_791 = tpu.memref_slice %arg2[%add3A_787, %dma_wait3A_790] : memref<16384x1024xf32, #tpu.memory_space<hbm>> -> memref<16x1024xf32, #tpu.memory_space<hbm>>
    tpu.wait_dma2 semaphore(%arg15 : memref<!tpu.dma_semaphore, #tpu.memory_space<semaphore_mem>>) src(%dma_wait3A_791 : memref<16x1024xf32, #tpu.memory_space<hbm>>) dst(%arg7 : memref<16x1024xf32, #tpu.memory_space<vmem>>)
    %add3A_792 = arith.constant 0 : i32
    %add3A_793 = arith.addi %add3A_792, %mul3A_2 : i32
    %add3A_794 = arith.constant 64 : i32
    %add3A_795 = arith.addi %add3A_793, %add3A_794 : i32
    %dma_wait3A_796 = arith.constant 0 : i32
    %dma_wait3A_797 = tpu.memref_slice %arg4[%add3A_795, %dma_wait3A_796] : memref<16384x1024xf32, #tpu.memory_space<hbm>> -> memref<16x1024xf32, #tpu.memory_space<hbm>>
    %dma_wait3A_798 = arith.constant 0 : i32
    %dma_wait3A_799 = tpu.memref_slice %arg4[%add3A_795, %dma_wait3A_798] : memref<16384x1024xf32, #tpu.memory_space<hbm>> -> memref<16x1024xf32, #tpu.memory_space<hbm>>
    tpu.wait_dma2 semaphore(%arg25 : memref<!tpu.dma_semaphore, #tpu.memory_space<semaphore_mem>>) src(%arg11 : memref<16x1024xf32, #tpu.memory_space<vmem>>) dst(%dma_wait3A_799 : memref<16x1024xf32, #tpu.memory_space<hbm>>)
    %add3A_800 = arith.constant 8192 : i32
    %add3A_801 = arith.addi %add3A_800, %mul3A_2 : i32
    %add3A_802 = arith.constant 80 : i32
    %add3A_803 = arith.addi %add3A_801, %add3A_802 : i32
    %dma_start3A_804 = arith.constant 0 : i32
    %dma_start3A_805 = tpu.memref_slice %arg2[%add3A_803, %dma_start3A_804] : memref<16384x1024xf32, #tpu.memory_space<hbm>> -> memref<16x1024xf32, #tpu.memory_space<hbm>>
    %dma_start3A_806 = arith.constant 0 : i32
    %dma_start3A_807 = tpu.memref_slice %arg2[%add3A_803, %dma_start3A_806] : memref<16384x1024xf32, #tpu.memory_space<hbm>> -> memref<16x1024xf32, #tpu.memory_space<hbm>>
    tpu.enqueue_dma source(%dma_start3A_807 : memref<16x1024xf32, #tpu.memory_space<hbm>>) target(%arg11 : memref<16x1024xf32, #tpu.memory_space<vmem>>) target_semaphore(%arg19 : memref<!tpu.dma_semaphore, #tpu.memory_space<semaphore_mem>>)
    %scan3A_808 = arith.constant 0 : i32
    %scan3A_809 = arith.constant 0 : i32
    %scan3A_810 = arith.constant 16 : i32
    %scan3A_811 = arith.addi %scan3A_809, %scan3A_810 : i32
    %scan3A_812 = arith.constant 1 : i32
    %scan3A_813 = scf.for %scan3A_1312 = %scan3A_809 to %scan3A_811 step %scan3A_812 iter_args(%scan3A_1313 = %scan3A_808) -> (i32)  : i32 {
      %parallel_loop3A = arith.constant 0 : i32
      %parallel_loop3A_1314 = arith.constant 1024 : i32
      %parallel_loop3A_1315 = arith.constant 16 : i32
      scf.for %parallel_loop3A_1317 = %parallel_loop3A to %parallel_loop3A_1314 step %parallel_loop3A_1315  : i32 {
        %parallel_loop3A_1318 = arith.index_cast %scan3A_1312 : i32 to index
        %parallel_loop3A_1319 = arith.index_cast %parallel_loop3A_1317 : i32 to index
        %parallel_loop3A_1320 = tpu.vector_load %arg5[%parallel_loop3A_1318, %parallel_loop3A_1319] {strides = array<i32>} : memref<16x1024xf32, #tpu.memory_space<vmem>>, vector<1x16xf32>,
        %parallel_loop3A_1321 = vector.shape_cast %parallel_loop3A_1320 : vector<1x16xf32> to vector<16xf32>
        %parallel_loop3A_1322 = arith.index_cast %scan3A_1312 : i32 to index
        %parallel_loop3A_1323 = arith.index_cast %parallel_loop3A_1317 : i32 to index
        %parallel_loop3A_1324 = tpu.vector_load %arg7[%parallel_loop3A_1322, %parallel_loop3A_1323] {strides = array<i32>} : memref<16x1024xf32, #tpu.memory_space<vmem>>, vector<1x16xf32>,
        %parallel_loop3A_1325 = vector.shape_cast %parallel_loop3A_1324 : vector<1x16xf32> to vector<16xf32>
        %parallel_loop3A_1326 = vector.shape_cast %parallel_loop3A_1321 : vector<16xf32> to vector<1x16xf32>
        tpu.vector_store %arg7[%parallel_loop3A_1322, %parallel_loop3A_1323], %parallel_loop3A_1326 {add = true, strides = array<i32>} : memref<16x1024xf32, #tpu.memory_space<vmem>>, vector<1x16xf32>,
      } {sc.loop_unroll_factor = 16 : i64, sc.parallel_access}
      %scan3A_1316 = arith.constant 0 : i32
      scf.yield %scan3A_1316 : i32
    }
    %scan3A_814 = arith.constant 16 : i32
    %add3A_815 = arith.constant 8192 : i32
    %add3A_816 = arith.addi %add3A_815, %mul3A_2 : i32
    %add3A_817 = arith.constant 64 : i32
    %add3A_818 = arith.addi %add3A_816, %add3A_817 : i32
    %dma_start3A_819 = arith.constant 0 : i32
    %dma_start3A_820 = tpu.memref_slice %arg4[%add3A_818, %dma_start3A_819] : memref<16384x1024xf32, #tpu.memory_space<hbm>> -> memref<16x1024xf32, #tpu.memory_space<hbm>>
    %dma_start3A_821 = arith.constant 0 : i32
    %dma_start3A_822 = tpu.memref_slice %arg4[%add3A_818, %dma_start3A_821] : memref<16384x1024xf32, #tpu.memory_space<hbm>> -> memref<16x1024xf32, #tpu.memory_space<hbm>>
    tpu.enqueue_dma source(%arg7 : memref<16x1024xf32, #tpu.memory_space<vmem>>) target(%dma_start3A_822 : memref<16x1024xf32, #tpu.memory_space<hbm>>) target_semaphore(%arg21 : memref<!tpu.dma_semaphore, #tpu.memory_space<semaphore_mem>>)
    %add3A_823 = arith.constant 12288 : i32
    %add3A_824 = arith.addi %add3A_823, %mul3A_2 : i32
    %add3A_825 = arith.constant 64 : i32
    %add3A_826 = arith.addi %add3A_824, %add3A_825 : i32
    %dma_wait3A_827 = arith.constant 0 : i32
    %dma_wait3A_828 = tpu.memref_slice %arg2[%add3A_826, %dma_wait3A_827] : memref<16384x1024xf32, #tpu.memory_space<hbm>> -> memref<16x1024xf32, #tpu.memory_space<hbm>>
    %dma_wait3A_829 = arith.constant 0 : i32
    %dma_wait3A_830 = tpu.memref_slice %arg2[%add3A_826, %dma_wait3A_829] : memref<16384x1024xf32, #tpu.memory_space<hbm>> -> memref<16x1024xf32, #tpu.memory_space<hbm>>
    tpu.wait_dma2 semaphore(%arg16 : memref<!tpu.dma_semaphore, #tpu.memory_space<semaphore_mem>>) src(%dma_wait3A_830 : memref<16x1024xf32, #tpu.memory_space<hbm>>) dst(%arg8 : memref<16x1024xf32, #tpu.memory_space<vmem>>)
    %add3A_831 = arith.constant 4096 : i32
    %add3A_832 = arith.addi %add3A_831, %mul3A_2 : i32
    %add3A_833 = arith.constant 64 : i32
    %add3A_834 = arith.addi %add3A_832, %add3A_833 : i32
    %dma_wait3A_835 = arith.constant 0 : i32
    %dma_wait3A_836 = tpu.memref_slice %arg4[%add3A_834, %dma_wait3A_835] : memref<16384x1024xf32, #tpu.memory_space<hbm>> -> memref<16x1024xf32, #tpu.memory_space<hbm>>
    %dma_wait3A_837 = arith.constant 0 : i32
    %dma_wait3A_838 = tpu.memref_slice %arg4[%add3A_834, %dma_wait3A_837] : memref<16384x1024xf32, #tpu.memory_space<hbm>> -> memref<16x1024xf32, #tpu.memory_space<hbm>>
    tpu.wait_dma2 semaphore(%arg26 : memref<!tpu.dma_semaphore, #tpu.memory_space<semaphore_mem>>) src(%arg12 : memref<16x1024xf32, #tpu.memory_space<vmem>>) dst(%dma_wait3A_838 : memref<16x1024xf32, #tpu.memory_space<hbm>>)
    %add3A_839 = arith.constant 12288 : i32
    %add3A_840 = arith.addi %add3A_839, %mul3A_2 : i32
    %add3A_841 = arith.constant 80 : i32
    %add3A_842 = arith.addi %add3A_840, %add3A_841 : i32
    %dma_start3A_843 = arith.constant 0 : i32
    %dma_start3A_844 = tpu.memref_slice %arg2[%add3A_842, %dma_start3A_843] : memref<16384x1024xf32, #tpu.memory_space<hbm>> -> memref<16x1024xf32, #tpu.memory_space<hbm>>
    %dma_start3A_845 = arith.constant 0 : i32
    %dma_start3A_846 = tpu.memref_slice %arg2[%add3A_842, %dma_start3A_845] : memref<16384x1024xf32, #tpu.memory_space<hbm>> -> memref<16x1024xf32, #tpu.memory_space<hbm>>
    tpu.enqueue_dma source(%dma_start3A_846 : memref<16x1024xf32, #tpu.memory_space<hbm>>) target(%arg12 : memref<16x1024xf32, #tpu.memory_space<vmem>>) target_semaphore(%arg20 : memref<!tpu.dma_semaphore, #tpu.memory_space<semaphore_mem>>)
    %scan3A_847 = arith.constant 0 : i32
    %scan3A_848 = arith.constant 0 : i32
    %scan3A_849 = arith.constant 16 : i32
    %scan3A_850 = arith.addi %scan3A_848, %scan3A_849 : i32
    %scan3A_851 = arith.constant 1 : i32
    %scan3A_852 = scf.for %scan3A_1312 = %scan3A_848 to %scan3A_850 step %scan3A_851 iter_args(%scan3A_1313 = %scan3A_847) -> (i32)  : i32 {
      %parallel_loop3A = arith.constant 0 : i32
      %parallel_loop3A_1314 = arith.constant 1024 : i32
      %parallel_loop3A_1315 = arith.constant 16 : i32
      scf.for %parallel_loop3A_1317 = %parallel_loop3A to %parallel_loop3A_1314 step %parallel_loop3A_1315  : i32 {
        %parallel_loop3A_1318 = arith.index_cast %scan3A_1312 : i32 to index
        %parallel_loop3A_1319 = arith.index_cast %parallel_loop3A_1317 : i32 to index
        %parallel_loop3A_1320 = tpu.vector_load %arg5[%parallel_loop3A_1318, %parallel_loop3A_1319] {strides = array<i32>} : memref<16x1024xf32, #tpu.memory_space<vmem>>, vector<1x16xf32>,
        %parallel_loop3A_1321 = vector.shape_cast %parallel_loop3A_1320 : vector<1x16xf32> to vector<16xf32>
        %parallel_loop3A_1322 = arith.index_cast %scan3A_1312 : i32 to index
        %parallel_loop3A_1323 = arith.index_cast %parallel_loop3A_1317 : i32 to index
        %parallel_loop3A_1324 = tpu.vector_load %arg8[%parallel_loop3A_1322, %parallel_loop3A_1323] {strides = array<i32>} : memref<16x1024xf32, #tpu.memory_space<vmem>>, vector<1x16xf32>,
        %parallel_loop3A_1325 = vector.shape_cast %parallel_loop3A_1324 : vector<1x16xf32> to vector<16xf32>
        %parallel_loop3A_1326 = vector.shape_cast %parallel_loop3A_1321 : vector<16xf32> to vector<1x16xf32>
        tpu.vector_store %arg8[%parallel_loop3A_1322, %parallel_loop3A_1323], %parallel_loop3A_1326 {add = true, strides = array<i32>} : memref<16x1024xf32, #tpu.memory_space<vmem>>, vector<1x16xf32>,
      } {sc.loop_unroll_factor = 16 : i64, sc.parallel_access}
      %scan3A_1316 = arith.constant 0 : i32
      scf.yield %scan3A_1316 : i32
    }
    %scan3A_853 = arith.constant 16 : i32
    %add3A_854 = arith.constant 12288 : i32
    %add3A_855 = arith.addi %add3A_854, %mul3A_2 : i32
    %add3A_856 = arith.constant 64 : i32
    %add3A_857 = arith.addi %add3A_855, %add3A_856 : i32
    %dma_start3A_858 = arith.constant 0 : i32
    %dma_start3A_859 = tpu.memref_slice %arg4[%add3A_857, %dma_start3A_858] : memref<16384x1024xf32, #tpu.memory_space<hbm>> -> memref<16x1024xf32, #tpu.memory_space<hbm>>
    %dma_start3A_860 = arith.constant 0 : i32
    %dma_start3A_861 = tpu.memref_slice %arg4[%add3A_857, %dma_start3A_860] : memref<16384x1024xf32, #tpu.memory_space<hbm>> -> memref<16x1024xf32, #tpu.memory_space<hbm>>
    tpu.enqueue_dma source(%arg8 : memref<16x1024xf32, #tpu.memory_space<vmem>>) target(%dma_start3A_861 : memref<16x1024xf32, #tpu.memory_space<hbm>>) target_semaphore(%arg22 : memref<!tpu.dma_semaphore, #tpu.memory_space<semaphore_mem>>)
    %add3A_862 = arith.constant 80 : i32
    %add3A_863 = arith.addi %mul3A_2, %add3A_862 : i32
    %dma_wait3A_864 = arith.constant 0 : i32
    %dma_wait3A_865 = tpu.memref_slice %arg3[%add3A_863, %dma_wait3A_864] : memref<8192x1024xf32, #tpu.memory_space<hbm>> -> memref<16x1024xf32, #tpu.memory_space<hbm>>
    %dma_wait3A_866 = arith.constant 0 : i32
    %dma_wait3A_867 = tpu.memref_slice %arg3[%add3A_863, %dma_wait3A_866] : memref<8192x1024xf32, #tpu.memory_space<hbm>> -> memref<16x1024xf32, #tpu.memory_space<hbm>>
    tpu.wait_dma2 semaphore(%arg14 : memref<!tpu.dma_semaphore, #tpu.memory_space<semaphore_mem>>) src(%dma_wait3A_867 : memref<16x1024xf32, #tpu.memory_space<hbm>>) dst(%arg6 : memref<16x1024xf32, #tpu.memory_space<vmem>>)
    %add3A_868 = arith.constant 96 : i32
    %add3A_869 = arith.addi %mul3A_2, %add3A_868 : i32
    %dma_start3A_870 = arith.constant 0 : i32
    %dma_start3A_871 = tpu.memref_slice %arg3[%add3A_869, %dma_start3A_870] : memref<8192x1024xf32, #tpu.memory_space<hbm>> -> memref<16x1024xf32, #tpu.memory_space<hbm>>
    %dma_start3A_872 = arith.constant 0 : i32
    %dma_start3A_873 = tpu.memref_slice %arg3[%add3A_869, %dma_start3A_872] : memref<8192x1024xf32, #tpu.memory_space<hbm>> -> memref<16x1024xf32, #tpu.memory_space<hbm>>
    tpu.enqueue_dma source(%dma_start3A_873 : memref<16x1024xf32, #tpu.memory_space<hbm>>) target(%arg5 : memref<16x1024xf32, #tpu.memory_space<vmem>>) target_semaphore(%arg13 : memref<!tpu.dma_semaphore, #tpu.memory_space<semaphore_mem>>)
    %add3A_874 = arith.constant 0 : i32
    %add3A_875 = arith.addi %add3A_874, %mul3A_2 : i32
    %add3A_876 = arith.constant 80 : i32
    %add3A_877 = arith.addi %add3A_875, %add3A_876 : i32
    %dma_wait3A_878 = arith.constant 0 : i32
    %dma_wait3A_879 = tpu.memref_slice %arg2[%add3A_877, %dma_wait3A_878] : memref<16384x1024xf32, #tpu.memory_space<hbm>> -> memref<16x1024xf32, #tpu.memory_space<hbm>>
    %dma_wait3A_880 = arith.constant 0 : i32
    %dma_wait3A_881 = tpu.memref_slice %arg2[%add3A_877, %dma_wait3A_880] : memref<16384x1024xf32, #tpu.memory_space<hbm>> -> memref<16x1024xf32, #tpu.memory_space<hbm>>
    tpu.wait_dma2 semaphore(%arg17 : memref<!tpu.dma_semaphore, #tpu.memory_space<semaphore_mem>>) src(%dma_wait3A_881 : memref<16x1024xf32, #tpu.memory_space<hbm>>) dst(%arg9 : memref<16x1024xf32, #tpu.memory_space<vmem>>)
    %add3A_882 = arith.constant 8192 : i32
    %add3A_883 = arith.addi %add3A_882, %mul3A_2 : i32
    %add3A_884 = arith.constant 64 : i32
    %add3A_885 = arith.addi %add3A_883, %add3A_884 : i32
    %dma_wait3A_886 = arith.constant 0 : i32
    %dma_wait3A_887 = tpu.memref_slice %arg4[%add3A_885, %dma_wait3A_886] : memref<16384x1024xf32, #tpu.memory_space<hbm>> -> memref<16x1024xf32, #tpu.memory_space<hbm>>
    %dma_wait3A_888 = arith.constant 0 : i32
    %dma_wait3A_889 = tpu.memref_slice %arg4[%add3A_885, %dma_wait3A_888] : memref<16384x1024xf32, #tpu.memory_space<hbm>> -> memref<16x1024xf32, #tpu.memory_space<hbm>>
    tpu.wait_dma2 semaphore(%arg21 : memref<!tpu.dma_semaphore, #tpu.memory_space<semaphore_mem>>) src(%arg7 : memref<16x1024xf32, #tpu.memory_space<vmem>>) dst(%dma_wait3A_889 : memref<16x1024xf32, #tpu.memory_space<hbm>>)
    %add3A_890 = arith.constant 0 : i32
    %add3A_891 = arith.addi %add3A_890, %mul3A_2 : i32
    %add3A_892 = arith.constant 96 : i32
    %add3A_893 = arith.addi %add3A_891, %add3A_892 : i32
    %dma_start3A_894 = arith.constant 0 : i32
    %dma_start3A_895 = tpu.memref_slice %arg2[%add3A_893, %dma_start3A_894] : memref<16384x1024xf32, #tpu.memory_space<hbm>> -> memref<16x1024xf32, #tpu.memory_space<hbm>>
    %dma_start3A_896 = arith.constant 0 : i32
    %dma_start3A_897 = tpu.memref_slice %arg2[%add3A_893, %dma_start3A_896] : memref<16384x1024xf32, #tpu.memory_space<hbm>> -> memref<16x1024xf32, #tpu.memory_space<hbm>>
    tpu.enqueue_dma source(%dma_start3A_897 : memref<16x1024xf32, #tpu.memory_space<hbm>>) target(%arg7 : memref<16x1024xf32, #tpu.memory_space<vmem>>) target_semaphore(%arg15 : memref<!tpu.dma_semaphore, #tpu.memory_space<semaphore_mem>>)
    %scan3A_898 = arith.constant 0 : i32
    %scan3A_899 = arith.constant 0 : i32
    %scan3A_900 = arith.constant 16 : i32
    %scan3A_901 = arith.addi %scan3A_899, %scan3A_900 : i32
    %scan3A_902 = arith.constant 1 : i32
    %scan3A_903 = scf.for %scan3A_1312 = %scan3A_899 to %scan3A_901 step %scan3A_902 iter_args(%scan3A_1313 = %scan3A_898) -> (i32)  : i32 {
      %parallel_loop3A = arith.constant 0 : i32
      %parallel_loop3A_1314 = arith.constant 1024 : i32
      %parallel_loop3A_1315 = arith.constant 16 : i32
      scf.for %parallel_loop3A_1317 = %parallel_loop3A to %parallel_loop3A_1314 step %parallel_loop3A_1315  : i32 {
        %parallel_loop3A_1318 = arith.index_cast %scan3A_1312 : i32 to index
        %parallel_loop3A_1319 = arith.index_cast %parallel_loop3A_1317 : i32 to index
        %parallel_loop3A_1320 = tpu.vector_load %arg6[%parallel_loop3A_1318, %parallel_loop3A_1319] {strides = array<i32>} : memref<16x1024xf32, #tpu.memory_space<vmem>>, vector<1x16xf32>,
        %parallel_loop3A_1321 = vector.shape_cast %parallel_loop3A_1320 : vector<1x16xf32> to vector<16xf32>
        %parallel_loop3A_1322 = arith.index_cast %scan3A_1312 : i32 to index
        %parallel_loop3A_1323 = arith.index_cast %parallel_loop3A_1317 : i32 to index
        %parallel_loop3A_1324 = tpu.vector_load %arg9[%parallel_loop3A_1322, %parallel_loop3A_1323] {strides = array<i32>} : memref<16x1024xf32, #tpu.memory_space<vmem>>, vector<1x16xf32>,
        %parallel_loop3A_1325 = vector.shape_cast %parallel_loop3A_1324 : vector<1x16xf32> to vector<16xf32>
        %parallel_loop3A_1326 = vector.shape_cast %parallel_loop3A_1321 : vector<16xf32> to vector<1x16xf32>
        tpu.vector_store %arg9[%parallel_loop3A_1322, %parallel_loop3A_1323], %parallel_loop3A_1326 {add = true, strides = array<i32>} : memref<16x1024xf32, #tpu.memory_space<vmem>>, vector<1x16xf32>,
      } {sc.loop_unroll_factor = 16 : i64, sc.parallel_access}
      %scan3A_1316 = arith.constant 0 : i32
      scf.yield %scan3A_1316 : i32
    }
    %scan3A_904 = arith.constant 16 : i32
    %add3A_905 = arith.constant 0 : i32
    %add3A_906 = arith.addi %add3A_905, %mul3A_2 : i32
    %add3A_907 = arith.constant 80 : i32
    %add3A_908 = arith.addi %add3A_906, %add3A_907 : i32
    %dma_start3A_909 = arith.constant 0 : i32
    %dma_start3A_910 = tpu.memref_slice %arg4[%add3A_908, %dma_start3A_909] : memref<16384x1024xf32, #tpu.memory_space<hbm>> -> memref<16x1024xf32, #tpu.memory_space<hbm>>
    %dma_start3A_911 = arith.constant 0 : i32
    %dma_start3A_912 = tpu.memref_slice %arg4[%add3A_908, %dma_start3A_911] : memref<16384x1024xf32, #tpu.memory_space<hbm>> -> memref<16x1024xf32, #tpu.memory_space<hbm>>
    tpu.enqueue_dma source(%arg9 : memref<16x1024xf32, #tpu.memory_space<vmem>>) target(%dma_start3A_912 : memref<16x1024xf32, #tpu.memory_space<hbm>>) target_semaphore(%arg23 : memref<!tpu.dma_semaphore, #tpu.memory_space<semaphore_mem>>)
    %add3A_913 = arith.constant 4096 : i32
    %add3A_914 = arith.addi %add3A_913, %mul3A_2 : i32
    %add3A_915 = arith.constant 80 : i32
    %add3A_916 = arith.addi %add3A_914, %add3A_915 : i32
    %dma_wait3A_917 = arith.constant 0 : i32
    %dma_wait3A_918 = tpu.memref_slice %arg2[%add3A_916, %dma_wait3A_917] : memref<16384x1024xf32, #tpu.memory_space<hbm>> -> memref<16x1024xf32, #tpu.memory_space<hbm>>
    %dma_wait3A_919 = arith.constant 0 : i32
    %dma_wait3A_920 = tpu.memref_slice %arg2[%add3A_916, %dma_wait3A_919] : memref<16384x1024xf32, #tpu.memory_space<hbm>> -> memref<16x1024xf32, #tpu.memory_space<hbm>>
    tpu.wait_dma2 semaphore(%arg18 : memref<!tpu.dma_semaphore, #tpu.memory_space<semaphore_mem>>) src(%dma_wait3A_920 : memref<16x1024xf32, #tpu.memory_space<hbm>>) dst(%arg10 : memref<16x1024xf32, #tpu.memory_space<vmem>>)
    %add3A_921 = arith.constant 12288 : i32
    %add3A_922 = arith.addi %add3A_921, %mul3A_2 : i32
    %add3A_923 = arith.constant 64 : i32
    %add3A_924 = arith.addi %add3A_922, %add3A_923 : i32
    %dma_wait3A_925 = arith.constant 0 : i32
    %dma_wait3A_926 = tpu.memref_slice %arg4[%add3A_924, %dma_wait3A_925] : memref<16384x1024xf32, #tpu.memory_space<hbm>> -> memref<16x1024xf32, #tpu.memory_space<hbm>>
    %dma_wait3A_927 = arith.constant 0 : i32
    %dma_wait3A_928 = tpu.memref_slice %arg4[%add3A_924, %dma_wait3A_927] : memref<16384x1024xf32, #tpu.memory_space<hbm>> -> memref<16x1024xf32, #tpu.memory_space<hbm>>
    tpu.wait_dma2 semaphore(%arg22 : memref<!tpu.dma_semaphore, #tpu.memory_space<semaphore_mem>>) src(%arg8 : memref<16x1024xf32, #tpu.memory_space<vmem>>) dst(%dma_wait3A_928 : memref<16x1024xf32, #tpu.memory_space<hbm>>)
    %add3A_929 = arith.constant 4096 : i32
    %add3A_930 = arith.addi %add3A_929, %mul3A_2 : i32
    %add3A_931 = arith.constant 96 : i32
    %add3A_932 = arith.addi %add3A_930, %add3A_931 : i32
    %dma_start3A_933 = arith.constant 0 : i32
    %dma_start3A_934 = tpu.memref_slice %arg2[%add3A_932, %dma_start3A_933] : memref<16384x1024xf32, #tpu.memory_space<hbm>> -> memref<16x1024xf32, #tpu.memory_space<hbm>>
    %dma_start3A_935 = arith.constant 0 : i32
    %dma_start3A_936 = tpu.memref_slice %arg2[%add3A_932, %dma_start3A_935] : memref<16384x1024xf32, #tpu.memory_space<hbm>> -> memref<16x1024xf32, #tpu.memory_space<hbm>>
    tpu.enqueue_dma source(%dma_start3A_936 : memref<16x1024xf32, #tpu.memory_space<hbm>>) target(%arg8 : memref<16x1024xf32, #tpu.memory_space<vmem>>) target_semaphore(%arg16 : memref<!tpu.dma_semaphore, #tpu.memory_space<semaphore_mem>>)
    %scan3A_937 = arith.constant 0 : i32
    %scan3A_938 = arith.constant 0 : i32
    %scan3A_939 = arith.constant 16 : i32
    %scan3A_940 = arith.addi %scan3A_938, %scan3A_939 : i32
    %scan3A_941 = arith.constant 1 : i32
    %scan3A_942 = scf.for %scan3A_1312 = %scan3A_938 to %scan3A_940 step %scan3A_941 iter_args(%scan3A_1313 = %scan3A_937) -> (i32)  : i32 {
      %parallel_loop3A = arith.constant 0 : i32
      %parallel_loop3A_1314 = arith.constant 1024 : i32
      %parallel_loop3A_1315 = arith.constant 16 : i32
      scf.for %parallel_loop3A_1317 = %parallel_loop3A to %parallel_loop3A_1314 step %parallel_loop3A_1315  : i32 {
        %parallel_loop3A_1318 = arith.index_cast %scan3A_1312 : i32 to index
        %parallel_loop3A_1319 = arith.index_cast %parallel_loop3A_1317 : i32 to index
        %parallel_loop3A_1320 = tpu.vector_load %arg6[%parallel_loop3A_1318, %parallel_loop3A_1319] {strides = array<i32>} : memref<16x1024xf32, #tpu.memory_space<vmem>>, vector<1x16xf32>,
        %parallel_loop3A_1321 = vector.shape_cast %parallel_loop3A_1320 : vector<1x16xf32> to vector<16xf32>
        %parallel_loop3A_1322 = arith.index_cast %scan3A_1312 : i32 to index
        %parallel_loop3A_1323 = arith.index_cast %parallel_loop3A_1317 : i32 to index
        %parallel_loop3A_1324 = tpu.vector_load %arg10[%parallel_loop3A_1322, %parallel_loop3A_1323] {strides = array<i32>} : memref<16x1024xf32, #tpu.memory_space<vmem>>, vector<1x16xf32>,
        %parallel_loop3A_1325 = vector.shape_cast %parallel_loop3A_1324 : vector<1x16xf32> to vector<16xf32>
        %parallel_loop3A_1326 = vector.shape_cast %parallel_loop3A_1321 : vector<16xf32> to vector<1x16xf32>
        tpu.vector_store %arg10[%parallel_loop3A_1322, %parallel_loop3A_1323], %parallel_loop3A_1326 {add = true, strides = array<i32>} : memref<16x1024xf32, #tpu.memory_space<vmem>>, vector<1x16xf32>,
      } {sc.loop_unroll_factor = 16 : i64, sc.parallel_access}
      %scan3A_1316 = arith.constant 0 : i32
      scf.yield %scan3A_1316 : i32
    }
    %scan3A_943 = arith.constant 16 : i32
    %add3A_944 = arith.constant 4096 : i32
    %add3A_945 = arith.addi %add3A_944, %mul3A_2 : i32
    %add3A_946 = arith.constant 80 : i32
    %add3A_947 = arith.addi %add3A_945, %add3A_946 : i32
    %dma_start3A_948 = arith.constant 0 : i32
    %dma_start3A_949 = tpu.memref_slice %arg4[%add3A_947, %dma_start3A_948] : memref<16384x1024xf32, #tpu.memory_space<hbm>> -> memref<16x1024xf32, #tpu.memory_space<hbm>>
    %dma_start3A_950 = arith.constant 0 : i32
    %dma_start3A_951 = tpu.memref_slice %arg4[%add3A_947, %dma_start3A_950] : memref<16384x1024xf32, #tpu.memory_space<hbm>> -> memref<16x1024xf32, #tpu.memory_space<hbm>>
    tpu.enqueue_dma source(%arg10 : memref<16x1024xf32, #tpu.memory_space<vmem>>) target(%dma_start3A_951 : memref<16x1024xf32, #tpu.memory_space<hbm>>) target_semaphore(%arg24 : memref<!tpu.dma_semaphore, #tpu.memory_space<semaphore_mem>>)
    %add3A_952 = arith.constant 8192 : i32
    %add3A_953 = arith.addi %add3A_952, %mul3A_2 : i32
    %add3A_954 = arith.constant 80 : i32
    %add3A_955 = arith.addi %add3A_953, %add3A_954 : i32
    %dma_wait3A_956 = arith.constant 0 : i32
    %dma_wait3A_957 = tpu.memref_slice %arg2[%add3A_955, %dma_wait3A_956] : memref<16384x1024xf32, #tpu.memory_space<hbm>> -> memref<16x1024xf32, #tpu.memory_space<hbm>>
    %dma_wait3A_958 = arith.constant 0 : i32
    %dma_wait3A_959 = tpu.memref_slice %arg2[%add3A_955, %dma_wait3A_958] : memref<16384x1024xf32, #tpu.memory_space<hbm>> -> memref<16x1024xf32, #tpu.memory_space<hbm>>
    tpu.wait_dma2 semaphore(%arg19 : memref<!tpu.dma_semaphore, #tpu.memory_space<semaphore_mem>>) src(%dma_wait3A_959 : memref<16x1024xf32, #tpu.memory_space<hbm>>) dst(%arg11 : memref<16x1024xf32, #tpu.memory_space<vmem>>)
    %add3A_960 = arith.constant 0 : i32
    %add3A_961 = arith.addi %add3A_960, %mul3A_2 : i32
    %add3A_962 = arith.constant 80 : i32
    %add3A_963 = arith.addi %add3A_961, %add3A_962 : i32
    %dma_wait3A_964 = arith.constant 0 : i32
    %dma_wait3A_965 = tpu.memref_slice %arg4[%add3A_963, %dma_wait3A_964] : memref<16384x1024xf32, #tpu.memory_space<hbm>> -> memref<16x1024xf32, #tpu.memory_space<hbm>>
    %dma_wait3A_966 = arith.constant 0 : i32
    %dma_wait3A_967 = tpu.memref_slice %arg4[%add3A_963, %dma_wait3A_966] : memref<16384x1024xf32, #tpu.memory_space<hbm>> -> memref<16x1024xf32, #tpu.memory_space<hbm>>
    tpu.wait_dma2 semaphore(%arg23 : memref<!tpu.dma_semaphore, #tpu.memory_space<semaphore_mem>>) src(%arg9 : memref<16x1024xf32, #tpu.memory_space<vmem>>) dst(%dma_wait3A_967 : memref<16x1024xf32, #tpu.memory_space<hbm>>)
    %add3A_968 = arith.constant 8192 : i32
    %add3A_969 = arith.addi %add3A_968, %mul3A_2 : i32
    %add3A_970 = arith.constant 96 : i32
    %add3A_971 = arith.addi %add3A_969, %add3A_970 : i32
    %dma_start3A_972 = arith.constant 0 : i32
    %dma_start3A_973 = tpu.memref_slice %arg2[%add3A_971, %dma_start3A_972] : memref<16384x1024xf32, #tpu.memory_space<hbm>> -> memref<16x1024xf32, #tpu.memory_space<hbm>>
    %dma_start3A_974 = arith.constant 0 : i32
    %dma_start3A_975 = tpu.memref_slice %arg2[%add3A_971, %dma_start3A_974] : memref<16384x1024xf32, #tpu.memory_space<hbm>> -> memref<16x1024xf32, #tpu.memory_space<hbm>>
    tpu.enqueue_dma source(%dma_start3A_975 : memref<16x1024xf32, #tpu.memory_space<hbm>>) target(%arg9 : memref<16x1024xf32, #tpu.memory_space<vmem>>) target_semaphore(%arg17 : memref<!tpu.dma_semaphore, #tpu.memory_space<semaphore_mem>>)
    %scan3A_976 = arith.constant 0 : i32
    %scan3A_977 = arith.constant 0 : i32
    %scan3A_978 = arith.constant 16 : i32
    %scan3A_979 = arith.addi %scan3A_977, %scan3A_978 : i32
    %scan3A_980 = arith.constant 1 : i32
    %scan3A_981 = scf.for %scan3A_1312 = %scan3A_977 to %scan3A_979 step %scan3A_980 iter_args(%scan3A_1313 = %scan3A_976) -> (i32)  : i32 {
      %parallel_loop3A = arith.constant 0 : i32
      %parallel_loop3A_1314 = arith.constant 1024 : i32
      %parallel_loop3A_1315 = arith.constant 16 : i32
      scf.for %parallel_loop3A_1317 = %parallel_loop3A to %parallel_loop3A_1314 step %parallel_loop3A_1315  : i32 {
        %parallel_loop3A_1318 = arith.index_cast %scan3A_1312 : i32 to index
        %parallel_loop3A_1319 = arith.index_cast %parallel_loop3A_1317 : i32 to index
        %parallel_loop3A_1320 = tpu.vector_load %arg6[%parallel_loop3A_1318, %parallel_loop3A_1319] {strides = array<i32>} : memref<16x1024xf32, #tpu.memory_space<vmem>>, vector<1x16xf32>,
        %parallel_loop3A_1321 = vector.shape_cast %parallel_loop3A_1320 : vector<1x16xf32> to vector<16xf32>
        %parallel_loop3A_1322 = arith.index_cast %scan3A_1312 : i32 to index
        %parallel_loop3A_1323 = arith.index_cast %parallel_loop3A_1317 : i32 to index
        %parallel_loop3A_1324 = tpu.vector_load %arg11[%parallel_loop3A_1322, %parallel_loop3A_1323] {strides = array<i32>} : memref<16x1024xf32, #tpu.memory_space<vmem>>, vector<1x16xf32>,
        %parallel_loop3A_1325 = vector.shape_cast %parallel_loop3A_1324 : vector<1x16xf32> to vector<16xf32>
        %parallel_loop3A_1326 = vector.shape_cast %parallel_loop3A_1321 : vector<16xf32> to vector<1x16xf32>
        tpu.vector_store %arg11[%parallel_loop3A_1322, %parallel_loop3A_1323], %parallel_loop3A_1326 {add = true, strides = array<i32>} : memref<16x1024xf32, #tpu.memory_space<vmem>>, vector<1x16xf32>,
      } {sc.loop_unroll_factor = 16 : i64, sc.parallel_access}
      %scan3A_1316 = arith.constant 0 : i32
      scf.yield %scan3A_1316 : i32
    }
    %scan3A_982 = arith.constant 16 : i32
    %add3A_983 = arith.constant 8192 : i32
    %add3A_984 = arith.addi %add3A_983, %mul3A_2 : i32
    %add3A_985 = arith.constant 80 : i32
    %add3A_986 = arith.addi %add3A_984, %add3A_985 : i32
    %dma_start3A_987 = arith.constant 0 : i32
    %dma_start3A_988 = tpu.memref_slice %arg4[%add3A_986, %dma_start3A_987] : memref<16384x1024xf32, #tpu.memory_space<hbm>> -> memref<16x1024xf32, #tpu.memory_space<hbm>>
    %dma_start3A_989 = arith.constant 0 : i32
    %dma_start3A_990 = tpu.memref_slice %arg4[%add3A_986, %dma_start3A_989] : memref<16384x1024xf32, #tpu.memory_space<hbm>> -> memref<16x1024xf32, #tpu.memory_space<hbm>>
    tpu.enqueue_dma source(%arg11 : memref<16x1024xf32, #tpu.memory_space<vmem>>) target(%dma_start3A_990 : memref<16x1024xf32, #tpu.memory_space<hbm>>) target_semaphore(%arg25 : memref<!tpu.dma_semaphore, #tpu.memory_space<semaphore_mem>>)
    %add3A_991 = arith.constant 12288 : i32
    %add3A_992 = arith.addi %add3A_991, %mul3A_2 : i32
    %add3A_993 = arith.constant 80 : i32
    %add3A_994 = arith.addi %add3A_992, %add3A_993 : i32
    %dma_wait3A_995 = arith.constant 0 : i32
    %dma_wait3A_996 = tpu.memref_slice %arg2[%add3A_994, %dma_wait3A_995] : memref<16384x1024xf32, #tpu.memory_space<hbm>> -> memref<16x1024xf32, #tpu.memory_space<hbm>>
    %dma_wait3A_997 = arith.constant 0 : i32
    %dma_wait3A_998 = tpu.memref_slice %arg2[%add3A_994, %dma_wait3A_997] : memref<16384x1024xf32, #tpu.memory_space<hbm>> -> memref<16x1024xf32, #tpu.memory_space<hbm>>
    tpu.wait_dma2 semaphore(%arg20 : memref<!tpu.dma_semaphore, #tpu.memory_space<semaphore_mem>>) src(%dma_wait3A_998 : memref<16x1024xf32, #tpu.memory_space<hbm>>) dst(%arg12 : memref<16x1024xf32, #tpu.memory_space<vmem>>)
    %add3A_999 = arith.constant 4096 : i32
    %add3A_1000 = arith.addi %add3A_999, %mul3A_2 : i32
    %add3A_1001 = arith.constant 80 : i32
    %add3A_1002 = arith.addi %add3A_1000, %add3A_1001 : i32
    %dma_wait3A_1003 = arith.constant 0 : i32
    %dma_wait3A_1004 = tpu.memref_slice %arg4[%add3A_1002, %dma_wait3A_1003] : memref<16384x1024xf32, #tpu.memory_space<hbm>> -> memref<16x1024xf32, #tpu.memory_space<hbm>>
    %dma_wait3A_1005 = arith.constant 0 : i32
    %dma_wait3A_1006 = tpu.memref_slice %arg4[%add3A_1002, %dma_wait3A_1005] : memref<16384x1024xf32, #tpu.memory_space<hbm>> -> memref<16x1024xf32, #tpu.memory_space<hbm>>
    tpu.wait_dma2 semaphore(%arg24 : memref<!tpu.dma_semaphore, #tpu.memory_space<semaphore_mem>>) src(%arg10 : memref<16x1024xf32, #tpu.memory_space<vmem>>) dst(%dma_wait3A_1006 : memref<16x1024xf32, #tpu.memory_space<hbm>>)
    %add3A_1007 = arith.constant 12288 : i32
    %add3A_1008 = arith.addi %add3A_1007, %mul3A_2 : i32
    %add3A_1009 = arith.constant 96 : i32
    %add3A_1010 = arith.addi %add3A_1008, %add3A_1009 : i32
    %dma_start3A_1011 = arith.constant 0 : i32
    %dma_start3A_1012 = tpu.memref_slice %arg2[%add3A_1010, %dma_start3A_1011] : memref<16384x1024xf32, #tpu.memory_space<hbm>> -> memref<16x1024xf32, #tpu.memory_space<hbm>>
    %dma_start3A_1013 = arith.constant 0 : i32
    %dma_start3A_1014 = tpu.memref_slice %arg2[%add3A_1010, %dma_start3A_1013] : memref<16384x1024xf32, #tpu.memory_space<hbm>> -> memref<16x1024xf32, #tpu.memory_space<hbm>>
    tpu.enqueue_dma source(%dma_start3A_1014 : memref<16x1024xf32, #tpu.memory_space<hbm>>) target(%arg10 : memref<16x1024xf32, #tpu.memory_space<vmem>>) target_semaphore(%arg18 : memref<!tpu.dma_semaphore, #tpu.memory_space<semaphore_mem>>)
    %scan3A_1015 = arith.constant 0 : i32
    %scan3A_1016 = arith.constant 0 : i32
    %scan3A_1017 = arith.constant 16 : i32
    %scan3A_1018 = arith.addi %scan3A_1016, %scan3A_1017 : i32
    %scan3A_1019 = arith.constant 1 : i32
    %scan3A_1020 = scf.for %scan3A_1312 = %scan3A_1016 to %scan3A_1018 step %scan3A_1019 iter_args(%scan3A_1313 = %scan3A_1015) -> (i32)  : i32 {
      %parallel_loop3A = arith.constant 0 : i32
      %parallel_loop3A_1314 = arith.constant 1024 : i32
      %parallel_loop3A_1315 = arith.constant 16 : i32
      scf.for %parallel_loop3A_1317 = %parallel_loop3A to %parallel_loop3A_1314 step %parallel_loop3A_1315  : i32 {
        %parallel_loop3A_1318 = arith.index_cast %scan3A_1312 : i32 to index
        %parallel_loop3A_1319 = arith.index_cast %parallel_loop3A_1317 : i32 to index
        %parallel_loop3A_1320 = tpu.vector_load %arg6[%parallel_loop3A_1318, %parallel_loop3A_1319] {strides = array<i32>} : memref<16x1024xf32, #tpu.memory_space<vmem>>, vector<1x16xf32>,
        %parallel_loop3A_1321 = vector.shape_cast %parallel_loop3A_1320 : vector<1x16xf32> to vector<16xf32>
        %parallel_loop3A_1322 = arith.index_cast %scan3A_1312 : i32 to index
        %parallel_loop3A_1323 = arith.index_cast %parallel_loop3A_1317 : i32 to index
        %parallel_loop3A_1324 = tpu.vector_load %arg12[%parallel_loop3A_1322, %parallel_loop3A_1323] {strides = array<i32>} : memref<16x1024xf32, #tpu.memory_space<vmem>>, vector<1x16xf32>,
        %parallel_loop3A_1325 = vector.shape_cast %parallel_loop3A_1324 : vector<1x16xf32> to vector<16xf32>
        %parallel_loop3A_1326 = vector.shape_cast %parallel_loop3A_1321 : vector<16xf32> to vector<1x16xf32>
        tpu.vector_store %arg12[%parallel_loop3A_1322, %parallel_loop3A_1323], %parallel_loop3A_1326 {add = true, strides = array<i32>} : memref<16x1024xf32, #tpu.memory_space<vmem>>, vector<1x16xf32>,
      } {sc.loop_unroll_factor = 16 : i64, sc.parallel_access}
      %scan3A_1316 = arith.constant 0 : i32
      scf.yield %scan3A_1316 : i32
    }
    %scan3A_1021 = arith.constant 16 : i32
    %add3A_1022 = arith.constant 12288 : i32
    %add3A_1023 = arith.addi %add3A_1022, %mul3A_2 : i32
    %add3A_1024 = arith.constant 80 : i32
    %add3A_1025 = arith.addi %add3A_1023, %add3A_1024 : i32
    %dma_start3A_1026 = arith.constant 0 : i32
    %dma_start3A_1027 = tpu.memref_slice %arg4[%add3A_1025, %dma_start3A_1026] : memref<16384x1024xf32, #tpu.memory_space<hbm>> -> memref<16x1024xf32, #tpu.memory_space<hbm>>
    %dma_start3A_1028 = arith.constant 0 : i32
    %dma_start3A_1029 = tpu.memref_slice %arg4[%add3A_1025, %dma_start3A_1028] : memref<16384x1024xf32, #tpu.memory_space<hbm>> -> memref<16x1024xf32, #tpu.memory_space<hbm>>
    tpu.enqueue_dma source(%arg12 : memref<16x1024xf32, #tpu.memory_space<vmem>>) target(%dma_start3A_1029 : memref<16x1024xf32, #tpu.memory_space<hbm>>) target_semaphore(%arg26 : memref<!tpu.dma_semaphore, #tpu.memory_space<semaphore_mem>>)
    %add3A_1030 = arith.constant 96 : i32
    %add3A_1031 = arith.addi %mul3A_2, %add3A_1030 : i32
    %dma_wait3A_1032 = arith.constant 0 : i32
    %dma_wait3A_1033 = tpu.memref_slice %arg3[%add3A_1031, %dma_wait3A_1032] : memref<8192x1024xf32, #tpu.memory_space<hbm>> -> memref<16x1024xf32, #tpu.memory_space<hbm>>
    %dma_wait3A_1034 = arith.constant 0 : i32
    %dma_wait3A_1035 = tpu.memref_slice %arg3[%add3A_1031, %dma_wait3A_1034] : memref<8192x1024xf32, #tpu.memory_space<hbm>> -> memref<16x1024xf32, #tpu.memory_space<hbm>>
    tpu.wait_dma2 semaphore(%arg13 : memref<!tpu.dma_semaphore, #tpu.memory_space<semaphore_mem>>) src(%dma_wait3A_1035 : memref<16x1024xf32, #tpu.memory_space<hbm>>) dst(%arg5 : memref<16x1024xf32, #tpu.memory_space<vmem>>)
    %add3A_1036 = arith.constant 112 : i32
    %add3A_1037 = arith.addi %mul3A_2, %add3A_1036 : i32
    %dma_start3A_1038 = arith.constant 0 : i32
    %dma_start3A_1039 = tpu.memref_slice %arg3[%add3A_1037, %dma_start3A_1038] : memref<8192x1024xf32, #tpu.memory_space<hbm>> -> memref<16x1024xf32, #tpu.memory_space<hbm>>
    %dma_start3A_1040 = arith.constant 0 : i32
    %dma_start3A_1041 = tpu.memref_slice %arg3[%add3A_1037, %dma_start3A_1040] : memref<8192x1024xf32, #tpu.memory_space<hbm>> -> memref<16x1024xf32, #tpu.memory_space<hbm>>
    tpu.enqueue_dma source(%dma_start3A_1041 : memref<16x1024xf32, #tpu.memory_space<hbm>>) target(%arg6 : memref<16x1024xf32, #tpu.memory_space<vmem>>) target_semaphore(%arg14 : memref<!tpu.dma_semaphore, #tpu.memory_space<semaphore_mem>>)
    %add3A_1042 = arith.constant 0 : i32
    %add3A_1043 = arith.addi %add3A_1042, %mul3A_2 : i32
    %add3A_1044 = arith.constant 96 : i32
    %add3A_1045 = arith.addi %add3A_1043, %add3A_1044 : i32
    %dma_wait3A_1046 = arith.constant 0 : i32
    %dma_wait3A_1047 = tpu.memref_slice %arg2[%add3A_1045, %dma_wait3A_1046] : memref<16384x1024xf32, #tpu.memory_space<hbm>> -> memref<16x1024xf32, #tpu.memory_space<hbm>>
    %dma_wait3A_1048 = arith.constant 0 : i32
    %dma_wait3A_1049 = tpu.memref_slice %arg2[%add3A_1045, %dma_wait3A_1048] : memref<16384x1024xf32, #tpu.memory_space<hbm>> -> memref<16x1024xf32, #tpu.memory_space<hbm>>
    tpu.wait_dma2 semaphore(%arg15 : memref<!tpu.dma_semaphore, #tpu.memory_space<semaphore_mem>>) src(%dma_wait3A_1049 : memref<16x1024xf32, #tpu.memory_space<hbm>>) dst(%arg7 : memref<16x1024xf32, #tpu.memory_space<vmem>>)
    %add3A_1050 = arith.constant 8192 : i32
    %add3A_1051 = arith.addi %add3A_1050, %mul3A_2 : i32
    %add3A_1052 = arith.constant 80 : i32
    %add3A_1053 = arith.addi %add3A_1051, %add3A_1052 : i32
    %dma_wait3A_1054 = arith.constant 0 : i32
    %dma_wait3A_1055 = tpu.memref_slice %arg4[%add3A_1053, %dma_wait3A_1054] : memref<16384x1024xf32, #tpu.memory_space<hbm>> -> memref<16x1024xf32, #tpu.memory_space<hbm>>
    %dma_wait3A_1056 = arith.constant 0 : i32
    %dma_wait3A_1057 = tpu.memref_slice %arg4[%add3A_1053, %dma_wait3A_1056] : memref<16384x1024xf32, #tpu.memory_space<hbm>> -> memref<16x1024xf32, #tpu.memory_space<hbm>>
    tpu.wait_dma2 semaphore(%arg25 : memref<!tpu.dma_semaphore, #tpu.memory_space<semaphore_mem>>) src(%arg11 : memref<16x1024xf32, #tpu.memory_space<vmem>>) dst(%dma_wait3A_1057 : memref<16x1024xf32, #tpu.memory_space<hbm>>)
    %add3A_1058 = arith.constant 0 : i32
    %add3A_1059 = arith.addi %add3A_1058, %mul3A_2 : i32
    %add3A_1060 = arith.constant 112 : i32
    %add3A_1061 = arith.addi %add3A_1059, %add3A_1060 : i32
    %dma_start3A_1062 = arith.constant 0 : i32
    %dma_start3A_1063 = tpu.memref_slice %arg2[%add3A_1061, %dma_start3A_1062] : memref<16384x1024xf32, #tpu.memory_space<hbm>> -> memref<16x1024xf32, #tpu.memory_space<hbm>>
    %dma_start3A_1064 = arith.constant 0 : i32
    %dma_start3A_1065 = tpu.memref_slice %arg2[%add3A_1061, %dma_start3A_1064] : memref<16384x1024xf32, #tpu.memory_space<hbm>> -> memref<16x1024xf32, #tpu.memory_space<hbm>>
    tpu.enqueue_dma source(%dma_start3A_1065 : memref<16x1024xf32, #tpu.memory_space<hbm>>) target(%arg11 : memref<16x1024xf32, #tpu.memory_space<vmem>>) target_semaphore(%arg19 : memref<!tpu.dma_semaphore, #tpu.memory_space<semaphore_mem>>)
    %scan3A_1066 = arith.constant 0 : i32
    %scan3A_1067 = arith.constant 0 : i32
    %scan3A_1068 = arith.constant 16 : i32
    %scan3A_1069 = arith.addi %scan3A_1067, %scan3A_1068 : i32
    %scan3A_1070 = arith.constant 1 : i32
    %scan3A_1071 = scf.for %scan3A_1312 = %scan3A_1067 to %scan3A_1069 step %scan3A_1070 iter_args(%scan3A_1313 = %scan3A_1066) -> (i32)  : i32 {
      %parallel_loop3A = arith.constant 0 : i32
      %parallel_loop3A_1314 = arith.constant 1024 : i32
      %parallel_loop3A_1315 = arith.constant 16 : i32
      scf.for %parallel_loop3A_1317 = %parallel_loop3A to %parallel_loop3A_1314 step %parallel_loop3A_1315  : i32 {
        %parallel_loop3A_1318 = arith.index_cast %scan3A_1312 : i32 to index
        %parallel_loop3A_1319 = arith.index_cast %parallel_loop3A_1317 : i32 to index
        %parallel_loop3A_1320 = tpu.vector_load %arg5[%parallel_loop3A_1318, %parallel_loop3A_1319] {strides = array<i32>} : memref<16x1024xf32, #tpu.memory_space<vmem>>, vector<1x16xf32>,
        %parallel_loop3A_1321 = vector.shape_cast %parallel_loop3A_1320 : vector<1x16xf32> to vector<16xf32>
        %parallel_loop3A_1322 = arith.index_cast %scan3A_1312 : i32 to index
        %parallel_loop3A_1323 = arith.index_cast %parallel_loop3A_1317 : i32 to index
        %parallel_loop3A_1324 = tpu.vector_load %arg7[%parallel_loop3A_1322, %parallel_loop3A_1323] {strides = array<i32>} : memref<16x1024xf32, #tpu.memory_space<vmem>>, vector<1x16xf32>,
        %parallel_loop3A_1325 = vector.shape_cast %parallel_loop3A_1324 : vector<1x16xf32> to vector<16xf32>
        %parallel_loop3A_1326 = vector.shape_cast %parallel_loop3A_1321 : vector<16xf32> to vector<1x16xf32>
        tpu.vector_store %arg7[%parallel_loop3A_1322, %parallel_loop3A_1323], %parallel_loop3A_1326 {add = true, strides = array<i32>} : memref<16x1024xf32, #tpu.memory_space<vmem>>, vector<1x16xf32>,
      } {sc.loop_unroll_factor = 16 : i64, sc.parallel_access}
      %scan3A_1316 = arith.constant 0 : i32
      scf.yield %scan3A_1316 : i32
    }
    %scan3A_1072 = arith.constant 16 : i32
    %add3A_1073 = arith.constant 0 : i32
    %add3A_1074 = arith.addi %add3A_1073, %mul3A_2 : i32
    %add3A_1075 = arith.constant 96 : i32
    %add3A_1076 = arith.addi %add3A_1074, %add3A_1075 : i32
    %dma_start3A_1077 = arith.constant 0 : i32
    %dma_start3A_1078 = tpu.memref_slice %arg4[%add3A_1076, %dma_start3A_1077] : memref<16384x1024xf32, #tpu.memory_space<hbm>> -> memref<16x1024xf32, #tpu.memory_space<hbm>>
    %dma_start3A_1079 = arith.constant 0 : i32
    %dma_start3A_1080 = tpu.memref_slice %arg4[%add3A_1076, %dma_start3A_1079] : memref<16384x1024xf32, #tpu.memory_space<hbm>> -> memref<16x1024xf32, #tpu.memory_space<hbm>>
    tpu.enqueue_dma source(%arg7 : memref<16x1024xf32, #tpu.memory_space<vmem>>) target(%dma_start3A_1080 : memref<16x1024xf32, #tpu.memory_space<hbm>>) target_semaphore(%arg21 : memref<!tpu.dma_semaphore, #tpu.memory_space<semaphore_mem>>)
    %add3A_1081 = arith.constant 4096 : i32
    %add3A_1082 = arith.addi %add3A_1081, %mul3A_2 : i32
    %add3A_1083 = arith.constant 96 : i32
    %add3A_1084 = arith.addi %add3A_1082, %add3A_1083 : i32
    %dma_wait3A_1085 = arith.constant 0 : i32
    %dma_wait3A_1086 = tpu.memref_slice %arg2[%add3A_1084, %dma_wait3A_1085] : memref<16384x1024xf32, #tpu.memory_space<hbm>> -> memref<16x1024xf32, #tpu.memory_space<hbm>>
    %dma_wait3A_1087 = arith.constant 0 : i32
    %dma_wait3A_1088 = tpu.memref_slice %arg2[%add3A_1084, %dma_wait3A_1087] : memref<16384x1024xf32, #tpu.memory_space<hbm>> -> memref<16x1024xf32, #tpu.memory_space<hbm>>
    tpu.wait_dma2 semaphore(%arg16 : memref<!tpu.dma_semaphore, #tpu.memory_space<semaphore_mem>>) src(%dma_wait3A_1088 : memref<16x1024xf32, #tpu.memory_space<hbm>>) dst(%arg8 : memref<16x1024xf32, #tpu.memory_space<vmem>>)
    %add3A_1089 = arith.constant 12288 : i32
    %add3A_1090 = arith.addi %add3A_1089, %mul3A_2 : i32
    %add3A_1091 = arith.constant 80 : i32
    %add3A_1092 = arith.addi %add3A_1090, %add3A_1091 : i32
    %dma_wait3A_1093 = arith.constant 0 : i32
    %dma_wait3A_1094 = tpu.memref_slice %arg4[%add3A_1092, %dma_wait3A_1093] : memref<16384x1024xf32, #tpu.memory_space<hbm>> -> memref<16x1024xf32, #tpu.memory_space<hbm>>
    %dma_wait3A_1095 = arith.constant 0 : i32
    %dma_wait3A_1096 = tpu.memref_slice %arg4[%add3A_1092, %dma_wait3A_1095] : memref<16384x1024xf32, #tpu.memory_space<hbm>> -> memref<16x1024xf32, #tpu.memory_space<hbm>>
    tpu.wait_dma2 semaphore(%arg26 : memref<!tpu.dma_semaphore, #tpu.memory_space<semaphore_mem>>) src(%arg12 : memref<16x1024xf32, #tpu.memory_space<vmem>>) dst(%dma_wait3A_1096 : memref<16x1024xf32, #tpu.memory_space<hbm>>)
    %add3A_1097 = arith.constant 4096 : i32
    %add3A_1098 = arith.addi %add3A_1097, %mul3A_2 : i32
    %add3A_1099 = arith.constant 112 : i32
    %add3A_1100 = arith.addi %add3A_1098, %add3A_1099 : i32
    %dma_start3A_1101 = arith.constant 0 : i32
    %dma_start3A_1102 = tpu.memref_slice %arg2[%add3A_1100, %dma_start3A_1101] : memref<16384x1024xf32, #tpu.memory_space<hbm>> -> memref<16x1024xf32, #tpu.memory_space<hbm>>
    %dma_start3A_1103 = arith.constant 0 : i32
    %dma_start3A_1104 = tpu.memref_slice %arg2[%add3A_1100, %dma_start3A_1103] : memref<16384x1024xf32, #tpu.memory_space<hbm>> -> memref<16x1024xf32, #tpu.memory_space<hbm>>
    tpu.enqueue_dma source(%dma_start3A_1104 : memref<16x1024xf32, #tpu.memory_space<hbm>>) target(%arg12 : memref<16x1024xf32, #tpu.memory_space<vmem>>) target_semaphore(%arg20 : memref<!tpu.dma_semaphore, #tpu.memory_space<semaphore_mem>>)
    %scan3A_1105 = arith.constant 0 : i32
    %scan3A_1106 = arith.constant 0 : i32
    %scan3A_1107 = arith.constant 16 : i32
    %scan3A_1108 = arith.addi %scan3A_1106, %scan3A_1107 : i32
    %scan3A_1109 = arith.constant 1 : i32
    %scan3A_1110 = scf.for %scan3A_1312 = %scan3A_1106 to %scan3A_1108 step %scan3A_1109 iter_args(%scan3A_1313 = %scan3A_1105) -> (i32)  : i32 {
      %parallel_loop3A = arith.constant 0 : i32
      %parallel_loop3A_1314 = arith.constant 1024 : i32
      %parallel_loop3A_1315 = arith.constant 16 : i32
      scf.for %parallel_loop3A_1317 = %parallel_loop3A to %parallel_loop3A_1314 step %parallel_loop3A_1315  : i32 {
        %parallel_loop3A_1318 = arith.index_cast %scan3A_1312 : i32 to index
        %parallel_loop3A_1319 = arith.index_cast %parallel_loop3A_1317 : i32 to index
        %parallel_loop3A_1320 = tpu.vector_load %arg5[%parallel_loop3A_1318, %parallel_loop3A_1319] {strides = array<i32>} : memref<16x1024xf32, #tpu.memory_space<vmem>>, vector<1x16xf32>,
        %parallel_loop3A_1321 = vector.shape_cast %parallel_loop3A_1320 : vector<1x16xf32> to vector<16xf32>
        %parallel_loop3A_1322 = arith.index_cast %scan3A_1312 : i32 to index
        %parallel_loop3A_1323 = arith.index_cast %parallel_loop3A_1317 : i32 to index
        %parallel_loop3A_1324 = tpu.vector_load %arg8[%parallel_loop3A_1322, %parallel_loop3A_1323] {strides = array<i32>} : memref<16x1024xf32, #tpu.memory_space<vmem>>, vector<1x16xf32>,
        %parallel_loop3A_1325 = vector.shape_cast %parallel_loop3A_1324 : vector<1x16xf32> to vector<16xf32>
        %parallel_loop3A_1326 = vector.shape_cast %parallel_loop3A_1321 : vector<16xf32> to vector<1x16xf32>
        tpu.vector_store %arg8[%parallel_loop3A_1322, %parallel_loop3A_1323], %parallel_loop3A_1326 {add = true, strides = array<i32>} : memref<16x1024xf32, #tpu.memory_space<vmem>>, vector<1x16xf32>,
      } {sc.loop_unroll_factor = 16 : i64, sc.parallel_access}
      %scan3A_1316 = arith.constant 0 : i32
      scf.yield %scan3A_1316 : i32
    }
    %scan3A_1111 = arith.constant 16 : i32
    %add3A_1112 = arith.constant 4096 : i32
    %add3A_1113 = arith.addi %add3A_1112, %mul3A_2 : i32
    %add3A_1114 = arith.constant 96 : i32
    %add3A_1115 = arith.addi %add3A_1113, %add3A_1114 : i32
    %dma_start3A_1116 = arith.constant 0 : i32
    %dma_start3A_1117 = tpu.memref_slice %arg4[%add3A_1115, %dma_start3A_1116] : memref<16384x1024xf32, #tpu.memory_space<hbm>> -> memref<16x1024xf32, #tpu.memory_space<hbm>>
    %dma_start3A_1118 = arith.constant 0 : i32
    %dma_start3A_1119 = tpu.memref_slice %arg4[%add3A_1115, %dma_start3A_1118] : memref<16384x1024xf32, #tpu.memory_space<hbm>> -> memref<16x1024xf32, #tpu.memory_space<hbm>>
    tpu.enqueue_dma source(%arg8 : memref<16x1024xf32, #tpu.memory_space<vmem>>) target(%dma_start3A_1119 : memref<16x1024xf32, #tpu.memory_space<hbm>>) target_semaphore(%arg22 : memref<!tpu.dma_semaphore, #tpu.memory_space<semaphore_mem>>)
    %add3A_1120 = arith.constant 8192 : i32
    %add3A_1121 = arith.addi %add3A_1120, %mul3A_2 : i32
    %add3A_1122 = arith.constant 96 : i32
    %add3A_1123 = arith.addi %add3A_1121, %add3A_1122 : i32
    %dma_wait3A_1124 = arith.constant 0 : i32
    %dma_wait3A_1125 = tpu.memref_slice %arg2[%add3A_1123, %dma_wait3A_1124] : memref<16384x1024xf32, #tpu.memory_space<hbm>> -> memref<16x1024xf32, #tpu.memory_space<hbm>>
    %dma_wait3A_1126 = arith.constant 0 : i32
    %dma_wait3A_1127 = tpu.memref_slice %arg2[%add3A_1123, %dma_wait3A_1126] : memref<16384x1024xf32, #tpu.memory_space<hbm>> -> memref<16x1024xf32, #tpu.memory_space<hbm>>
    tpu.wait_dma2 semaphore(%arg17 : memref<!tpu.dma_semaphore, #tpu.memory_space<semaphore_mem>>) src(%dma_wait3A_1127 : memref<16x1024xf32, #tpu.memory_space<hbm>>) dst(%arg9 : memref<16x1024xf32, #tpu.memory_space<vmem>>)
    %add3A_1128 = arith.constant 0 : i32
    %add3A_1129 = arith.addi %add3A_1128, %mul3A_2 : i32
    %add3A_1130 = arith.constant 96 : i32
    %add3A_1131 = arith.addi %add3A_1129, %add3A_1130 : i32
    %dma_wait3A_1132 = arith.constant 0 : i32
    %dma_wait3A_1133 = tpu.memref_slice %arg4[%add3A_1131, %dma_wait3A_1132] : memref<16384x1024xf32, #tpu.memory_space<hbm>> -> memref<16x1024xf32, #tpu.memory_space<hbm>>
    %dma_wait3A_1134 = arith.constant 0 : i32
    %dma_wait3A_1135 = tpu.memref_slice %arg4[%add3A_1131, %dma_wait3A_1134] : memref<16384x1024xf32, #tpu.memory_space<hbm>> -> memref<16x1024xf32, #tpu.memory_space<hbm>>
    tpu.wait_dma2 semaphore(%arg21 : memref<!tpu.dma_semaphore, #tpu.memory_space<semaphore_mem>>) src(%arg7 : memref<16x1024xf32, #tpu.memory_space<vmem>>) dst(%dma_wait3A_1135 : memref<16x1024xf32, #tpu.memory_space<hbm>>)
    %add3A_1136 = arith.constant 8192 : i32
    %add3A_1137 = arith.addi %add3A_1136, %mul3A_2 : i32
    %add3A_1138 = arith.constant 112 : i32
    %add3A_1139 = arith.addi %add3A_1137, %add3A_1138 : i32
    %dma_start3A_1140 = arith.constant 0 : i32
    %dma_start3A_1141 = tpu.memref_slice %arg2[%add3A_1139, %dma_start3A_1140] : memref<16384x1024xf32, #tpu.memory_space<hbm>> -> memref<16x1024xf32, #tpu.memory_space<hbm>>
    %dma_start3A_1142 = arith.constant 0 : i32
    %dma_start3A_1143 = tpu.memref_slice %arg2[%add3A_1139, %dma_start3A_1142] : memref<16384x1024xf32, #tpu.memory_space<hbm>> -> memref<16x1024xf32, #tpu.memory_space<hbm>>
    tpu.enqueue_dma source(%dma_start3A_1143 : memref<16x1024xf32, #tpu.memory_space<hbm>>) target(%arg7 : memref<16x1024xf32, #tpu.memory_space<vmem>>) target_semaphore(%arg15 : memref<!tpu.dma_semaphore, #tpu.memory_space<semaphore_mem>>)
    %scan3A_1144 = arith.constant 0 : i32
    %scan3A_1145 = arith.constant 0 : i32
    %scan3A_1146 = arith.constant 16 : i32
    %scan3A_1147 = arith.addi %scan3A_1145, %scan3A_1146 : i32
    %scan3A_1148 = arith.constant 1 : i32
    %scan3A_1149 = scf.for %scan3A_1312 = %scan3A_1145 to %scan3A_1147 step %scan3A_1148 iter_args(%scan3A_1313 = %scan3A_1144) -> (i32)  : i32 {
      %parallel_loop3A = arith.constant 0 : i32
      %parallel_loop3A_1314 = arith.constant 1024 : i32
      %parallel_loop3A_1315 = arith.constant 16 : i32
      scf.for %parallel_loop3A_1317 = %parallel_loop3A to %parallel_loop3A_1314 step %parallel_loop3A_1315  : i32 {
        %parallel_loop3A_1318 = arith.index_cast %scan3A_1312 : i32 to index
        %parallel_loop3A_1319 = arith.index_cast %parallel_loop3A_1317 : i32 to index
        %parallel_loop3A_1320 = tpu.vector_load %arg5[%parallel_loop3A_1318, %parallel_loop3A_1319] {strides = array<i32>} : memref<16x1024xf32, #tpu.memory_space<vmem>>, vector<1x16xf32>,
        %parallel_loop3A_1321 = vector.shape_cast %parallel_loop3A_1320 : vector<1x16xf32> to vector<16xf32>
        %parallel_loop3A_1322 = arith.index_cast %scan3A_1312 : i32 to index
        %parallel_loop3A_1323 = arith.index_cast %parallel_loop3A_1317 : i32 to index
        %parallel_loop3A_1324 = tpu.vector_load %arg9[%parallel_loop3A_1322, %parallel_loop3A_1323] {strides = array<i32>} : memref<16x1024xf32, #tpu.memory_space<vmem>>, vector<1x16xf32>,
        %parallel_loop3A_1325 = vector.shape_cast %parallel_loop3A_1324 : vector<1x16xf32> to vector<16xf32>
        %parallel_loop3A_1326 = vector.shape_cast %parallel_loop3A_1321 : vector<16xf32> to vector<1x16xf32>
        tpu.vector_store %arg9[%parallel_loop3A_1322, %parallel_loop3A_1323], %parallel_loop3A_1326 {add = true, strides = array<i32>} : memref<16x1024xf32, #tpu.memory_space<vmem>>, vector<1x16xf32>,
      } {sc.loop_unroll_factor = 16 : i64, sc.parallel_access}
      %scan3A_1316 = arith.constant 0 : i32
      scf.yield %scan3A_1316 : i32
    }
    %scan3A_1150 = arith.constant 16 : i32
    %add3A_1151 = arith.constant 8192 : i32
    %add3A_1152 = arith.addi %add3A_1151, %mul3A_2 : i32
    %add3A_1153 = arith.constant 96 : i32
    %add3A_1154 = arith.addi %add3A_1152, %add3A_1153 : i32
    %dma_start3A_1155 = arith.constant 0 : i32
    %dma_start3A_1156 = tpu.memref_slice %arg4[%add3A_1154, %dma_start3A_1155] : memref<16384x1024xf32, #tpu.memory_space<hbm>> -> memref<16x1024xf32, #tpu.memory_space<hbm>>
    %dma_start3A_1157 = arith.constant 0 : i32
    %dma_start3A_1158 = tpu.memref_slice %arg4[%add3A_1154, %dma_start3A_1157] : memref<16384x1024xf32, #tpu.memory_space<hbm>> -> memref<16x1024xf32, #tpu.memory_space<hbm>>
    tpu.enqueue_dma source(%arg9 : memref<16x1024xf32, #tpu.memory_space<vmem>>) target(%dma_start3A_1158 : memref<16x1024xf32, #tpu.memory_space<hbm>>) target_semaphore(%arg23 : memref<!tpu.dma_semaphore, #tpu.memory_space<semaphore_mem>>)
    %add3A_1159 = arith.constant 12288 : i32
    %add3A_1160 = arith.addi %add3A_1159, %mul3A_2 : i32
    %add3A_1161 = arith.constant 96 : i32
    %add3A_1162 = arith.addi %add3A_1160, %add3A_1161 : i32
    %dma_wait3A_1163 = arith.constant 0 : i32
    %dma_wait3A_1164 = tpu.memref_slice %arg2[%add3A_1162, %dma_wait3A_1163] : memref<16384x1024xf32, #tpu.memory_space<hbm>> -> memref<16x1024xf32, #tpu.memory_space<hbm>>
    %dma_wait3A_1165 = arith.constant 0 : i32
    %dma_wait3A_1166 = tpu.memref_slice %arg2[%add3A_1162, %dma_wait3A_1165] : memref<16384x1024xf32, #tpu.memory_space<hbm>> -> memref<16x1024xf32, #tpu.memory_space<hbm>>
    tpu.wait_dma2 semaphore(%arg18 : memref<!tpu.dma_semaphore, #tpu.memory_space<semaphore_mem>>) src(%dma_wait3A_1166 : memref<16x1024xf32, #tpu.memory_space<hbm>>) dst(%arg10 : memref<16x1024xf32, #tpu.memory_space<vmem>>)
    %add3A_1167 = arith.constant 4096 : i32
    %add3A_1168 = arith.addi %add3A_1167, %mul3A_2 : i32
    %add3A_1169 = arith.constant 96 : i32
    %add3A_1170 = arith.addi %add3A_1168, %add3A_1169 : i32
    %dma_wait3A_1171 = arith.constant 0 : i32
    %dma_wait3A_1172 = tpu.memref_slice %arg4[%add3A_1170, %dma_wait3A_1171] : memref<16384x1024xf32, #tpu.memory_space<hbm>> -> memref<16x1024xf32, #tpu.memory_space<hbm>>
    %dma_wait3A_1173 = arith.constant 0 : i32
    %dma_wait3A_1174 = tpu.memref_slice %arg4[%add3A_1170, %dma_wait3A_1173] : memref<16384x1024xf32, #tpu.memory_space<hbm>> -> memref<16x1024xf32, #tpu.memory_space<hbm>>
    tpu.wait_dma2 semaphore(%arg22 : memref<!tpu.dma_semaphore, #tpu.memory_space<semaphore_mem>>) src(%arg8 : memref<16x1024xf32, #tpu.memory_space<vmem>>) dst(%dma_wait3A_1174 : memref<16x1024xf32, #tpu.memory_space<hbm>>)
    %add3A_1175 = arith.constant 12288 : i32
    %add3A_1176 = arith.addi %add3A_1175, %mul3A_2 : i32
    %add3A_1177 = arith.constant 112 : i32
    %add3A_1178 = arith.addi %add3A_1176, %add3A_1177 : i32
    %dma_start3A_1179 = arith.constant 0 : i32
    %dma_start3A_1180 = tpu.memref_slice %arg2[%add3A_1178, %dma_start3A_1179] : memref<16384x1024xf32, #tpu.memory_space<hbm>> -> memref<16x1024xf32, #tpu.memory_space<hbm>>
    %dma_start3A_1181 = arith.constant 0 : i32
    %dma_start3A_1182 = tpu.memref_slice %arg2[%add3A_1178, %dma_start3A_1181] : memref<16384x1024xf32, #tpu.memory_space<hbm>> -> memref<16x1024xf32, #tpu.memory_space<hbm>>
    tpu.enqueue_dma source(%dma_start3A_1182 : memref<16x1024xf32, #tpu.memory_space<hbm>>) target(%arg8 : memref<16x1024xf32, #tpu.memory_space<vmem>>) target_semaphore(%arg16 : memref<!tpu.dma_semaphore, #tpu.memory_space<semaphore_mem>>)
    %scan3A_1183 = arith.constant 0 : i32
    %scan3A_1184 = arith.constant 0 : i32
    %scan3A_1185 = arith.constant 16 : i32
    %scan3A_1186 = arith.addi %scan3A_1184, %scan3A_1185 : i32
    %scan3A_1187 = arith.constant 1 : i32
    %scan3A_1188 = scf.for %scan3A_1312 = %scan3A_1184 to %scan3A_1186 step %scan3A_1187 iter_args(%scan3A_1313 = %scan3A_1183) -> (i32)  : i32 {
      %parallel_loop3A = arith.constant 0 : i32
      %parallel_loop3A_1314 = arith.constant 1024 : i32
      %parallel_loop3A_1315 = arith.constant 16 : i32
      scf.for %parallel_loop3A_1317 = %parallel_loop3A to %parallel_loop3A_1314 step %parallel_loop3A_1315  : i32 {
        %parallel_loop3A_1318 = arith.index_cast %scan3A_1312 : i32 to index
        %parallel_loop3A_1319 = arith.index_cast %parallel_loop3A_1317 : i32 to index
        %parallel_loop3A_1320 = tpu.vector_load %arg5[%parallel_loop3A_1318, %parallel_loop3A_1319] {strides = array<i32>} : memref<16x1024xf32, #tpu.memory_space<vmem>>, vector<1x16xf32>,
        %parallel_loop3A_1321 = vector.shape_cast %parallel_loop3A_1320 : vector<1x16xf32> to vector<16xf32>
        %parallel_loop3A_1322 = arith.index_cast %scan3A_1312 : i32 to index
        %parallel_loop3A_1323 = arith.index_cast %parallel_loop3A_1317 : i32 to index
        %parallel_loop3A_1324 = tpu.vector_load %arg10[%parallel_loop3A_1322, %parallel_loop3A_1323] {strides = array<i32>} : memref<16x1024xf32, #tpu.memory_space<vmem>>, vector<1x16xf32>,
        %parallel_loop3A_1325 = vector.shape_cast %parallel_loop3A_1324 : vector<1x16xf32> to vector<16xf32>
        %parallel_loop3A_1326 = vector.shape_cast %parallel_loop3A_1321 : vector<16xf32> to vector<1x16xf32>
        tpu.vector_store %arg10[%parallel_loop3A_1322, %parallel_loop3A_1323], %parallel_loop3A_1326 {add = true, strides = array<i32>} : memref<16x1024xf32, #tpu.memory_space<vmem>>, vector<1x16xf32>,
      } {sc.loop_unroll_factor = 16 : i64, sc.parallel_access}
      %scan3A_1316 = arith.constant 0 : i32
      scf.yield %scan3A_1316 : i32
    }
    %scan3A_1189 = arith.constant 16 : i32
    %add3A_1190 = arith.constant 12288 : i32
    %add3A_1191 = arith.addi %add3A_1190, %mul3A_2 : i32
    %add3A_1192 = arith.constant 96 : i32
    %add3A_1193 = arith.addi %add3A_1191, %add3A_1192 : i32
    %dma_start3A_1194 = arith.constant 0 : i32
    %dma_start3A_1195 = tpu.memref_slice %arg4[%add3A_1193, %dma_start3A_1194] : memref<16384x1024xf32, #tpu.memory_space<hbm>> -> memref<16x1024xf32, #tpu.memory_space<hbm>>
    %dma_start3A_1196 = arith.constant 0 : i32
    %dma_start3A_1197 = tpu.memref_slice %arg4[%add3A_1193, %dma_start3A_1196] : memref<16384x1024xf32, #tpu.memory_space<hbm>> -> memref<16x1024xf32, #tpu.memory_space<hbm>>
    tpu.enqueue_dma source(%arg10 : memref<16x1024xf32, #tpu.memory_space<vmem>>) target(%dma_start3A_1197 : memref<16x1024xf32, #tpu.memory_space<hbm>>) target_semaphore(%arg24 : memref<!tpu.dma_semaphore, #tpu.memory_space<semaphore_mem>>)
    %add3A_1198 = arith.constant 112 : i32
    %add3A_1199 = arith.addi %mul3A_2, %add3A_1198 : i32
    %dma_wait3A_1200 = arith.constant 0 : i32
    %dma_wait3A_1201 = tpu.memref_slice %arg3[%add3A_1199, %dma_wait3A_1200] : memref<8192x1024xf32, #tpu.memory_space<hbm>> -> memref<16x1024xf32, #tpu.memory_space<hbm>>
    %dma_wait3A_1202 = arith.constant 0 : i32
    %dma_wait3A_1203 = tpu.memref_slice %arg3[%add3A_1199, %dma_wait3A_1202] : memref<8192x1024xf32, #tpu.memory_space<hbm>> -> memref<16x1024xf32, #tpu.memory_space<hbm>>
    tpu.wait_dma2 semaphore(%arg14 : memref<!tpu.dma_semaphore, #tpu.memory_space<semaphore_mem>>) src(%dma_wait3A_1203 : memref<16x1024xf32, #tpu.memory_space<hbm>>) dst(%arg6 : memref<16x1024xf32, #tpu.memory_space<vmem>>)
    %add3A_1204 = arith.constant 0 : i32
    %add3A_1205 = arith.addi %add3A_1204, %mul3A_2 : i32
    %add3A_1206 = arith.constant 112 : i32
    %add3A_1207 = arith.addi %add3A_1205, %add3A_1206 : i32
    %dma_wait3A_1208 = arith.constant 0 : i32
    %dma_wait3A_1209 = tpu.memref_slice %arg2[%add3A_1207, %dma_wait3A_1208] : memref<16384x1024xf32, #tpu.memory_space<hbm>> -> memref<16x1024xf32, #tpu.memory_space<hbm>>
    %dma_wait3A_1210 = arith.constant 0 : i32
    %dma_wait3A_1211 = tpu.memref_slice %arg2[%add3A_1207, %dma_wait3A_1210] : memref<16384x1024xf32, #tpu.memory_space<hbm>> -> memref<16x1024xf32, #tpu.memory_space<hbm>>
    tpu.wait_dma2 semaphore(%arg19 : memref<!tpu.dma_semaphore, #tpu.memory_space<semaphore_mem>>) src(%dma_wait3A_1211 : memref<16x1024xf32, #tpu.memory_space<hbm>>) dst(%arg11 : memref<16x1024xf32, #tpu.memory_space<vmem>>)
    %scan3A_1212 = arith.constant 0 : i32
    %scan3A_1213 = arith.constant 0 : i32
    %scan3A_1214 = arith.constant 16 : i32
    %scan3A_1215 = arith.addi %scan3A_1213, %scan3A_1214 : i32
    %scan3A_1216 = arith.constant 1 : i32
    %scan3A_1217 = scf.for %scan3A_1312 = %scan3A_1213 to %scan3A_1215 step %scan3A_1216 iter_args(%scan3A_1313 = %scan3A_1212) -> (i32)  : i32 {
      %parallel_loop3A = arith.constant 0 : i32
      %parallel_loop3A_1314 = arith.constant 1024 : i32
      %parallel_loop3A_1315 = arith.constant 16 : i32
      scf.for %parallel_loop3A_1317 = %parallel_loop3A to %parallel_loop3A_1314 step %parallel_loop3A_1315  : i32 {
        %parallel_loop3A_1318 = arith.index_cast %scan3A_1312 : i32 to index
        %parallel_loop3A_1319 = arith.index_cast %parallel_loop3A_1317 : i32 to index
        %parallel_loop3A_1320 = tpu.vector_load %arg6[%parallel_loop3A_1318, %parallel_loop3A_1319] {strides = array<i32>} : memref<16x1024xf32, #tpu.memory_space<vmem>>, vector<1x16xf32>,
        %parallel_loop3A_1321 = vector.shape_cast %parallel_loop3A_1320 : vector<1x16xf32> to vector<16xf32>
        %parallel_loop3A_1322 = arith.index_cast %scan3A_1312 : i32 to index
        %parallel_loop3A_1323 = arith.index_cast %parallel_loop3A_1317 : i32 to index
        %parallel_loop3A_1324 = tpu.vector_load %arg11[%parallel_loop3A_1322, %parallel_loop3A_1323] {strides = array<i32>} : memref<16x1024xf32, #tpu.memory_space<vmem>>, vector<1x16xf32>,
        %parallel_loop3A_1325 = vector.shape_cast %parallel_loop3A_1324 : vector<1x16xf32> to vector<16xf32>
        %parallel_loop3A_1326 = vector.shape_cast %parallel_loop3A_1321 : vector<16xf32> to vector<1x16xf32>
        tpu.vector_store %arg11[%parallel_loop3A_1322, %parallel_loop3A_1323], %parallel_loop3A_1326 {add = true, strides = array<i32>} : memref<16x1024xf32, #tpu.memory_space<vmem>>, vector<1x16xf32>,
      } {sc.loop_unroll_factor = 16 : i64, sc.parallel_access}
      %scan3A_1316 = arith.constant 0 : i32
      scf.yield %scan3A_1316 : i32
    }
    %scan3A_1218 = arith.constant 16 : i32
    %add3A_1219 = arith.constant 0 : i32
    %add3A_1220 = arith.addi %add3A_1219, %mul3A_2 : i32
    %add3A_1221 = arith.constant 112 : i32
    %add3A_1222 = arith.addi %add3A_1220, %add3A_1221 : i32
    %dma_start3A_1223 = arith.constant 0 : i32
    %dma_start3A_1224 = tpu.memref_slice %arg4[%add3A_1222, %dma_start3A_1223] : memref<16384x1024xf32, #tpu.memory_space<hbm>> -> memref<16x1024xf32, #tpu.memory_space<hbm>>
    %dma_start3A_1225 = arith.constant 0 : i32
    %dma_start3A_1226 = tpu.memref_slice %arg4[%add3A_1222, %dma_start3A_1225] : memref<16384x1024xf32, #tpu.memory_space<hbm>> -> memref<16x1024xf32, #tpu.memory_space<hbm>>
    tpu.enqueue_dma source(%arg11 : memref<16x1024xf32, #tpu.memory_space<vmem>>) target(%dma_start3A_1226 : memref<16x1024xf32, #tpu.memory_space<hbm>>) target_semaphore(%arg25 : memref<!tpu.dma_semaphore, #tpu.memory_space<semaphore_mem>>)
    %add3A_1227 = arith.constant 4096 : i32
    %add3A_1228 = arith.addi %add3A_1227, %mul3A_2 : i32
    %add3A_1229 = arith.constant 112 : i32
    %add3A_1230 = arith.addi %add3A_1228, %add3A_1229 : i32
    %dma_wait3A_1231 = arith.constant 0 : i32
    %dma_wait3A_1232 = tpu.memref_slice %arg2[%add3A_1230, %dma_wait3A_1231] : memref<16384x1024xf32, #tpu.memory_space<hbm>> -> memref<16x1024xf32, #tpu.memory_space<hbm>>
    %dma_wait3A_1233 = arith.constant 0 : i32
    %dma_wait3A_1234 = tpu.memref_slice %arg2[%add3A_1230, %dma_wait3A_1233] : memref<16384x1024xf32, #tpu.memory_space<hbm>> -> memref<16x1024xf32, #tpu.memory_space<hbm>>
    tpu.wait_dma2 semaphore(%arg20 : memref<!tpu.dma_semaphore, #tpu.memory_space<semaphore_mem>>) src(%dma_wait3A_1234 : memref<16x1024xf32, #tpu.memory_space<hbm>>) dst(%arg12 : memref<16x1024xf32, #tpu.memory_space<vmem>>)
    %scan3A_1235 = arith.constant 0 : i32
    %scan3A_1236 = arith.constant 0 : i32
    %scan3A_1237 = arith.constant 16 : i32
    %scan3A_1238 = arith.addi %scan3A_1236, %scan3A_1237 : i32
    %scan3A_1239 = arith.constant 1 : i32
    %scan3A_1240 = scf.for %scan3A_1312 = %scan3A_1236 to %scan3A_1238 step %scan3A_1239 iter_args(%scan3A_1313 = %scan3A_1235) -> (i32)  : i32 {
      %parallel_loop3A = arith.constant 0 : i32
      %parallel_loop3A_1314 = arith.constant 1024 : i32
      %parallel_loop3A_1315 = arith.constant 16 : i32
      scf.for %parallel_loop3A_1317 = %parallel_loop3A to %parallel_loop3A_1314 step %parallel_loop3A_1315  : i32 {
        %parallel_loop3A_1318 = arith.index_cast %scan3A_1312 : i32 to index
        %parallel_loop3A_1319 = arith.index_cast %parallel_loop3A_1317 : i32 to index
        %parallel_loop3A_1320 = tpu.vector_load %arg6[%parallel_loop3A_1318, %parallel_loop3A_1319] {strides = array<i32>} : memref<16x1024xf32, #tpu.memory_space<vmem>>, vector<1x16xf32>,
        %parallel_loop3A_1321 = vector.shape_cast %parallel_loop3A_1320 : vector<1x16xf32> to vector<16xf32>
        %parallel_loop3A_1322 = arith.index_cast %scan3A_1312 : i32 to index
        %parallel_loop3A_1323 = arith.index_cast %parallel_loop3A_1317 : i32 to index
        %parallel_loop3A_1324 = tpu.vector_load %arg12[%parallel_loop3A_1322, %parallel_loop3A_1323] {strides = array<i32>} : memref<16x1024xf32, #tpu.memory_space<vmem>>, vector<1x16xf32>,
        %parallel_loop3A_1325 = vector.shape_cast %parallel_loop3A_1324 : vector<1x16xf32> to vector<16xf32>
        %parallel_loop3A_1326 = vector.shape_cast %parallel_loop3A_1321 : vector<16xf32> to vector<1x16xf32>
        tpu.vector_store %arg12[%parallel_loop3A_1322, %parallel_loop3A_1323], %parallel_loop3A_1326 {add = true, strides = array<i32>} : memref<16x1024xf32, #tpu.memory_space<vmem>>, vector<1x16xf32>,
      } {sc.loop_unroll_factor = 16 : i64, sc.parallel_access}
      %scan3A_1316 = arith.constant 0 : i32
      scf.yield %scan3A_1316 : i32
    }
    %scan3A_1241 = arith.constant 16 : i32
    %add3A_1242 = arith.constant 4096 : i32
    %add3A_1243 = arith.addi %add3A_1242, %mul3A_2 : i32
    %add3A_1244 = arith.constant 112 : i32
    %add3A_1245 = arith.addi %add3A_1243, %add3A_1244 : i32
    %dma_start3A_1246 = arith.constant 0 : i32
    %dma_start3A_1247 = tpu.memref_slice %arg4[%add3A_1245, %dma_start3A_1246] : memref<16384x1024xf32, #tpu.memory_space<hbm>> -> memref<16x1024xf32, #tpu.memory_space<hbm>>
    %dma_start3A_1248 = arith.constant 0 : i32
    %dma_start3A_1249 = tpu.memref_slice %arg4[%add3A_1245, %dma_start3A_1248] : memref<16384x1024xf32, #tpu.memory_space<hbm>> -> memref<16x1024xf32, #tpu.memory_space<hbm>>
    tpu.enqueue_dma source(%arg12 : memref<16x1024xf32, #tpu.memory_space<vmem>>) target(%dma_start3A_1249 : memref<16x1024xf32, #tpu.memory_space<hbm>>) target_semaphore(%arg26 : memref<!tpu.dma_semaphore, #tpu.memory_space<semaphore_mem>>)
    %add3A_1250 = arith.constant 8192 : i32
    %add3A_1251 = arith.addi %add3A_1250, %mul3A_2 : i32
    %add3A_1252 = arith.constant 112 : i32
    %add3A_1253 = arith.addi %add3A_1251, %add3A_1252 : i32
    %dma_wait3A_1254 = arith.constant 0 : i32
    %dma_wait3A_1255 = tpu.memref_slice %arg2[%add3A_1253, %dma_wait3A_1254] : memref<16384x1024xf32, #tpu.memory_space<hbm>> -> memref<16x1024xf32, #tpu.memory_space<hbm>>
    %dma_wait3A_1256 = arith.constant 0 : i32
    %dma_wait3A_1257 = tpu.memref_slice %arg2[%add3A_1253, %dma_wait3A_1256] : memref<16384x1024xf32, #tpu.memory_space<hbm>> -> memref<16x1024xf32, #tpu.memory_space<hbm>>
    tpu.wait_dma2 semaphore(%arg15 : memref<!tpu.dma_semaphore, #tpu.memory_space<semaphore_mem>>) src(%dma_wait3A_1257 : memref<16x1024xf32, #tpu.memory_space<hbm>>) dst(%arg7 : memref<16x1024xf32, #tpu.memory_space<vmem>>)
    %scan3A_1258 = arith.constant 0 : i32
    %scan3A_1259 = arith.constant 0 : i32
    %scan3A_1260 = arith.constant 16 : i32
    %scan3A_1261 = arith.addi %scan3A_1259, %scan3A_1260 : i32
    %scan3A_1262 = arith.constant 1 : i32
    %scan3A_1263 = scf.for %scan3A_1312 = %scan3A_1259 to %scan3A_1261 step %scan3A_1262 iter_args(%scan3A_1313 = %scan3A_1258) -> (i32)  : i32 {
      %parallel_loop3A = arith.constant 0 : i32
      %parallel_loop3A_1314 = arith.constant 1024 : i32
      %parallel_loop3A_1315 = arith.constant 16 : i32
      scf.for %parallel_loop3A_1317 = %parallel_loop3A to %parallel_loop3A_1314 step %parallel_loop3A_1315  : i32 {
        %parallel_loop3A_1318 = arith.index_cast %scan3A_1312 : i32 to index
        %parallel_loop3A_1319 = arith.index_cast %parallel_loop3A_1317 : i32 to index
        %parallel_loop3A_1320 = tpu.vector_load %arg6[%parallel_loop3A_1318, %parallel_loop3A_1319] {strides = array<i32>} : memref<16x1024xf32, #tpu.memory_space<vmem>>, vector<1x16xf32>,
        %parallel_loop3A_1321 = vector.shape_cast %parallel_loop3A_1320 : vector<1x16xf32> to vector<16xf32>
        %parallel_loop3A_1322 = arith.index_cast %scan3A_1312 : i32 to index
        %parallel_loop3A_1323 = arith.index_cast %parallel_loop3A_1317 : i32 to index
        %parallel_loop3A_1324 = tpu.vector_load %arg7[%parallel_loop3A_1322, %parallel_loop3A_1323] {strides = array<i32>} : memref<16x1024xf32, #tpu.memory_space<vmem>>, vector<1x16xf32>,
        %parallel_loop3A_1325 = vector.shape_cast %parallel_loop3A_1324 : vector<1x16xf32> to vector<16xf32>
        %parallel_loop3A_1326 = vector.shape_cast %parallel_loop3A_1321 : vector<16xf32> to vector<1x16xf32>
        tpu.vector_store %arg7[%parallel_loop3A_1322, %parallel_loop3A_1323], %parallel_loop3A_1326 {add = true, strides = array<i32>} : memref<16x1024xf32, #tpu.memory_space<vmem>>, vector<1x16xf32>,
      } {sc.loop_unroll_factor = 16 : i64, sc.parallel_access}
      %scan3A_1316 = arith.constant 0 : i32
      scf.yield %scan3A_1316 : i32
    }
    %scan3A_1264 = arith.constant 16 : i32
    %add3A_1265 = arith.constant 8192 : i32
    %add3A_1266 = arith.addi %add3A_1265, %mul3A_2 : i32
    %add3A_1267 = arith.constant 112 : i32
    %add3A_1268 = arith.addi %add3A_1266, %add3A_1267 : i32
    %dma_start3A_1269 = arith.constant 0 : i32
    %dma_start3A_1270 = tpu.memref_slice %arg4[%add3A_1268, %dma_start3A_1269] : memref<16384x1024xf32, #tpu.memory_space<hbm>> -> memref<16x1024xf32, #tpu.memory_space<hbm>>
    %dma_start3A_1271 = arith.constant 0 : i32
    %dma_start3A_1272 = tpu.memref_slice %arg4[%add3A_1268, %dma_start3A_1271] : memref<16384x1024xf32, #tpu.memory_space<hbm>> -> memref<16x1024xf32, #tpu.memory_space<hbm>>
    tpu.enqueue_dma source(%arg7 : memref<16x1024xf32, #tpu.memory_space<vmem>>) target(%dma_start3A_1272 : memref<16x1024xf32, #tpu.memory_space<hbm>>) target_semaphore(%arg21 : memref<!tpu.dma_semaphore, #tpu.memory_space<semaphore_mem>>)
    %add3A_1273 = arith.constant 12288 : i32
    %add3A_1274 = arith.addi %add3A_1273, %mul3A_2 : i32
    %add3A_1275 = arith.constant 112 : i32
    %add3A_1276 = arith.addi %add3A_1274, %add3A_1275 : i32
    %dma_wait3A_1277 = arith.constant 0 : i32
    %dma_wait3A_1278 = tpu.memref_slice %arg2[%add3A_1276, %dma_wait3A_1277] : memref<16384x1024xf32, #tpu.memory_space<hbm>> -> memref<16x1024xf32, #tpu.memory_space<hbm>>
    %dma_wait3A_1279 = arith.constant 0 : i32
    %dma_wait3A_1280 = tpu.memref_slice %arg2[%add3A_1276, %dma_wait3A_1279] : memref<16384x1024xf32, #tpu.memory_space<hbm>> -> memref<16x1024xf32, #tpu.memory_space<hbm>>
    tpu.wait_dma2 semaphore(%arg16 : memref<!tpu.dma_semaphore, #tpu.memory_space<semaphore_mem>>) src(%dma_wait3A_1280 : memref<16x1024xf32, #tpu.memory_space<hbm>>) dst(%arg8 : memref<16x1024xf32, #tpu.memory_space<vmem>>)
    %scan3A_1281 = arith.constant 0 : i32
    %scan3A_1282 = arith.constant 0 : i32
    %scan3A_1283 = arith.constant 16 : i32
    %scan3A_1284 = arith.addi %scan3A_1282, %scan3A_1283 : i32
    %scan3A_1285 = arith.constant 1 : i32
    %scan3A_1286 = scf.for %scan3A_1312 = %scan3A_1282 to %scan3A_1284 step %scan3A_1285 iter_args(%scan3A_1313 = %scan3A_1281) -> (i32)  : i32 {
      %parallel_loop3A = arith.constant 0 : i32
      %parallel_loop3A_1314 = arith.constant 1024 : i32
      %parallel_loop3A_1315 = arith.constant 16 : i32
      scf.for %parallel_loop3A_1317 = %parallel_loop3A to %parallel_loop3A_1314 step %parallel_loop3A_1315  : i32 {
        %parallel_loop3A_1318 = arith.index_cast %scan3A_1312 : i32 to index
        %parallel_loop3A_1319 = arith.index_cast %parallel_loop3A_1317 : i32 to index
        %parallel_loop3A_1320 = tpu.vector_load %arg6[%parallel_loop3A_1318, %parallel_loop3A_1319] {strides = array<i32>} : memref<16x1024xf32, #tpu.memory_space<vmem>>, vector<1x16xf32>,
        %parallel_loop3A_1321 = vector.shape_cast %parallel_loop3A_1320 : vector<1x16xf32> to vector<16xf32>
        %parallel_loop3A_1322 = arith.index_cast %scan3A_1312 : i32 to index
        %parallel_loop3A_1323 = arith.index_cast %parallel_loop3A_1317 : i32 to index
        %parallel_loop3A_1324 = tpu.vector_load %arg8[%parallel_loop3A_1322, %parallel_loop3A_1323] {strides = array<i32>} : memref<16x1024xf32, #tpu.memory_space<vmem>>, vector<1x16xf32>,
        %parallel_loop3A_1325 = vector.shape_cast %parallel_loop3A_1324 : vector<1x16xf32> to vector<16xf32>
        %parallel_loop3A_1326 = vector.shape_cast %parallel_loop3A_1321 : vector<16xf32> to vector<1x16xf32>
        tpu.vector_store %arg8[%parallel_loop3A_1322, %parallel_loop3A_1323], %parallel_loop3A_1326 {add = true, strides = array<i32>} : memref<16x1024xf32, #tpu.memory_space<vmem>>, vector<1x16xf32>,
      } {sc.loop_unroll_factor = 16 : i64, sc.parallel_access}
      %scan3A_1316 = arith.constant 0 : i32
      scf.yield %scan3A_1316 : i32
    }
    %scan3A_1287 = arith.constant 16 : i32
    %add3A_1288 = arith.constant 12288 : i32
    %add3A_1289 = arith.addi %add3A_1288, %mul3A_2 : i32
    %add3A_1290 = arith.constant 112 : i32
    %add3A_1291 = arith.addi %add3A_1289, %add3A_1290 : i32
    %dma_start3A_1292 = arith.constant 0 : i32
    %dma_start3A_1293 = tpu.memref_slice %arg4[%add3A_1291, %dma_start3A_1292] : memref<16384x1024xf32, #tpu.memory_space<hbm>> -> memref<16x1024xf32, #tpu.memory_space<hbm>>
    %dma_start3A_1294 = arith.constant 0 : i32
    %dma_start3A_1295 = tpu.memref_slice %arg4[%add3A_1291, %dma_start3A_1294] : memref<16384x1024xf32, #tpu.memory_space<hbm>> -> memref<16x1024xf32, #tpu.memory_space<hbm>>
    tpu.enqueue_dma source(%arg8 : memref<16x1024xf32, #tpu.memory_space<vmem>>) target(%dma_start3A_1295 : memref<16x1024xf32, #tpu.memory_space<hbm>>) target_semaphore(%arg22 : memref<!tpu.dma_semaphore, #tpu.memory_space<semaphore_mem>>)
    %add3A_1296 = arith.constant 8192 : i32
    %add3A_1297 = arith.addi %add3A_1296, %mul3A_2 : i32
    %add3A_1298 = arith.constant 112 : i32
    %add3A_1299 = arith.addi %add3A_1297, %add3A_1298 : i32
    %dma_wait3A_1300 = arith.constant 0 : i32
    %dma_wait3A_1301 = tpu.memref_slice %arg4[%add3A_1299, %dma_wait3A_1300] : memref<16384x1024xf32, #tpu.memory_space<hbm>> -> memref<16x1024xf32, #tpu.memory_space<hbm>>
    %dma_wait3A_1302 = arith.constant 0 : i32
    %dma_wait3A_1303 = tpu.memref_slice %arg4[%add3A_1299, %dma_wait3A_1302] : memref<16384x1024xf32, #tpu.memory_space<hbm>> -> memref<16x1024xf32, #tpu.memory_space<hbm>>
    tpu.wait_dma2 semaphore(%arg21 : memref<!tpu.dma_semaphore, #tpu.memory_space<semaphore_mem>>) src(%arg7 : memref<16x1024xf32, #tpu.memory_space<vmem>>) dst(%dma_wait3A_1303 : memref<16x1024xf32, #tpu.memory_space<hbm>>)
    %add3A_1304 = arith.constant 12288 : i32
    %add3A_1305 = arith.addi %add3A_1304, %mul3A_2 : i32
    %add3A_1306 = arith.constant 112 : i32
    %add3A_1307 = arith.addi %add3A_1305, %add3A_1306 : i32
    %dma_wait3A_1308 = arith.constant 0 : i32
    %dma_wait3A_1309 = tpu.memref_slice %arg4[%add3A_1307, %dma_wait3A_1308] : memref<16384x1024xf32, #tpu.memory_space<hbm>> -> memref<16x1024xf32, #tpu.memory_space<hbm>>
    %dma_wait3A_1310 = arith.constant 0 : i32
    %dma_wait3A_1311 = tpu.memref_slice %arg4[%add3A_1307, %dma_wait3A_1310] : memref<16384x1024xf32, #tpu.memory_space<hbm>> -> memref<16x1024xf32, #tpu.memory_space<hbm>>
    tpu.wait_dma2 semaphore(%arg22 : memref<!tpu.dma_semaphore, #tpu.memory_space<semaphore_mem>>) src(%arg8 : memref<16x1024xf32, #tpu.memory_space<vmem>>) dst(%dma_wait3A_1311 : memref<16x1024xf32, #tpu.memory_space<hbm>>)
    return
  }
}

</mosaic_0001>

<sc_bundles>
// kernel: kernel.3.cloned.1.call-start
scs
__scs_entry_jumppad:
0x0: {  	(pc) =	sbr.rel $0x88, $3  }
0x1: {  	(tag) =	ssettag $0x0;
	lr =	simm.s32 $0x1  }
0x2: {  	[smem:$0x3F9F] =	sst lr;
	_ =	strace $0xD0000000  }
0x3: {  	_ = 	snop  }
0x4: {  	_ = 	snop  }
0x5: {  	_ = 	snop  }
0x6: {  	_ = 	snop  }
0x7: {  	_ = 	snop  }
__scs_overlays_trampoline_lowered:
0x8: {  	[smem:$0x3FAE] =	sst s0  }
0x9: {  	[smem:$0x3FAF] =	sst s1  }
0xa: {  	[smem:$0x3FB0] =	sst s2  }
0xb: {  	[smem:$0x3FB1] =	sst s3  }
0xc: {  	[smem:$0x3FB2] =	sst s4  }
0xd: {  	[smem:$0x3FB3] =	sst s5  }
0xe: {  	[smem:$0x3FB4] =	sst s6  }
0xf: {  	[smem:$0x3FB5] =	sst s7  }
0x10: {  	[smem:$0x3FB6] =	sst s8  }
0x11: {  	[smem:$0x3FB7] =	sst s9;
	s0 =	simm.s32 @!p0 $0x0  }
0x12: {  	s1 =	sld [smem:$0x3F9D];
	s0 =	simm.s32 @p0 $0x1  }
0x13: {  	[smem:$0x3FB8] =	sst s0;
	s0 =	simm.s32 @!p1 $0x0  }
0x14: {  	s2 =	sld [smem:$0x3F9C];
	s0 =	simm.s32 @p1 $0x1  }
0x15: {  	[smem:$0x3FB9] =	sst s0;
	s0 =	simm.s32 @!p2 $0x0  }
0x16: {  	s3 =	sld [smem:$0x3FDB];
	s0 =	simm.s32 @p2 $0x1  }
0x17: {  	s4 =	simm.s32 $0x1BF5;
	[smem:$0x3FBB] =	sst s0  }
0x18: {  	s0 =	sld [smem:$0x3F9E];
	_ =	swait.ge [sflag:s4], $0x0  }
0x19: {  	s7 =	sld [smem:$0x3F9F]  }
0x1a: {  	s8 =	sadd.s32 $0xFFFFE003, lr  }
0x1b: {  	s9 =	sadd.s32 $0xFFFFFEF7, lr;
	s5 =	simm.s32 $0xFFFFFFFF;
	p2 =	slt.u32 s8, $0xFFFFF086  }
0x1c: {  	p1 =	slt.u32 s9, $0xF7A;
	s5 =	simm.s32 @!p2 $0x0  }
0x1d: {  	s5 =	simm.s32 @p1 $0x1;
	p0 =	seq.s32 s7, s2  }
0x1e: {  	s7 =	smul.u32 @!p0 $0xF7A, s2;
	p2 =	seq.s32 @!p0 s5, $0x0  }
0x1f: {  	s9 =	smul.u32 $0xF7A, s1;
	s8 =	simm.s32 @!p0 $0x1BF5;
	p2 =	por !p2, p0  }
0x20: {  	[sflag:s8] =	ssyncset.s32 @!p0 $0xFFFFF086;
	s6 =	sadd.s32 @!p0 s3, s7;
	s7 =	simm.s32 @!p0 $0x108  }
0x21: {  	s3 =	sadd.s32 s3, s9;
	s6 =	sadd.s32 @!p0 $0x88, s6;
	s7 =	simm.s32 @p2 $0x1082  }
0x22: {  	[simem:s7], [sflag:s8] =	dma.local @!p0 [hbm:s6], $0xF7A  }
0x23: {  	s9 =	sor.u32 $0xD0000000, s2;
	s6 =	simm.s32 $0x108;
	_ =	swait.ge @!p0 [sflag:s8], $0x0  }
0x24: {  	s3 =	sadd.s32 $0x88, s3;
	s6 =	simm.s32 @!p1 $0x1082;
	[sflag:s4] =	ssyncset.s32 $0xFFFFF086  }
0x25: {  	[simem:s6], [sflag:s4] =	dma.local [hbm:s3], $0xF7A  }
0x26: {  	[smem:$0x3F9F] =	sst s1;
	(tag) =	ssettag s2;
	_ =	strace s9  }
0x27: {  	s1 =	sld [smem:$0x3FAF]  }
0x28: {  	s2 =	sld [smem:$0x3FB0]  }
0x29: {  	s4 =	sld [smem:$0x3FB2]  }
0x2a: {  	p0 =	seq.s32 s5, $0x0;
	s5 =	sld [smem:$0x3FB3]  }
0x2b: {  	s6 =	sld [smem:$0x3FB4]  }
0x2c: {  	s7 =	sld [smem:$0x3FB5]  }
0x2d: {  	s3 =	simm.s32 $0x108;
	s8 =	sld [smem:$0x3FB6]  }
0x2e: {  	s3 =	simm.s32 @!p0 $0x1082;
	s9 =	sld [smem:$0x3FB7]  }
0x2f: {  	lr =	sadd.s32 s0, s3;
	s0 =	sld [smem:$0x3FAE]  }
0x30: {  	s3 =	sld [smem:$0x3FB1]  }
0x31: {  	[smem:$0x3FBA] =	sst s10  }
0x32: {  	s10 =	sld [smem:$0x3FB8];
	_ =	sdelay $0x3  }
0x33: {  	p0 =	seq.s32 s10, $0x1;
	s10 =	sld [smem:$0x3FBA];
	_ =	sdelay $0x3  }
0x34: {  	[smem:$0x3FBA] =	sst s10  }
0x35: {  	s10 =	sld [smem:$0x3FB9];
	_ =	sdelay $0x3  }
0x36: {  	p1 =	seq.s32 s10, $0x1;
	s10 =	sld [smem:$0x3FBA];
	_ =	sdelay $0x3  }
0x37: {  	[smem:$0x3FBA] =	sst s10  }
0x38: {  	s10 =	sld [smem:$0x3FBB]  }
0x39: {  	_ = 	snop;
	(pc) =	sbr.ind lr, $3  }
0x3a: {  	_ = 	snop  }
0x3b: {  	_ = 	snop  }
0x3c: {  	p2 =	seq.s32 s10, $0x1;
	s10 =	sld [smem:$0x3FBA]  }
0x3d: {  	_ =	shalt  }
0x3e: {  	_ =	shalt  }
0x3f: {  	_ =	shalt  }
0x40: {  	_ =	shalt  }
0x41: {  	_ =	shalt  }
0x42: {  	_ =	shalt  }
0x43: {  	_ =	shalt  }
0x44: {  	_ =	shalt  }
0x45: {  	_ =	shalt  }
0x46: {  	_ =	shalt  }
0x47: {  	_ =	shalt  }
0x48: {  	_ =	shalt  }
0x49: {  	_ =	shalt  }
0x4a: {  	_ =	shalt  }
0x4b: {  	_ =	shalt  }
0x4c: {  	_ =	shalt  }
0x4d: {  	_ =	shalt  }
0x4e: {  	_ =	shalt  }
0x4f: {  	_ =	shalt  }
0x50: {  	_ =	shalt  }
0x51: {  	_ =	shalt  }
0x52: {  	_ =	shalt  }
0x53: {  	_ =	shalt  }
0x54: {  	_ =	shalt  }
0x55: {  	_ =	shalt  }
0x56: {  	_ =	shalt  }
0x57: {  	_ =	shalt  }
0x58: {  	_ =	shalt  }
0x59: {  	_ =	shalt  }
0x5a: {  	_ =	shalt  }
0x5b: {  	_ =	shalt  }
0x5c: {  	_ =	shalt  }
0x5d: {  	_ =	shalt  }
0x5e: {  	_ =	shalt  }
0x5f: {  	_ =	shalt  }
0x60: {  	_ =	shalt  }
0x61: {  	_ =	shalt  }
0x62: {  	_ =	shalt  }
0x63: {  	_ =	shalt  }
0x64: {  	_ =	shalt  }
0x65: {  	_ =	shalt  }
0x66: {  	_ =	shalt  }
0x67: {  	_ =	shalt  }
0x68: {  	_ =	shalt  }
0x69: {  	_ =	shalt  }
0x6a: {  	_ =	shalt  }
0x6b: {  	_ =	shalt  }
0x6c: {  	_ =	shalt  }
0x6d: {  	_ =	shalt  }
0x6e: {  	_ =	shalt  }
0x6f: {  	_ =	shalt  }
0x70: {  	_ =	shalt  }
0x71: {  	_ =	shalt  }
0x72: {  	_ =	shalt  }
0x73: {  	_ =	shalt  }
0x74: {  	_ =	shalt  }
0x75: {  	_ =	shalt  }
0x76: {  	_ =	shalt  }
0x77: {  	_ =	shalt  }
0x78: {  	_ =	shalt  }
0x79: {  	_ =	shalt  }
0x7a: {  	_ =	shalt  }
0x7b: {  	_ =	shalt  }
0x7c: {  	_ =	shalt  }
0x7d: {  	_ =	shalt  }
0x7e: {  	_ =	shalt  }
0x7f: {  	_ =	shalt  }
0x80: {  	_ =	shalt  }
0x81: {  	_ =	shalt  }
0x82: {  	_ =	shalt  }
0x83: {  	_ =	shalt  }
0x84: {  	_ =	shalt  }
0x85: {  	_ =	shalt  }
0x86: {  	_ =	shalt  }
0x87: {  	_ =	shalt  }
.Lfunc_end0:
.L_simem_size_0:
called_computation_lowered:
.L_overlay_start_0:
0x88: {  	s2 =	sld [smem:$0x3FD9]  }
0x89: {  	s3 =	sld [smem:$0x3FFE];
	_ =	sdelay $0x1  }
0x8a: {  	s1 =	srdreg.scid  }
0x8b: {  	s0 =	sand.u32 $0x1, s1  }
0x8c: {  	s18 =	sshll.u32 s0, $0xA;
	s2 =	sadd.s32 s3, s2  }
0x8d: {  	s2 =	sadd.s32 s2, s18  }
0x8e: {  	[smem:$0x3FC6] =	sst s2  }
0x8f: {  	_ = 	snop  }
0x90: {  	s2 =	sld [smem:$0x3FC9]  }
0x91: {  	s19 =	sld [smem:$0x3FC8]  }
0x92: {  	s4 =	sld [smem:$0x3FD0];
	(tm) =	ssettm $0x1  }
0x93: {  	s5 =	sld [smem:$0x3FFB];
	_ =	sdelay $0x3  }
0x94: {  	_ =	strace s5  }
0x95: {  	s5 =	sld [smem:$0x3FFC];
	_ =	sdelay $0x3  }
0x96: {  	_ =	strace s5  }
0x97: {  	s5 =	sld [smem:$0x3FFD];
	_ =	sdelay $0x3  }
0x98: {  	_ =	strace s5  }
0x99: {  	_ =	strace $0x8FFFFFFF  }
0x9a: {  	s20 =	sld [smem:$0x3FDB];
	_ =	sdelay $0x1  }
0x9b: {  	s6 =	simm.s32 $_scs_section_size  }
0x9c: {  	s7 =	simm.s32 $_size__tile_overlayer_lowered;
	s8 =	simm.s32 $_tile_overlayer_lowered  }
0x9d: {  	s23 =	simm.s32 $0x1BFF;
	s22 =	sshll.u32 s8, $0x1;
	s5 =	sadd.s32 s6, s20  }
0x9e: {  	s9 =	simm.s32 $0x0;
	s21 =	sshll.u32 s7, $0x1;
	s7 =	sadd.s32 s22, s5  }
0x9f: {  	[timem:s9], [sflag:s23] =	dma.local [hbm:s7], s21  }
0xa0: {  	_ =	swait.ge [sflag:s23], s21  }
0xa1: {  	s6 =	ssub.s32 $0x0, s21;
	[sflag:s23] =	ssyncset.done $0x0  }
0xa2: {  	[sflag:s23] =	ssyncadd.s32 s6;
	_ =	sdelay $0x1  }
0xa3: {  	s24 =	simm.s32 $0x1B8B  }
0xa4: {  	_ =	swait.ge [sflag:s24], $0x1  }
0xa5: {  	[sflag:s24] =	ssyncset.done $0x0  }
0xa6: {  	s25 =	simm.s32 $0x1B8E;
	[sflag:s24] =	ssyncadd.s32 $0xFFFFFFFF  }
0xa7: {  	s26 =	simm.s32 $execute0_lowered;
	[smem:$0x3FD2] =	sst s25  }
0xa8: {  	s6 =	sshll.u32 s26, $0x1;
	_ =	strace $0x80000046;
	[dreg:$0x1] =	wrdreg $0xFFFFFFFF  }
0xa9: {  	s28 =	simm.s32 $_size_execute0_lowered;
	s5 =	sadd.s32 s5, s6;
	[dreg:$0x0] =	wrdreg $0x0  }
0xaa: {  	s6 =	sshll.u32 s28, $0x1;
	[dreg:$0x2] =	wrdreg s5  }
0xab: {  	[dreg:$0x3] =	wrdreg s6  }
0xac: {  	[dreg:$0x4] =	wrdreg $0xC0  }
0xad: {  	_ =	task [dreg:s9], $0x5FFFF  }
0xae: {  	[dreg:$0x1] =	wrdreg $0xFFFFFFFF  }
0xaf: {  	[dreg:$0x0] =	wrdreg $0x60  }
0xb0: {  	[dreg:$0x2] =	wrdreg s2  }
0xb1: {  	[dreg:$0x3] =	wrdreg s19  }
0xb2: {  	[dreg:$0x4] =	wrdreg s4  }
0xb3: {  	[dreg:$0x5] =	wrdreg $0x9  }
0xb4: {  	_ =	task.clear_ibuf [dreg:s9], $0x6FFFF;
	_ =	strace $0x90000046  }
0xb5: {  	s29 =	simm.s32 $0x9;
	_ =	strace $0x80000048  }
0xb6: {  	_ =	swait.ge [sflag:s29], $0x1  }
0xb7: {  	[sflag:s29] =	ssyncadd.s32 $0xFFFFFFFF  }
0xb8: {  	_ =	strace $0x90000048  }
0xb9: {  	_ =	sfence  }
0xba: {  	s30 =	sld [smem:$0x0];
	_ =	sdelay $0x2  }
0xbb: {  	s31 =	sshll.u32 s1, $0xD;
	s1 =	sshrl.u32 s1, $0x2  }
0xbc: {  	s3 =	sand.u32 $0x4000, s31;
	s1 =	sadd.s32 s1, s30  }
0xbd: {  	s0 =	sor.u32 s3, s0;
	s1 =	sshll.u32 s1, $0x11  }
0xbe: {  	s0 =	sor.u32 s1, s0  }
0xbf: {  	s0 =	sadd.s32 $0x8F2B, s0  }
0xc0: {  	[sflag:s0] =	ssyncadd.remote.s32 $0x1  }
0xc1: {  	_ =	sfence.sel $0xFFFF  }
0xc2: {  	[dreg:$0x0] =	wrdreg $0xFFFFFFFF;
	(pc) =	sbr.abs _section_cstart, $3  }
0xc3: {  	[dreg:$0x1] =	wrdreg $0xFFFFFFFF  }
0xc4: {  	_ =	task.clear_ibuf [dreg:s9], $0x2FFFF;
	_ =	strace $0x9FFFFFFF  }
0xc5: {  	(tm) =	ssettm $0x7FFFFFFF  }
tec
execute0_lowered:
.L_overlay_start_1:
0x0: {  	(tag) =	ssettag $0x1  }
0x1: {  	s1 =	srdreg.scid  }
0x2: {  	s0 =	rddreg [dreg:$0x0];
	s2 =	stileid.u32;
	s1 =	sand.u32 $0x1, s1  }
0x3: {  	s5 =	rddreg [dreg:$0x1];
	s3 =	sshll.u32 s2, $0xF;
	s4 =	sshll.u32 s1, $0xE  }
0x4: {  	s2 =	rddreg [dreg:$0x2];
	s4 =	sor.u32 s4, s3  }
0x5: {  	s6 =	ssub.s32 $0x2, s1;
	s1 =	simm.s32 $0x0;
	s7 =	sor.u32 $0x80000, s4  }
0x6: {  	[smem:$0x7FF] =	sst s1;
	s21 =	sor.u32 $0x100000, s4;
	s20 =	sadd.s32 s0, s7  }
0x7: {  	s8 =	sor.u32 $0x180000, s4;
	s10 =	sadd.s32 s0, s21;
	[dreg:$0x4] =	wrdreg s20  }
0x8: {  	s9 =	sor.u32 $0x800, s4;
	s22 =	sadd.s32 s0, s8;
	[dreg:$0x5] =	wrdreg s10  }
0x9: {  	s23 =	sadd.s32 s5, s9;
	[dreg:$0x6] =	wrdreg s22  }
0xa: {  	s25 =	sor.u32 $0x80800, s4;
	s24 =	sadd.s32 s0, s9;
	[dreg:$0x7] =	wrdreg s23  }
0xb: {  	s12 =	sadd.s32 s0, s25;
	[dreg:$0x8] =	wrdreg s24  }
0xc: {  	s11 =	sor.u32 $0x100800, s4;
	s7 =	sadd.s32 s2, s7;
	[dreg:$0x9] =	wrdreg s12  }
0xd: {  	s19 =	sshrl.u32 s6, $0x1;
	s26 =	sadd.s32 s0, s11;
	[dreg:$0xa] =	wrdreg s7  }
0xe: {  	s3 =	ssub.s32 s6, s19;
	s6 =	sadd.s32 s2, s21;
	[dreg:$0xb] =	wrdreg s26  }
0xf: {  	s13 =	sor.u32 $0x1000, s4;
	s8 =	sadd.s32 s2, s8;
	[dreg:$0xc] =	wrdreg s6  }
0x10: {  	s15 =	sadd.s32 s5, s13;
	[dreg:$0xe] =	wrdreg s8  }
0x11: {  	s16 =	sadd.s32 s0, s13;
	[dreg:$0xf] =	wrdreg s15  }
0x12: {  	s17 =	sadd.s32 s2, s9;
	[dreg:$0x10] =	wrdreg s16  }
0x13: {  	s19 =	sadd.s32 s2, s25;
	[dreg:$0x11] =	wrdreg s17  }
0x14: {  	s21 =	sadd.s32 s2, s13;
	[dreg:$0x12] =	wrdreg s19  }
0x15: {  	s18 =	sor.u32 $0x81000, s4;
	s20 =	sadd.s32 s2, s11;
	[dreg:$0x15] =	wrdreg s21  }
0x16: {  	s22 =	sadd.s32 s0, s18;
	[dreg:$0x13] =	wrdreg s20  }
0x17: {  	s9 =	sor.u32 $0x1800, s4;
	s24 =	sadd.s32 s2, s18;
	[dreg:$0x16] =	wrdreg s22  }
0x18: {  	s10 =	sadd.s32 s5, s9;
	[dreg:$0x17] =	wrdreg s24  }
0x19: {  	s13 =	sor.u32 $0x101800, s4;
	s11 =	sadd.s32 s0, s9;
	[dreg:$0x1c] =	wrdreg s10  }
0x1a: {  	s15 =	sadd.s32 s0, s13;
	[dreg:$0x1d] =	wrdreg s11  }
0x1b: {  	s7 =	sor.u32 $0x180800, s4;
	s16 =	sadd.s32 s2, s13;
	[smem:$0x7D2] =	sst s15  }
0x1c: {  	s14 =	sadd.s32 s0, s7;
	[smem:$0x7D3] =	sst s16  }
0x1d: {  	s23 =	sor.u32 $0x101000, s4;
	s6 =	sadd.s32 s2, s7;
	[dreg:$0xd] =	wrdreg s14  }
0x1e: {  	s26 =	sor.u32 $0x181000, s4;
	s25 =	sadd.s32 s0, s23;
	[dreg:$0x14] =	wrdreg s6  }
0x1f: {  	s8 =	sadd.s32 s0, s26;
	[dreg:$0x18] =	wrdreg s25  }
0x20: {  	s17 =	sor.u32 $0x181800, s4;
	s7 =	sadd.s32 s2, s26;
	[dreg:$0x1a] =	wrdreg s8  }
0x21: {  	s18 =	sor.u32 $0x2000, s4;
	s19 =	sadd.s32 s0, s17;
	[dreg:$0x1b] =	wrdreg s7  }
0x22: {  	s20 =	sadd.s32 s5, s18;
	[smem:$0x7D4] =	sst s19  }
0x23: {  	s21 =	sadd.s32 s0, s18;
	[smem:$0x7D6] =	sst s20  }
0x24: {  	s22 =	sadd.s32 s2, s18;
	[smem:$0x7D7] =	sst s21  }
0x25: {  	s12 =	sor.u32 $0x81800, s4;
	s6 =	sadd.s32 s2, s23;
	[smem:$0x7D8] =	sst s22  }
0x26: {  	s10 =	sor.u32 $0x2800, s4;
	s14 =	sadd.s32 s0, s12;
	[dreg:$0x19] =	wrdreg s6  }
0x27: {  	s13 =	sor.u32 $0x82800, s4;
	s11 =	sadd.s32 s5, s10;
	[dreg:$0x1f] =	wrdreg s14  }
0x28: {  	s15 =	sor.u32 $0x102800, s4;
	s7 =	sadd.s32 s2, s13;
	[smem:$0x7DF] =	sst s11  }
0x29: {  	s16 =	sadd.s32 s0, s15;
	[smem:$0x7E3] =	sst s7  }
0x2a: {  	s20 =	sadd.s32 s5, s4;
	[smem:$0x7E4] =	sst s16  }
0x2b: {  	s23 =	sor.u32 $0x82000, s4;
	s6 =	sadd.s32 s2, s9;
	[smem:$0x7E8] =	sst s20  }
0x2c: {  	s25 =	sor.u32 $0x102000, s4;
	s24 =	sadd.s32 s0, s23;
	[dreg:$0x1e] =	wrdreg s6  }
0x2d: {  	s8 =	sor.u32 $0x182000, s4;
	s26 =	sadd.s32 s0, s25;
	[smem:$0x7D9] =	sst s24  }
0x2e: {  	s9 =	sadd.s32 s0, s8;
	[smem:$0x7DB] =	sst s26  }
0x2f: {  	s21 =	sor.u32 $0x3000, s4;
	s14 =	sadd.s32 s0, s13;
	[smem:$0x7DD] =	sst s9  }
0x30: {  	s22 =	sadd.s32 s5, s21;
	[smem:$0x7E2] =	sst s14  }
0x31: {  	s13 =	sadd.s32 s2, s4;
	[smem:$0x7E9] =	sst s22  }
0x32: {  	s6 =	sadd.s32 s2, s12;
	[smem:$0x7F2] =	sst s13  }
0x33: {  	s7 =	sor.u32 $0x3800, s4;
	s12 =	sadd.s32 s0, s10;
	[smem:$0x7D1] =	sst s6  }
0x34: {  	s5 =	sadd.s32 s5, s7;
	[smem:$0x7E0] =	sst s12  }
0x35: {  	s16 =	sor.u32 $0x103800, s4;
	s24 =	sadd.s32 s2, s21;
	[smem:$0x7EA] =	sst s5  }
0x36: {  	s20 =	sadd.s32 s0, s16;
	[smem:$0x7EC] =	sst s24  }
0x37: {  	s28 =	simm.s32 $0x6;
	s22 =	sadd.s32 s2, s7;
	[smem:$0x7F6] =	sst s20  }
0x38: {  	s26 =	sor.u32 $0x103000, s4;
	s6 =	sadd.s32 s2, s17;
	[smem:$0x7F9] =	sst s22  }
0x39: {  	s29 =	simm.s32 $0xA;
	s11 =	sadd.s32 s2, s26;
	[smem:$0x7D5] =	sst s6  }
0x3a: {  	s30 =	simm.s32 $0x2;
	s12 =	sadd.s32 s0, s4;
	[smem:$0x7F0] =	sst s11  }
0x3b: {  	s31 =	simm.s32 $0x7;
	s24 =	sadd.s32 s2, s16;
	[smem:$0x7F1] =	sst s12  }
0x3c: {  	s17 =	sor.u32 $0x182800, s4;
	s6 =	sadd.s32 s2, s23;
	[smem:$0x7FB] =	sst s24  }
0x3d: {  	s14 =	sor.u32 $0x183000, s4;
	s18 =	sadd.s32 s0, s17;
	[smem:$0x7DA] =	sst s6  }
0x3e: {  	s16 =	simm.s32 $0xC000;
	s19 =	sadd.s32 s2, s17;
	[smem:$0x7E6] =	sst s18  }
0x3f: {  	s20 =	simm.s32 $0x4000;
	s23 =	sadd.s32 s0, s21;
	[smem:$0x7E7] =	sst s19  }
0x40: {  	s22 =	simm.s32 $0x18000;
	s17 =	sadd.s32 s0, s14;
	[smem:$0x7EB] =	sst s23  }
0x41: {  	s21 =	sadd.s32 s2, s14;
	s24 =	simm.s32 $0x1C000;
	[smem:$0x7F3] =	sst s17  }
0x42: {  	s6 =	sadd.s32 s2, s25;
	s25 =	sor.u32 $0x83000, s4;
	[smem:$0x7F8] =	sst s21  }
0x43: {  	s18 =	sadd.s32 s0, s7;
	s17 =	simm.s32 $0x10000;
	[smem:$0x7DC] =	sst s6  }
0x44: {  	s21 =	simm.s32 $0x3;
	s6 =	sadd.s32 s2, s8;
	[smem:$0x7F4] =	sst s18  }
0x45: {  	s9 =	sadd.s32 s0, s25;
	s5 =	sadd.s32 s2, s25;
	[smem:$0x7DE] =	sst s6  }
0x46: {  	s18 =	simm.s32 $0x14000;
	s6 =	sadd.s32 s2, s10;
	[smem:$0x7ED] =	sst s9  }
0x47: {  	[smem:$0x7EE] =	sst s5;
	s10 =	sadd.s32 s0, s26;
	s26 =	smax.u32 s3, $0x1  }
0x48: {  	s3 =	simm.s32 $0xC;
	s5 =	simm.s32 $0xE;
	[smem:$0x7E1] =	sst s6  }
0x49: {  	s6 =	sadd.s32 s2, s15;
	[smem:$0x7EF] =	sst s10;
	s15 =	sor.u32 $0x83800, s4  }
0x4a: {  	s4 =	sor.u32 $0x183800, s4;
	[smem:$0x7E5] =	sst s6;
	s19 =	sadd.s32 s0, s15  }
0x4b: {  	s0 =	sadd.s32 s0, s4;
	s23 =	sadd.s32 s2, s15;
	[smem:$0x7F5] =	sst s19  }
0x4c: {  	s25 =	sadd.s32 s2, s4;
	s15 =	simm.s32 $0x8000;
	[smem:$0x7F7] =	sst s0  }
0x4d: {  	s2 =	simm.s32 $0x8;
	s4 =	simm.s32 $0xD;
	[smem:$0x7FA] =	sst s23  }
0x4e: {  	s6 =	simm.s32 $0x0;
	[smem:$0x7FC] =	sst s25;
	s19 =	simm.s32 $0x1  }
0x4f: {  	s23 =	simm.s32 $0x4;
	s25 =	simm.s32 $0x5;
	s0 =	simm.s32 $0xB  }
0x50: {  	_ =	strace $0x80000047;
	[smem:$0x7FD] =	sst s26;
	s26 =	simm.s32 $0x9  }
.LBB2_1:
0x51: {  	s7 =	sld [smem:$0x7E8];
	_ =	sdelay $0x1  }
0x52: {  	s9 =	sld [smem:$0x7F1]  }
0x53: {  	[tilespmem:s1], [sflag:$0x1] =	stream.linear.gather [hbm4b:s7+s1], $0x4000, $0x38;
	v63 =	vld [tilespmem:$0x0]  }
0x54: {  	_ = 	snop  }
0x55: {  	[tilespmem:s15], [sflag:$0x3] =	stream.linear.gather [hbm4b:s9+s1], $0x4000, $0x38;
	v63 =	vld [tilespmem:$0x0]  }
0x56: {  	s10 =	rddreg [dreg:$0x4]  }
0x57: {  	[tilespmem:s16], [sflag:$0x4] =	stream.linear.gather [hbm4b:s10+s1], $0x4000, $0x38;
	v63 =	vld [tilespmem:$0x0]  }
0x58: {  	s11 =	rddreg [dreg:$0x5]  }
0x59: {  	[tilespmem:s17], [sflag:$0x5] =	stream.linear.gather [hbm4b:s11+s1], $0x4000, $0x38;
	v63 =	vld [tilespmem:$0x0]  }
0x5a: {  	s12 =	rddreg [dreg:$0x6]  }
0x5b: {  	[tilespmem:s18], [sflag:$0x6] =	stream.linear.gather [hbm4b:s12+s1], $0x4000, $0x38;
	v63 =	vld [tilespmem:$0x0]  }
0x5c: {  	_ =	swait.ge [sflag:s19], $0x4000  }
0x5d: {  	[sflag:s19] =	ssyncset.done $0x0  }
0x5e: {  	s13 =	rddreg [dreg:$0x7];
	[sflag:s19] =	ssyncadd.s32 $0xFFFFC000  }
0x5f: {  	[tilespmem:s20], [sflag:$0x2] =	stream.linear.gather [hbm4b:s13+s1], $0x4000, $0x38;
	v63 =	vld [tilespmem:$0x0]  }
0x60: {  	_ =	swait.ge [sflag:s21], $0x4000  }
0x61: {  	s8 =	simm.s32 $0x0;
	s7 =	simm.s32 $0x0;
	[sflag:s21] =	ssyncset.done $0x0  }
0x62: {  	s9 =	simm.s32 $0x0;
	s14 =	rddreg [dreg:$0x8];
	[sflag:s21] =	ssyncadd.s32 $0xFFFFC000  }
0x63: {  	[tilespmem:s22], [sflag:$0x7] =	stream.linear.gather [hbm4b:s14+s1], $0x4000, $0x38;
	v63 =	vld [tilespmem:$0x0]  }
.LBB2_2:
0x64: {  	s10 =	sand.u32 $0x7, s8  }
0x65: {  	s10 =	sshll.u32 s10, $0x9  }
0x66: {  	s10 =	sshrl.u32 s10, $0x2  }
0x67: {  	v0 =	vmov s10;
	_ =	sdelay $0x2  }
0x68: {  	s11 =	sand.u32 $0x3FFFE000, s7  }
0x69: {  	s13 =	sor.u32 $0x470, s11  }
0x6a: {  	v1 =	vld.idx.msk [tilespmem:v0+s13+$0x0 ss:$0x1], $0xffff  }
0x6b: {  	v2 =	vld.idx.msk [tilespmem:v0+s13+$0xFFFFFBA0 ss:$0x1], $0xffff  }
0x6c: {  	v3 =	vld.idx.msk [tilespmem:v0+s13+$0xFFFFFBB0 ss:$0x1], $0xffff  }
0x6d: {  	v4 =	vld.idx.msk [tilespmem:v0+s13+$0xFFFFFBC0 ss:$0x1], $0xffff  }
0x6e: {  	v5 =	vld.idx.msk [tilespmem:v0+s13+$0xFFFFFBD0 ss:$0x1], $0xffff  }
0x6f: {  	v6 =	vld.idx.msk [tilespmem:v0+s13+$0xFFFFFBE0 ss:$0x1], $0xffff  }
0x70: {  	v7 =	vld.idx.msk [tilespmem:v0+s13+$0xFFFFFC00 ss:$0x1], $0xffff  }
0x71: {  	v8 =	vld.idx.msk [tilespmem:v0+s13+$0xFFFFFF90 ss:$0x1], $0xffff  }
0x72: {  	v9 =	vld.idx.msk [tilespmem:v0+s13+$0xFFFFFFA0 ss:$0x1], $0xffff  }
0x73: {  	v10 =	vld.idx.msk [tilespmem:v0+s13+$0xFFFFFFB0 ss:$0x1], $0xffff  }
0x74: {  	v11 =	vld.idx.msk [tilespmem:v0+s13+$0xFFFFFFC0 ss:$0x1], $0xffff  }
0x75: {  	v12 =	vld.idx.msk [tilespmem:v0+s13+$0xFFFFFFD0 ss:$0x1], $0xffff  }
0x76: {  	v13 =	vld.idx.msk [tilespmem:v0+s13+$0xFFFFFFE0 ss:$0x1], $0xffff  }
0x77: {  	s11 =	sadd.s32 $0x8000, s11;
	v14 =	vld.idx.msk [tilespmem:v0+s13+$0xFFFFFFF0 ss:$0x1], $0xffff  }
0x78: {  	s14 =	sadd.s32 s10, s11;
	v15 =	vld.idx.msk [tilespmem:v0+s13+$0xFFFFFB90 ss:$0x1], $0xffff  }
0x79: {  	[tilespmem:s14+$0x470] =	vst.add.f32.msk $0xffff, v1  }
0x7a: {  	v1 =	vld.idx.msk [tilespmem:v0+s13+$0xFFFFFBF0 ss:$0x1], $0xffff  }
0x7b: {  	[tilespmem:s14+$0x10] =	vst.add.f32.msk $0xffff, v2  }
0x7c: {  	[tilespmem:s14+$0x20] =	vst.add.f32.msk $0xffff, v3  }
0x7d: {  	[tilespmem:s14+$0x30] =	vst.add.f32.msk $0xffff, v4  }
0x7e: {  	[tilespmem:s14+$0x40] =	vst.add.f32.msk $0xffff, v5  }
0x7f: {  	[tilespmem:s14+$0x50] =	vst.add.f32.msk $0xffff, v6  }
0x80: {  	[tilespmem:s14+$0x0] =	vst.add.f32.msk $0xffff, v15  }
0x81: {  	[tilespmem:s14+$0x70] =	vst.add.f32.msk $0xffff, v7  }
0x82: {  	[tilespmem:s14+$0x400] =	vst.add.f32.msk $0xffff, v8  }
0x83: {  	[tilespmem:s14+$0x410] =	vst.add.f32.msk $0xffff, v9  }
0x84: {  	[tilespmem:s14+$0x420] =	vst.add.f32.msk $0xffff, v10  }
0x85: {  	[tilespmem:s14+$0x430] =	vst.add.f32.msk $0xffff, v11  }
0x86: {  	[tilespmem:s14+$0x440] =	vst.add.f32.msk $0xffff, v12  }
0x87: {  	[tilespmem:s14+$0x450] =	vst.add.f32.msk $0xffff, v13  }
0x88: {  	[tilespmem:s14+$0x460] =	vst.add.f32.msk $0xffff, v14  }
0x89: {  	s12 =	simm.s32 $0x0;
	s13 =	sadd.s32 $0x800, s13;
	[tilespmem:s14+$0x60] =	vst.add.f32.msk $0xffff, v1  }
.LBB2_3:
0x8a: {  	v1 =	vld.idx.msk [tilespmem:v0+s13+$0x0 ss:$0x1], $0xffff;
	s12 =	sadd.s32 $0x100, s12  }
0x8b: {  	v2 =	vld.idx.msk [tilespmem:v0+s13+$0xFFFFFBA0 ss:$0x1], $0xffff;
	p0 =	slt.u32 s12, $0x300  }
0x8c: {  	v3 =	vld.idx.msk [tilespmem:v0+s13+$0xFFFFFBB0 ss:$0x1], $0xffff  }
0x8d: {  	v4 =	vld.idx.msk [tilespmem:v0+s13+$0xFFFFFBC0 ss:$0x1], $0xffff  }
0x8e: {  	s11 =	sadd.s32 $0x800, s11;
	v5 =	vld.idx.msk [tilespmem:v0+s13+$0xFFFFFBD0 ss:$0x1], $0xffff  }
0x8f: {  	s14 =	sadd.s32 s10, s11;
	v6 =	vld.idx.msk [tilespmem:v0+s13+$0xFFFFFBE0 ss:$0x1], $0xffff  }
0x90: {  	[tilespmem:s14+$0x470] =	vst.add.f32.msk $0xffff, v1  }
0x91: {  	v1 =	vld.idx.msk [tilespmem:v0+s13+$0xFFFFFBF0 ss:$0x1], $0xffff  }
0x92: {  	v7 =	vld.idx.msk [tilespmem:v0+s13+$0xFFFFFC00 ss:$0x1], $0xffff  }
0x93: {  	v8 =	vld.idx.msk [tilespmem:v0+s13+$0xFFFFFF90 ss:$0x1], $0xffff  }
0x94: {  	v9 =	vld.idx.msk [tilespmem:v0+s13+$0xFFFFFFA0 ss:$0x1], $0xffff  }
0x95: {  	v10 =	vld.idx.msk [tilespmem:v0+s13+$0xFFFFFFB0 ss:$0x1], $0xffff  }
0x96: {  	v11 =	vld.idx.msk [tilespmem:v0+s13+$0xFFFFFFC0 ss:$0x1], $0xffff  }
0x97: {  	v12 =	vld.idx.msk [tilespmem:v0+s13+$0xFFFFFFD0 ss:$0x1], $0xffff  }
0x98: {  	v13 =	vld.idx.msk [tilespmem:v0+s13+$0xFFFFFFE0 ss:$0x1], $0xffff  }
0x99: {  	v14 =	vld.idx.msk [tilespmem:v0+s13+$0xFFFFFFF0 ss:$0x1], $0xffff  }
0x9a: {  	v15 =	vld.idx.msk [tilespmem:v0+s13+$0xFFFFFB90 ss:$0x1], $0xffff  }
0x9b: {  	[tilespmem:s14+$0x10] =	vst.add.f32.msk $0xffff, v2  }
0x9c: {  	[tilespmem:s14+$0x20] =	vst.add.f32.msk $0xffff, v3  }
0x9d: {  	[tilespmem:s14+$0x30] =	vst.add.f32.msk $0xffff, v4  }
0x9e: {  	[tilespmem:s14+$0x40] =	vst.add.f32.msk $0xffff, v5  }
0x9f: {  	[tilespmem:s14+$0x50] =	vst.add.f32.msk $0xffff, v6  }
0xa0: {  	[tilespmem:s14+$0x0] =	vst.add.f32.msk $0xffff, v15  }
0xa1: {  	[tilespmem:s14+$0x60] =	vst.add.f32.msk $0xffff, v1  }
0xa2: {  	[tilespmem:s14+$0x70] =	vst.add.f32.msk $0xffff, v7  }
0xa3: {  	[tilespmem:s14+$0x400] =	vst.add.f32.msk $0xffff, v8  }
0xa4: {  	[tilespmem:s14+$0x410] =	vst.add.f32.msk $0xffff, v9  }
.Ltmp0:
0xa5: {  	[tilespmem:s14+$0x420] =	vst.add.f32.msk $0xffff, v10;
	(pc) =	sbr.rel @p0 .LBB2_3-.Ltmp0, $4  }
0xa6: {  	[tilespmem:s14+$0x430] =	vst.add.f32.msk $0xffff, v11  }
0xa7: {  	[tilespmem:s14+$0x440] =	vst.add.f32.msk $0xffff, v12  }
0xa8: {  	[tilespmem:s14+$0x450] =	vst.add.f32.msk $0xffff, v13  }
0xa9: {  	s13 =	sadd.s32 $0x800, s13;
	[tilespmem:s14+$0x460] =	vst.add.f32.msk $0xffff, v14  }
0xaa: {  	s9 =	sadd.s32 $0x1, s9  }
0xab: {  	p0 =	sne.s32 s9, $0x10  }
.Ltmp1:
0xac: {  	_ = 	snop;
	(pc) =	sbr.rel @p0 .LBB2_2-.Ltmp1, $2  }
0xad: {  	_ =	sdelay $0x2  }
0xae: {  	s8 =	sadd.s32 $0x1, s8;
	s7 =	sadd.s32 $0x400, s7  }
0xaf: {  	s8 =	sld [smem:$0x7F2];
	_ =	sdelay $0x1  }
0xb0: {  	s7 =	simm.s32 $0x0  }
0xb1: {  	[hbm4b:s8+s7] =	stream.linear.scatter [tilespmem:s15], [sflag:$0x9], $0x4000, $0x38;
	v63 =	vld [tilespmem:$0x0]  }
0xb2: {  	_ =	swait.ge [sflag:s23], $0x4000  }
0xb3: {  	s9 =	simm.s32 $0x0;
	[sflag:s23] =	ssyncset.done $0x0  }
0xb4: {  	s8 =	simm.s32 $0x0;
	s14 =	rddreg [dreg:$0x9];
	[sflag:s23] =	ssyncadd.s32 $0xFFFFC000  }
0xb5: {  	[tilespmem:s24], [sflag:$0x8] =	stream.linear.gather [hbm4b:s14+s7], $0x4000, $0x38;
	v63 =	vld [tilespmem:$0x0]  }
.LBB2_6:
0xb6: {  	s10 =	sand.u32 $0x7, s8  }
0xb7: {  	s10 =	sshll.u32 s10, $0x9  }
0xb8: {  	s10 =	sshrl.u32 s10, $0x2  }
0xb9: {  	v0 =	vmov s10;
	_ =	sdelay $0x2  }
0xba: {  	s11 =	sand.u32 $0x3FFFE000, s7  }
0xbb: {  	s13 =	sor.u32 $0x470, s11  }
0xbc: {  	v1 =	vld.idx.msk [tilespmem:v0+s13+$0x0 ss:$0x1], $0xffff  }
0xbd: {  	v2 =	vld.idx.msk [tilespmem:v0+s13+$0xFFFFFBA0 ss:$0x1], $0xffff  }
0xbe: {  	v3 =	vld.idx.msk [tilespmem:v0+s13+$0xFFFFFBB0 ss:$0x1], $0xffff  }
0xbf: {  	v4 =	vld.idx.msk [tilespmem:v0+s13+$0xFFFFFBC0 ss:$0x1], $0xffff  }
0xc0: {  	v5 =	vld.idx.msk [tilespmem:v0+s13+$0xFFFFFBD0 ss:$0x1], $0xffff  }
0xc1: {  	v6 =	vld.idx.msk [tilespmem:v0+s13+$0xFFFFFBE0 ss:$0x1], $0xffff  }
0xc2: {  	v7 =	vld.idx.msk [tilespmem:v0+s13+$0xFFFFFC00 ss:$0x1], $0xffff  }
0xc3: {  	v8 =	vld.idx.msk [tilespmem:v0+s13+$0xFFFFFF90 ss:$0x1], $0xffff  }
0xc4: {  	v9 =	vld.idx.msk [tilespmem:v0+s13+$0xFFFFFFA0 ss:$0x1], $0xffff  }
0xc5: {  	v10 =	vld.idx.msk [tilespmem:v0+s13+$0xFFFFFFB0 ss:$0x1], $0xffff  }
0xc6: {  	v11 =	vld.idx.msk [tilespmem:v0+s13+$0xFFFFFFC0 ss:$0x1], $0xffff  }
0xc7: {  	v12 =	vld.idx.msk [tilespmem:v0+s13+$0xFFFFFFD0 ss:$0x1], $0xffff  }
0xc8: {  	v13 =	vld.idx.msk [tilespmem:v0+s13+$0xFFFFFFE0 ss:$0x1], $0xffff  }
0xc9: {  	s11 =	sadd.s32 $0xC000, s11;
	v14 =	vld.idx.msk [tilespmem:v0+s13+$0xFFFFFFF0 ss:$0x1], $0xffff  }
0xca: {  	s14 =	sadd.s32 s10, s11;
	v15 =	vld.idx.msk [tilespmem:v0+s13+$0xFFFFFB90 ss:$0x1], $0xffff  }
0xcb: {  	[tilespmem:s14+$0x470] =	vst.add.f32.msk $0xffff, v1  }
0xcc: {  	v1 =	vld.idx.msk [tilespmem:v0+s13+$0xFFFFFBF0 ss:$0x1], $0xffff  }
0xcd: {  	[tilespmem:s14+$0x10] =	vst.add.f32.msk $0xffff, v2  }
0xce: {  	[tilespmem:s14+$0x20] =	vst.add.f32.msk $0xffff, v3  }
0xcf: {  	[tilespmem:s14+$0x30] =	vst.add.f32.msk $0xffff, v4  }
0xd0: {  	[tilespmem:s14+$0x40] =	vst.add.f32.msk $0xffff, v5  }
0xd1: {  	[tilespmem:s14+$0x50] =	vst.add.f32.msk $0xffff, v6  }
0xd2: {  	[tilespmem:s14+$0x0] =	vst.add.f32.msk $0xffff, v15  }
0xd3: {  	[tilespmem:s14+$0x70] =	vst.add.f32.msk $0xffff, v7  }
0xd4: {  	[tilespmem:s14+$0x400] =	vst.add.f32.msk $0xffff, v8  }
0xd5: {  	[tilespmem:s14+$0x410] =	vst.add.f32.msk $0xffff, v9  }
0xd6: {  	[tilespmem:s14+$0x420] =	vst.add.f32.msk $0xffff, v10  }
0xd7: {  	[tilespmem:s14+$0x430] =	vst.add.f32.msk $0xffff, v11  }
0xd8: {  	[tilespmem:s14+$0x440] =	vst.add.f32.msk $0xffff, v12  }
0xd9: {  	[tilespmem:s14+$0x450] =	vst.add.f32.msk $0xffff, v13  }
0xda: {  	[tilespmem:s14+$0x460] =	vst.add.f32.msk $0xffff, v14  }
0xdb: {  	s12 =	simm.s32 $0x0;
	s13 =	sadd.s32 $0x800, s13;
	[tilespmem:s14+$0x60] =	vst.add.f32.msk $0xffff, v1  }
.LBB2_7:
0xdc: {  	v1 =	vld.idx.msk [tilespmem:v0+s13+$0x0 ss:$0x1], $0xffff;
	s12 =	sadd.s32 $0x100, s12  }
0xdd: {  	v2 =	vld.idx.msk [tilespmem:v0+s13+$0xFFFFFBA0 ss:$0x1], $0xffff;
	p0 =	slt.u32 s12, $0x300  }
0xde: {  	v3 =	vld.idx.msk [tilespmem:v0+s13+$0xFFFFFBB0 ss:$0x1], $0xffff  }
0xdf: {  	v4 =	vld.idx.msk [tilespmem:v0+s13+$0xFFFFFBC0 ss:$0x1], $0xffff  }
0xe0: {  	s11 =	sadd.s32 $0x800, s11;
	v5 =	vld.idx.msk [tilespmem:v0+s13+$0xFFFFFBD0 ss:$0x1], $0xffff  }
0xe1: {  	s14 =	sadd.s32 s10, s11;
	v6 =	vld.idx.msk [tilespmem:v0+s13+$0xFFFFFBE0 ss:$0x1], $0xffff  }
0xe2: {  	[tilespmem:s14+$0x470] =	vst.add.f32.msk $0xffff, v1  }
0xe3: {  	v1 =	vld.idx.msk [tilespmem:v0+s13+$0xFFFFFBF0 ss:$0x1], $0xffff  }
0xe4: {  	v7 =	vld.idx.msk [tilespmem:v0+s13+$0xFFFFFC00 ss:$0x1], $0xffff  }
0xe5: {  	v8 =	vld.idx.msk [tilespmem:v0+s13+$0xFFFFFF90 ss:$0x1], $0xffff  }
0xe6: {  	v9 =	vld.idx.msk [tilespmem:v0+s13+$0xFFFFFFA0 ss:$0x1], $0xffff  }
0xe7: {  	v10 =	vld.idx.msk [tilespmem:v0+s13+$0xFFFFFFB0 ss:$0x1], $0xffff  }
0xe8: {  	v11 =	vld.idx.msk [tilespmem:v0+s13+$0xFFFFFFC0 ss:$0x1], $0xffff  }
0xe9: {  	v12 =	vld.idx.msk [tilespmem:v0+s13+$0xFFFFFFD0 ss:$0x1], $0xffff  }
0xea: {  	v13 =	vld.idx.msk [tilespmem:v0+s13+$0xFFFFFFE0 ss:$0x1], $0xffff  }
0xeb: {  	v14 =	vld.idx.msk [tilespmem:v0+s13+$0xFFFFFFF0 ss:$0x1], $0xffff  }
0xec: {  	v15 =	vld.idx.msk [tilespmem:v0+s13+$0xFFFFFB90 ss:$0x1], $0xffff  }
0xed: {  	[tilespmem:s14+$0x10] =	vst.add.f32.msk $0xffff, v2  }
0xee: {  	[tilespmem:s14+$0x20] =	vst.add.f32.msk $0xffff, v3  }
0xef: {  	[tilespmem:s14+$0x30] =	vst.add.f32.msk $0xffff, v4  }
0xf0: {  	[tilespmem:s14+$0x40] =	vst.add.f32.msk $0xffff, v5  }
0xf1: {  	[tilespmem:s14+$0x50] =	vst.add.f32.msk $0xffff, v6  }
0xf2: {  	[tilespmem:s14+$0x0] =	vst.add.f32.msk $0xffff, v15  }
0xf3: {  	[tilespmem:s14+$0x60] =	vst.add.f32.msk $0xffff, v1  }
0xf4: {  	[tilespmem:s14+$0x70] =	vst.add.f32.msk $0xffff, v7  }
0xf5: {  	[tilespmem:s14+$0x400] =	vst.add.f32.msk $0xffff, v8  }
0xf6: {  	[tilespmem:s14+$0x410] =	vst.add.f32.msk $0xffff, v9  }
.Ltmp2:
0xf7: {  	[tilespmem:s14+$0x420] =	vst.add.f32.msk $0xffff, v10;
	(pc) =	sbr.rel @p0 .LBB2_7-.Ltmp2, $4  }
0xf8: {  	[tilespmem:s14+$0x430] =	vst.add.f32.msk $0xffff, v11  }
0xf9: {  	[tilespmem:s14+$0x440] =	vst.add.f32.msk $0xffff, v12  }
0xfa: {  	[tilespmem:s14+$0x450] =	vst.add.f32.msk $0xffff, v13  }
0xfb: {  	s13 =	sadd.s32 $0x800, s13;
	[tilespmem:s14+$0x460] =	vst.add.f32.msk $0xffff, v14  }
0xfc: {  	s9 =	sadd.s32 $0x1, s9  }
0xfd: {  	p0 =	sne.s32 s9, $0x10  }
.Ltmp3:
0xfe: {  	_ = 	snop;
	(pc) =	sbr.rel @p0 .LBB2_6-.Ltmp3, $2  }
0xff: {  	_ =	sdelay $0x2  }
0x100: {  	s8 =	sadd.s32 $0x1, s8;
	s7 =	sadd.s32 $0x400, s7  }
0x101: {  	s7 =	simm.s32 $0x0;
	s8 =	rddreg [dreg:$0xa]  }
0x102: {  	[hbm4b:s8+s7] =	stream.linear.scatter [tilespmem:s16], [sflag:$0xA], $0x4000, $0x38;
	v63 =	vld [tilespmem:$0x0]  }
0x103: {  	_ =	swait.ge [sflag:s25], $0x4000  }
0x104: {  	[sflag:s25] =	ssyncset.done $0x0  }
0x105: {  	[sflag:s25] =	ssyncadd.s32 $0xFFFFC000  }
0x106: {  	_ =	swait.ge [sflag:s26], $0x4000  }
0x107: {  	s9 =	simm.s32 $0x0;
	[sflag:s26] =	ssyncset.done $0x0  }
0x108: {  	s8 =	simm.s32 $0x0;
	s14 =	rddreg [dreg:$0xb];
	[sflag:s26] =	ssyncadd.s32 $0xFFFFC000  }
0x109: {  	[tilespmem:s15], [sflag:$0x3] =	stream.linear.gather [hbm4b:s14+s7], $0x4000, $0x38;
	v63 =	vld [tilespmem:$0x0]  }
.LBB2_10:
0x10a: {  	s10 =	sand.u32 $0x7, s8  }
0x10b: {  	s10 =	sshll.u32 s10, $0x9  }
0x10c: {  	s10 =	sshrl.u32 s10, $0x2  }
0x10d: {  	v0 =	vmov s10;
	_ =	sdelay $0x2  }
0x10e: {  	s11 =	sand.u32 $0x3FFFE000, s7  }
0x10f: {  	s13 =	sor.u32 $0x470, s11  }
0x110: {  	v1 =	vld.idx.msk [tilespmem:v0+s13+$0x0 ss:$0x1], $0xffff  }
0x111: {  	v2 =	vld.idx.msk [tilespmem:v0+s13+$0xFFFFFBA0 ss:$0x1], $0xffff  }
0x112: {  	v3 =	vld.idx.msk [tilespmem:v0+s13+$0xFFFFFBB0 ss:$0x1], $0xffff  }
0x113: {  	v4 =	vld.idx.msk [tilespmem:v0+s13+$0xFFFFFBC0 ss:$0x1], $0xffff  }
0x114: {  	v5 =	vld.idx.msk [tilespmem:v0+s13+$0xFFFFFBD0 ss:$0x1], $0xffff  }
0x115: {  	v6 =	vld.idx.msk [tilespmem:v0+s13+$0xFFFFFBE0 ss:$0x1], $0xffff  }
0x116: {  	v7 =	vld.idx.msk [tilespmem:v0+s13+$0xFFFFFC00 ss:$0x1], $0xffff  }
0x117: {  	v8 =	vld.idx.msk [tilespmem:v0+s13+$0xFFFFFF90 ss:$0x1], $0xffff  }
0x118: {  	v9 =	vld.idx.msk [tilespmem:v0+s13+$0xFFFFFFA0 ss:$0x1], $0xffff  }
0x119: {  	v10 =	vld.idx.msk [tilespmem:v0+s13+$0xFFFFFFB0 ss:$0x1], $0xffff  }
0x11a: {  	v11 =	vld.idx.msk [tilespmem:v0+s13+$0xFFFFFFC0 ss:$0x1], $0xffff  }
0x11b: {  	v12 =	vld.idx.msk [tilespmem:v0+s13+$0xFFFFFFD0 ss:$0x1], $0xffff  }
0x11c: {  	v13 =	vld.idx.msk [tilespmem:v0+s13+$0xFFFFFFE0 ss:$0x1], $0xffff  }
0x11d: {  	s11 =	sadd.s32 $0x10000, s11;
	v14 =	vld.idx.msk [tilespmem:v0+s13+$0xFFFFFFF0 ss:$0x1], $0xffff  }
0x11e: {  	s14 =	sadd.s32 s10, s11;
	v15 =	vld.idx.msk [tilespmem:v0+s13+$0xFFFFFB90 ss:$0x1], $0xffff  }
0x11f: {  	[tilespmem:s14+$0x470] =	vst.add.f32.msk $0xffff, v1  }
0x120: {  	v1 =	vld.idx.msk [tilespmem:v0+s13+$0xFFFFFBF0 ss:$0x1], $0xffff  }
0x121: {  	[tilespmem:s14+$0x10] =	vst.add.f32.msk $0xffff, v2  }
0x122: {  	[tilespmem:s14+$0x20] =	vst.add.f32.msk $0xffff, v3  }
0x123: {  	[tilespmem:s14+$0x30] =	vst.add.f32.msk $0xffff, v4  }
0x124: {  	[tilespmem:s14+$0x40] =	vst.add.f32.msk $0xffff, v5  }
0x125: {  	[tilespmem:s14+$0x50] =	vst.add.f32.msk $0xffff, v6  }
0x126: {  	[tilespmem:s14+$0x0] =	vst.add.f32.msk $0xffff, v15  }
0x127: {  	[tilespmem:s14+$0x70] =	vst.add.f32.msk $0xffff, v7  }
0x128: {  	[tilespmem:s14+$0x400] =	vst.add.f32.msk $0xffff, v8  }
0x129: {  	[tilespmem:s14+$0x410] =	vst.add.f32.msk $0xffff, v9  }
0x12a: {  	[tilespmem:s14+$0x420] =	vst.add.f32.msk $0xffff, v10  }
0x12b: {  	[tilespmem:s14+$0x430] =	vst.add.f32.msk $0xffff, v11  }
0x12c: {  	[tilespmem:s14+$0x440] =	vst.add.f32.msk $0xffff, v12  }
0x12d: {  	[tilespmem:s14+$0x450] =	vst.add.f32.msk $0xffff, v13  }
0x12e: {  	[tilespmem:s14+$0x460] =	vst.add.f32.msk $0xffff, v14  }
0x12f: {  	s12 =	simm.s32 $0x0;
	s13 =	sadd.s32 $0x800, s13;
	[tilespmem:s14+$0x60] =	vst.add.f32.msk $0xffff, v1  }
.LBB2_11:
0x130: {  	v1 =	vld.idx.msk [tilespmem:v0+s13+$0x0 ss:$0x1], $0xffff;
	s12 =	sadd.s32 $0x100, s12  }
0x131: {  	v2 =	vld.idx.msk [tilespmem:v0+s13+$0xFFFFFBA0 ss:$0x1], $0xffff;
	p0 =	slt.u32 s12, $0x300  }
0x132: {  	v3 =	vld.idx.msk [tilespmem:v0+s13+$0xFFFFFBB0 ss:$0x1], $0xffff  }
0x133: {  	v4 =	vld.idx.msk [tilespmem:v0+s13+$0xFFFFFBC0 ss:$0x1], $0xffff  }
0x134: {  	s11 =	sadd.s32 $0x800, s11;
	v5 =	vld.idx.msk [tilespmem:v0+s13+$0xFFFFFBD0 ss:$0x1], $0xffff  }
0x135: {  	s14 =	sadd.s32 s10, s11;
	v6 =	vld.idx.msk [tilespmem:v0+s13+$0xFFFFFBE0 ss:$0x1], $0xffff  }
0x136: {  	[tilespmem:s14+$0x470] =	vst.add.f32.msk $0xffff, v1  }
0x137: {  	v1 =	vld.idx.msk [tilespmem:v0+s13+$0xFFFFFBF0 ss:$0x1], $0xffff  }
0x138: {  	v7 =	vld.idx.msk [tilespmem:v0+s13+$0xFFFFFC00 ss:$0x1], $0xffff  }
0x139: {  	v8 =	vld.idx.msk [tilespmem:v0+s13+$0xFFFFFF90 ss:$0x1], $0xffff  }
0x13a: {  	v9 =	vld.idx.msk [tilespmem:v0+s13+$0xFFFFFFA0 ss:$0x1], $0xffff  }
0x13b: {  	v10 =	vld.idx.msk [tilespmem:v0+s13+$0xFFFFFFB0 ss:$0x1], $0xffff  }
0x13c: {  	v11 =	vld.idx.msk [tilespmem:v0+s13+$0xFFFFFFC0 ss:$0x1], $0xffff  }
0x13d: {  	v12 =	vld.idx.msk [tilespmem:v0+s13+$0xFFFFFFD0 ss:$0x1], $0xffff  }
0x13e: {  	v13 =	vld.idx.msk [tilespmem:v0+s13+$0xFFFFFFE0 ss:$0x1], $0xffff  }
0x13f: {  	v14 =	vld.idx.msk [tilespmem:v0+s13+$0xFFFFFFF0 ss:$0x1], $0xffff  }
0x140: {  	v15 =	vld.idx.msk [tilespmem:v0+s13+$0xFFFFFB90 ss:$0x1], $0xffff  }
0x141: {  	[tilespmem:s14+$0x10] =	vst.add.f32.msk $0xffff, v2  }
0x142: {  	[tilespmem:s14+$0x20] =	vst.add.f32.msk $0xffff, v3  }
0x143: {  	[tilespmem:s14+$0x30] =	vst.add.f32.msk $0xffff, v4  }
0x144: {  	[tilespmem:s14+$0x40] =	vst.add.f32.msk $0xffff, v5  }
0x145: {  	[tilespmem:s14+$0x50] =	vst.add.f32.msk $0xffff, v6  }
0x146: {  	[tilespmem:s14+$0x0] =	vst.add.f32.msk $0xffff, v15  }
0x147: {  	[tilespmem:s14+$0x60] =	vst.add.f32.msk $0xffff, v1  }
0x148: {  	[tilespmem:s14+$0x70] =	vst.add.f32.msk $0xffff, v7  }
0x149: {  	[tilespmem:s14+$0x400] =	vst.add.f32.msk $0xffff, v8  }
0x14a: {  	[tilespmem:s14+$0x410] =	vst.add.f32.msk $0xffff, v9  }
.Ltmp4:
0x14b: {  	[tilespmem:s14+$0x420] =	vst.add.f32.msk $0xffff, v10;
	(pc) =	sbr.rel @p0 .LBB2_11-.Ltmp4, $4  }
0x14c: {  	[tilespmem:s14+$0x430] =	vst.add.f32.msk $0xffff, v11  }
0x14d: {  	[tilespmem:s14+$0x440] =	vst.add.f32.msk $0xffff, v12  }
0x14e: {  	[tilespmem:s14+$0x450] =	vst.add.f32.msk $0xffff, v13  }
0x14f: {  	s13 =	sadd.s32 $0x800, s13;
	[tilespmem:s14+$0x460] =	vst.add.f32.msk $0xffff, v14  }
0x150: {  	s9 =	sadd.s32 $0x1, s9  }
0x151: {  	p0 =	sne.s32 s9, $0x10  }
.Ltmp5:
0x152: {  	_ = 	snop;
	(pc) =	sbr.rel @p0 .LBB2_10-.Ltmp5, $2  }
0x153: {  	_ =	sdelay $0x2  }
0x154: {  	s8 =	sadd.s32 $0x1, s8;
	s7 =	sadd.s32 $0x400, s7  }
0x155: {  	s7 =	simm.s32 $0x0;
	s8 =	rddreg [dreg:$0xc]  }
0x156: {  	[hbm4b:s8+s7] =	stream.linear.scatter [tilespmem:s17], [sflag:$0xB], $0x4000, $0x38;
	v63 =	vld [tilespmem:$0x0]  }
0x157: {  	_ =	swait.ge [sflag:s28], $0x4000  }
0x158: {  	[sflag:s28] =	ssyncset.done $0x0  }
0x159: {  	[sflag:s28] =	ssyncadd.s32 $0xFFFFC000  }
0x15a: {  	_ =	swait.ge [sflag:s29], $0x4000  }
0x15b: {  	s9 =	simm.s32 $0x0;
	[sflag:s29] =	ssyncset.done $0x0  }
0x15c: {  	s8 =	simm.s32 $0x0;
	s14 =	rddreg [dreg:$0xd];
	[sflag:s29] =	ssyncadd.s32 $0xFFFFC000  }
0x15d: {  	[tilespmem:s16], [sflag:$0x4] =	stream.linear.gather [hbm4b:s14+s7], $0x4000, $0x38;
	v63 =	vld [tilespmem:$0x0]  }
.LBB2_14:
0x15e: {  	s10 =	sand.u32 $0x7, s8  }
0x15f: {  	s10 =	sshll.u32 s10, $0x9  }
0x160: {  	s10 =	sshrl.u32 s10, $0x2  }
0x161: {  	v0 =	vmov s10;
	_ =	sdelay $0x2  }
0x162: {  	s11 =	sand.u32 $0x3FFFE000, s7  }
0x163: {  	s13 =	sor.u32 $0x470, s11  }
0x164: {  	v1 =	vld.idx.msk [tilespmem:v0+s13+$0x0 ss:$0x1], $0xffff  }
0x165: {  	v2 =	vld.idx.msk [tilespmem:v0+s13+$0xFFFFFBA0 ss:$0x1], $0xffff  }
0x166: {  	v3 =	vld.idx.msk [tilespmem:v0+s13+$0xFFFFFBB0 ss:$0x1], $0xffff  }
0x167: {  	v4 =	vld.idx.msk [tilespmem:v0+s13+$0xFFFFFBC0 ss:$0x1], $0xffff  }
0x168: {  	v5 =	vld.idx.msk [tilespmem:v0+s13+$0xFFFFFBD0 ss:$0x1], $0xffff  }
0x169: {  	v6 =	vld.idx.msk [tilespmem:v0+s13+$0xFFFFFBE0 ss:$0x1], $0xffff  }
0x16a: {  	v7 =	vld.idx.msk [tilespmem:v0+s13+$0xFFFFFC00 ss:$0x1], $0xffff  }
0x16b: {  	v8 =	vld.idx.msk [tilespmem:v0+s13+$0xFFFFFF90 ss:$0x1], $0xffff  }
0x16c: {  	v9 =	vld.idx.msk [tilespmem:v0+s13+$0xFFFFFFA0 ss:$0x1], $0xffff  }
0x16d: {  	v10 =	vld.idx.msk [tilespmem:v0+s13+$0xFFFFFFB0 ss:$0x1], $0xffff  }
0x16e: {  	v11 =	vld.idx.msk [tilespmem:v0+s13+$0xFFFFFFC0 ss:$0x1], $0xffff  }
0x16f: {  	v12 =	vld.idx.msk [tilespmem:v0+s13+$0xFFFFFFD0 ss:$0x1], $0xffff  }
0x170: {  	v13 =	vld.idx.msk [tilespmem:v0+s13+$0xFFFFFFE0 ss:$0x1], $0xffff  }
0x171: {  	s11 =	sadd.s32 $0x14000, s11;
	v14 =	vld.idx.msk [tilespmem:v0+s13+$0xFFFFFFF0 ss:$0x1], $0xffff  }
0x172: {  	s14 =	sadd.s32 s10, s11;
	v15 =	vld.idx.msk [tilespmem:v0+s13+$0xFFFFFB90 ss:$0x1], $0xffff  }
0x173: {  	[tilespmem:s14+$0x470] =	vst.add.f32.msk $0xffff, v1  }
0x174: {  	v1 =	vld.idx.msk [tilespmem:v0+s13+$0xFFFFFBF0 ss:$0x1], $0xffff  }
0x175: {  	[tilespmem:s14+$0x10] =	vst.add.f32.msk $0xffff, v2  }
0x176: {  	[tilespmem:s14+$0x20] =	vst.add.f32.msk $0xffff, v3  }
0x177: {  	[tilespmem:s14+$0x30] =	vst.add.f32.msk $0xffff, v4  }
0x178: {  	[tilespmem:s14+$0x40] =	vst.add.f32.msk $0xffff, v5  }
0x179: {  	[tilespmem:s14+$0x50] =	vst.add.f32.msk $0xffff, v6  }
0x17a: {  	[tilespmem:s14+$0x0] =	vst.add.f32.msk $0xffff, v15  }
0x17b: {  	[tilespmem:s14+$0x70] =	vst.add.f32.msk $0xffff, v7  }
0x17c: {  	[tilespmem:s14+$0x400] =	vst.add.f32.msk $0xffff, v8  }
0x17d: {  	[tilespmem:s14+$0x410] =	vst.add.f32.msk $0xffff, v9  }
0x17e: {  	[tilespmem:s14+$0x420] =	vst.add.f32.msk $0xffff, v10  }
0x17f: {  	[tilespmem:s14+$0x430] =	vst.add.f32.msk $0xffff, v11  }
0x180: {  	[tilespmem:s14+$0x440] =	vst.add.f32.msk $0xffff, v12  }
0x181: {  	[tilespmem:s14+$0x450] =	vst.add.f32.msk $0xffff, v13  }
0x182: {  	[tilespmem:s14+$0x460] =	vst.add.f32.msk $0xffff, v14  }
0x183: {  	s12 =	simm.s32 $0x0;
	s13 =	sadd.s32 $0x800, s13;
	[tilespmem:s14+$0x60] =	vst.add.f32.msk $0xffff, v1  }
.LBB2_15:
0x184: {  	v1 =	vld.idx.msk [tilespmem:v0+s13+$0x0 ss:$0x1], $0xffff;
	s12 =	sadd.s32 $0x100, s12  }
0x185: {  	v2 =	vld.idx.msk [tilespmem:v0+s13+$0xFFFFFBA0 ss:$0x1], $0xffff;
	p0 =	slt.u32 s12, $0x300  }
0x186: {  	v3 =	vld.idx.msk [tilespmem:v0+s13+$0xFFFFFBB0 ss:$0x1], $0xffff  }
0x187: {  	v4 =	vld.idx.msk [tilespmem:v0+s13+$0xFFFFFBC0 ss:$0x1], $0xffff  }
0x188: {  	s11 =	sadd.s32 $0x800, s11;
	v5 =	vld.idx.msk [tilespmem:v0+s13+$0xFFFFFBD0 ss:$0x1], $0xffff  }
0x189: {  	s14 =	sadd.s32 s10, s11;
	v6 =	vld.idx.msk [tilespmem:v0+s13+$0xFFFFFBE0 ss:$0x1], $0xffff  }
0x18a: {  	[tilespmem:s14+$0x470] =	vst.add.f32.msk $0xffff, v1  }
0x18b: {  	v1 =	vld.idx.msk [tilespmem:v0+s13+$0xFFFFFBF0 ss:$0x1], $0xffff  }
0x18c: {  	v7 =	vld.idx.msk [tilespmem:v0+s13+$0xFFFFFC00 ss:$0x1], $0xffff  }
0x18d: {  	v8 =	vld.idx.msk [tilespmem:v0+s13+$0xFFFFFF90 ss:$0x1], $0xffff  }
0x18e: {  	v9 =	vld.idx.msk [tilespmem:v0+s13+$0xFFFFFFA0 ss:$0x1], $0xffff  }
0x18f: {  	v10 =	vld.idx.msk [tilespmem:v0+s13+$0xFFFFFFB0 ss:$0x1], $0xffff  }
0x190: {  	v11 =	vld.idx.msk [tilespmem:v0+s13+$0xFFFFFFC0 ss:$0x1], $0xffff  }
0x191: {  	v12 =	vld.idx.msk [tilespmem:v0+s13+$0xFFFFFFD0 ss:$0x1], $0xffff  }
0x192: {  	v13 =	vld.idx.msk [tilespmem:v0+s13+$0xFFFFFFE0 ss:$0x1], $0xffff  }
0x193: {  	v14 =	vld.idx.msk [tilespmem:v0+s13+$0xFFFFFFF0 ss:$0x1], $0xffff  }
0x194: {  	v15 =	vld.idx.msk [tilespmem:v0+s13+$0xFFFFFB90 ss:$0x1], $0xffff  }
0x195: {  	[tilespmem:s14+$0x10] =	vst.add.f32.msk $0xffff, v2  }
0x196: {  	[tilespmem:s14+$0x20] =	vst.add.f32.msk $0xffff, v3  }
0x197: {  	[tilespmem:s14+$0x30] =	vst.add.f32.msk $0xffff, v4  }
0x198: {  	[tilespmem:s14+$0x40] =	vst.add.f32.msk $0xffff, v5  }
0x199: {  	[tilespmem:s14+$0x50] =	vst.add.f32.msk $0xffff, v6  }
0x19a: {  	[tilespmem:s14+$0x0] =	vst.add.f32.msk $0xffff, v15  }
0x19b: {  	[tilespmem:s14+$0x60] =	vst.add.f32.msk $0xffff, v1  }
0x19c: {  	[tilespmem:s14+$0x70] =	vst.add.f32.msk $0xffff, v7  }
0x19d: {  	[tilespmem:s14+$0x400] =	vst.add.f32.msk $0xffff, v8  }
0x19e: {  	[tilespmem:s14+$0x410] =	vst.add.f32.msk $0xffff, v9  }
.Ltmp6:
0x19f: {  	[tilespmem:s14+$0x420] =	vst.add.f32.msk $0xffff, v10;
	(pc) =	sbr.rel @p0 .LBB2_15-.Ltmp6, $4  }
0x1a0: {  	[tilespmem:s14+$0x430] =	vst.add.f32.msk $0xffff, v11  }
0x1a1: {  	[tilespmem:s14+$0x440] =	vst.add.f32.msk $0xffff, v12  }
0x1a2: {  	[tilespmem:s14+$0x450] =	vst.add.f32.msk $0xffff, v13  }
0x1a3: {  	s13 =	sadd.s32 $0x800, s13;
	[tilespmem:s14+$0x460] =	vst.add.f32.msk $0xffff, v14  }
0x1a4: {  	s9 =	sadd.s32 $0x1, s9  }
0x1a5: {  	p0 =	sne.s32 s9, $0x10  }
.Ltmp7:
0x1a6: {  	_ = 	snop;
	(pc) =	sbr.rel @p0 .LBB2_14-.Ltmp7, $2  }
0x1a7: {  	_ =	sdelay $0x2  }
0x1a8: {  	s8 =	sadd.s32 $0x1, s8;
	s7 =	sadd.s32 $0x400, s7  }
0x1a9: {  	s7 =	simm.s32 $0x0;
	s8 =	rddreg [dreg:$0xe]  }
0x1aa: {  	[hbm4b:s8+s7] =	stream.linear.scatter [tilespmem:s18], [sflag:$0xC], $0x4000, $0x38;
	v63 =	vld [tilespmem:$0x0]  }
0x1ab: {  	_ =	swait.ge [sflag:s30], $0x4000  }
0x1ac: {  	[sflag:s30] =	ssyncset.done $0x0  }
0x1ad: {  	s13 =	rddreg [dreg:$0xf];
	[sflag:s30] =	ssyncadd.s32 $0xFFFFC000  }
0x1ae: {  	[tilespmem:s7], [sflag:$0x1] =	stream.linear.gather [hbm4b:s13+s7], $0x4000, $0x38;
	v63 =	vld [tilespmem:$0x0]  }
0x1af: {  	_ =	swait.ge [sflag:s31], $0x4000  }
0x1b0: {  	[sflag:s31] =	ssyncset.done $0x0  }
0x1b1: {  	[sflag:s31] =	ssyncadd.s32 $0xFFFFC000  }
0x1b2: {  	_ =	swait.ge [sflag:s0], $0x4000  }
0x1b3: {  	s9 =	simm.s32 $0x0;
	[sflag:s0] =	ssyncset.done $0x0  }
0x1b4: {  	s8 =	simm.s32 $0x0;
	s14 =	rddreg [dreg:$0x10];
	[sflag:s0] =	ssyncadd.s32 $0xFFFFC000  }
0x1b5: {  	[tilespmem:s17], [sflag:$0x5] =	stream.linear.gather [hbm4b:s14+s7], $0x4000, $0x38;
	v63 =	vld [tilespmem:$0x0]  }
.LBB2_18:
0x1b6: {  	s10 =	sand.u32 $0x7, s8  }
0x1b7: {  	s10 =	sshll.u32 s10, $0x9  }
0x1b8: {  	s10 =	sshrl.u32 s10, $0x2  }
0x1b9: {  	v0 =	vmov s10;
	_ =	sdelay $0x2  }
0x1ba: {  	s11 =	sand.u32 $0x3FFFE000, s7  }
0x1bb: {  	s13 =	sadd.s32 $0x4470, s11  }
0x1bc: {  	v1 =	vld.idx.msk [tilespmem:v0+s13+$0x0 ss:$0x1], $0xffff  }
0x1bd: {  	v2 =	vld.idx.msk [tilespmem:v0+s13+$0xFFFFFBA0 ss:$0x1], $0xffff  }
0x1be: {  	v3 =	vld.idx.msk [tilespmem:v0+s13+$0xFFFFFBB0 ss:$0x1], $0xffff  }
0x1bf: {  	v4 =	vld.idx.msk [tilespmem:v0+s13+$0xFFFFFBC0 ss:$0x1], $0xffff  }
0x1c0: {  	v5 =	vld.idx.msk [tilespmem:v0+s13+$0xFFFFFBD0 ss:$0x1], $0xffff  }
0x1c1: {  	v6 =	vld.idx.msk [tilespmem:v0+s13+$0xFFFFFBE0 ss:$0x1], $0xffff  }
0x1c2: {  	v7 =	vld.idx.msk [tilespmem:v0+s13+$0xFFFFFC00 ss:$0x1], $0xffff  }
0x1c3: {  	v8 =	vld.idx.msk [tilespmem:v0+s13+$0xFFFFFF90 ss:$0x1], $0xffff  }
0x1c4: {  	v9 =	vld.idx.msk [tilespmem:v0+s13+$0xFFFFFFA0 ss:$0x1], $0xffff  }
0x1c5: {  	v10 =	vld.idx.msk [tilespmem:v0+s13+$0xFFFFFFB0 ss:$0x1], $0xffff  }
0x1c6: {  	v11 =	vld.idx.msk [tilespmem:v0+s13+$0xFFFFFFC0 ss:$0x1], $0xffff  }
0x1c7: {  	v12 =	vld.idx.msk [tilespmem:v0+s13+$0xFFFFFFD0 ss:$0x1], $0xffff  }
0x1c8: {  	v13 =	vld.idx.msk [tilespmem:v0+s13+$0xFFFFFFE0 ss:$0x1], $0xffff  }
0x1c9: {  	s11 =	sadd.s32 $0x18000, s11;
	v14 =	vld.idx.msk [tilespmem:v0+s13+$0xFFFFFFF0 ss:$0x1], $0xffff  }
0x1ca: {  	s14 =	sadd.s32 s10, s11;
	v15 =	vld.idx.msk [tilespmem:v0+s13+$0xFFFFFB90 ss:$0x1], $0xffff  }
0x1cb: {  	[tilespmem:s14+$0x470] =	vst.add.f32.msk $0xffff, v1  }
0x1cc: {  	v1 =	vld.idx.msk [tilespmem:v0+s13+$0xFFFFFBF0 ss:$0x1], $0xffff  }
0x1cd: {  	[tilespmem:s14+$0x10] =	vst.add.f32.msk $0xffff, v2  }
0x1ce: {  	[tilespmem:s14+$0x20] =	vst.add.f32.msk $0xffff, v3  }
0x1cf: {  	[tilespmem:s14+$0x30] =	vst.add.f32.msk $0xffff, v4  }
0x1d0: {  	[tilespmem:s14+$0x40] =	vst.add.f32.msk $0xffff, v5  }
0x1d1: {  	[tilespmem:s14+$0x50] =	vst.add.f32.msk $0xffff, v6  }
0x1d2: {  	[tilespmem:s14+$0x0] =	vst.add.f32.msk $0xffff, v15  }
0x1d3: {  	[tilespmem:s14+$0x70] =	vst.add.f32.msk $0xffff, v7  }
0x1d4: {  	[tilespmem:s14+$0x400] =	vst.add.f32.msk $0xffff, v8  }
0x1d5: {  	[tilespmem:s14+$0x410] =	vst.add.f32.msk $0xffff, v9  }
0x1d6: {  	[tilespmem:s14+$0x420] =	vst.add.f32.msk $0xffff, v10  }
0x1d7: {  	[tilespmem:s14+$0x430] =	vst.add.f32.msk $0xffff, v11  }
0x1d8: {  	[tilespmem:s14+$0x440] =	vst.add.f32.msk $0xffff, v12  }
0x1d9: {  	[tilespmem:s14+$0x450] =	vst.add.f32.msk $0xffff, v13  }
0x1da: {  	[tilespmem:s14+$0x460] =	vst.add.f32.msk $0xffff, v14  }
0x1db: {  	s12 =	simm.s32 $0x0;
	s13 =	sadd.s32 $0x800, s13;
	[tilespmem:s14+$0x60] =	vst.add.f32.msk $0xffff, v1  }
.LBB2_19:
0x1dc: {  	v1 =	vld.idx.msk [tilespmem:v0+s13+$0x0 ss:$0x1], $0xffff;
	s12 =	sadd.s32 $0x100, s12  }
0x1dd: {  	v2 =	vld.idx.msk [tilespmem:v0+s13+$0xFFFFFBA0 ss:$0x1], $0xffff;
	p0 =	slt.u32 s12, $0x300  }
0x1de: {  	v3 =	vld.idx.msk [tilespmem:v0+s13+$0xFFFFFBB0 ss:$0x1], $0xffff  }
0x1df: {  	v4 =	vld.idx.msk [tilespmem:v0+s13+$0xFFFFFBC0 ss:$0x1], $0xffff  }
0x1e0: {  	s11 =	sadd.s32 $0x800, s11;
	v5 =	vld.idx.msk [tilespmem:v0+s13+$0xFFFFFBD0 ss:$0x1], $0xffff  }
0x1e1: {  	s14 =	sadd.s32 s10, s11;
	v6 =	vld.idx.msk [tilespmem:v0+s13+$0xFFFFFBE0 ss:$0x1], $0xffff  }
0x1e2: {  	[tilespmem:s14+$0x470] =	vst.add.f32.msk $0xffff, v1  }
0x1e3: {  	v1 =	vld.idx.msk [tilespmem:v0+s13+$0xFFFFFBF0 ss:$0x1], $0xffff  }
0x1e4: {  	v7 =	vld.idx.msk [tilespmem:v0+s13+$0xFFFFFC00 ss:$0x1], $0xffff  }
0x1e5: {  	v8 =	vld.idx.msk [tilespmem:v0+s13+$0xFFFFFF90 ss:$0x1], $0xffff  }
0x1e6: {  	v9 =	vld.idx.msk [tilespmem:v0+s13+$0xFFFFFFA0 ss:$0x1], $0xffff  }
0x1e7: {  	v10 =	vld.idx.msk [tilespmem:v0+s13+$0xFFFFFFB0 ss:$0x1], $0xffff  }
0x1e8: {  	v11 =	vld.idx.msk [tilespmem:v0+s13+$0xFFFFFFC0 ss:$0x1], $0xffff  }
0x1e9: {  	v12 =	vld.idx.msk [tilespmem:v0+s13+$0xFFFFFFD0 ss:$0x1], $0xffff  }
0x1ea: {  	v13 =	vld.idx.msk [tilespmem:v0+s13+$0xFFFFFFE0 ss:$0x1], $0xffff  }
0x1eb: {  	v14 =	vld.idx.msk [tilespmem:v0+s13+$0xFFFFFFF0 ss:$0x1], $0xffff  }
0x1ec: {  	v15 =	vld.idx.msk [tilespmem:v0+s13+$0xFFFFFB90 ss:$0x1], $0xffff  }
0x1ed: {  	[tilespmem:s14+$0x10] =	vst.add.f32.msk $0xffff, v2  }
0x1ee: {  	[tilespmem:s14+$0x20] =	vst.add.f32.msk $0xffff, v3  }
0x1ef: {  	[tilespmem:s14+$0x30] =	vst.add.f32.msk $0xffff, v4  }
0x1f0: {  	[tilespmem:s14+$0x40] =	vst.add.f32.msk $0xffff, v5  }
0x1f1: {  	[tilespmem:s14+$0x50] =	vst.add.f32.msk $0xffff, v6  }
0x1f2: {  	[tilespmem:s14+$0x0] =	vst.add.f32.msk $0xffff, v15  }
0x1f3: {  	[tilespmem:s14+$0x60] =	vst.add.f32.msk $0xffff, v1  }
0x1f4: {  	[tilespmem:s14+$0x70] =	vst.add.f32.msk $0xffff, v7  }
0x1f5: {  	[tilespmem:s14+$0x400] =	vst.add.f32.msk $0xffff, v8  }
0x1f6: {  	[tilespmem:s14+$0x410] =	vst.add.f32.msk $0xffff, v9  }
.Ltmp8:
0x1f7: {  	[tilespmem:s14+$0x420] =	vst.add.f32.msk $0xffff, v10;
	(pc) =	sbr.rel @p0 .LBB2_19-.Ltmp8, $4  }
0x1f8: {  	[tilespmem:s14+$0x430] =	vst.add.f32.msk $0xffff, v11  }
0x1f9: {  	[tilespmem:s14+$0x440] =	vst.add.f32.msk $0xffff, v12  }
0x1fa: {  	[tilespmem:s14+$0x450] =	vst.add.f32.msk $0xffff, v13  }
0x1fb: {  	s13 =	sadd.s32 $0x800, s13;
	[tilespmem:s14+$0x460] =	vst.add.f32.msk $0xffff, v14  }
0x1fc: {  	s9 =	sadd.s32 $0x1, s9  }
0x1fd: {  	p0 =	sne.s32 s9, $0x10  }
.Ltmp9:
0x1fe: {  	_ = 	snop;
	(pc) =	sbr.rel @p0 .LBB2_18-.Ltmp9, $2  }
0x1ff: {  	_ =	sdelay $0x2  }
0x200: {  	s8 =	sadd.s32 $0x1, s8;
	s7 =	sadd.s32 $0x400, s7  }
0x201: {  	s7 =	simm.s32 $0x0;
	s8 =	rddreg [dreg:$0x11]  }
0x202: {  	[hbm4b:s8+s7] =	stream.linear.scatter [tilespmem:s22], [sflag:$0xD], $0x4000, $0x38;
	v63 =	vld [tilespmem:$0x0]  }
0x203: {  	_ =	swait.ge [sflag:s2], $0x4000  }
0x204: {  	[sflag:s2] =	ssyncset.done $0x0  }
0x205: {  	[sflag:s2] =	ssyncadd.s32 $0xFFFFC000  }
0x206: {  	_ =	swait.ge [sflag:s3], $0x4000  }
0x207: {  	s9 =	simm.s32 $0x0;
	[sflag:s3] =	ssyncset.done $0x0  }
0x208: {  	s8 =	simm.s32 $0x0;
	s14 =	rddreg [dreg:$0x16];
	[sflag:s3] =	ssyncadd.s32 $0xFFFFC000  }
0x209: {  	[tilespmem:s18], [sflag:$0x6] =	stream.linear.gather [hbm4b:s14+s7], $0x4000, $0x38;
	v63 =	vld [tilespmem:$0x0]  }
.LBB2_22:
0x20a: {  	s10 =	sand.u32 $0x7, s8  }
0x20b: {  	s10 =	sshll.u32 s10, $0x9  }
0x20c: {  	s10 =	sshrl.u32 s10, $0x2  }
0x20d: {  	v0 =	vmov s10;
	_ =	sdelay $0x2  }
0x20e: {  	s11 =	sand.u32 $0x3FFFE000, s7  }
0x20f: {  	s13 =	sadd.s32 $0x4470, s11  }
0x210: {  	v1 =	vld.idx.msk [tilespmem:v0+s13+$0x0 ss:$0x1], $0xffff  }
0x211: {  	v2 =	vld.idx.msk [tilespmem:v0+s13+$0xFFFFFBA0 ss:$0x1], $0xffff  }
0x212: {  	v3 =	vld.idx.msk [tilespmem:v0+s13+$0xFFFFFBB0 ss:$0x1], $0xffff  }
0x213: {  	v4 =	vld.idx.msk [tilespmem:v0+s13+$0xFFFFFBC0 ss:$0x1], $0xffff  }
0x214: {  	v5 =	vld.idx.msk [tilespmem:v0+s13+$0xFFFFFBD0 ss:$0x1], $0xffff  }
0x215: {  	v6 =	vld.idx.msk [tilespmem:v0+s13+$0xFFFFFBE0 ss:$0x1], $0xffff  }
0x216: {  	v7 =	vld.idx.msk [tilespmem:v0+s13+$0xFFFFFC00 ss:$0x1], $0xffff  }
0x217: {  	v8 =	vld.idx.msk [tilespmem:v0+s13+$0xFFFFFF90 ss:$0x1], $0xffff  }
0x218: {  	v9 =	vld.idx.msk [tilespmem:v0+s13+$0xFFFFFFA0 ss:$0x1], $0xffff  }
0x219: {  	v10 =	vld.idx.msk [tilespmem:v0+s13+$0xFFFFFFB0 ss:$0x1], $0xffff  }
0x21a: {  	v11 =	vld.idx.msk [tilespmem:v0+s13+$0xFFFFFFC0 ss:$0x1], $0xffff  }
0x21b: {  	v12 =	vld.idx.msk [tilespmem:v0+s13+$0xFFFFFFD0 ss:$0x1], $0xffff  }
0x21c: {  	v13 =	vld.idx.msk [tilespmem:v0+s13+$0xFFFFFFE0 ss:$0x1], $0xffff  }
0x21d: {  	s11 =	sadd.s32 $0x1C000, s11;
	v14 =	vld.idx.msk [tilespmem:v0+s13+$0xFFFFFFF0 ss:$0x1], $0xffff  }
0x21e: {  	s14 =	sadd.s32 s10, s11;
	v15 =	vld.idx.msk [tilespmem:v0+s13+$0xFFFFFB90 ss:$0x1], $0xffff  }
0x21f: {  	[tilespmem:s14+$0x470] =	vst.add.f32.msk $0xffff, v1  }
0x220: {  	v1 =	vld.idx.msk [tilespmem:v0+s13+$0xFFFFFBF0 ss:$0x1], $0xffff  }
0x221: {  	[tilespmem:s14+$0x10] =	vst.add.f32.msk $0xffff, v2  }
0x222: {  	[tilespmem:s14+$0x20] =	vst.add.f32.msk $0xffff, v3  }
0x223: {  	[tilespmem:s14+$0x30] =	vst.add.f32.msk $0xffff, v4  }
0x224: {  	[tilespmem:s14+$0x40] =	vst.add.f32.msk $0xffff, v5  }
0x225: {  	[tilespmem:s14+$0x50] =	vst.add.f32.msk $0xffff, v6  }
0x226: {  	[tilespmem:s14+$0x0] =	vst.add.f32.msk $0xffff, v15  }
0x227: {  	[tilespmem:s14+$0x70] =	vst.add.f32.msk $0xffff, v7  }
0x228: {  	[tilespmem:s14+$0x400] =	vst.add.f32.msk $0xffff, v8  }
0x229: {  	[tilespmem:s14+$0x410] =	vst.add.f32.msk $0xffff, v9  }
0x22a: {  	[tilespmem:s14+$0x420] =	vst.add.f32.msk $0xffff, v10  }
0x22b: {  	[tilespmem:s14+$0x430] =	vst.add.f32.msk $0xffff, v11  }
0x22c: {  	[tilespmem:s14+$0x440] =	vst.add.f32.msk $0xffff, v12  }
0x22d: {  	[tilespmem:s14+$0x450] =	vst.add.f32.msk $0xffff, v13  }
0x22e: {  	[tilespmem:s14+$0x460] =	vst.add.f32.msk $0xffff, v14  }
0x22f: {  	s12 =	simm.s32 $0x0;
	s13 =	sadd.s32 $0x800, s13;
	[tilespmem:s14+$0x60] =	vst.add.f32.msk $0xffff, v1  }
.LBB2_23:
0x230: {  	v1 =	vld.idx.msk [tilespmem:v0+s13+$0x0 ss:$0x1], $0xffff;
	s12 =	sadd.s32 $0x100, s12  }
0x231: {  	v2 =	vld.idx.msk [tilespmem:v0+s13+$0xFFFFFBA0 ss:$0x1], $0xffff;
	p0 =	slt.u32 s12, $0x300  }
0x232: {  	v3 =	vld.idx.msk [tilespmem:v0+s13+$0xFFFFFBB0 ss:$0x1], $0xffff  }
0x233: {  	v4 =	vld.idx.msk [tilespmem:v0+s13+$0xFFFFFBC0 ss:$0x1], $0xffff  }
0x234: {  	s11 =	sadd.s32 $0x800, s11;
	v5 =	vld.idx.msk [tilespmem:v0+s13+$0xFFFFFBD0 ss:$0x1], $0xffff  }
0x235: {  	s14 =	sadd.s32 s10, s11;
	v6 =	vld.idx.msk [tilespmem:v0+s13+$0xFFFFFBE0 ss:$0x1], $0xffff  }
0x236: {  	[tilespmem:s14+$0x470] =	vst.add.f32.msk $0xffff, v1  }
0x237: {  	v1 =	vld.idx.msk [tilespmem:v0+s13+$0xFFFFFBF0 ss:$0x1], $0xffff  }
0x238: {  	v7 =	vld.idx.msk [tilespmem:v0+s13+$0xFFFFFC00 ss:$0x1], $0xffff  }
0x239: {  	v8 =	vld.idx.msk [tilespmem:v0+s13+$0xFFFFFF90 ss:$0x1], $0xffff  }
0x23a: {  	v9 =	vld.idx.msk [tilespmem:v0+s13+$0xFFFFFFA0 ss:$0x1], $0xffff  }
0x23b: {  	v10 =	vld.idx.msk [tilespmem:v0+s13+$0xFFFFFFB0 ss:$0x1], $0xffff  }
0x23c: {  	v11 =	vld.idx.msk [tilespmem:v0+s13+$0xFFFFFFC0 ss:$0x1], $0xffff  }
0x23d: {  	v12 =	vld.idx.msk [tilespmem:v0+s13+$0xFFFFFFD0 ss:$0x1], $0xffff  }
0x23e: {  	v13 =	vld.idx.msk [tilespmem:v0+s13+$0xFFFFFFE0 ss:$0x1], $0xffff  }
0x23f: {  	v14 =	vld.idx.msk [tilespmem:v0+s13+$0xFFFFFFF0 ss:$0x1], $0xffff  }
0x240: {  	v15 =	vld.idx.msk [tilespmem:v0+s13+$0xFFFFFB90 ss:$0x1], $0xffff  }
0x241: {  	[tilespmem:s14+$0x10] =	vst.add.f32.msk $0xffff, v2  }
0x242: {  	[tilespmem:s14+$0x20] =	vst.add.f32.msk $0xffff, v3  }
0x243: {  	[tilespmem:s14+$0x30] =	vst.add.f32.msk $0xffff, v4  }
0x244: {  	[tilespmem:s14+$0x40] =	vst.add.f32.msk $0xffff, v5  }
0x245: {  	[tilespmem:s14+$0x50] =	vst.add.f32.msk $0xffff, v6  }
0x246: {  	[tilespmem:s14+$0x0] =	vst.add.f32.msk $0xffff, v15  }
0x247: {  	[tilespmem:s14+$0x60] =	vst.add.f32.msk $0xffff, v1  }
0x248: {  	[tilespmem:s14+$0x70] =	vst.add.f32.msk $0xffff, v7  }
0x249: {  	[tilespmem:s14+$0x400] =	vst.add.f32.msk $0xffff, v8  }
0x24a: {  	[tilespmem:s14+$0x410] =	vst.add.f32.msk $0xffff, v9  }
.Ltmp10:
0x24b: {  	[tilespmem:s14+$0x420] =	vst.add.f32.msk $0xffff, v10;
	(pc) =	sbr.rel @p0 .LBB2_23-.Ltmp10, $4  }
0x24c: {  	[tilespmem:s14+$0x430] =	vst.add.f32.msk $0xffff, v11  }
0x24d: {  	[tilespmem:s14+$0x440] =	vst.add.f32.msk $0xffff, v12  }
0x24e: {  	[tilespmem:s14+$0x450] =	vst.add.f32.msk $0xffff, v13  }
0x24f: {  	s13 =	sadd.s32 $0x800, s13;
	[tilespmem:s14+$0x460] =	vst.add.f32.msk $0xffff, v14  }
0x250: {  	s9 =	sadd.s32 $0x1, s9  }
0x251: {  	p0 =	sne.s32 s9, $0x10  }
.Ltmp11:
0x252: {  	_ = 	snop;
	(pc) =	sbr.rel @p0 .LBB2_22-.Ltmp11, $2  }
0x253: {  	_ =	sdelay $0x2  }
0x254: {  	s8 =	sadd.s32 $0x1, s8;
	s7 =	sadd.s32 $0x400, s7  }
0x255: {  	s7 =	simm.s32 $0x0;
	s8 =	rddreg [dreg:$0x12]  }
0x256: {  	[hbm4b:s8+s7] =	stream.linear.scatter [tilespmem:s24], [sflag:$0xE], $0x4000, $0x38;
	v63 =	vld [tilespmem:$0x0]  }
0x257: {  	_ =	swait.ge [sflag:s21], $0x4000  }
0x258: {  	[sflag:s21] =	ssyncset.done $0x0  }
0x259: {  	[sflag:s21] =	ssyncadd.s32 $0xFFFFC000  }
0x25a: {  	_ =	swait.ge [sflag:s4], $0x4000  }
0x25b: {  	s9 =	simm.s32 $0x0;
	[sflag:s4] =	ssyncset.done $0x0  }
0x25c: {  	s8 =	simm.s32 $0x0;
	s14 =	rddreg [dreg:$0x18];
	[sflag:s4] =	ssyncadd.s32 $0xFFFFC000  }
0x25d: {  	[tilespmem:s22], [sflag:$0x7] =	stream.linear.gather [hbm4b:s14+s7], $0x4000, $0x38;
	v63 =	vld [tilespmem:$0x0]  }
.LBB2_26:
0x25e: {  	s10 =	sand.u32 $0x7, s8  }
0x25f: {  	s10 =	sshll.u32 s10, $0x9  }
0x260: {  	s10 =	sshrl.u32 s10, $0x2  }
0x261: {  	v0 =	vmov s10;
	_ =	sdelay $0x2  }
0x262: {  	s11 =	sand.u32 $0x3FFFE000, s7  }
0x263: {  	s13 =	sadd.s32 $0x4470, s11  }
0x264: {  	v1 =	vld.idx.msk [tilespmem:v0+s13+$0x0 ss:$0x1], $0xffff  }
0x265: {  	v2 =	vld.idx.msk [tilespmem:v0+s13+$0xFFFFFBA0 ss:$0x1], $0xffff  }
0x266: {  	v3 =	vld.idx.msk [tilespmem:v0+s13+$0xFFFFFBB0 ss:$0x1], $0xffff  }
0x267: {  	v4 =	vld.idx.msk [tilespmem:v0+s13+$0xFFFFFBC0 ss:$0x1], $0xffff  }
0x268: {  	v5 =	vld.idx.msk [tilespmem:v0+s13+$0xFFFFFBD0 ss:$0x1], $0xffff  }
0x269: {  	v6 =	vld.idx.msk [tilespmem:v0+s13+$0xFFFFFBE0 ss:$0x1], $0xffff  }
0x26a: {  	v7 =	vld.idx.msk [tilespmem:v0+s13+$0xFFFFFC00 ss:$0x1], $0xffff  }
0x26b: {  	v8 =	vld.idx.msk [tilespmem:v0+s13+$0xFFFFFF90 ss:$0x1], $0xffff  }
0x26c: {  	v9 =	vld.idx.msk [tilespmem:v0+s13+$0xFFFFFFA0 ss:$0x1], $0xffff  }
0x26d: {  	v10 =	vld.idx.msk [tilespmem:v0+s13+$0xFFFFFFB0 ss:$0x1], $0xffff  }
0x26e: {  	v11 =	vld.idx.msk [tilespmem:v0+s13+$0xFFFFFFC0 ss:$0x1], $0xffff  }
0x26f: {  	v12 =	vld.idx.msk [tilespmem:v0+s13+$0xFFFFFFD0 ss:$0x1], $0xffff  }
0x270: {  	v13 =	vld.idx.msk [tilespmem:v0+s13+$0xFFFFFFE0 ss:$0x1], $0xffff  }
0x271: {  	s11 =	sadd.s32 $0x8000, s11;
	v14 =	vld.idx.msk [tilespmem:v0+s13+$0xFFFFFFF0 ss:$0x1], $0xffff  }
0x272: {  	s14 =	sadd.s32 s10, s11;
	v15 =	vld.idx.msk [tilespmem:v0+s13+$0xFFFFFB90 ss:$0x1], $0xffff  }
0x273: {  	[tilespmem:s14+$0x470] =	vst.add.f32.msk $0xffff, v1  }
0x274: {  	v1 =	vld.idx.msk [tilespmem:v0+s13+$0xFFFFFBF0 ss:$0x1], $0xffff  }
0x275: {  	[tilespmem:s14+$0x10] =	vst.add.f32.msk $0xffff, v2  }
0x276: {  	[tilespmem:s14+$0x20] =	vst.add.f32.msk $0xffff, v3  }
0x277: {  	[tilespmem:s14+$0x30] =	vst.add.f32.msk $0xffff, v4  }
0x278: {  	[tilespmem:s14+$0x40] =	vst.add.f32.msk $0xffff, v5  }
0x279: {  	[tilespmem:s14+$0x50] =	vst.add.f32.msk $0xffff, v6  }
0x27a: {  	[tilespmem:s14+$0x0] =	vst.add.f32.msk $0xffff, v15  }
0x27b: {  	[tilespmem:s14+$0x70] =	vst.add.f32.msk $0xffff, v7  }
0x27c: {  	[tilespmem:s14+$0x400] =	vst.add.f32.msk $0xffff, v8  }
0x27d: {  	[tilespmem:s14+$0x410] =	vst.add.f32.msk $0xffff, v9  }
0x27e: {  	[tilespmem:s14+$0x420] =	vst.add.f32.msk $0xffff, v10  }
0x27f: {  	[tilespmem:s14+$0x430] =	vst.add.f32.msk $0xffff, v11  }
0x280: {  	[tilespmem:s14+$0x440] =	vst.add.f32.msk $0xffff, v12  }
0x281: {  	[tilespmem:s14+$0x450] =	vst.add.f32.msk $0xffff, v13  }
0x282: {  	[tilespmem:s14+$0x460] =	vst.add.f32.msk $0xffff, v14  }
0x283: {  	s12 =	simm.s32 $0x0;
	s13 =	sadd.s32 $0x800, s13;
	[tilespmem:s14+$0x60] =	vst.add.f32.msk $0xffff, v1  }
.LBB2_27:
0x284: {  	v1 =	vld.idx.msk [tilespmem:v0+s13+$0x0 ss:$0x1], $0xffff;
	s12 =	sadd.s32 $0x100, s12  }
0x285: {  	v2 =	vld.idx.msk [tilespmem:v0+s13+$0xFFFFFBA0 ss:$0x1], $0xffff;
	p0 =	slt.u32 s12, $0x300  }
0x286: {  	v3 =	vld.idx.msk [tilespmem:v0+s13+$0xFFFFFBB0 ss:$0x1], $0xffff  }
0x287: {  	v4 =	vld.idx.msk [tilespmem:v0+s13+$0xFFFFFBC0 ss:$0x1], $0xffff  }
0x288: {  	s11 =	sadd.s32 $0x800, s11;
	v5 =	vld.idx.msk [tilespmem:v0+s13+$0xFFFFFBD0 ss:$0x1], $0xffff  }
0x289: {  	s14 =	sadd.s32 s10, s11;
	v6 =	vld.idx.msk [tilespmem:v0+s13+$0xFFFFFBE0 ss:$0x1], $0xffff  }
0x28a: {  	[tilespmem:s14+$0x470] =	vst.add.f32.msk $0xffff, v1  }
0x28b: {  	v1 =	vld.idx.msk [tilespmem:v0+s13+$0xFFFFFBF0 ss:$0x1], $0xffff  }
0x28c: {  	v7 =	vld.idx.msk [tilespmem:v0+s13+$0xFFFFFC00 ss:$0x1], $0xffff  }
0x28d: {  	v8 =	vld.idx.msk [tilespmem:v0+s13+$0xFFFFFF90 ss:$0x1], $0xffff  }
0x28e: {  	v9 =	vld.idx.msk [tilespmem:v0+s13+$0xFFFFFFA0 ss:$0x1], $0xffff  }
0x28f: {  	v10 =	vld.idx.msk [tilespmem:v0+s13+$0xFFFFFFB0 ss:$0x1], $0xffff  }
0x290: {  	v11 =	vld.idx.msk [tilespmem:v0+s13+$0xFFFFFFC0 ss:$0x1], $0xffff  }
0x291: {  	v12 =	vld.idx.msk [tilespmem:v0+s13+$0xFFFFFFD0 ss:$0x1], $0xffff  }
0x292: {  	v13 =	vld.idx.msk [tilespmem:v0+s13+$0xFFFFFFE0 ss:$0x1], $0xffff  }
0x293: {  	v14 =	vld.idx.msk [tilespmem:v0+s13+$0xFFFFFFF0 ss:$0x1], $0xffff  }
0x294: {  	v15 =	vld.idx.msk [tilespmem:v0+s13+$0xFFFFFB90 ss:$0x1], $0xffff  }
0x295: {  	[tilespmem:s14+$0x10] =	vst.add.f32.msk $0xffff, v2  }
0x296: {  	[tilespmem:s14+$0x20] =	vst.add.f32.msk $0xffff, v3  }
0x297: {  	[tilespmem:s14+$0x30] =	vst.add.f32.msk $0xffff, v4  }
0x298: {  	[tilespmem:s14+$0x40] =	vst.add.f32.msk $0xffff, v5  }
0x299: {  	[tilespmem:s14+$0x50] =	vst.add.f32.msk $0xffff, v6  }
0x29a: {  	[tilespmem:s14+$0x0] =	vst.add.f32.msk $0xffff, v15  }
0x29b: {  	[tilespmem:s14+$0x60] =	vst.add.f32.msk $0xffff, v1  }
0x29c: {  	[tilespmem:s14+$0x70] =	vst.add.f32.msk $0xffff, v7  }
0x29d: {  	[tilespmem:s14+$0x400] =	vst.add.f32.msk $0xffff, v8  }
0x29e: {  	[tilespmem:s14+$0x410] =	vst.add.f32.msk $0xffff, v9  }
.Ltmp12:
0x29f: {  	[tilespmem:s14+$0x420] =	vst.add.f32.msk $0xffff, v10;
	(pc) =	sbr.rel @p0 .LBB2_27-.Ltmp12, $4  }
0x2a0: {  	[tilespmem:s14+$0x430] =	vst.add.f32.msk $0xffff, v11  }
0x2a1: {  	[tilespmem:s14+$0x440] =	vst.add.f32.msk $0xffff, v12  }
0x2a2: {  	[tilespmem:s14+$0x450] =	vst.add.f32.msk $0xffff, v13  }
0x2a3: {  	s13 =	sadd.s32 $0x800, s13;
	[tilespmem:s14+$0x460] =	vst.add.f32.msk $0xffff, v14  }
0x2a4: {  	s9 =	sadd.s32 $0x1, s9  }
0x2a5: {  	p0 =	sne.s32 s9, $0x10  }
.Ltmp13:
0x2a6: {  	_ = 	snop;
	(pc) =	sbr.rel @p0 .LBB2_26-.Ltmp13, $2  }
0x2a7: {  	_ =	sdelay $0x2  }
0x2a8: {  	s8 =	sadd.s32 $0x1, s8;
	s7 =	sadd.s32 $0x400, s7  }
0x2a9: {  	s7 =	simm.s32 $0x0;
	s8 =	rddreg [dreg:$0x13]  }
0x2aa: {  	[hbm4b:s8+s7] =	stream.linear.scatter [tilespmem:s15], [sflag:$0x9], $0x4000, $0x38;
	v63 =	vld [tilespmem:$0x0]  }
0x2ab: {  	_ =	swait.ge [sflag:s23], $0x4000  }
0x2ac: {  	[sflag:s23] =	ssyncset.done $0x0  }
0x2ad: {  	[sflag:s23] =	ssyncadd.s32 $0xFFFFC000  }
0x2ae: {  	_ =	swait.ge [sflag:s5], $0x4000  }
0x2af: {  	s9 =	simm.s32 $0x0;
	[sflag:s5] =	ssyncset.done $0x0  }
0x2b0: {  	s8 =	simm.s32 $0x0;
	s14 =	rddreg [dreg:$0x1a];
	[sflag:s5] =	ssyncadd.s32 $0xFFFFC000  }
0x2b1: {  	[tilespmem:s24], [sflag:$0x8] =	stream.linear.gather [hbm4b:s14+s7], $0x4000, $0x38;
	v63 =	vld [tilespmem:$0x0]  }
.LBB2_30:
0x2b2: {  	s10 =	sand.u32 $0x7, s8  }
0x2b3: {  	s10 =	sshll.u32 s10, $0x9  }
0x2b4: {  	s10 =	sshrl.u32 s10, $0x2  }
0x2b5: {  	v0 =	vmov s10;
	_ =	sdelay $0x2  }
0x2b6: {  	s11 =	sand.u32 $0x3FFFE000, s7  }
0x2b7: {  	s13 =	sadd.s32 $0x4470, s11  }
0x2b8: {  	v1 =	vld.idx.msk [tilespmem:v0+s13+$0x0 ss:$0x1], $0xffff  }
0x2b9: {  	v2 =	vld.idx.msk [tilespmem:v0+s13+$0xFFFFFBA0 ss:$0x1], $0xffff  }
0x2ba: {  	v3 =	vld.idx.msk [tilespmem:v0+s13+$0xFFFFFBB0 ss:$0x1], $0xffff  }
0x2bb: {  	v4 =	vld.idx.msk [tilespmem:v0+s13+$0xFFFFFBC0 ss:$0x1], $0xffff  }
0x2bc: {  	v5 =	vld.idx.msk [tilespmem:v0+s13+$0xFFFFFBD0 ss:$0x1], $0xffff  }
0x2bd: {  	v6 =	vld.idx.msk [tilespmem:v0+s13+$0xFFFFFBE0 ss:$0x1], $0xffff  }
0x2be: {  	v7 =	vld.idx.msk [tilespmem:v0+s13+$0xFFFFFC00 ss:$0x1], $0xffff  }
0x2bf: {  	v8 =	vld.idx.msk [tilespmem:v0+s13+$0xFFFFFF90 ss:$0x1], $0xffff  }
0x2c0: {  	v9 =	vld.idx.msk [tilespmem:v0+s13+$0xFFFFFFA0 ss:$0x1], $0xffff  }
0x2c1: {  	v10 =	vld.idx.msk [tilespmem:v0+s13+$0xFFFFFFB0 ss:$0x1], $0xffff  }
0x2c2: {  	v11 =	vld.idx.msk [tilespmem:v0+s13+$0xFFFFFFC0 ss:$0x1], $0xffff  }
0x2c3: {  	v12 =	vld.idx.msk [tilespmem:v0+s13+$0xFFFFFFD0 ss:$0x1], $0xffff  }
0x2c4: {  	v13 =	vld.idx.msk [tilespmem:v0+s13+$0xFFFFFFE0 ss:$0x1], $0xffff  }
0x2c5: {  	s11 =	sadd.s32 $0xC000, s11;
	v14 =	vld.idx.msk [tilespmem:v0+s13+$0xFFFFFFF0 ss:$0x1], $0xffff  }
0x2c6: {  	s14 =	sadd.s32 s10, s11;
	v15 =	vld.idx.msk [tilespmem:v0+s13+$0xFFFFFB90 ss:$0x1], $0xffff  }
0x2c7: {  	[tilespmem:s14+$0x470] =	vst.add.f32.msk $0xffff, v1  }
0x2c8: {  	v1 =	vld.idx.msk [tilespmem:v0+s13+$0xFFFFFBF0 ss:$0x1], $0xffff  }
0x2c9: {  	[tilespmem:s14+$0x10] =	vst.add.f32.msk $0xffff, v2  }
0x2ca: {  	[tilespmem:s14+$0x20] =	vst.add.f32.msk $0xffff, v3  }
0x2cb: {  	[tilespmem:s14+$0x30] =	vst.add.f32.msk $0xffff, v4  }
0x2cc: {  	[tilespmem:s14+$0x40] =	vst.add.f32.msk $0xffff, v5  }
0x2cd: {  	[tilespmem:s14+$0x50] =	vst.add.f32.msk $0xffff, v6  }
0x2ce: {  	[tilespmem:s14+$0x0] =	vst.add.f32.msk $0xffff, v15  }
0x2cf: {  	[tilespmem:s14+$0x70] =	vst.add.f32.msk $0xffff, v7  }
0x2d0: {  	[tilespmem:s14+$0x400] =	vst.add.f32.msk $0xffff, v8  }
0x2d1: {  	[tilespmem:s14+$0x410] =	vst.add.f32.msk $0xffff, v9  }
0x2d2: {  	[tilespmem:s14+$0x420] =	vst.add.f32.msk $0xffff, v10  }
0x2d3: {  	[tilespmem:s14+$0x430] =	vst.add.f32.msk $0xffff, v11  }
0x2d4: {  	[tilespmem:s14+$0x440] =	vst.add.f32.msk $0xffff, v12  }
0x2d5: {  	[tilespmem:s14+$0x450] =	vst.add.f32.msk $0xffff, v13  }
0x2d6: {  	[tilespmem:s14+$0x460] =	vst.add.f32.msk $0xffff, v14  }
0x2d7: {  	s12 =	simm.s32 $0x0;
	s13 =	sadd.s32 $0x800, s13;
	[tilespmem:s14+$0x60] =	vst.add.f32.msk $0xffff, v1  }
.LBB2_31:
0x2d8: {  	v1 =	vld.idx.msk [tilespmem:v0+s13+$0x0 ss:$0x1], $0xffff;
	s12 =	sadd.s32 $0x100, s12  }
0x2d9: {  	v2 =	vld.idx.msk [tilespmem:v0+s13+$0xFFFFFBA0 ss:$0x1], $0xffff;
	p0 =	slt.u32 s12, $0x300  }
0x2da: {  	v3 =	vld.idx.msk [tilespmem:v0+s13+$0xFFFFFBB0 ss:$0x1], $0xffff  }
0x2db: {  	v4 =	vld.idx.msk [tilespmem:v0+s13+$0xFFFFFBC0 ss:$0x1], $0xffff  }
0x2dc: {  	s11 =	sadd.s32 $0x800, s11;
	v5 =	vld.idx.msk [tilespmem:v0+s13+$0xFFFFFBD0 ss:$0x1], $0xffff  }
0x2dd: {  	s14 =	sadd.s32 s10, s11;
	v6 =	vld.idx.msk [tilespmem:v0+s13+$0xFFFFFBE0 ss:$0x1], $0xffff  }
0x2de: {  	[tilespmem:s14+$0x470] =	vst.add.f32.msk $0xffff, v1  }
0x2df: {  	v1 =	vld.idx.msk [tilespmem:v0+s13+$0xFFFFFBF0 ss:$0x1], $0xffff  }
0x2e0: {  	v7 =	vld.idx.msk [tilespmem:v0+s13+$0xFFFFFC00 ss:$0x1], $0xffff  }
0x2e1: {  	v8 =	vld.idx.msk [tilespmem:v0+s13+$0xFFFFFF90 ss:$0x1], $0xffff  }
0x2e2: {  	v9 =	vld.idx.msk [tilespmem:v0+s13+$0xFFFFFFA0 ss:$0x1], $0xffff  }
0x2e3: {  	v10 =	vld.idx.msk [tilespmem:v0+s13+$0xFFFFFFB0 ss:$0x1], $0xffff  }
0x2e4: {  	v11 =	vld.idx.msk [tilespmem:v0+s13+$0xFFFFFFC0 ss:$0x1], $0xffff  }
0x2e5: {  	v12 =	vld.idx.msk [tilespmem:v0+s13+$0xFFFFFFD0 ss:$0x1], $0xffff  }
0x2e6: {  	v13 =	vld.idx.msk [tilespmem:v0+s13+$0xFFFFFFE0 ss:$0x1], $0xffff  }
0x2e7: {  	v14 =	vld.idx.msk [tilespmem:v0+s13+$0xFFFFFFF0 ss:$0x1], $0xffff  }
0x2e8: {  	v15 =	vld.idx.msk [tilespmem:v0+s13+$0xFFFFFB90 ss:$0x1], $0xffff  }
0x2e9: {  	[tilespmem:s14+$0x10] =	vst.add.f32.msk $0xffff, v2  }
0x2ea: {  	[tilespmem:s14+$0x20] =	vst.add.f32.msk $0xffff, v3  }
0x2eb: {  	[tilespmem:s14+$0x30] =	vst.add.f32.msk $0xffff, v4  }
0x2ec: {  	[tilespmem:s14+$0x40] =	vst.add.f32.msk $0xffff, v5  }
0x2ed: {  	[tilespmem:s14+$0x50] =	vst.add.f32.msk $0xffff, v6  }
0x2ee: {  	[tilespmem:s14+$0x0] =	vst.add.f32.msk $0xffff, v15  }
0x2ef: {  	[tilespmem:s14+$0x60] =	vst.add.f32.msk $0xffff, v1  }
0x2f0: {  	[tilespmem:s14+$0x70] =	vst.add.f32.msk $0xffff, v7  }
0x2f1: {  	[tilespmem:s14+$0x400] =	vst.add.f32.msk $0xffff, v8  }
0x2f2: {  	[tilespmem:s14+$0x410] =	vst.add.f32.msk $0xffff, v9  }
.Ltmp14:
0x2f3: {  	[tilespmem:s14+$0x420] =	vst.add.f32.msk $0xffff, v10;
	(pc) =	sbr.rel @p0 .LBB2_31-.Ltmp14, $4  }
0x2f4: {  	[tilespmem:s14+$0x430] =	vst.add.f32.msk $0xffff, v11  }
0x2f5: {  	[tilespmem:s14+$0x440] =	vst.add.f32.msk $0xffff, v12  }
0x2f6: {  	[tilespmem:s14+$0x450] =	vst.add.f32.msk $0xffff, v13  }
0x2f7: {  	s13 =	sadd.s32 $0x800, s13;
	[tilespmem:s14+$0x460] =	vst.add.f32.msk $0xffff, v14  }
0x2f8: {  	s9 =	sadd.s32 $0x1, s9  }
0x2f9: {  	p0 =	sne.s32 s9, $0x10  }
.Ltmp15:
0x2fa: {  	_ = 	snop;
	(pc) =	sbr.rel @p0 .LBB2_30-.Ltmp15, $2  }
0x2fb: {  	_ =	sdelay $0x2  }
0x2fc: {  	s8 =	sadd.s32 $0x1, s8;
	s7 =	sadd.s32 $0x400, s7  }
0x2fd: {  	s7 =	simm.s32 $0x0;
	s8 =	rddreg [dreg:$0x14]  }
0x2fe: {  	[hbm4b:s8+s7] =	stream.linear.scatter [tilespmem:s16], [sflag:$0xA], $0x4000, $0x38;
	v63 =	vld [tilespmem:$0x0]  }
0x2ff: {  	_ =	swait.ge [sflag:s19], $0x4000  }
0x300: {  	[sflag:s19] =	ssyncset.done $0x0  }
0x301: {  	s13 =	rddreg [dreg:$0x1c];
	[sflag:s19] =	ssyncadd.s32 $0xFFFFC000  }
0x302: {  	[tilespmem:s20], [sflag:$0x2] =	stream.linear.gather [hbm4b:s13+s7], $0x4000, $0x38;
	v63 =	vld [tilespmem:$0x0]  }
0x303: {  	_ =	swait.ge [sflag:s25], $0x4000  }
0x304: {  	[sflag:s25] =	ssyncset.done $0x0  }
0x305: {  	[sflag:s25] =	ssyncadd.s32 $0xFFFFC000  }
0x306: {  	_ =	swait.ge [sflag:s26], $0x4000  }
0x307: {  	s9 =	simm.s32 $0x0;
	[sflag:s26] =	ssyncset.done $0x0  }
0x308: {  	s8 =	simm.s32 $0x0;
	s14 =	rddreg [dreg:$0x1d];
	[sflag:s26] =	ssyncadd.s32 $0xFFFFC000  }
0x309: {  	[tilespmem:s15], [sflag:$0x3] =	stream.linear.gather [hbm4b:s14+s7], $0x4000, $0x38;
	v63 =	vld [tilespmem:$0x0]  }
.LBB2_34:
0x30a: {  	s10 =	sand.u32 $0x7, s8  }
0x30b: {  	s10 =	sshll.u32 s10, $0x9  }
0x30c: {  	s10 =	sshrl.u32 s10, $0x2  }
0x30d: {  	v0 =	vmov s10;
	_ =	sdelay $0x2  }
0x30e: {  	s11 =	sand.u32 $0x3FFFE000, s7  }
0x30f: {  	s13 =	sor.u32 $0x470, s11  }
0x310: {  	v1 =	vld.idx.msk [tilespmem:v0+s13+$0x0 ss:$0x1], $0xffff  }
0x311: {  	v2 =	vld.idx.msk [tilespmem:v0+s13+$0xFFFFFBA0 ss:$0x1], $0xffff  }
0x312: {  	v3 =	vld.idx.msk [tilespmem:v0+s13+$0xFFFFFBB0 ss:$0x1], $0xffff  }
0x313: {  	v4 =	vld.idx.msk [tilespmem:v0+s13+$0xFFFFFBC0 ss:$0x1], $0xffff  }
0x314: {  	v5 =	vld.idx.msk [tilespmem:v0+s13+$0xFFFFFBD0 ss:$0x1], $0xffff  }
0x315: {  	v6 =	vld.idx.msk [tilespmem:v0+s13+$0xFFFFFBE0 ss:$0x1], $0xffff  }
0x316: {  	v7 =	vld.idx.msk [tilespmem:v0+s13+$0xFFFFFC00 ss:$0x1], $0xffff  }
0x317: {  	v8 =	vld.idx.msk [tilespmem:v0+s13+$0xFFFFFF90 ss:$0x1], $0xffff  }
0x318: {  	v9 =	vld.idx.msk [tilespmem:v0+s13+$0xFFFFFFA0 ss:$0x1], $0xffff  }
0x319: {  	v10 =	vld.idx.msk [tilespmem:v0+s13+$0xFFFFFFB0 ss:$0x1], $0xffff  }
0x31a: {  	v11 =	vld.idx.msk [tilespmem:v0+s13+$0xFFFFFFC0 ss:$0x1], $0xffff  }
0x31b: {  	v12 =	vld.idx.msk [tilespmem:v0+s13+$0xFFFFFFD0 ss:$0x1], $0xffff  }
0x31c: {  	v13 =	vld.idx.msk [tilespmem:v0+s13+$0xFFFFFFE0 ss:$0x1], $0xffff  }
0x31d: {  	s11 =	sadd.s32 $0x10000, s11;
	v14 =	vld.idx.msk [tilespmem:v0+s13+$0xFFFFFFF0 ss:$0x1], $0xffff  }
0x31e: {  	s14 =	sadd.s32 s10, s11;
	v15 =	vld.idx.msk [tilespmem:v0+s13+$0xFFFFFB90 ss:$0x1], $0xffff  }
0x31f: {  	[tilespmem:s14+$0x470] =	vst.add.f32.msk $0xffff, v1  }
0x320: {  	v1 =	vld.idx.msk [tilespmem:v0+s13+$0xFFFFFBF0 ss:$0x1], $0xffff  }
0x321: {  	[tilespmem:s14+$0x10] =	vst.add.f32.msk $0xffff, v2  }
0x322: {  	[tilespmem:s14+$0x20] =	vst.add.f32.msk $0xffff, v3  }
0x323: {  	[tilespmem:s14+$0x30] =	vst.add.f32.msk $0xffff, v4  }
0x324: {  	[tilespmem:s14+$0x40] =	vst.add.f32.msk $0xffff, v5  }
0x325: {  	[tilespmem:s14+$0x50] =	vst.add.f32.msk $0xffff, v6  }
0x326: {  	[tilespmem:s14+$0x0] =	vst.add.f32.msk $0xffff, v15  }
0x327: {  	[tilespmem:s14+$0x70] =	vst.add.f32.msk $0xffff, v7  }
0x328: {  	[tilespmem:s14+$0x400] =	vst.add.f32.msk $0xffff, v8  }
0x329: {  	[tilespmem:s14+$0x410] =	vst.add.f32.msk $0xffff, v9  }
0x32a: {  	[tilespmem:s14+$0x420] =	vst.add.f32.msk $0xffff, v10  }
0x32b: {  	[tilespmem:s14+$0x430] =	vst.add.f32.msk $0xffff, v11  }
0x32c: {  	[tilespmem:s14+$0x440] =	vst.add.f32.msk $0xffff, v12  }
0x32d: {  	[tilespmem:s14+$0x450] =	vst.add.f32.msk $0xffff, v13  }
0x32e: {  	[tilespmem:s14+$0x460] =	vst.add.f32.msk $0xffff, v14  }
0x32f: {  	s12 =	simm.s32 $0x0;
	s13 =	sadd.s32 $0x800, s13;
	[tilespmem:s14+$0x60] =	vst.add.f32.msk $0xffff, v1  }
.LBB2_35:
0x330: {  	v1 =	vld.idx.msk [tilespmem:v0+s13+$0x0 ss:$0x1], $0xffff;
	s12 =	sadd.s32 $0x100, s12  }
0x331: {  	v2 =	vld.idx.msk [tilespmem:v0+s13+$0xFFFFFBA0 ss:$0x1], $0xffff;
	p0 =	slt.u32 s12, $0x300  }
0x332: {  	v3 =	vld.idx.msk [tilespmem:v0+s13+$0xFFFFFBB0 ss:$0x1], $0xffff  }
0x333: {  	v4 =	vld.idx.msk [tilespmem:v0+s13+$0xFFFFFBC0 ss:$0x1], $0xffff  }
0x334: {  	s11 =	sadd.s32 $0x800, s11;
	v5 =	vld.idx.msk [tilespmem:v0+s13+$0xFFFFFBD0 ss:$0x1], $0xffff  }
0x335: {  	s14 =	sadd.s32 s10, s11;
	v6 =	vld.idx.msk [tilespmem:v0+s13+$0xFFFFFBE0 ss:$0x1], $0xffff  }
0x336: {  	[tilespmem:s14+$0x470] =	vst.add.f32.msk $0xffff, v1  }
0x337: {  	v1 =	vld.idx.msk [tilespmem:v0+s13+$0xFFFFFBF0 ss:$0x1], $0xffff  }
0x338: {  	v7 =	vld.idx.msk [tilespmem:v0+s13+$0xFFFFFC00 ss:$0x1], $0xffff  }
0x339: {  	v8 =	vld.idx.msk [tilespmem:v0+s13+$0xFFFFFF90 ss:$0x1], $0xffff  }
0x33a: {  	v9 =	vld.idx.msk [tilespmem:v0+s13+$0xFFFFFFA0 ss:$0x1], $0xffff  }
0x33b: {  	v10 =	vld.idx.msk [tilespmem:v0+s13+$0xFFFFFFB0 ss:$0x1], $0xffff  }
0x33c: {  	v11 =	vld.idx.msk [tilespmem:v0+s13+$0xFFFFFFC0 ss:$0x1], $0xffff  }
0x33d: {  	v12 =	vld.idx.msk [tilespmem:v0+s13+$0xFFFFFFD0 ss:$0x1], $0xffff  }
0x33e: {  	v13 =	vld.idx.msk [tilespmem:v0+s13+$0xFFFFFFE0 ss:$0x1], $0xffff  }
0x33f: {  	v14 =	vld.idx.msk [tilespmem:v0+s13+$0xFFFFFFF0 ss:$0x1], $0xffff  }
0x340: {  	v15 =	vld.idx.msk [tilespmem:v0+s13+$0xFFFFFB90 ss:$0x1], $0xffff  }
0x341: {  	[tilespmem:s14+$0x10] =	vst.add.f32.msk $0xffff, v2  }
0x342: {  	[tilespmem:s14+$0x20] =	vst.add.f32.msk $0xffff, v3  }
0x343: {  	[tilespmem:s14+$0x30] =	vst.add.f32.msk $0xffff, v4  }
0x344: {  	[tilespmem:s14+$0x40] =	vst.add.f32.msk $0xffff, v5  }
0x345: {  	[tilespmem:s14+$0x50] =	vst.add.f32.msk $0xffff, v6  }
0x346: {  	[tilespmem:s14+$0x0] =	vst.add.f32.msk $0xffff, v15  }
0x347: {  	[tilespmem:s14+$0x60] =	vst.add.f32.msk $0xffff, v1  }
0x348: {  	[tilespmem:s14+$0x70] =	vst.add.f32.msk $0xffff, v7  }
0x349: {  	[tilespmem:s14+$0x400] =	vst.add.f32.msk $0xffff, v8  }
0x34a: {  	[tilespmem:s14+$0x410] =	vst.add.f32.msk $0xffff, v9  }
.Ltmp16:
0x34b: {  	[tilespmem:s14+$0x420] =	vst.add.f32.msk $0xffff, v10;
	(pc) =	sbr.rel @p0 .LBB2_35-.Ltmp16, $4  }
0x34c: {  	[tilespmem:s14+$0x430] =	vst.add.f32.msk $0xffff, v11  }
0x34d: {  	[tilespmem:s14+$0x440] =	vst.add.f32.msk $0xffff, v12  }
0x34e: {  	[tilespmem:s14+$0x450] =	vst.add.f32.msk $0xffff, v13  }
0x34f: {  	s13 =	sadd.s32 $0x800, s13;
	[tilespmem:s14+$0x460] =	vst.add.f32.msk $0xffff, v14  }
0x350: {  	s9 =	sadd.s32 $0x1, s9  }
0x351: {  	p0 =	sne.s32 s9, $0x10  }
.Ltmp17:
0x352: {  	_ = 	snop;
	(pc) =	sbr.rel @p0 .LBB2_34-.Ltmp17, $2  }
0x353: {  	_ =	sdelay $0x2  }
0x354: {  	s8 =	sadd.s32 $0x1, s8;
	s7 =	sadd.s32 $0x400, s7  }
0x355: {  	s7 =	simm.s32 $0x0;
	s8 =	rddreg [dreg:$0x15]  }
0x356: {  	[hbm4b:s8+s7] =	stream.linear.scatter [tilespmem:s17], [sflag:$0xB], $0x4000, $0x38;
	v63 =	vld [tilespmem:$0x0]  }
0x357: {  	_ =	swait.ge [sflag:s28], $0x4000  }
0x358: {  	[sflag:s28] =	ssyncset.done $0x0  }
0x359: {  	[sflag:s28] =	ssyncadd.s32 $0xFFFFC000  }
0x35a: {  	_ =	swait.ge [sflag:s29], $0x4000  }
0x35b: {  	s9 =	simm.s32 $0x0;
	[sflag:s29] =	ssyncset.done $0x0  }
0x35c: {  	s8 =	simm.s32 $0x0;
	s14 =	rddreg [dreg:$0x1f];
	[sflag:s29] =	ssyncadd.s32 $0xFFFFC000  }
0x35d: {  	[tilespmem:s16], [sflag:$0x4] =	stream.linear.gather [hbm4b:s14+s7], $0x4000, $0x38;
	v63 =	vld [tilespmem:$0x0]  }
.LBB2_38:
0x35e: {  	s10 =	sand.u32 $0x7, s8  }
0x35f: {  	s10 =	sshll.u32 s10, $0x9  }
0x360: {  	s10 =	sshrl.u32 s10, $0x2  }
0x361: {  	v0 =	vmov s10;
	_ =	sdelay $0x2  }
0x362: {  	s11 =	sand.u32 $0x3FFFE000, s7  }
0x363: {  	s13 =	sor.u32 $0x470, s11  }
0x364: {  	v1 =	vld.idx.msk [tilespmem:v0+s13+$0x0 ss:$0x1], $0xffff  }
0x365: {  	v2 =	vld.idx.msk [tilespmem:v0+s13+$0xFFFFFBA0 ss:$0x1], $0xffff  }
0x366: {  	v3 =	vld.idx.msk [tilespmem:v0+s13+$0xFFFFFBB0 ss:$0x1], $0xffff  }
0x367: {  	v4 =	vld.idx.msk [tilespmem:v0+s13+$0xFFFFFBC0 ss:$0x1], $0xffff  }
0x368: {  	v5 =	vld.idx.msk [tilespmem:v0+s13+$0xFFFFFBD0 ss:$0x1], $0xffff  }
0x369: {  	v6 =	vld.idx.msk [tilespmem:v0+s13+$0xFFFFFBE0 ss:$0x1], $0xffff  }
0x36a: {  	v7 =	vld.idx.msk [tilespmem:v0+s13+$0xFFFFFC00 ss:$0x1], $0xffff  }
0x36b: {  	v8 =	vld.idx.msk [tilespmem:v0+s13+$0xFFFFFF90 ss:$0x1], $0xffff  }
0x36c: {  	v9 =	vld.idx.msk [tilespmem:v0+s13+$0xFFFFFFA0 ss:$0x1], $0xffff  }
0x36d: {  	v10 =	vld.idx.msk [tilespmem:v0+s13+$0xFFFFFFB0 ss:$0x1], $0xffff  }
0x36e: {  	v11 =	vld.idx.msk [tilespmem:v0+s13+$0xFFFFFFC0 ss:$0x1], $0xffff  }
0x36f: {  	v12 =	vld.idx.msk [tilespmem:v0+s13+$0xFFFFFFD0 ss:$0x1], $0xffff  }
0x370: {  	v13 =	vld.idx.msk [tilespmem:v0+s13+$0xFFFFFFE0 ss:$0x1], $0xffff  }
0x371: {  	s11 =	sadd.s32 $0x14000, s11;
	v14 =	vld.idx.msk [tilespmem:v0+s13+$0xFFFFFFF0 ss:$0x1], $0xffff  }
0x372: {  	s14 =	sadd.s32 s10, s11;
	v15 =	vld.idx.msk [tilespmem:v0+s13+$0xFFFFFB90 ss:$0x1], $0xffff  }
0x373: {  	[tilespmem:s14+$0x470] =	vst.add.f32.msk $0xffff, v1  }
0x374: {  	v1 =	vld.idx.msk [tilespmem:v0+s13+$0xFFFFFBF0 ss:$0x1], $0xffff  }
0x375: {  	[tilespmem:s14+$0x10] =	vst.add.f32.msk $0xffff, v2  }
0x376: {  	[tilespmem:s14+$0x20] =	vst.add.f32.msk $0xffff, v3  }
0x377: {  	[tilespmem:s14+$0x30] =	vst.add.f32.msk $0xffff, v4  }
0x378: {  	[tilespmem:s14+$0x40] =	vst.add.f32.msk $0xffff, v5  }
0x379: {  	[tilespmem:s14+$0x50] =	vst.add.f32.msk $0xffff, v6  }
0x37a: {  	[tilespmem:s14+$0x0] =	vst.add.f32.msk $0xffff, v15  }
0x37b: {  	[tilespmem:s14+$0x70] =	vst.add.f32.msk $0xffff, v7  }
0x37c: {  	[tilespmem:s14+$0x400] =	vst.add.f32.msk $0xffff, v8  }
0x37d: {  	[tilespmem:s14+$0x410] =	vst.add.f32.msk $0xffff, v9  }
0x37e: {  	[tilespmem:s14+$0x420] =	vst.add.f32.msk $0xffff, v10  }
0x37f: {  	[tilespmem:s14+$0x430] =	vst.add.f32.msk $0xffff, v11  }
0x380: {  	[tilespmem:s14+$0x440] =	vst.add.f32.msk $0xffff, v12  }
0x381: {  	[tilespmem:s14+$0x450] =	vst.add.f32.msk $0xffff, v13  }
0x382: {  	[tilespmem:s14+$0x460] =	vst.add.f32.msk $0xffff, v14  }
0x383: {  	s12 =	simm.s32 $0x0;
	s13 =	sadd.s32 $0x800, s13;
	[tilespmem:s14+$0x60] =	vst.add.f32.msk $0xffff, v1  }
.LBB2_39:
0x384: {  	v1 =	vld.idx.msk [tilespmem:v0+s13+$0x0 ss:$0x1], $0xffff;
	s12 =	sadd.s32 $0x100, s12  }
0x385: {  	v2 =	vld.idx.msk [tilespmem:v0+s13+$0xFFFFFBA0 ss:$0x1], $0xffff;
	p0 =	slt.u32 s12, $0x300  }
0x386: {  	v3 =	vld.idx.msk [tilespmem:v0+s13+$0xFFFFFBB0 ss:$0x1], $0xffff  }
0x387: {  	v4 =	vld.idx.msk [tilespmem:v0+s13+$0xFFFFFBC0 ss:$0x1], $0xffff  }
0x388: {  	s11 =	sadd.s32 $0x800, s11;
	v5 =	vld.idx.msk [tilespmem:v0+s13+$0xFFFFFBD0 ss:$0x1], $0xffff  }
0x389: {  	s14 =	sadd.s32 s10, s11;
	v6 =	vld.idx.msk [tilespmem:v0+s13+$0xFFFFFBE0 ss:$0x1], $0xffff  }
0x38a: {  	[tilespmem:s14+$0x470] =	vst.add.f32.msk $0xffff, v1  }
0x38b: {  	v1 =	vld.idx.msk [tilespmem:v0+s13+$0xFFFFFBF0 ss:$0x1], $0xffff  }
0x38c: {  	v7 =	vld.idx.msk [tilespmem:v0+s13+$0xFFFFFC00 ss:$0x1], $0xffff  }
0x38d: {  	v8 =	vld.idx.msk [tilespmem:v0+s13+$0xFFFFFF90 ss:$0x1], $0xffff  }
0x38e: {  	v9 =	vld.idx.msk [tilespmem:v0+s13+$0xFFFFFFA0 ss:$0x1], $0xffff  }
0x38f: {  	v10 =	vld.idx.msk [tilespmem:v0+s13+$0xFFFFFFB0 ss:$0x1], $0xffff  }
0x390: {  	v11 =	vld.idx.msk [tilespmem:v0+s13+$0xFFFFFFC0 ss:$0x1], $0xffff  }
0x391: {  	v12 =	vld.idx.msk [tilespmem:v0+s13+$0xFFFFFFD0 ss:$0x1], $0xffff  }
0x392: {  	v13 =	vld.idx.msk [tilespmem:v0+s13+$0xFFFFFFE0 ss:$0x1], $0xffff  }
0x393: {  	v14 =	vld.idx.msk [tilespmem:v0+s13+$0xFFFFFFF0 ss:$0x1], $0xffff  }
0x394: {  	v15 =	vld.idx.msk [tilespmem:v0+s13+$0xFFFFFB90 ss:$0x1], $0xffff  }
0x395: {  	[tilespmem:s14+$0x10] =	vst.add.f32.msk $0xffff, v2  }
0x396: {  	[tilespmem:s14+$0x20] =	vst.add.f32.msk $0xffff, v3  }
0x397: {  	[tilespmem:s14+$0x30] =	vst.add.f32.msk $0xffff, v4  }
0x398: {  	[tilespmem:s14+$0x40] =	vst.add.f32.msk $0xffff, v5  }
0x399: {  	[tilespmem:s14+$0x50] =	vst.add.f32.msk $0xffff, v6  }
0x39a: {  	[tilespmem:s14+$0x0] =	vst.add.f32.msk $0xffff, v15  }
0x39b: {  	[tilespmem:s14+$0x60] =	vst.add.f32.msk $0xffff, v1  }
0x39c: {  	[tilespmem:s14+$0x70] =	vst.add.f32.msk $0xffff, v7  }
0x39d: {  	[tilespmem:s14+$0x400] =	vst.add.f32.msk $0xffff, v8  }
0x39e: {  	[tilespmem:s14+$0x410] =	vst.add.f32.msk $0xffff, v9  }
.Ltmp18:
0x39f: {  	[tilespmem:s14+$0x420] =	vst.add.f32.msk $0xffff, v10;
	(pc) =	sbr.rel @p0 .LBB2_39-.Ltmp18, $4  }
0x3a0: {  	[tilespmem:s14+$0x430] =	vst.add.f32.msk $0xffff, v11  }
0x3a1: {  	[tilespmem:s14+$0x440] =	vst.add.f32.msk $0xffff, v12  }
0x3a2: {  	[tilespmem:s14+$0x450] =	vst.add.f32.msk $0xffff, v13  }
0x3a3: {  	s13 =	sadd.s32 $0x800, s13;
	[tilespmem:s14+$0x460] =	vst.add.f32.msk $0xffff, v14  }
0x3a4: {  	s9 =	sadd.s32 $0x1, s9  }
0x3a5: {  	p0 =	sne.s32 s9, $0x10  }
.Ltmp19:
0x3a6: {  	_ = 	snop;
	(pc) =	sbr.rel @p0 .LBB2_38-.Ltmp19, $2  }
0x3a7: {  	_ =	sdelay $0x2  }
0x3a8: {  	s8 =	sadd.s32 $0x1, s8;
	s7 =	sadd.s32 $0x400, s7  }
0x3a9: {  	s7 =	simm.s32 $0x0;
	s8 =	rddreg [dreg:$0x17]  }
0x3aa: {  	[hbm4b:s8+s7] =	stream.linear.scatter [tilespmem:s18], [sflag:$0xC], $0x4000, $0x38;
	v63 =	vld [tilespmem:$0x0]  }
0x3ab: {  	_ =	swait.ge [sflag:s31], $0x4000  }
0x3ac: {  	[sflag:s31] =	ssyncset.done $0x0  }
0x3ad: {  	[sflag:s31] =	ssyncadd.s32 $0xFFFFC000  }
0x3ae: {  	_ =	swait.ge [sflag:s0], $0x4000  }
0x3af: {  	s14 =	sld [smem:$0x7D2]  }
0x3b0: {  	[sflag:s0] =	ssyncset.done $0x0  }
0x3b1: {  	s9 =	simm.s32 $0x0;
	s8 =	simm.s32 $0x0;
	[sflag:s0] =	ssyncadd.s32 $0xFFFFC000  }
0x3b2: {  	[tilespmem:s17], [sflag:$0x5] =	stream.linear.gather [hbm4b:s14+s7], $0x4000, $0x38;
	v63 =	vld [tilespmem:$0x0]  }
.LBB2_42:
0x3b3: {  	s10 =	sand.u32 $0x7, s8  }
0x3b4: {  	s10 =	sshll.u32 s10, $0x9  }
0x3b5: {  	s10 =	sshrl.u32 s10, $0x2  }
0x3b6: {  	v0 =	vmov s10;
	_ =	sdelay $0x2  }
0x3b7: {  	s11 =	sand.u32 $0x3FFFE000, s7  }
0x3b8: {  	s13 =	sor.u32 $0x470, s11  }
0x3b9: {  	v1 =	vld.idx.msk [tilespmem:v0+s13+$0x0 ss:$0x1], $0xffff  }
0x3ba: {  	v2 =	vld.idx.msk [tilespmem:v0+s13+$0xFFFFFBA0 ss:$0x1], $0xffff  }
0x3bb: {  	v3 =	vld.idx.msk [tilespmem:v0+s13+$0xFFFFFBB0 ss:$0x1], $0xffff  }
0x3bc: {  	v4 =	vld.idx.msk [tilespmem:v0+s13+$0xFFFFFBC0 ss:$0x1], $0xffff  }
0x3bd: {  	v5 =	vld.idx.msk [tilespmem:v0+s13+$0xFFFFFBD0 ss:$0x1], $0xffff  }
0x3be: {  	v6 =	vld.idx.msk [tilespmem:v0+s13+$0xFFFFFBE0 ss:$0x1], $0xffff  }
0x3bf: {  	v7 =	vld.idx.msk [tilespmem:v0+s13+$0xFFFFFC00 ss:$0x1], $0xffff  }
0x3c0: {  	v8 =	vld.idx.msk [tilespmem:v0+s13+$0xFFFFFF90 ss:$0x1], $0xffff  }
0x3c1: {  	v9 =	vld.idx.msk [tilespmem:v0+s13+$0xFFFFFFA0 ss:$0x1], $0xffff  }
0x3c2: {  	v10 =	vld.idx.msk [tilespmem:v0+s13+$0xFFFFFFB0 ss:$0x1], $0xffff  }
0x3c3: {  	v11 =	vld.idx.msk [tilespmem:v0+s13+$0xFFFFFFC0 ss:$0x1], $0xffff  }
0x3c4: {  	v12 =	vld.idx.msk [tilespmem:v0+s13+$0xFFFFFFD0 ss:$0x1], $0xffff  }
0x3c5: {  	v13 =	vld.idx.msk [tilespmem:v0+s13+$0xFFFFFFE0 ss:$0x1], $0xffff  }
0x3c6: {  	s11 =	sadd.s32 $0x18000, s11;
	v14 =	vld.idx.msk [tilespmem:v0+s13+$0xFFFFFFF0 ss:$0x1], $0xffff  }
0x3c7: {  	s14 =	sadd.s32 s10, s11;
	v15 =	vld.idx.msk [tilespmem:v0+s13+$0xFFFFFB90 ss:$0x1], $0xffff  }
0x3c8: {  	[tilespmem:s14+$0x470] =	vst.add.f32.msk $0xffff, v1  }
0x3c9: {  	v1 =	vld.idx.msk [tilespmem:v0+s13+$0xFFFFFBF0 ss:$0x1], $0xffff  }
0x3ca: {  	[tilespmem:s14+$0x10] =	vst.add.f32.msk $0xffff, v2  }
0x3cb: {  	[tilespmem:s14+$0x20] =	vst.add.f32.msk $0xffff, v3  }
0x3cc: {  	[tilespmem:s14+$0x30] =	vst.add.f32.msk $0xffff, v4  }
0x3cd: {  	[tilespmem:s14+$0x40] =	vst.add.f32.msk $0xffff, v5  }
0x3ce: {  	[tilespmem:s14+$0x50] =	vst.add.f32.msk $0xffff, v6  }
0x3cf: {  	[tilespmem:s14+$0x0] =	vst.add.f32.msk $0xffff, v15  }
0x3d0: {  	[tilespmem:s14+$0x70] =	vst.add.f32.msk $0xffff, v7  }
0x3d1: {  	[tilespmem:s14+$0x400] =	vst.add.f32.msk $0xffff, v8  }
0x3d2: {  	[tilespmem:s14+$0x410] =	vst.add.f32.msk $0xffff, v9  }
0x3d3: {  	[tilespmem:s14+$0x420] =	vst.add.f32.msk $0xffff, v10  }
0x3d4: {  	[tilespmem:s14+$0x430] =	vst.add.f32.msk $0xffff, v11  }
0x3d5: {  	[tilespmem:s14+$0x440] =	vst.add.f32.msk $0xffff, v12  }
0x3d6: {  	[tilespmem:s14+$0x450] =	vst.add.f32.msk $0xffff, v13  }
0x3d7: {  	[tilespmem:s14+$0x460] =	vst.add.f32.msk $0xffff, v14  }
0x3d8: {  	s12 =	simm.s32 $0x0;
	s13 =	sadd.s32 $0x800, s13;
	[tilespmem:s14+$0x60] =	vst.add.f32.msk $0xffff, v1  }
.LBB2_43:
0x3d9: {  	v1 =	vld.idx.msk [tilespmem:v0+s13+$0x0 ss:$0x1], $0xffff;
	s12 =	sadd.s32 $0x100, s12  }
0x3da: {  	v2 =	vld.idx.msk [tilespmem:v0+s13+$0xFFFFFBA0 ss:$0x1], $0xffff;
	p0 =	slt.u32 s12, $0x300  }
0x3db: {  	v3 =	vld.idx.msk [tilespmem:v0+s13+$0xFFFFFBB0 ss:$0x1], $0xffff  }
0x3dc: {  	v4 =	vld.idx.msk [tilespmem:v0+s13+$0xFFFFFBC0 ss:$0x1], $0xffff  }
0x3dd: {  	s11 =	sadd.s32 $0x800, s11;
	v5 =	vld.idx.msk [tilespmem:v0+s13+$0xFFFFFBD0 ss:$0x1], $0xffff  }
0x3de: {  	s14 =	sadd.s32 s10, s11;
	v6 =	vld.idx.msk [tilespmem:v0+s13+$0xFFFFFBE0 ss:$0x1], $0xffff  }
0x3df: {  	[tilespmem:s14+$0x470] =	vst.add.f32.msk $0xffff, v1  }
0x3e0: {  	v1 =	vld.idx.msk [tilespmem:v0+s13+$0xFFFFFBF0 ss:$0x1], $0xffff  }
0x3e1: {  	v7 =	vld.idx.msk [tilespmem:v0+s13+$0xFFFFFC00 ss:$0x1], $0xffff  }
0x3e2: {  	v8 =	vld.idx.msk [tilespmem:v0+s13+$0xFFFFFF90 ss:$0x1], $0xffff  }
0x3e3: {  	v9 =	vld.idx.msk [tilespmem:v0+s13+$0xFFFFFFA0 ss:$0x1], $0xffff  }
0x3e4: {  	v10 =	vld.idx.msk [tilespmem:v0+s13+$0xFFFFFFB0 ss:$0x1], $0xffff  }
0x3e5: {  	v11 =	vld.idx.msk [tilespmem:v0+s13+$0xFFFFFFC0 ss:$0x1], $0xffff  }
0x3e6: {  	v12 =	vld.idx.msk [tilespmem:v0+s13+$0xFFFFFFD0 ss:$0x1], $0xffff  }
0x3e7: {  	v13 =	vld.idx.msk [tilespmem:v0+s13+$0xFFFFFFE0 ss:$0x1], $0xffff  }
0x3e8: {  	v14 =	vld.idx.msk [tilespmem:v0+s13+$0xFFFFFFF0 ss:$0x1], $0xffff  }
0x3e9: {  	v15 =	vld.idx.msk [tilespmem:v0+s13+$0xFFFFFB90 ss:$0x1], $0xffff  }
0x3ea: {  	[tilespmem:s14+$0x10] =	vst.add.f32.msk $0xffff, v2  }
0x3eb: {  	[tilespmem:s14+$0x20] =	vst.add.f32.msk $0xffff, v3  }
0x3ec: {  	[tilespmem:s14+$0x30] =	vst.add.f32.msk $0xffff, v4  }
0x3ed: {  	[tilespmem:s14+$0x40] =	vst.add.f32.msk $0xffff, v5  }
0x3ee: {  	[tilespmem:s14+$0x50] =	vst.add.f32.msk $0xffff, v6  }
0x3ef: {  	[tilespmem:s14+$0x0] =	vst.add.f32.msk $0xffff, v15  }
0x3f0: {  	[tilespmem:s14+$0x60] =	vst.add.f32.msk $0xffff, v1  }
0x3f1: {  	[tilespmem:s14+$0x70] =	vst.add.f32.msk $0xffff, v7  }
0x3f2: {  	[tilespmem:s14+$0x400] =	vst.add.f32.msk $0xffff, v8  }
0x3f3: {  	[tilespmem:s14+$0x410] =	vst.add.f32.msk $0xffff, v9  }
.Ltmp20:
0x3f4: {  	[tilespmem:s14+$0x420] =	vst.add.f32.msk $0xffff, v10;
	(pc) =	sbr.rel @p0 .LBB2_43-.Ltmp20, $4  }
0x3f5: {  	[tilespmem:s14+$0x430] =	vst.add.f32.msk $0xffff, v11  }
0x3f6: {  	[tilespmem:s14+$0x440] =	vst.add.f32.msk $0xffff, v12  }
0x3f7: {  	[tilespmem:s14+$0x450] =	vst.add.f32.msk $0xffff, v13  }
0x3f8: {  	s13 =	sadd.s32 $0x800, s13;
	[tilespmem:s14+$0x460] =	vst.add.f32.msk $0xffff, v14  }
0x3f9: {  	s9 =	sadd.s32 $0x1, s9  }
0x3fa: {  	p0 =	sne.s32 s9, $0x10  }
.Ltmp21:
0x3fb: {  	_ = 	snop;
	(pc) =	sbr.rel @p0 .LBB2_42-.Ltmp21, $2  }
0x3fc: {  	_ =	sdelay $0x2  }
0x3fd: {  	s8 =	sadd.s32 $0x1, s8;
	s7 =	sadd.s32 $0x400, s7  }
0x3fe: {  	s7 =	simm.s32 $0x0;
	s8 =	rddreg [dreg:$0x19]  }
0x3ff: {  	[hbm4b:s8+s7] =	stream.linear.scatter [tilespmem:s22], [sflag:$0xD], $0x4000, $0x38;
	v63 =	vld [tilespmem:$0x0]  }
0x400: {  	_ =	swait.ge [sflag:s2], $0x4000  }
0x401: {  	[sflag:s2] =	ssyncset.done $0x0  }
0x402: {  	[sflag:s2] =	ssyncadd.s32 $0xFFFFC000  }
0x403: {  	_ =	swait.ge [sflag:s3], $0x4000  }
0x404: {  	s14 =	sld [smem:$0x7D4]  }
0x405: {  	[sflag:s3] =	ssyncset.done $0x0  }
0x406: {  	s9 =	simm.s32 $0x0;
	s8 =	simm.s32 $0x0;
	[sflag:s3] =	ssyncadd.s32 $0xFFFFC000  }
0x407: {  	[tilespmem:s18], [sflag:$0x6] =	stream.linear.gather [hbm4b:s14+s7], $0x4000, $0x38;
	v63 =	vld [tilespmem:$0x0]  }
.LBB2_46:
0x408: {  	s10 =	sand.u32 $0x7, s8  }
0x409: {  	s10 =	sshll.u32 s10, $0x9  }
0x40a: {  	s10 =	sshrl.u32 s10, $0x2  }
0x40b: {  	v0 =	vmov s10;
	_ =	sdelay $0x2  }
0x40c: {  	s11 =	sand.u32 $0x3FFFE000, s7  }
0x40d: {  	s13 =	sor.u32 $0x470, s11  }
0x40e: {  	v1 =	vld.idx.msk [tilespmem:v0+s13+$0x0 ss:$0x1], $0xffff  }
0x40f: {  	v2 =	vld.idx.msk [tilespmem:v0+s13+$0xFFFFFBA0 ss:$0x1], $0xffff  }
0x410: {  	v3 =	vld.idx.msk [tilespmem:v0+s13+$0xFFFFFBB0 ss:$0x1], $0xffff  }
0x411: {  	v4 =	vld.idx.msk [tilespmem:v0+s13+$0xFFFFFBC0 ss:$0x1], $0xffff  }
0x412: {  	v5 =	vld.idx.msk [tilespmem:v0+s13+$0xFFFFFBD0 ss:$0x1], $0xffff  }
0x413: {  	v6 =	vld.idx.msk [tilespmem:v0+s13+$0xFFFFFBE0 ss:$0x1], $0xffff  }
0x414: {  	v7 =	vld.idx.msk [tilespmem:v0+s13+$0xFFFFFC00 ss:$0x1], $0xffff  }
0x415: {  	v8 =	vld.idx.msk [tilespmem:v0+s13+$0xFFFFFF90 ss:$0x1], $0xffff  }
0x416: {  	v9 =	vld.idx.msk [tilespmem:v0+s13+$0xFFFFFFA0 ss:$0x1], $0xffff  }
0x417: {  	v10 =	vld.idx.msk [tilespmem:v0+s13+$0xFFFFFFB0 ss:$0x1], $0xffff  }
0x418: {  	v11 =	vld.idx.msk [tilespmem:v0+s13+$0xFFFFFFC0 ss:$0x1], $0xffff  }
0x419: {  	v12 =	vld.idx.msk [tilespmem:v0+s13+$0xFFFFFFD0 ss:$0x1], $0xffff  }
0x41a: {  	v13 =	vld.idx.msk [tilespmem:v0+s13+$0xFFFFFFE0 ss:$0x1], $0xffff  }
0x41b: {  	s11 =	sadd.s32 $0x1C000, s11;
	v14 =	vld.idx.msk [tilespmem:v0+s13+$0xFFFFFFF0 ss:$0x1], $0xffff  }
0x41c: {  	s14 =	sadd.s32 s10, s11;
	v15 =	vld.idx.msk [tilespmem:v0+s13+$0xFFFFFB90 ss:$0x1], $0xffff  }
0x41d: {  	[tilespmem:s14+$0x470] =	vst.add.f32.msk $0xffff, v1  }
0x41e: {  	v1 =	vld.idx.msk [tilespmem:v0+s13+$0xFFFFFBF0 ss:$0x1], $0xffff  }
0x41f: {  	[tilespmem:s14+$0x10] =	vst.add.f32.msk $0xffff, v2  }
0x420: {  	[tilespmem:s14+$0x20] =	vst.add.f32.msk $0xffff, v3  }
0x421: {  	[tilespmem:s14+$0x30] =	vst.add.f32.msk $0xffff, v4  }
0x422: {  	[tilespmem:s14+$0x40] =	vst.add.f32.msk $0xffff, v5  }
0x423: {  	[tilespmem:s14+$0x50] =	vst.add.f32.msk $0xffff, v6  }
0x424: {  	[tilespmem:s14+$0x0] =	vst.add.f32.msk $0xffff, v15  }
0x425: {  	[tilespmem:s14+$0x70] =	vst.add.f32.msk $0xffff, v7  }
0x426: {  	[tilespmem:s14+$0x400] =	vst.add.f32.msk $0xffff, v8  }
0x427: {  	[tilespmem:s14+$0x410] =	vst.add.f32.msk $0xffff, v9  }
0x428: {  	[tilespmem:s14+$0x420] =	vst.add.f32.msk $0xffff, v10  }
0x429: {  	[tilespmem:s14+$0x430] =	vst.add.f32.msk $0xffff, v11  }
0x42a: {  	[tilespmem:s14+$0x440] =	vst.add.f32.msk $0xffff, v12  }
0x42b: {  	[tilespmem:s14+$0x450] =	vst.add.f32.msk $0xffff, v13  }
0x42c: {  	[tilespmem:s14+$0x460] =	vst.add.f32.msk $0xffff, v14  }
0x42d: {  	s12 =	simm.s32 $0x0;
	s13 =	sadd.s32 $0x800, s13;
	[tilespmem:s14+$0x60] =	vst.add.f32.msk $0xffff, v1  }
.LBB2_47:
0x42e: {  	v1 =	vld.idx.msk [tilespmem:v0+s13+$0x0 ss:$0x1], $0xffff;
	s12 =	sadd.s32 $0x100, s12  }
0x42f: {  	v2 =	vld.idx.msk [tilespmem:v0+s13+$0xFFFFFBA0 ss:$0x1], $0xffff;
	p0 =	slt.u32 s12, $0x300  }
0x430: {  	v3 =	vld.idx.msk [tilespmem:v0+s13+$0xFFFFFBB0 ss:$0x1], $0xffff  }
0x431: {  	v4 =	vld.idx.msk [tilespmem:v0+s13+$0xFFFFFBC0 ss:$0x1], $0xffff  }
0x432: {  	s11 =	sadd.s32 $0x800, s11;
	v5 =	vld.idx.msk [tilespmem:v0+s13+$0xFFFFFBD0 ss:$0x1], $0xffff  }
0x433: {  	s14 =	sadd.s32 s10, s11;
	v6 =	vld.idx.msk [tilespmem:v0+s13+$0xFFFFFBE0 ss:$0x1], $0xffff  }
0x434: {  	[tilespmem:s14+$0x470] =	vst.add.f32.msk $0xffff, v1  }
0x435: {  	v1 =	vld.idx.msk [tilespmem:v0+s13+$0xFFFFFBF0 ss:$0x1], $0xffff  }
0x436: {  	v7 =	vld.idx.msk [tilespmem:v0+s13+$0xFFFFFC00 ss:$0x1], $0xffff  }
0x437: {  	v8 =	vld.idx.msk [tilespmem:v0+s13+$0xFFFFFF90 ss:$0x1], $0xffff  }
0x438: {  	v9 =	vld.idx.msk [tilespmem:v0+s13+$0xFFFFFFA0 ss:$0x1], $0xffff  }
0x439: {  	v10 =	vld.idx.msk [tilespmem:v0+s13+$0xFFFFFFB0 ss:$0x1], $0xffff  }
0x43a: {  	v11 =	vld.idx.msk [tilespmem:v0+s13+$0xFFFFFFC0 ss:$0x1], $0xffff  }
0x43b: {  	v12 =	vld.idx.msk [tilespmem:v0+s13+$0xFFFFFFD0 ss:$0x1], $0xffff  }
0x43c: {  	v13 =	vld.idx.msk [tilespmem:v0+s13+$0xFFFFFFE0 ss:$0x1], $0xffff  }
0x43d: {  	v14 =	vld.idx.msk [tilespmem:v0+s13+$0xFFFFFFF0 ss:$0x1], $0xffff  }
0x43e: {  	v15 =	vld.idx.msk [tilespmem:v0+s13+$0xFFFFFB90 ss:$0x1], $0xffff  }
0x43f: {  	[tilespmem:s14+$0x10] =	vst.add.f32.msk $0xffff, v2  }
0x440: {  	[tilespmem:s14+$0x20] =	vst.add.f32.msk $0xffff, v3  }
0x441: {  	[tilespmem:s14+$0x30] =	vst.add.f32.msk $0xffff, v4  }
0x442: {  	[tilespmem:s14+$0x40] =	vst.add.f32.msk $0xffff, v5  }
0x443: {  	[tilespmem:s14+$0x50] =	vst.add.f32.msk $0xffff, v6  }
0x444: {  	[tilespmem:s14+$0x0] =	vst.add.f32.msk $0xffff, v15  }
0x445: {  	[tilespmem:s14+$0x60] =	vst.add.f32.msk $0xffff, v1  }
0x446: {  	[tilespmem:s14+$0x70] =	vst.add.f32.msk $0xffff, v7  }
0x447: {  	[tilespmem:s14+$0x400] =	vst.add.f32.msk $0xffff, v8  }
0x448: {  	[tilespmem:s14+$0x410] =	vst.add.f32.msk $0xffff, v9  }
.Ltmp22:
0x449: {  	[tilespmem:s14+$0x420] =	vst.add.f32.msk $0xffff, v10;
	(pc) =	sbr.rel @p0 .LBB2_47-.Ltmp22, $4  }
0x44a: {  	[tilespmem:s14+$0x430] =	vst.add.f32.msk $0xffff, v11  }
0x44b: {  	[tilespmem:s14+$0x440] =	vst.add.f32.msk $0xffff, v12  }
0x44c: {  	[tilespmem:s14+$0x450] =	vst.add.f32.msk $0xffff, v13  }
0x44d: {  	s13 =	sadd.s32 $0x800, s13;
	[tilespmem:s14+$0x460] =	vst.add.f32.msk $0xffff, v14  }
0x44e: {  	s9 =	sadd.s32 $0x1, s9  }
0x44f: {  	p0 =	sne.s32 s9, $0x10  }
.Ltmp23:
0x450: {  	_ = 	snop;
	(pc) =	sbr.rel @p0 .LBB2_46-.Ltmp23, $2  }
0x451: {  	_ =	sdelay $0x2  }
0x452: {  	s8 =	sadd.s32 $0x1, s8;
	s7 =	sadd.s32 $0x400, s7  }
0x453: {  	s7 =	simm.s32 $0x0;
	s8 =	rddreg [dreg:$0x1b]  }
0x454: {  	[hbm4b:s8+s7] =	stream.linear.scatter [tilespmem:s24], [sflag:$0xE], $0x4000, $0x38;
	v63 =	vld [tilespmem:$0x0]  }
0x455: {  	_ =	swait.ge [sflag:s30], $0x4000  }
0x456: {  	s13 =	sld [smem:$0x7D6]  }
0x457: {  	[sflag:s30] =	ssyncset.done $0x0  }
0x458: {  	[sflag:s30] =	ssyncadd.s32 $0xFFFFC000  }
0x459: {  	[tilespmem:s7], [sflag:$0x1] =	stream.linear.gather [hbm4b:s13+s7], $0x4000, $0x38;
	v63 =	vld [tilespmem:$0x0]  }
0x45a: {  	_ =	swait.ge [sflag:s21], $0x4000  }
0x45b: {  	[sflag:s21] =	ssyncset.done $0x0  }
0x45c: {  	[sflag:s21] =	ssyncadd.s32 $0xFFFFC000  }
0x45d: {  	_ =	swait.ge [sflag:s4], $0x4000  }
0x45e: {  	s14 =	sld [smem:$0x7D7]  }
0x45f: {  	[sflag:s4] =	ssyncset.done $0x0  }
0x460: {  	s9 =	simm.s32 $0x0;
	s8 =	simm.s32 $0x0;
	[sflag:s4] =	ssyncadd.s32 $0xFFFFC000  }
0x461: {  	[tilespmem:s22], [sflag:$0x7] =	stream.linear.gather [hbm4b:s14+s7], $0x4000, $0x38;
	v63 =	vld [tilespmem:$0x0]  }
.LBB2_50:
0x462: {  	s10 =	sand.u32 $0x7, s8  }
0x463: {  	s10 =	sshll.u32 s10, $0x9  }
0x464: {  	s10 =	sshrl.u32 s10, $0x2  }
0x465: {  	v0 =	vmov s10;
	_ =	sdelay $0x2  }
0x466: {  	s11 =	sand.u32 $0x3FFFE000, s7  }
0x467: {  	s13 =	sadd.s32 $0x4470, s11  }
0x468: {  	v1 =	vld.idx.msk [tilespmem:v0+s13+$0x0 ss:$0x1], $0xffff  }
0x469: {  	v2 =	vld.idx.msk [tilespmem:v0+s13+$0xFFFFFBA0 ss:$0x1], $0xffff  }
0x46a: {  	v3 =	vld.idx.msk [tilespmem:v0+s13+$0xFFFFFBB0 ss:$0x1], $0xffff  }
0x46b: {  	v4 =	vld.idx.msk [tilespmem:v0+s13+$0xFFFFFBC0 ss:$0x1], $0xffff  }
0x46c: {  	v5 =	vld.idx.msk [tilespmem:v0+s13+$0xFFFFFBD0 ss:$0x1], $0xffff  }
0x46d: {  	v6 =	vld.idx.msk [tilespmem:v0+s13+$0xFFFFFBE0 ss:$0x1], $0xffff  }
0x46e: {  	v7 =	vld.idx.msk [tilespmem:v0+s13+$0xFFFFFC00 ss:$0x1], $0xffff  }
0x46f: {  	v8 =	vld.idx.msk [tilespmem:v0+s13+$0xFFFFFF90 ss:$0x1], $0xffff  }
0x470: {  	v9 =	vld.idx.msk [tilespmem:v0+s13+$0xFFFFFFA0 ss:$0x1], $0xffff  }
0x471: {  	v10 =	vld.idx.msk [tilespmem:v0+s13+$0xFFFFFFB0 ss:$0x1], $0xffff  }
0x472: {  	v11 =	vld.idx.msk [tilespmem:v0+s13+$0xFFFFFFC0 ss:$0x1], $0xffff  }
0x473: {  	v12 =	vld.idx.msk [tilespmem:v0+s13+$0xFFFFFFD0 ss:$0x1], $0xffff  }
0x474: {  	v13 =	vld.idx.msk [tilespmem:v0+s13+$0xFFFFFFE0 ss:$0x1], $0xffff  }
0x475: {  	s11 =	sadd.s32 $0x8000, s11;
	v14 =	vld.idx.msk [tilespmem:v0+s13+$0xFFFFFFF0 ss:$0x1], $0xffff  }
0x476: {  	s14 =	sadd.s32 s10, s11;
	v15 =	vld.idx.msk [tilespmem:v0+s13+$0xFFFFFB90 ss:$0x1], $0xffff  }
0x477: {  	[tilespmem:s14+$0x470] =	vst.add.f32.msk $0xffff, v1  }
0x478: {  	v1 =	vld.idx.msk [tilespmem:v0+s13+$0xFFFFFBF0 ss:$0x1], $0xffff  }
0x479: {  	[tilespmem:s14+$0x10] =	vst.add.f32.msk $0xffff, v2  }
0x47a: {  	[tilespmem:s14+$0x20] =	vst.add.f32.msk $0xffff, v3  }
0x47b: {  	[tilespmem:s14+$0x30] =	vst.add.f32.msk $0xffff, v4  }
0x47c: {  	[tilespmem:s14+$0x40] =	vst.add.f32.msk $0xffff, v5  }
0x47d: {  	[tilespmem:s14+$0x50] =	vst.add.f32.msk $0xffff, v6  }
0x47e: {  	[tilespmem:s14+$0x0] =	vst.add.f32.msk $0xffff, v15  }
0x47f: {  	[tilespmem:s14+$0x70] =	vst.add.f32.msk $0xffff, v7  }
0x480: {  	[tilespmem:s14+$0x400] =	vst.add.f32.msk $0xffff, v8  }
0x481: {  	[tilespmem:s14+$0x410] =	vst.add.f32.msk $0xffff, v9  }
0x482: {  	[tilespmem:s14+$0x420] =	vst.add.f32.msk $0xffff, v10  }
0x483: {  	[tilespmem:s14+$0x430] =	vst.add.f32.msk $0xffff, v11  }
0x484: {  	[tilespmem:s14+$0x440] =	vst.add.f32.msk $0xffff, v12  }
0x485: {  	[tilespmem:s14+$0x450] =	vst.add.f32.msk $0xffff, v13  }
0x486: {  	[tilespmem:s14+$0x460] =	vst.add.f32.msk $0xffff, v14  }
0x487: {  	s12 =	simm.s32 $0x0;
	s13 =	sadd.s32 $0x800, s13;
	[tilespmem:s14+$0x60] =	vst.add.f32.msk $0xffff, v1  }
.LBB2_51:
0x488: {  	v1 =	vld.idx.msk [tilespmem:v0+s13+$0x0 ss:$0x1], $0xffff;
	s12 =	sadd.s32 $0x100, s12  }
0x489: {  	v2 =	vld.idx.msk [tilespmem:v0+s13+$0xFFFFFBA0 ss:$0x1], $0xffff;
	p0 =	slt.u32 s12, $0x300  }
0x48a: {  	v3 =	vld.idx.msk [tilespmem:v0+s13+$0xFFFFFBB0 ss:$0x1], $0xffff  }
0x48b: {  	v4 =	vld.idx.msk [tilespmem:v0+s13+$0xFFFFFBC0 ss:$0x1], $0xffff  }
0x48c: {  	s11 =	sadd.s32 $0x800, s11;
	v5 =	vld.idx.msk [tilespmem:v0+s13+$0xFFFFFBD0 ss:$0x1], $0xffff  }
0x48d: {  	s14 =	sadd.s32 s10, s11;
	v6 =	vld.idx.msk [tilespmem:v0+s13+$0xFFFFFBE0 ss:$0x1], $0xffff  }
0x48e: {  	[tilespmem:s14+$0x470] =	vst.add.f32.msk $0xffff, v1  }
0x48f: {  	v1 =	vld.idx.msk [tilespmem:v0+s13+$0xFFFFFBF0 ss:$0x1], $0xffff  }
0x490: {  	v7 =	vld.idx.msk [tilespmem:v0+s13+$0xFFFFFC00 ss:$0x1], $0xffff  }
0x491: {  	v8 =	vld.idx.msk [tilespmem:v0+s13+$0xFFFFFF90 ss:$0x1], $0xffff  }
0x492: {  	v9 =	vld.idx.msk [tilespmem:v0+s13+$0xFFFFFFA0 ss:$0x1], $0xffff  }
0x493: {  	v10 =	vld.idx.msk [tilespmem:v0+s13+$0xFFFFFFB0 ss:$0x1], $0xffff  }
0x494: {  	v11 =	vld.idx.msk [tilespmem:v0+s13+$0xFFFFFFC0 ss:$0x1], $0xffff  }
0x495: {  	v12 =	vld.idx.msk [tilespmem:v0+s13+$0xFFFFFFD0 ss:$0x1], $0xffff  }
0x496: {  	v13 =	vld.idx.msk [tilespmem:v0+s13+$0xFFFFFFE0 ss:$0x1], $0xffff  }
0x497: {  	v14 =	vld.idx.msk [tilespmem:v0+s13+$0xFFFFFFF0 ss:$0x1], $0xffff  }
0x498: {  	v15 =	vld.idx.msk [tilespmem:v0+s13+$0xFFFFFB90 ss:$0x1], $0xffff  }
0x499: {  	[tilespmem:s14+$0x10] =	vst.add.f32.msk $0xffff, v2  }
0x49a: {  	[tilespmem:s14+$0x20] =	vst.add.f32.msk $0xffff, v3  }
0x49b: {  	[tilespmem:s14+$0x30] =	vst.add.f32.msk $0xffff, v4  }
0x49c: {  	[tilespmem:s14+$0x40] =	vst.add.f32.msk $0xffff, v5  }
0x49d: {  	[tilespmem:s14+$0x50] =	vst.add.f32.msk $0xffff, v6  }
0x49e: {  	[tilespmem:s14+$0x0] =	vst.add.f32.msk $0xffff, v15  }
0x49f: {  	[tilespmem:s14+$0x60] =	vst.add.f32.msk $0xffff, v1  }
0x4a0: {  	[tilespmem:s14+$0x70] =	vst.add.f32.msk $0xffff, v7  }
0x4a1: {  	[tilespmem:s14+$0x400] =	vst.add.f32.msk $0xffff, v8  }
0x4a2: {  	[tilespmem:s14+$0x410] =	vst.add.f32.msk $0xffff, v9  }
.Ltmp24:
0x4a3: {  	[tilespmem:s14+$0x420] =	vst.add.f32.msk $0xffff, v10;
	(pc) =	sbr.rel @p0 .LBB2_51-.Ltmp24, $4  }
0x4a4: {  	[tilespmem:s14+$0x430] =	vst.add.f32.msk $0xffff, v11  }
0x4a5: {  	[tilespmem:s14+$0x440] =	vst.add.f32.msk $0xffff, v12  }
0x4a6: {  	[tilespmem:s14+$0x450] =	vst.add.f32.msk $0xffff, v13  }
0x4a7: {  	s13 =	sadd.s32 $0x800, s13;
	[tilespmem:s14+$0x460] =	vst.add.f32.msk $0xffff, v14  }
0x4a8: {  	s9 =	sadd.s32 $0x1, s9  }
0x4a9: {  	p0 =	sne.s32 s9, $0x10  }
.Ltmp25:
0x4aa: {  	_ = 	snop;
	(pc) =	sbr.rel @p0 .LBB2_50-.Ltmp25, $2  }
0x4ab: {  	_ =	sdelay $0x2  }
0x4ac: {  	s8 =	sadd.s32 $0x1, s8;
	s7 =	sadd.s32 $0x400, s7  }
0x4ad: {  	s7 =	simm.s32 $0x0;
	s8 =	rddreg [dreg:$0x1e]  }
0x4ae: {  	[hbm4b:s8+s7] =	stream.linear.scatter [tilespmem:s15], [sflag:$0x9], $0x4000, $0x38;
	v63 =	vld [tilespmem:$0x0]  }
0x4af: {  	_ =	swait.ge [sflag:s23], $0x4000  }
0x4b0: {  	[sflag:s23] =	ssyncset.done $0x0  }
0x4b1: {  	[sflag:s23] =	ssyncadd.s32 $0xFFFFC000  }
0x4b2: {  	_ =	swait.ge [sflag:s5], $0x4000  }
0x4b3: {  	s14 =	sld [smem:$0x7D9]  }
0x4b4: {  	[sflag:s5] =	ssyncset.done $0x0  }
0x4b5: {  	s9 =	simm.s32 $0x0;
	s8 =	simm.s32 $0x0;
	[sflag:s5] =	ssyncadd.s32 $0xFFFFC000  }
0x4b6: {  	[tilespmem:s24], [sflag:$0x8] =	stream.linear.gather [hbm4b:s14+s7], $0x4000, $0x38;
	v63 =	vld [tilespmem:$0x0]  }
.LBB2_54:
0x4b7: {  	s10 =	sand.u32 $0x7, s8  }
0x4b8: {  	s10 =	sshll.u32 s10, $0x9  }
0x4b9: {  	s10 =	sshrl.u32 s10, $0x2  }
0x4ba: {  	v0 =	vmov s10;
	_ =	sdelay $0x2  }
0x4bb: {  	s11 =	sand.u32 $0x3FFFE000, s7  }
0x4bc: {  	s13 =	sadd.s32 $0x4470, s11  }
0x4bd: {  	v1 =	vld.idx.msk [tilespmem:v0+s13+$0x0 ss:$0x1], $0xffff  }
0x4be: {  	v2 =	vld.idx.msk [tilespmem:v0+s13+$0xFFFFFBA0 ss:$0x1], $0xffff  }
0x4bf: {  	v3 =	vld.idx.msk [tilespmem:v0+s13+$0xFFFFFBB0 ss:$0x1], $0xffff  }
0x4c0: {  	v4 =	vld.idx.msk [tilespmem:v0+s13+$0xFFFFFBC0 ss:$0x1], $0xffff  }
0x4c1: {  	v5 =	vld.idx.msk [tilespmem:v0+s13+$0xFFFFFBD0 ss:$0x1], $0xffff  }
0x4c2: {  	v6 =	vld.idx.msk [tilespmem:v0+s13+$0xFFFFFBE0 ss:$0x1], $0xffff  }
0x4c3: {  	v7 =	vld.idx.msk [tilespmem:v0+s13+$0xFFFFFC00 ss:$0x1], $0xffff  }
0x4c4: {  	v8 =	vld.idx.msk [tilespmem:v0+s13+$0xFFFFFF90 ss:$0x1], $0xffff  }
0x4c5: {  	v9 =	vld.idx.msk [tilespmem:v0+s13+$0xFFFFFFA0 ss:$0x1], $0xffff  }
0x4c6: {  	v10 =	vld.idx.msk [tilespmem:v0+s13+$0xFFFFFFB0 ss:$0x1], $0xffff  }
0x4c7: {  	v11 =	vld.idx.msk [tilespmem:v0+s13+$0xFFFFFFC0 ss:$0x1], $0xffff  }
0x4c8: {  	v12 =	vld.idx.msk [tilespmem:v0+s13+$0xFFFFFFD0 ss:$0x1], $0xffff  }
0x4c9: {  	v13 =	vld.idx.msk [tilespmem:v0+s13+$0xFFFFFFE0 ss:$0x1], $0xffff  }
0x4ca: {  	s11 =	sadd.s32 $0xC000, s11;
	v14 =	vld.idx.msk [tilespmem:v0+s13+$0xFFFFFFF0 ss:$0x1], $0xffff  }
0x4cb: {  	s14 =	sadd.s32 s10, s11;
	v15 =	vld.idx.msk [tilespmem:v0+s13+$0xFFFFFB90 ss:$0x1], $0xffff  }
0x4cc: {  	[tilespmem:s14+$0x470] =	vst.add.f32.msk $0xffff, v1  }
0x4cd: {  	v1 =	vld.idx.msk [tilespmem:v0+s13+$0xFFFFFBF0 ss:$0x1], $0xffff  }
0x4ce: {  	[tilespmem:s14+$0x10] =	vst.add.f32.msk $0xffff, v2  }
0x4cf: {  	[tilespmem:s14+$0x20] =	vst.add.f32.msk $0xffff, v3  }
0x4d0: {  	[tilespmem:s14+$0x30] =	vst.add.f32.msk $0xffff, v4  }
0x4d1: {  	[tilespmem:s14+$0x40] =	vst.add.f32.msk $0xffff, v5  }
0x4d2: {  	[tilespmem:s14+$0x50] =	vst.add.f32.msk $0xffff, v6  }
0x4d3: {  	[tilespmem:s14+$0x0] =	vst.add.f32.msk $0xffff, v15  }
0x4d4: {  	[tilespmem:s14+$0x70] =	vst.add.f32.msk $0xffff, v7  }
0x4d5: {  	[tilespmem:s14+$0x400] =	vst.add.f32.msk $0xffff, v8  }
0x4d6: {  	[tilespmem:s14+$0x410] =	vst.add.f32.msk $0xffff, v9  }
0x4d7: {  	[tilespmem:s14+$0x420] =	vst.add.f32.msk $0xffff, v10  }
0x4d8: {  	[tilespmem:s14+$0x430] =	vst.add.f32.msk $0xffff, v11  }
0x4d9: {  	[tilespmem:s14+$0x440] =	vst.add.f32.msk $0xffff, v12  }
0x4da: {  	[tilespmem:s14+$0x450] =	vst.add.f32.msk $0xffff, v13  }
0x4db: {  	[tilespmem:s14+$0x460] =	vst.add.f32.msk $0xffff, v14  }
0x4dc: {  	s12 =	simm.s32 $0x0;
	s13 =	sadd.s32 $0x800, s13;
	[tilespmem:s14+$0x60] =	vst.add.f32.msk $0xffff, v1  }
.LBB2_55:
0x4dd: {  	v1 =	vld.idx.msk [tilespmem:v0+s13+$0x0 ss:$0x1], $0xffff;
	s12 =	sadd.s32 $0x100, s12  }
0x4de: {  	v2 =	vld.idx.msk [tilespmem:v0+s13+$0xFFFFFBA0 ss:$0x1], $0xffff;
	p0 =	slt.u32 s12, $0x300  }
0x4df: {  	v3 =	vld.idx.msk [tilespmem:v0+s13+$0xFFFFFBB0 ss:$0x1], $0xffff  }
0x4e0: {  	v4 =	vld.idx.msk [tilespmem:v0+s13+$0xFFFFFBC0 ss:$0x1], $0xffff  }
0x4e1: {  	s11 =	sadd.s32 $0x800, s11;
	v5 =	vld.idx.msk [tilespmem:v0+s13+$0xFFFFFBD0 ss:$0x1], $0xffff  }
0x4e2: {  	s14 =	sadd.s32 s10, s11;
	v6 =	vld.idx.msk [tilespmem:v0+s13+$0xFFFFFBE0 ss:$0x1], $0xffff  }
0x4e3: {  	[tilespmem:s14+$0x470] =	vst.add.f32.msk $0xffff, v1  }
0x4e4: {  	v1 =	vld.idx.msk [tilespmem:v0+s13+$0xFFFFFBF0 ss:$0x1], $0xffff  }
0x4e5: {  	v7 =	vld.idx.msk [tilespmem:v0+s13+$0xFFFFFC00 ss:$0x1], $0xffff  }
0x4e6: {  	v8 =	vld.idx.msk [tilespmem:v0+s13+$0xFFFFFF90 ss:$0x1], $0xffff  }
0x4e7: {  	v9 =	vld.idx.msk [tilespmem:v0+s13+$0xFFFFFFA0 ss:$0x1], $0xffff  }
0x4e8: {  	v10 =	vld.idx.msk [tilespmem:v0+s13+$0xFFFFFFB0 ss:$0x1], $0xffff  }
0x4e9: {  	v11 =	vld.idx.msk [tilespmem:v0+s13+$0xFFFFFFC0 ss:$0x1], $0xffff  }
0x4ea: {  	v12 =	vld.idx.msk [tilespmem:v0+s13+$0xFFFFFFD0 ss:$0x1], $0xffff  }
0x4eb: {  	v13 =	vld.idx.msk [tilespmem:v0+s13+$0xFFFFFFE0 ss:$0x1], $0xffff  }
0x4ec: {  	v14 =	vld.idx.msk [tilespmem:v0+s13+$0xFFFFFFF0 ss:$0x1], $0xffff  }
0x4ed: {  	v15 =	vld.idx.msk [tilespmem:v0+s13+$0xFFFFFB90 ss:$0x1], $0xffff  }
0x4ee: {  	[tilespmem:s14+$0x10] =	vst.add.f32.msk $0xffff, v2  }
0x4ef: {  	[tilespmem:s14+$0x20] =	vst.add.f32.msk $0xffff, v3  }
0x4f0: {  	[tilespmem:s14+$0x30] =	vst.add.f32.msk $0xffff, v4  }
0x4f1: {  	[tilespmem:s14+$0x40] =	vst.add.f32.msk $0xffff, v5  }
0x4f2: {  	[tilespmem:s14+$0x50] =	vst.add.f32.msk $0xffff, v6  }
0x4f3: {  	[tilespmem:s14+$0x0] =	vst.add.f32.msk $0xffff, v15  }
0x4f4: {  	[tilespmem:s14+$0x60] =	vst.add.f32.msk $0xffff, v1  }
0x4f5: {  	[tilespmem:s14+$0x70] =	vst.add.f32.msk $0xffff, v7  }
0x4f6: {  	[tilespmem:s14+$0x400] =	vst.add.f32.msk $0xffff, v8  }
0x4f7: {  	[tilespmem:s14+$0x410] =	vst.add.f32.msk $0xffff, v9  }
.Ltmp26:
0x4f8: {  	[tilespmem:s14+$0x420] =	vst.add.f32.msk $0xffff, v10;
	(pc) =	sbr.rel @p0 .LBB2_55-.Ltmp26, $4  }
0x4f9: {  	[tilespmem:s14+$0x430] =	vst.add.f32.msk $0xffff, v11  }
0x4fa: {  	[tilespmem:s14+$0x440] =	vst.add.f32.msk $0xffff, v12  }
0x4fb: {  	[tilespmem:s14+$0x450] =	vst.add.f32.msk $0xffff, v13  }
0x4fc: {  	s13 =	sadd.s32 $0x800, s13;
	[tilespmem:s14+$0x460] =	vst.add.f32.msk $0xffff, v14  }
0x4fd: {  	s9 =	sadd.s32 $0x1, s9  }
0x4fe: {  	p0 =	sne.s32 s9, $0x10  }
.Ltmp27:
0x4ff: {  	_ = 	snop;
	(pc) =	sbr.rel @p0 .LBB2_54-.Ltmp27, $2  }
0x500: {  	_ =	sdelay $0x2  }
0x501: {  	s8 =	sadd.s32 $0x1, s8;
	s7 =	sadd.s32 $0x400, s7  }
0x502: {  	s8 =	sld [smem:$0x7D1];
	_ =	sdelay $0x1  }
0x503: {  	s7 =	simm.s32 $0x0  }
0x504: {  	[hbm4b:s8+s7] =	stream.linear.scatter [tilespmem:s16], [sflag:$0xA], $0x4000, $0x38;
	v63 =	vld [tilespmem:$0x0]  }
0x505: {  	_ =	swait.ge [sflag:s25], $0x4000  }
0x506: {  	[sflag:s25] =	ssyncset.done $0x0  }
0x507: {  	[sflag:s25] =	ssyncadd.s32 $0xFFFFC000  }
0x508: {  	_ =	swait.ge [sflag:s26], $0x4000  }
0x509: {  	s14 =	sld [smem:$0x7DB]  }
0x50a: {  	[sflag:s26] =	ssyncset.done $0x0  }
0x50b: {  	s9 =	simm.s32 $0x0;
	s8 =	simm.s32 $0x0;
	[sflag:s26] =	ssyncadd.s32 $0xFFFFC000  }
0x50c: {  	[tilespmem:s15], [sflag:$0x3] =	stream.linear.gather [hbm4b:s14+s7], $0x4000, $0x38;
	v63 =	vld [tilespmem:$0x0]  }
.LBB2_58:
0x50d: {  	s10 =	sand.u32 $0x7, s8  }
0x50e: {  	s10 =	sshll.u32 s10, $0x9  }
0x50f: {  	s10 =	sshrl.u32 s10, $0x2  }
0x510: {  	v0 =	vmov s10;
	_ =	sdelay $0x2  }
0x511: {  	s11 =	sand.u32 $0x3FFFE000, s7  }
0x512: {  	s13 =	sadd.s32 $0x4470, s11  }
0x513: {  	v1 =	vld.idx.msk [tilespmem:v0+s13+$0x0 ss:$0x1], $0xffff  }
0x514: {  	v2 =	vld.idx.msk [tilespmem:v0+s13+$0xFFFFFBA0 ss:$0x1], $0xffff  }
0x515: {  	v3 =	vld.idx.msk [tilespmem:v0+s13+$0xFFFFFBB0 ss:$0x1], $0xffff  }
0x516: {  	v4 =	vld.idx.msk [tilespmem:v0+s13+$0xFFFFFBC0 ss:$0x1], $0xffff  }
0x517: {  	v5 =	vld.idx.msk [tilespmem:v0+s13+$0xFFFFFBD0 ss:$0x1], $0xffff  }
0x518: {  	v6 =	vld.idx.msk [tilespmem:v0+s13+$0xFFFFFBE0 ss:$0x1], $0xffff  }
0x519: {  	v7 =	vld.idx.msk [tilespmem:v0+s13+$0xFFFFFC00 ss:$0x1], $0xffff  }
0x51a: {  	v8 =	vld.idx.msk [tilespmem:v0+s13+$0xFFFFFF90 ss:$0x1], $0xffff  }
0x51b: {  	v9 =	vld.idx.msk [tilespmem:v0+s13+$0xFFFFFFA0 ss:$0x1], $0xffff  }
0x51c: {  	v10 =	vld.idx.msk [tilespmem:v0+s13+$0xFFFFFFB0 ss:$0x1], $0xffff  }
0x51d: {  	v11 =	vld.idx.msk [tilespmem:v0+s13+$0xFFFFFFC0 ss:$0x1], $0xffff  }
0x51e: {  	v12 =	vld.idx.msk [tilespmem:v0+s13+$0xFFFFFFD0 ss:$0x1], $0xffff  }
0x51f: {  	v13 =	vld.idx.msk [tilespmem:v0+s13+$0xFFFFFFE0 ss:$0x1], $0xffff  }
0x520: {  	s11 =	sadd.s32 $0x10000, s11;
	v14 =	vld.idx.msk [tilespmem:v0+s13+$0xFFFFFFF0 ss:$0x1], $0xffff  }
0x521: {  	s14 =	sadd.s32 s10, s11;
	v15 =	vld.idx.msk [tilespmem:v0+s13+$0xFFFFFB90 ss:$0x1], $0xffff  }
0x522: {  	[tilespmem:s14+$0x470] =	vst.add.f32.msk $0xffff, v1  }
0x523: {  	v1 =	vld.idx.msk [tilespmem:v0+s13+$0xFFFFFBF0 ss:$0x1], $0xffff  }
0x524: {  	[tilespmem:s14+$0x10] =	vst.add.f32.msk $0xffff, v2  }
0x525: {  	[tilespmem:s14+$0x20] =	vst.add.f32.msk $0xffff, v3  }
0x526: {  	[tilespmem:s14+$0x30] =	vst.add.f32.msk $0xffff, v4  }
0x527: {  	[tilespmem:s14+$0x40] =	vst.add.f32.msk $0xffff, v5  }
0x528: {  	[tilespmem:s14+$0x50] =	vst.add.f32.msk $0xffff, v6  }
0x529: {  	[tilespmem:s14+$0x0] =	vst.add.f32.msk $0xffff, v15  }
0x52a: {  	[tilespmem:s14+$0x70] =	vst.add.f32.msk $0xffff, v7  }
0x52b: {  	[tilespmem:s14+$0x400] =	vst.add.f32.msk $0xffff, v8  }
0x52c: {  	[tilespmem:s14+$0x410] =	vst.add.f32.msk $0xffff, v9  }
0x52d: {  	[tilespmem:s14+$0x420] =	vst.add.f32.msk $0xffff, v10  }
0x52e: {  	[tilespmem:s14+$0x430] =	vst.add.f32.msk $0xffff, v11  }
0x52f: {  	[tilespmem:s14+$0x440] =	vst.add.f32.msk $0xffff, v12  }
0x530: {  	[tilespmem:s14+$0x450] =	vst.add.f32.msk $0xffff, v13  }
0x531: {  	[tilespmem:s14+$0x460] =	vst.add.f32.msk $0xffff, v14  }
0x532: {  	s12 =	simm.s32 $0x0;
	s13 =	sadd.s32 $0x800, s13;
	[tilespmem:s14+$0x60] =	vst.add.f32.msk $0xffff, v1  }
.LBB2_59:
0x533: {  	v1 =	vld.idx.msk [tilespmem:v0+s13+$0x0 ss:$0x1], $0xffff;
	s12 =	sadd.s32 $0x100, s12  }
0x534: {  	v2 =	vld.idx.msk [tilespmem:v0+s13+$0xFFFFFBA0 ss:$0x1], $0xffff;
	p0 =	slt.u32 s12, $0x300  }
0x535: {  	v3 =	vld.idx.msk [tilespmem:v0+s13+$0xFFFFFBB0 ss:$0x1], $0xffff  }
0x536: {  	v4 =	vld.idx.msk [tilespmem:v0+s13+$0xFFFFFBC0 ss:$0x1], $0xffff  }
0x537: {  	s11 =	sadd.s32 $0x800, s11;
	v5 =	vld.idx.msk [tilespmem:v0+s13+$0xFFFFFBD0 ss:$0x1], $0xffff  }
0x538: {  	s14 =	sadd.s32 s10, s11;
	v6 =	vld.idx.msk [tilespmem:v0+s13+$0xFFFFFBE0 ss:$0x1], $0xffff  }
0x539: {  	[tilespmem:s14+$0x470] =	vst.add.f32.msk $0xffff, v1  }
0x53a: {  	v1 =	vld.idx.msk [tilespmem:v0+s13+$0xFFFFFBF0 ss:$0x1], $0xffff  }
0x53b: {  	v7 =	vld.idx.msk [tilespmem:v0+s13+$0xFFFFFC00 ss:$0x1], $0xffff  }
0x53c: {  	v8 =	vld.idx.msk [tilespmem:v0+s13+$0xFFFFFF90 ss:$0x1], $0xffff  }
0x53d: {  	v9 =	vld.idx.msk [tilespmem:v0+s13+$0xFFFFFFA0 ss:$0x1], $0xffff  }
0x53e: {  	v10 =	vld.idx.msk [tilespmem:v0+s13+$0xFFFFFFB0 ss:$0x1], $0xffff  }
0x53f: {  	v11 =	vld.idx.msk [tilespmem:v0+s13+$0xFFFFFFC0 ss:$0x1], $0xffff  }
0x540: {  	v12 =	vld.idx.msk [tilespmem:v0+s13+$0xFFFFFFD0 ss:$0x1], $0xffff  }
0x541: {  	v13 =	vld.idx.msk [tilespmem:v0+s13+$0xFFFFFFE0 ss:$0x1], $0xffff  }
0x542: {  	v14 =	vld.idx.msk [tilespmem:v0+s13+$0xFFFFFFF0 ss:$0x1], $0xffff  }
0x543: {  	v15 =	vld.idx.msk [tilespmem:v0+s13+$0xFFFFFB90 ss:$0x1], $0xffff  }
0x544: {  	[tilespmem:s14+$0x10] =	vst.add.f32.msk $0xffff, v2  }
0x545: {  	[tilespmem:s14+$0x20] =	vst.add.f32.msk $0xffff, v3  }
0x546: {  	[tilespmem:s14+$0x30] =	vst.add.f32.msk $0xffff, v4  }
0x547: {  	[tilespmem:s14+$0x40] =	vst.add.f32.msk $0xffff, v5  }
0x548: {  	[tilespmem:s14+$0x50] =	vst.add.f32.msk $0xffff, v6  }
0x549: {  	[tilespmem:s14+$0x0] =	vst.add.f32.msk $0xffff, v15  }
0x54a: {  	[tilespmem:s14+$0x60] =	vst.add.f32.msk $0xffff, v1  }
0x54b: {  	[tilespmem:s14+$0x70] =	vst.add.f32.msk $0xffff, v7  }
0x54c: {  	[tilespmem:s14+$0x400] =	vst.add.f32.msk $0xffff, v8  }
0x54d: {  	[tilespmem:s14+$0x410] =	vst.add.f32.msk $0xffff, v9  }
.Ltmp28:
0x54e: {  	[tilespmem:s14+$0x420] =	vst.add.f32.msk $0xffff, v10;
	(pc) =	sbr.rel @p0 .LBB2_59-.Ltmp28, $4  }
0x54f: {  	[tilespmem:s14+$0x430] =	vst.add.f32.msk $0xffff, v11  }
0x550: {  	[tilespmem:s14+$0x440] =	vst.add.f32.msk $0xffff, v12  }
0x551: {  	[tilespmem:s14+$0x450] =	vst.add.f32.msk $0xffff, v13  }
0x552: {  	s13 =	sadd.s32 $0x800, s13;
	[tilespmem:s14+$0x460] =	vst.add.f32.msk $0xffff, v14  }
0x553: {  	s9 =	sadd.s32 $0x1, s9  }
0x554: {  	p0 =	sne.s32 s9, $0x10  }
.Ltmp29:
0x555: {  	_ = 	snop;
	(pc) =	sbr.rel @p0 .LBB2_58-.Ltmp29, $2  }
0x556: {  	_ =	sdelay $0x2  }
0x557: {  	s8 =	sadd.s32 $0x1, s8;
	s7 =	sadd.s32 $0x400, s7  }
0x558: {  	s8 =	sld [smem:$0x7D3];
	_ =	sdelay $0x1  }
0x559: {  	s7 =	simm.s32 $0x0  }
0x55a: {  	[hbm4b:s8+s7] =	stream.linear.scatter [tilespmem:s17], [sflag:$0xB], $0x4000, $0x38;
	v63 =	vld [tilespmem:$0x0]  }
0x55b: {  	_ =	swait.ge [sflag:s28], $0x4000  }
0x55c: {  	[sflag:s28] =	ssyncset.done $0x0  }
0x55d: {  	[sflag:s28] =	ssyncadd.s32 $0xFFFFC000  }
0x55e: {  	_ =	swait.ge [sflag:s29], $0x4000  }
0x55f: {  	s14 =	sld [smem:$0x7DD]  }
0x560: {  	[sflag:s29] =	ssyncset.done $0x0  }
0x561: {  	s9 =	simm.s32 $0x0;
	s8 =	simm.s32 $0x0;
	[sflag:s29] =	ssyncadd.s32 $0xFFFFC000  }
0x562: {  	[tilespmem:s16], [sflag:$0x4] =	stream.linear.gather [hbm4b:s14+s7], $0x4000, $0x38;
	v63 =	vld [tilespmem:$0x0]  }
.LBB2_62:
0x563: {  	s10 =	sand.u32 $0x7, s8  }
0x564: {  	s10 =	sshll.u32 s10, $0x9  }
0x565: {  	s10 =	sshrl.u32 s10, $0x2  }
0x566: {  	v0 =	vmov s10;
	_ =	sdelay $0x2  }
0x567: {  	s11 =	sand.u32 $0x3FFFE000, s7  }
0x568: {  	s13 =	sadd.s32 $0x4470, s11  }
0x569: {  	v1 =	vld.idx.msk [tilespmem:v0+s13+$0x0 ss:$0x1], $0xffff  }
0x56a: {  	v2 =	vld.idx.msk [tilespmem:v0+s13+$0xFFFFFBA0 ss:$0x1], $0xffff  }
0x56b: {  	v3 =	vld.idx.msk [tilespmem:v0+s13+$0xFFFFFBB0 ss:$0x1], $0xffff  }
0x56c: {  	v4 =	vld.idx.msk [tilespmem:v0+s13+$0xFFFFFBC0 ss:$0x1], $0xffff  }
0x56d: {  	v5 =	vld.idx.msk [tilespmem:v0+s13+$0xFFFFFBD0 ss:$0x1], $0xffff  }
0x56e: {  	v6 =	vld.idx.msk [tilespmem:v0+s13+$0xFFFFFBE0 ss:$0x1], $0xffff  }
0x56f: {  	v7 =	vld.idx.msk [tilespmem:v0+s13+$0xFFFFFC00 ss:$0x1], $0xffff  }
0x570: {  	v8 =	vld.idx.msk [tilespmem:v0+s13+$0xFFFFFF90 ss:$0x1], $0xffff  }
0x571: {  	v9 =	vld.idx.msk [tilespmem:v0+s13+$0xFFFFFFA0 ss:$0x1], $0xffff  }
0x572: {  	v10 =	vld.idx.msk [tilespmem:v0+s13+$0xFFFFFFB0 ss:$0x1], $0xffff  }
0x573: {  	v11 =	vld.idx.msk [tilespmem:v0+s13+$0xFFFFFFC0 ss:$0x1], $0xffff  }
0x574: {  	v12 =	vld.idx.msk [tilespmem:v0+s13+$0xFFFFFFD0 ss:$0x1], $0xffff  }
0x575: {  	v13 =	vld.idx.msk [tilespmem:v0+s13+$0xFFFFFFE0 ss:$0x1], $0xffff  }
0x576: {  	s11 =	sadd.s32 $0x14000, s11;
	v14 =	vld.idx.msk [tilespmem:v0+s13+$0xFFFFFFF0 ss:$0x1], $0xffff  }
0x577: {  	s14 =	sadd.s32 s10, s11;
	v15 =	vld.idx.msk [tilespmem:v0+s13+$0xFFFFFB90 ss:$0x1], $0xffff  }
0x578: {  	[tilespmem:s14+$0x470] =	vst.add.f32.msk $0xffff, v1  }
0x579: {  	v1 =	vld.idx.msk [tilespmem:v0+s13+$0xFFFFFBF0 ss:$0x1], $0xffff  }
0x57a: {  	[tilespmem:s14+$0x10] =	vst.add.f32.msk $0xffff, v2  }
0x57b: {  	[tilespmem:s14+$0x20] =	vst.add.f32.msk $0xffff, v3  }
0x57c: {  	[tilespmem:s14+$0x30] =	vst.add.f32.msk $0xffff, v4  }
0x57d: {  	[tilespmem:s14+$0x40] =	vst.add.f32.msk $0xffff, v5  }
0x57e: {  	[tilespmem:s14+$0x50] =	vst.add.f32.msk $0xffff, v6  }
0x57f: {  	[tilespmem:s14+$0x0] =	vst.add.f32.msk $0xffff, v15  }
0x580: {  	[tilespmem:s14+$0x70] =	vst.add.f32.msk $0xffff, v7  }
0x581: {  	[tilespmem:s14+$0x400] =	vst.add.f32.msk $0xffff, v8  }
0x582: {  	[tilespmem:s14+$0x410] =	vst.add.f32.msk $0xffff, v9  }
0x583: {  	[tilespmem:s14+$0x420] =	vst.add.f32.msk $0xffff, v10  }
0x584: {  	[tilespmem:s14+$0x430] =	vst.add.f32.msk $0xffff, v11  }
0x585: {  	[tilespmem:s14+$0x440] =	vst.add.f32.msk $0xffff, v12  }
0x586: {  	[tilespmem:s14+$0x450] =	vst.add.f32.msk $0xffff, v13  }
0x587: {  	[tilespmem:s14+$0x460] =	vst.add.f32.msk $0xffff, v14  }
0x588: {  	s12 =	simm.s32 $0x0;
	s13 =	sadd.s32 $0x800, s13;
	[tilespmem:s14+$0x60] =	vst.add.f32.msk $0xffff, v1  }
.LBB2_63:
0x589: {  	v1 =	vld.idx.msk [tilespmem:v0+s13+$0x0 ss:$0x1], $0xffff;
	s12 =	sadd.s32 $0x100, s12  }
0x58a: {  	v2 =	vld.idx.msk [tilespmem:v0+s13+$0xFFFFFBA0 ss:$0x1], $0xffff;
	p0 =	slt.u32 s12, $0x300  }
0x58b: {  	v3 =	vld.idx.msk [tilespmem:v0+s13+$0xFFFFFBB0 ss:$0x1], $0xffff  }
0x58c: {  	v4 =	vld.idx.msk [tilespmem:v0+s13+$0xFFFFFBC0 ss:$0x1], $0xffff  }
0x58d: {  	s11 =	sadd.s32 $0x800, s11;
	v5 =	vld.idx.msk [tilespmem:v0+s13+$0xFFFFFBD0 ss:$0x1], $0xffff  }
0x58e: {  	s14 =	sadd.s32 s10, s11;
	v6 =	vld.idx.msk [tilespmem:v0+s13+$0xFFFFFBE0 ss:$0x1], $0xffff  }
0x58f: {  	[tilespmem:s14+$0x470] =	vst.add.f32.msk $0xffff, v1  }
0x590: {  	v1 =	vld.idx.msk [tilespmem:v0+s13+$0xFFFFFBF0 ss:$0x1], $0xffff  }
0x591: {  	v7 =	vld.idx.msk [tilespmem:v0+s13+$0xFFFFFC00 ss:$0x1], $0xffff  }
0x592: {  	v8 =	vld.idx.msk [tilespmem:v0+s13+$0xFFFFFF90 ss:$0x1], $0xffff  }
0x593: {  	v9 =	vld.idx.msk [tilespmem:v0+s13+$0xFFFFFFA0 ss:$0x1], $0xffff  }
0x594: {  	v10 =	vld.idx.msk [tilespmem:v0+s13+$0xFFFFFFB0 ss:$0x1], $0xffff  }
0x595: {  	v11 =	vld.idx.msk [tilespmem:v0+s13+$0xFFFFFFC0 ss:$0x1], $0xffff  }
0x596: {  	v12 =	vld.idx.msk [tilespmem:v0+s13+$0xFFFFFFD0 ss:$0x1], $0xffff  }
0x597: {  	v13 =	vld.idx.msk [tilespmem:v0+s13+$0xFFFFFFE0 ss:$0x1], $0xffff  }
0x598: {  	v14 =	vld.idx.msk [tilespmem:v0+s13+$0xFFFFFFF0 ss:$0x1], $0xffff  }
0x599: {  	v15 =	vld.idx.msk [tilespmem:v0+s13+$0xFFFFFB90 ss:$0x1], $0xffff  }
0x59a: {  	[tilespmem:s14+$0x10] =	vst.add.f32.msk $0xffff, v2  }
0x59b: {  	[tilespmem:s14+$0x20] =	vst.add.f32.msk $0xffff, v3  }
0x59c: {  	[tilespmem:s14+$0x30] =	vst.add.f32.msk $0xffff, v4  }
0x59d: {  	[tilespmem:s14+$0x40] =	vst.add.f32.msk $0xffff, v5  }
0x59e: {  	[tilespmem:s14+$0x50] =	vst.add.f32.msk $0xffff, v6  }
0x59f: {  	[tilespmem:s14+$0x0] =	vst.add.f32.msk $0xffff, v15  }
0x5a0: {  	[tilespmem:s14+$0x60] =	vst.add.f32.msk $0xffff, v1  }
0x5a1: {  	[tilespmem:s14+$0x70] =	vst.add.f32.msk $0xffff, v7  }
0x5a2: {  	[tilespmem:s14+$0x400] =	vst.add.f32.msk $0xffff, v8  }
0x5a3: {  	[tilespmem:s14+$0x410] =	vst.add.f32.msk $0xffff, v9  }
.Ltmp30:
0x5a4: {  	[tilespmem:s14+$0x420] =	vst.add.f32.msk $0xffff, v10;
	(pc) =	sbr.rel @p0 .LBB2_63-.Ltmp30, $4  }
0x5a5: {  	[tilespmem:s14+$0x430] =	vst.add.f32.msk $0xffff, v11  }
0x5a6: {  	[tilespmem:s14+$0x440] =	vst.add.f32.msk $0xffff, v12  }
0x5a7: {  	[tilespmem:s14+$0x450] =	vst.add.f32.msk $0xffff, v13  }
0x5a8: {  	s13 =	sadd.s32 $0x800, s13;
	[tilespmem:s14+$0x460] =	vst.add.f32.msk $0xffff, v14  }
0x5a9: {  	s9 =	sadd.s32 $0x1, s9  }
0x5aa: {  	p0 =	sne.s32 s9, $0x10  }
.Ltmp31:
0x5ab: {  	_ = 	snop;
	(pc) =	sbr.rel @p0 .LBB2_62-.Ltmp31, $2  }
0x5ac: {  	_ =	sdelay $0x2  }
0x5ad: {  	s8 =	sadd.s32 $0x1, s8;
	s7 =	sadd.s32 $0x400, s7  }
0x5ae: {  	s8 =	sld [smem:$0x7D5];
	_ =	sdelay $0x1  }
0x5af: {  	s7 =	simm.s32 $0x0  }
0x5b0: {  	[hbm4b:s8+s7] =	stream.linear.scatter [tilespmem:s18], [sflag:$0xC], $0x4000, $0x38;
	v63 =	vld [tilespmem:$0x0]  }
0x5b1: {  	_ =	swait.ge [sflag:s19], $0x4000  }
0x5b2: {  	s13 =	sld [smem:$0x7DF]  }
0x5b3: {  	[sflag:s19] =	ssyncset.done $0x0  }
0x5b4: {  	[sflag:s19] =	ssyncadd.s32 $0xFFFFC000  }
0x5b5: {  	[tilespmem:s20], [sflag:$0x2] =	stream.linear.gather [hbm4b:s13+s7], $0x4000, $0x38;
	v63 =	vld [tilespmem:$0x0]  }
0x5b6: {  	_ =	swait.ge [sflag:s31], $0x4000  }
0x5b7: {  	[sflag:s31] =	ssyncset.done $0x0  }
0x5b8: {  	[sflag:s31] =	ssyncadd.s32 $0xFFFFC000  }
0x5b9: {  	_ =	swait.ge [sflag:s0], $0x4000  }
0x5ba: {  	s14 =	sld [smem:$0x7E0]  }
0x5bb: {  	[sflag:s0] =	ssyncset.done $0x0  }
0x5bc: {  	s9 =	simm.s32 $0x0;
	s8 =	simm.s32 $0x0;
	[sflag:s0] =	ssyncadd.s32 $0xFFFFC000  }
0x5bd: {  	[tilespmem:s17], [sflag:$0x5] =	stream.linear.gather [hbm4b:s14+s7], $0x4000, $0x38;
	v63 =	vld [tilespmem:$0x0]  }
.LBB2_66:
0x5be: {  	s10 =	sand.u32 $0x7, s8  }
0x5bf: {  	s10 =	sshll.u32 s10, $0x9  }
0x5c0: {  	s10 =	sshrl.u32 s10, $0x2  }
0x5c1: {  	v0 =	vmov s10;
	_ =	sdelay $0x2  }
0x5c2: {  	s11 =	sand.u32 $0x3FFFE000, s7  }
0x5c3: {  	s13 =	sor.u32 $0x470, s11  }
0x5c4: {  	v1 =	vld.idx.msk [tilespmem:v0+s13+$0x0 ss:$0x1], $0xffff  }
0x5c5: {  	v2 =	vld.idx.msk [tilespmem:v0+s13+$0xFFFFFBA0 ss:$0x1], $0xffff  }
0x5c6: {  	v3 =	vld.idx.msk [tilespmem:v0+s13+$0xFFFFFBB0 ss:$0x1], $0xffff  }
0x5c7: {  	v4 =	vld.idx.msk [tilespmem:v0+s13+$0xFFFFFBC0 ss:$0x1], $0xffff  }
0x5c8: {  	v5 =	vld.idx.msk [tilespmem:v0+s13+$0xFFFFFBD0 ss:$0x1], $0xffff  }
0x5c9: {  	v6 =	vld.idx.msk [tilespmem:v0+s13+$0xFFFFFBE0 ss:$0x1], $0xffff  }
0x5ca: {  	v7 =	vld.idx.msk [tilespmem:v0+s13+$0xFFFFFC00 ss:$0x1], $0xffff  }
0x5cb: {  	v8 =	vld.idx.msk [tilespmem:v0+s13+$0xFFFFFF90 ss:$0x1], $0xffff  }
0x5cc: {  	v9 =	vld.idx.msk [tilespmem:v0+s13+$0xFFFFFFA0 ss:$0x1], $0xffff  }
0x5cd: {  	v10 =	vld.idx.msk [tilespmem:v0+s13+$0xFFFFFFB0 ss:$0x1], $0xffff  }
0x5ce: {  	v11 =	vld.idx.msk [tilespmem:v0+s13+$0xFFFFFFC0 ss:$0x1], $0xffff  }
0x5cf: {  	v12 =	vld.idx.msk [tilespmem:v0+s13+$0xFFFFFFD0 ss:$0x1], $0xffff  }
0x5d0: {  	v13 =	vld.idx.msk [tilespmem:v0+s13+$0xFFFFFFE0 ss:$0x1], $0xffff  }
0x5d1: {  	s11 =	sadd.s32 $0x18000, s11;
	v14 =	vld.idx.msk [tilespmem:v0+s13+$0xFFFFFFF0 ss:$0x1], $0xffff  }
0x5d2: {  	s14 =	sadd.s32 s10, s11;
	v15 =	vld.idx.msk [tilespmem:v0+s13+$0xFFFFFB90 ss:$0x1], $0xffff  }
0x5d3: {  	[tilespmem:s14+$0x470] =	vst.add.f32.msk $0xffff, v1  }
0x5d4: {  	v1 =	vld.idx.msk [tilespmem:v0+s13+$0xFFFFFBF0 ss:$0x1], $0xffff  }
0x5d5: {  	[tilespmem:s14+$0x10] =	vst.add.f32.msk $0xffff, v2  }
0x5d6: {  	[tilespmem:s14+$0x20] =	vst.add.f32.msk $0xffff, v3  }
0x5d7: {  	[tilespmem:s14+$0x30] =	vst.add.f32.msk $0xffff, v4  }
0x5d8: {  	[tilespmem:s14+$0x40] =	vst.add.f32.msk $0xffff, v5  }
0x5d9: {  	[tilespmem:s14+$0x50] =	vst.add.f32.msk $0xffff, v6  }
0x5da: {  	[tilespmem:s14+$0x0] =	vst.add.f32.msk $0xffff, v15  }
0x5db: {  	[tilespmem:s14+$0x70] =	vst.add.f32.msk $0xffff, v7  }
0x5dc: {  	[tilespmem:s14+$0x400] =	vst.add.f32.msk $0xffff, v8  }
0x5dd: {  	[tilespmem:s14+$0x410] =	vst.add.f32.msk $0xffff, v9  }
0x5de: {  	[tilespmem:s14+$0x420] =	vst.add.f32.msk $0xffff, v10  }
0x5df: {  	[tilespmem:s14+$0x430] =	vst.add.f32.msk $0xffff, v11  }
0x5e0: {  	[tilespmem:s14+$0x440] =	vst.add.f32.msk $0xffff, v12  }
0x5e1: {  	[tilespmem:s14+$0x450] =	vst.add.f32.msk $0xffff, v13  }
0x5e2: {  	[tilespmem:s14+$0x460] =	vst.add.f32.msk $0xffff, v14  }
0x5e3: {  	s12 =	simm.s32 $0x0;
	s13 =	sadd.s32 $0x800, s13;
	[tilespmem:s14+$0x60] =	vst.add.f32.msk $0xffff, v1  }
.LBB2_67:
0x5e4: {  	v1 =	vld.idx.msk [tilespmem:v0+s13+$0x0 ss:$0x1], $0xffff;
	s12 =	sadd.s32 $0x100, s12  }
0x5e5: {  	v2 =	vld.idx.msk [tilespmem:v0+s13+$0xFFFFFBA0 ss:$0x1], $0xffff;
	p0 =	slt.u32 s12, $0x300  }
0x5e6: {  	v3 =	vld.idx.msk [tilespmem:v0+s13+$0xFFFFFBB0 ss:$0x1], $0xffff  }
0x5e7: {  	v4 =	vld.idx.msk [tilespmem:v0+s13+$0xFFFFFBC0 ss:$0x1], $0xffff  }
0x5e8: {  	s11 =	sadd.s32 $0x800, s11;
	v5 =	vld.idx.msk [tilespmem:v0+s13+$0xFFFFFBD0 ss:$0x1], $0xffff  }
0x5e9: {  	s14 =	sadd.s32 s10, s11;
	v6 =	vld.idx.msk [tilespmem:v0+s13+$0xFFFFFBE0 ss:$0x1], $0xffff  }
0x5ea: {  	[tilespmem:s14+$0x470] =	vst.add.f32.msk $0xffff, v1  }
0x5eb: {  	v1 =	vld.idx.msk [tilespmem:v0+s13+$0xFFFFFBF0 ss:$0x1], $0xffff  }
0x5ec: {  	v7 =	vld.idx.msk [tilespmem:v0+s13+$0xFFFFFC00 ss:$0x1], $0xffff  }
0x5ed: {  	v8 =	vld.idx.msk [tilespmem:v0+s13+$0xFFFFFF90 ss:$0x1], $0xffff  }
0x5ee: {  	v9 =	vld.idx.msk [tilespmem:v0+s13+$0xFFFFFFA0 ss:$0x1], $0xffff  }
0x5ef: {  	v10 =	vld.idx.msk [tilespmem:v0+s13+$0xFFFFFFB0 ss:$0x1], $0xffff  }
0x5f0: {  	v11 =	vld.idx.msk [tilespmem:v0+s13+$0xFFFFFFC0 ss:$0x1], $0xffff  }
0x5f1: {  	v12 =	vld.idx.msk [tilespmem:v0+s13+$0xFFFFFFD0 ss:$0x1], $0xffff  }
0x5f2: {  	v13 =	vld.idx.msk [tilespmem:v0+s13+$0xFFFFFFE0 ss:$0x1], $0xffff  }
0x5f3: {  	v14 =	vld.idx.msk [tilespmem:v0+s13+$0xFFFFFFF0 ss:$0x1], $0xffff  }
0x5f4: {  	v15 =	vld.idx.msk [tilespmem:v0+s13+$0xFFFFFB90 ss:$0x1], $0xffff  }
0x5f5: {  	[tilespmem:s14+$0x10] =	vst.add.f32.msk $0xffff, v2  }
0x5f6: {  	[tilespmem:s14+$0x20] =	vst.add.f32.msk $0xffff, v3  }
0x5f7: {  	[tilespmem:s14+$0x30] =	vst.add.f32.msk $0xffff, v4  }
0x5f8: {  	[tilespmem:s14+$0x40] =	vst.add.f32.msk $0xffff, v5  }
0x5f9: {  	[tilespmem:s14+$0x50] =	vst.add.f32.msk $0xffff, v6  }
0x5fa: {  	[tilespmem:s14+$0x0] =	vst.add.f32.msk $0xffff, v15  }
0x5fb: {  	[tilespmem:s14+$0x60] =	vst.add.f32.msk $0xffff, v1  }
0x5fc: {  	[tilespmem:s14+$0x70] =	vst.add.f32.msk $0xffff, v7  }
0x5fd: {  	[tilespmem:s14+$0x400] =	vst.add.f32.msk $0xffff, v8  }
0x5fe: {  	[tilespmem:s14+$0x410] =	vst.add.f32.msk $0xffff, v9  }
.Ltmp32:
0x5ff: {  	[tilespmem:s14+$0x420] =	vst.add.f32.msk $0xffff, v10;
	(pc) =	sbr.rel @p0 .LBB2_67-.Ltmp32, $4  }
0x600: {  	[tilespmem:s14+$0x430] =	vst.add.f32.msk $0xffff, v11  }
0x601: {  	[tilespmem:s14+$0x440] =	vst.add.f32.msk $0xffff, v12  }
0x602: {  	[tilespmem:s14+$0x450] =	vst.add.f32.msk $0xffff, v13  }
0x603: {  	s13 =	sadd.s32 $0x800, s13;
	[tilespmem:s14+$0x460] =	vst.add.f32.msk $0xffff, v14  }
0x604: {  	s9 =	sadd.s32 $0x1, s9  }
0x605: {  	p0 =	sne.s32 s9, $0x10  }
.Ltmp33:
0x606: {  	_ = 	snop;
	(pc) =	sbr.rel @p0 .LBB2_66-.Ltmp33, $2  }
0x607: {  	_ =	sdelay $0x2  }
0x608: {  	s8 =	sadd.s32 $0x1, s8;
	s7 =	sadd.s32 $0x400, s7  }
0x609: {  	s8 =	sld [smem:$0x7D8];
	_ =	sdelay $0x1  }
0x60a: {  	s7 =	simm.s32 $0x0  }
0x60b: {  	[hbm4b:s8+s7] =	stream.linear.scatter [tilespmem:s22], [sflag:$0xD], $0x4000, $0x38;
	v63 =	vld [tilespmem:$0x0]  }
0x60c: {  	_ =	swait.ge [sflag:s2], $0x4000  }
0x60d: {  	[sflag:s2] =	ssyncset.done $0x0  }
0x60e: {  	[sflag:s2] =	ssyncadd.s32 $0xFFFFC000  }
0x60f: {  	_ =	swait.ge [sflag:s3], $0x4000  }
0x610: {  	s14 =	sld [smem:$0x7E2]  }
0x611: {  	[sflag:s3] =	ssyncset.done $0x0  }
0x612: {  	s9 =	simm.s32 $0x0;
	s8 =	simm.s32 $0x0;
	[sflag:s3] =	ssyncadd.s32 $0xFFFFC000  }
0x613: {  	[tilespmem:s18], [sflag:$0x6] =	stream.linear.gather [hbm4b:s14+s7], $0x4000, $0x38;
	v63 =	vld [tilespmem:$0x0]  }
.LBB2_70:
0x614: {  	s10 =	sand.u32 $0x7, s8  }
0x615: {  	s10 =	sshll.u32 s10, $0x9  }
0x616: {  	s10 =	sshrl.u32 s10, $0x2  }
0x617: {  	v0 =	vmov s10;
	_ =	sdelay $0x2  }
0x618: {  	s11 =	sand.u32 $0x3FFFE000, s7  }
0x619: {  	s13 =	sor.u32 $0x470, s11  }
0x61a: {  	v1 =	vld.idx.msk [tilespmem:v0+s13+$0x0 ss:$0x1], $0xffff  }
0x61b: {  	v2 =	vld.idx.msk [tilespmem:v0+s13+$0xFFFFFBA0 ss:$0x1], $0xffff  }
0x61c: {  	v3 =	vld.idx.msk [tilespmem:v0+s13+$0xFFFFFBB0 ss:$0x1], $0xffff  }
0x61d: {  	v4 =	vld.idx.msk [tilespmem:v0+s13+$0xFFFFFBC0 ss:$0x1], $0xffff  }
0x61e: {  	v5 =	vld.idx.msk [tilespmem:v0+s13+$0xFFFFFBD0 ss:$0x1], $0xffff  }
0x61f: {  	v6 =	vld.idx.msk [tilespmem:v0+s13+$0xFFFFFBE0 ss:$0x1], $0xffff  }
0x620: {  	v7 =	vld.idx.msk [tilespmem:v0+s13+$0xFFFFFC00 ss:$0x1], $0xffff  }
0x621: {  	v8 =	vld.idx.msk [tilespmem:v0+s13+$0xFFFFFF90 ss:$0x1], $0xffff  }
0x622: {  	v9 =	vld.idx.msk [tilespmem:v0+s13+$0xFFFFFFA0 ss:$0x1], $0xffff  }
0x623: {  	v10 =	vld.idx.msk [tilespmem:v0+s13+$0xFFFFFFB0 ss:$0x1], $0xffff  }
0x624: {  	v11 =	vld.idx.msk [tilespmem:v0+s13+$0xFFFFFFC0 ss:$0x1], $0xffff  }
0x625: {  	v12 =	vld.idx.msk [tilespmem:v0+s13+$0xFFFFFFD0 ss:$0x1], $0xffff  }
0x626: {  	v13 =	vld.idx.msk [tilespmem:v0+s13+$0xFFFFFFE0 ss:$0x1], $0xffff  }
0x627: {  	s11 =	sadd.s32 $0x1C000, s11;
	v14 =	vld.idx.msk [tilespmem:v0+s13+$0xFFFFFFF0 ss:$0x1], $0xffff  }
0x628: {  	s14 =	sadd.s32 s10, s11;
	v15 =	vld.idx.msk [tilespmem:v0+s13+$0xFFFFFB90 ss:$0x1], $0xffff  }
0x629: {  	[tilespmem:s14+$0x470] =	vst.add.f32.msk $0xffff, v1  }
0x62a: {  	v1 =	vld.idx.msk [tilespmem:v0+s13+$0xFFFFFBF0 ss:$0x1], $0xffff  }
0x62b: {  	[tilespmem:s14+$0x10] =	vst.add.f32.msk $0xffff, v2  }
0x62c: {  	[tilespmem:s14+$0x20] =	vst.add.f32.msk $0xffff, v3  }
0x62d: {  	[tilespmem:s14+$0x30] =	vst.add.f32.msk $0xffff, v4  }
0x62e: {  	[tilespmem:s14+$0x40] =	vst.add.f32.msk $0xffff, v5  }
0x62f: {  	[tilespmem:s14+$0x50] =	vst.add.f32.msk $0xffff, v6  }
0x630: {  	[tilespmem:s14+$0x0] =	vst.add.f32.msk $0xffff, v15  }
0x631: {  	[tilespmem:s14+$0x70] =	vst.add.f32.msk $0xffff, v7  }
0x632: {  	[tilespmem:s14+$0x400] =	vst.add.f32.msk $0xffff, v8  }
0x633: {  	[tilespmem:s14+$0x410] =	vst.add.f32.msk $0xffff, v9  }
0x634: {  	[tilespmem:s14+$0x420] =	vst.add.f32.msk $0xffff, v10  }
0x635: {  	[tilespmem:s14+$0x430] =	vst.add.f32.msk $0xffff, v11  }
0x636: {  	[tilespmem:s14+$0x440] =	vst.add.f32.msk $0xffff, v12  }
0x637: {  	[tilespmem:s14+$0x450] =	vst.add.f32.msk $0xffff, v13  }
0x638: {  	[tilespmem:s14+$0x460] =	vst.add.f32.msk $0xffff, v14  }
0x639: {  	s12 =	simm.s32 $0x0;
	s13 =	sadd.s32 $0x800, s13;
	[tilespmem:s14+$0x60] =	vst.add.f32.msk $0xffff, v1  }
.LBB2_71:
0x63a: {  	v1 =	vld.idx.msk [tilespmem:v0+s13+$0x0 ss:$0x1], $0xffff;
	s12 =	sadd.s32 $0x100, s12  }
0x63b: {  	v2 =	vld.idx.msk [tilespmem:v0+s13+$0xFFFFFBA0 ss:$0x1], $0xffff;
	p0 =	slt.u32 s12, $0x300  }
0x63c: {  	v3 =	vld.idx.msk [tilespmem:v0+s13+$0xFFFFFBB0 ss:$0x1], $0xffff  }
0x63d: {  	v4 =	vld.idx.msk [tilespmem:v0+s13+$0xFFFFFBC0 ss:$0x1], $0xffff  }
0x63e: {  	s11 =	sadd.s32 $0x800, s11;
	v5 =	vld.idx.msk [tilespmem:v0+s13+$0xFFFFFBD0 ss:$0x1], $0xffff  }
0x63f: {  	s14 =	sadd.s32 s10, s11;
	v6 =	vld.idx.msk [tilespmem:v0+s13+$0xFFFFFBE0 ss:$0x1], $0xffff  }
0x640: {  	[tilespmem:s14+$0x470] =	vst.add.f32.msk $0xffff, v1  }
0x641: {  	v1 =	vld.idx.msk [tilespmem:v0+s13+$0xFFFFFBF0 ss:$0x1], $0xffff  }
0x642: {  	v7 =	vld.idx.msk [tilespmem:v0+s13+$0xFFFFFC00 ss:$0x1], $0xffff  }
0x643: {  	v8 =	vld.idx.msk [tilespmem:v0+s13+$0xFFFFFF90 ss:$0x1], $0xffff  }
0x644: {  	v9 =	vld.idx.msk [tilespmem:v0+s13+$0xFFFFFFA0 ss:$0x1], $0xffff  }
0x645: {  	v10 =	vld.idx.msk [tilespmem:v0+s13+$0xFFFFFFB0 ss:$0x1], $0xffff  }
0x646: {  	v11 =	vld.idx.msk [tilespmem:v0+s13+$0xFFFFFFC0 ss:$0x1], $0xffff  }
0x647: {  	v12 =	vld.idx.msk [tilespmem:v0+s13+$0xFFFFFFD0 ss:$0x1], $0xffff  }
0x648: {  	v13 =	vld.idx.msk [tilespmem:v0+s13+$0xFFFFFFE0 ss:$0x1], $0xffff  }
0x649: {  	v14 =	vld.idx.msk [tilespmem:v0+s13+$0xFFFFFFF0 ss:$0x1], $0xffff  }
0x64a: {  	v15 =	vld.idx.msk [tilespmem:v0+s13+$0xFFFFFB90 ss:$0x1], $0xffff  }
0x64b: {  	[tilespmem:s14+$0x10] =	vst.add.f32.msk $0xffff, v2  }
0x64c: {  	[tilespmem:s14+$0x20] =	vst.add.f32.msk $0xffff, v3  }
0x64d: {  	[tilespmem:s14+$0x30] =	vst.add.f32.msk $0xffff, v4  }
0x64e: {  	[tilespmem:s14+$0x40] =	vst.add.f32.msk $0xffff, v5  }
0x64f: {  	[tilespmem:s14+$0x50] =	vst.add.f32.msk $0xffff, v6  }
0x650: {  	[tilespmem:s14+$0x0] =	vst.add.f32.msk $0xffff, v15  }
0x651: {  	[tilespmem:s14+$0x60] =	vst.add.f32.msk $0xffff, v1  }
0x652: {  	[tilespmem:s14+$0x70] =	vst.add.f32.msk $0xffff, v7  }
0x653: {  	[tilespmem:s14+$0x400] =	vst.add.f32.msk $0xffff, v8  }
0x654: {  	[tilespmem:s14+$0x410] =	vst.add.f32.msk $0xffff, v9  }
.Ltmp34:
0x655: {  	[tilespmem:s14+$0x420] =	vst.add.f32.msk $0xffff, v10;
	(pc) =	sbr.rel @p0 .LBB2_71-.Ltmp34, $4  }
0x656: {  	[tilespmem:s14+$0x430] =	vst.add.f32.msk $0xffff, v11  }
0x657: {  	[tilespmem:s14+$0x440] =	vst.add.f32.msk $0xffff, v12  }
0x658: {  	[tilespmem:s14+$0x450] =	vst.add.f32.msk $0xffff, v13  }
0x659: {  	s13 =	sadd.s32 $0x800, s13;
	[tilespmem:s14+$0x460] =	vst.add.f32.msk $0xffff, v14  }
0x65a: {  	s9 =	sadd.s32 $0x1, s9  }
0x65b: {  	p0 =	sne.s32 s9, $0x10  }
.Ltmp35:
0x65c: {  	_ = 	snop;
	(pc) =	sbr.rel @p0 .LBB2_70-.Ltmp35, $2  }
0x65d: {  	_ =	sdelay $0x2  }
0x65e: {  	s8 =	sadd.s32 $0x1, s8;
	s7 =	sadd.s32 $0x400, s7  }
0x65f: {  	s8 =	sld [smem:$0x7DA];
	_ =	sdelay $0x1  }
0x660: {  	s7 =	simm.s32 $0x0  }
0x661: {  	[hbm4b:s8+s7] =	stream.linear.scatter [tilespmem:s24], [sflag:$0xE], $0x4000, $0x38;
	v63 =	vld [tilespmem:$0x0]  }
0x662: {  	_ =	swait.ge [sflag:s21], $0x4000  }
0x663: {  	[sflag:s21] =	ssyncset.done $0x0  }
0x664: {  	[sflag:s21] =	ssyncadd.s32 $0xFFFFC000  }
0x665: {  	_ =	swait.ge [sflag:s4], $0x4000  }
0x666: {  	s14 =	sld [smem:$0x7E4]  }
0x667: {  	[sflag:s4] =	ssyncset.done $0x0  }
0x668: {  	s9 =	simm.s32 $0x0;
	s8 =	simm.s32 $0x0;
	[sflag:s4] =	ssyncadd.s32 $0xFFFFC000  }
0x669: {  	[tilespmem:s22], [sflag:$0x7] =	stream.linear.gather [hbm4b:s14+s7], $0x4000, $0x38;
	v63 =	vld [tilespmem:$0x0]  }
.LBB2_74:
0x66a: {  	s10 =	sand.u32 $0x7, s8  }
0x66b: {  	s10 =	sshll.u32 s10, $0x9  }
0x66c: {  	s10 =	sshrl.u32 s10, $0x2  }
0x66d: {  	v0 =	vmov s10;
	_ =	sdelay $0x2  }
0x66e: {  	s11 =	sand.u32 $0x3FFFE000, s7  }
0x66f: {  	s13 =	sor.u32 $0x470, s11  }
0x670: {  	v1 =	vld.idx.msk [tilespmem:v0+s13+$0x0 ss:$0x1], $0xffff  }
0x671: {  	v2 =	vld.idx.msk [tilespmem:v0+s13+$0xFFFFFBA0 ss:$0x1], $0xffff  }
0x672: {  	v3 =	vld.idx.msk [tilespmem:v0+s13+$0xFFFFFBB0 ss:$0x1], $0xffff  }
0x673: {  	v4 =	vld.idx.msk [tilespmem:v0+s13+$0xFFFFFBC0 ss:$0x1], $0xffff  }
0x674: {  	v5 =	vld.idx.msk [tilespmem:v0+s13+$0xFFFFFBD0 ss:$0x1], $0xffff  }
0x675: {  	v6 =	vld.idx.msk [tilespmem:v0+s13+$0xFFFFFBE0 ss:$0x1], $0xffff  }
0x676: {  	v7 =	vld.idx.msk [tilespmem:v0+s13+$0xFFFFFC00 ss:$0x1], $0xffff  }
0x677: {  	v8 =	vld.idx.msk [tilespmem:v0+s13+$0xFFFFFF90 ss:$0x1], $0xffff  }
0x678: {  	v9 =	vld.idx.msk [tilespmem:v0+s13+$0xFFFFFFA0 ss:$0x1], $0xffff  }
0x679: {  	v10 =	vld.idx.msk [tilespmem:v0+s13+$0xFFFFFFB0 ss:$0x1], $0xffff  }
0x67a: {  	v11 =	vld.idx.msk [tilespmem:v0+s13+$0xFFFFFFC0 ss:$0x1], $0xffff  }
0x67b: {  	v12 =	vld.idx.msk [tilespmem:v0+s13+$0xFFFFFFD0 ss:$0x1], $0xffff  }
0x67c: {  	v13 =	vld.idx.msk [tilespmem:v0+s13+$0xFFFFFFE0 ss:$0x1], $0xffff  }
0x67d: {  	s11 =	sadd.s32 $0x8000, s11;
	v14 =	vld.idx.msk [tilespmem:v0+s13+$0xFFFFFFF0 ss:$0x1], $0xffff  }
0x67e: {  	s14 =	sadd.s32 s10, s11;
	v15 =	vld.idx.msk [tilespmem:v0+s13+$0xFFFFFB90 ss:$0x1], $0xffff  }
0x67f: {  	[tilespmem:s14+$0x470] =	vst.add.f32.msk $0xffff, v1  }
0x680: {  	v1 =	vld.idx.msk [tilespmem:v0+s13+$0xFFFFFBF0 ss:$0x1], $0xffff  }
0x681: {  	[tilespmem:s14+$0x10] =	vst.add.f32.msk $0xffff, v2  }
0x682: {  	[tilespmem:s14+$0x20] =	vst.add.f32.msk $0xffff, v3  }
0x683: {  	[tilespmem:s14+$0x30] =	vst.add.f32.msk $0xffff, v4  }
0x684: {  	[tilespmem:s14+$0x40] =	vst.add.f32.msk $0xffff, v5  }
0x685: {  	[tilespmem:s14+$0x50] =	vst.add.f32.msk $0xffff, v6  }
0x686: {  	[tilespmem:s14+$0x0] =	vst.add.f32.msk $0xffff, v15  }
0x687: {  	[tilespmem:s14+$0x70] =	vst.add.f32.msk $0xffff, v7  }
0x688: {  	[tilespmem:s14+$0x400] =	vst.add.f32.msk $0xffff, v8  }
0x689: {  	[tilespmem:s14+$0x410] =	vst.add.f32.msk $0xffff, v9  }
0x68a: {  	[tilespmem:s14+$0x420] =	vst.add.f32.msk $0xffff, v10  }
0x68b: {  	[tilespmem:s14+$0x430] =	vst.add.f32.msk $0xffff, v11  }
0x68c: {  	[tilespmem:s14+$0x440] =	vst.add.f32.msk $0xffff, v12  }
0x68d: {  	[tilespmem:s14+$0x450] =	vst.add.f32.msk $0xffff, v13  }
0x68e: {  	[tilespmem:s14+$0x460] =	vst.add.f32.msk $0xffff, v14  }
0x68f: {  	s12 =	simm.s32 $0x0;
	s13 =	sadd.s32 $0x800, s13;
	[tilespmem:s14+$0x60] =	vst.add.f32.msk $0xffff, v1  }
.LBB2_75:
0x690: {  	v1 =	vld.idx.msk [tilespmem:v0+s13+$0x0 ss:$0x1], $0xffff;
	s12 =	sadd.s32 $0x100, s12  }
0x691: {  	v2 =	vld.idx.msk [tilespmem:v0+s13+$0xFFFFFBA0 ss:$0x1], $0xffff;
	p0 =	slt.u32 s12, $0x300  }
0x692: {  	v3 =	vld.idx.msk [tilespmem:v0+s13+$0xFFFFFBB0 ss:$0x1], $0xffff  }
0x693: {  	v4 =	vld.idx.msk [tilespmem:v0+s13+$0xFFFFFBC0 ss:$0x1], $0xffff  }
0x694: {  	s11 =	sadd.s32 $0x800, s11;
	v5 =	vld.idx.msk [tilespmem:v0+s13+$0xFFFFFBD0 ss:$0x1], $0xffff  }
0x695: {  	s14 =	sadd.s32 s10, s11;
	v6 =	vld.idx.msk [tilespmem:v0+s13+$0xFFFFFBE0 ss:$0x1], $0xffff  }
0x696: {  	[tilespmem:s14+$0x470] =	vst.add.f32.msk $0xffff, v1  }
0x697: {  	v1 =	vld.idx.msk [tilespmem:v0+s13+$0xFFFFFBF0 ss:$0x1], $0xffff  }
0x698: {  	v7 =	vld.idx.msk [tilespmem:v0+s13+$0xFFFFFC00 ss:$0x1], $0xffff  }
0x699: {  	v8 =	vld.idx.msk [tilespmem:v0+s13+$0xFFFFFF90 ss:$0x1], $0xffff  }
0x69a: {  	v9 =	vld.idx.msk [tilespmem:v0+s13+$0xFFFFFFA0 ss:$0x1], $0xffff  }
0x69b: {  	v10 =	vld.idx.msk [tilespmem:v0+s13+$0xFFFFFFB0 ss:$0x1], $0xffff  }
0x69c: {  	v11 =	vld.idx.msk [tilespmem:v0+s13+$0xFFFFFFC0 ss:$0x1], $0xffff  }
0x69d: {  	v12 =	vld.idx.msk [tilespmem:v0+s13+$0xFFFFFFD0 ss:$0x1], $0xffff  }
0x69e: {  	v13 =	vld.idx.msk [tilespmem:v0+s13+$0xFFFFFFE0 ss:$0x1], $0xffff  }
0x69f: {  	v14 =	vld.idx.msk [tilespmem:v0+s13+$0xFFFFFFF0 ss:$0x1], $0xffff  }
0x6a0: {  	v15 =	vld.idx.msk [tilespmem:v0+s13+$0xFFFFFB90 ss:$0x1], $0xffff  }
0x6a1: {  	[tilespmem:s14+$0x10] =	vst.add.f32.msk $0xffff, v2  }
0x6a2: {  	[tilespmem:s14+$0x20] =	vst.add.f32.msk $0xffff, v3  }
0x6a3: {  	[tilespmem:s14+$0x30] =	vst.add.f32.msk $0xffff, v4  }
0x6a4: {  	[tilespmem:s14+$0x40] =	vst.add.f32.msk $0xffff, v5  }
0x6a5: {  	[tilespmem:s14+$0x50] =	vst.add.f32.msk $0xffff, v6  }
0x6a6: {  	[tilespmem:s14+$0x0] =	vst.add.f32.msk $0xffff, v15  }
0x6a7: {  	[tilespmem:s14+$0x60] =	vst.add.f32.msk $0xffff, v1  }
0x6a8: {  	[tilespmem:s14+$0x70] =	vst.add.f32.msk $0xffff, v7  }
0x6a9: {  	[tilespmem:s14+$0x400] =	vst.add.f32.msk $0xffff, v8  }
0x6aa: {  	[tilespmem:s14+$0x410] =	vst.add.f32.msk $0xffff, v9  }
.Ltmp36:
0x6ab: {  	[tilespmem:s14+$0x420] =	vst.add.f32.msk $0xffff, v10;
	(pc) =	sbr.rel @p0 .LBB2_75-.Ltmp36, $4  }
0x6ac: {  	[tilespmem:s14+$0x430] =	vst.add.f32.msk $0xffff, v11  }
0x6ad: {  	[tilespmem:s14+$0x440] =	vst.add.f32.msk $0xffff, v12  }
0x6ae: {  	[tilespmem:s14+$0x450] =	vst.add.f32.msk $0xffff, v13  }
0x6af: {  	s13 =	sadd.s32 $0x800, s13;
	[tilespmem:s14+$0x460] =	vst.add.f32.msk $0xffff, v14  }
0x6b0: {  	s9 =	sadd.s32 $0x1, s9  }
0x6b1: {  	p0 =	sne.s32 s9, $0x10  }
.Ltmp37:
0x6b2: {  	_ = 	snop;
	(pc) =	sbr.rel @p0 .LBB2_74-.Ltmp37, $2  }
0x6b3: {  	_ =	sdelay $0x2  }
0x6b4: {  	s8 =	sadd.s32 $0x1, s8;
	s7 =	sadd.s32 $0x400, s7  }
0x6b5: {  	s8 =	sld [smem:$0x7DC];
	_ =	sdelay $0x1  }
0x6b6: {  	s7 =	simm.s32 $0x0  }
0x6b7: {  	[hbm4b:s8+s7] =	stream.linear.scatter [tilespmem:s15], [sflag:$0x9], $0x4000, $0x38;
	v63 =	vld [tilespmem:$0x0]  }
0x6b8: {  	_ =	swait.ge [sflag:s23], $0x4000  }
0x6b9: {  	[sflag:s23] =	ssyncset.done $0x0  }
0x6ba: {  	[sflag:s23] =	ssyncadd.s32 $0xFFFFC000  }
0x6bb: {  	_ =	swait.ge [sflag:s5], $0x4000  }
0x6bc: {  	s14 =	sld [smem:$0x7E6]  }
0x6bd: {  	[sflag:s5] =	ssyncset.done $0x0  }
0x6be: {  	s9 =	simm.s32 $0x0;
	s8 =	simm.s32 $0x0;
	[sflag:s5] =	ssyncadd.s32 $0xFFFFC000  }
0x6bf: {  	[tilespmem:s24], [sflag:$0x8] =	stream.linear.gather [hbm4b:s14+s7], $0x4000, $0x38;
	v63 =	vld [tilespmem:$0x0]  }
.LBB2_78:
0x6c0: {  	s10 =	sand.u32 $0x7, s8  }
0x6c1: {  	s10 =	sshll.u32 s10, $0x9  }
0x6c2: {  	s10 =	sshrl.u32 s10, $0x2  }
0x6c3: {  	v0 =	vmov s10;
	_ =	sdelay $0x2  }
0x6c4: {  	s11 =	sand.u32 $0x3FFFE000, s7  }
0x6c5: {  	s13 =	sor.u32 $0x470, s11  }
0x6c6: {  	v1 =	vld.idx.msk [tilespmem:v0+s13+$0x0 ss:$0x1], $0xffff  }
0x6c7: {  	v2 =	vld.idx.msk [tilespmem:v0+s13+$0xFFFFFBA0 ss:$0x1], $0xffff  }
0x6c8: {  	v3 =	vld.idx.msk [tilespmem:v0+s13+$0xFFFFFBB0 ss:$0x1], $0xffff  }
0x6c9: {  	v4 =	vld.idx.msk [tilespmem:v0+s13+$0xFFFFFBC0 ss:$0x1], $0xffff  }
0x6ca: {  	v5 =	vld.idx.msk [tilespmem:v0+s13+$0xFFFFFBD0 ss:$0x1], $0xffff  }
0x6cb: {  	v6 =	vld.idx.msk [tilespmem:v0+s13+$0xFFFFFBE0 ss:$0x1], $0xffff  }
0x6cc: {  	v7 =	vld.idx.msk [tilespmem:v0+s13+$0xFFFFFC00 ss:$0x1], $0xffff  }
0x6cd: {  	v8 =	vld.idx.msk [tilespmem:v0+s13+$0xFFFFFF90 ss:$0x1], $0xffff  }
0x6ce: {  	v9 =	vld.idx.msk [tilespmem:v0+s13+$0xFFFFFFA0 ss:$0x1], $0xffff  }
0x6cf: {  	v10 =	vld.idx.msk [tilespmem:v0+s13+$0xFFFFFFB0 ss:$0x1], $0xffff  }
0x6d0: {  	v11 =	vld.idx.msk [tilespmem:v0+s13+$0xFFFFFFC0 ss:$0x1], $0xffff  }
0x6d1: {  	v12 =	vld.idx.msk [tilespmem:v0+s13+$0xFFFFFFD0 ss:$0x1], $0xffff  }
0x6d2: {  	v13 =	vld.idx.msk [tilespmem:v0+s13+$0xFFFFFFE0 ss:$0x1], $0xffff  }
0x6d3: {  	s11 =	sadd.s32 $0xC000, s11;
	v14 =	vld.idx.msk [tilespmem:v0+s13+$0xFFFFFFF0 ss:$0x1], $0xffff  }
0x6d4: {  	s14 =	sadd.s32 s10, s11;
	v15 =	vld.idx.msk [tilespmem:v0+s13+$0xFFFFFB90 ss:$0x1], $0xffff  }
0x6d5: {  	[tilespmem:s14+$0x470] =	vst.add.f32.msk $0xffff, v1  }
0x6d6: {  	v1 =	vld.idx.msk [tilespmem:v0+s13+$0xFFFFFBF0 ss:$0x1], $0xffff  }
0x6d7: {  	[tilespmem:s14+$0x10] =	vst.add.f32.msk $0xffff, v2  }
0x6d8: {  	[tilespmem:s14+$0x20] =	vst.add.f32.msk $0xffff, v3  }
0x6d9: {  	[tilespmem:s14+$0x30] =	vst.add.f32.msk $0xffff, v4  }
0x6da: {  	[tilespmem:s14+$0x40] =	vst.add.f32.msk $0xffff, v5  }
0x6db: {  	[tilespmem:s14+$0x50] =	vst.add.f32.msk $0xffff, v6  }
0x6dc: {  	[tilespmem:s14+$0x0] =	vst.add.f32.msk $0xffff, v15  }
0x6dd: {  	[tilespmem:s14+$0x70] =	vst.add.f32.msk $0xffff, v7  }
0x6de: {  	[tilespmem:s14+$0x400] =	vst.add.f32.msk $0xffff, v8  }
0x6df: {  	[tilespmem:s14+$0x410] =	vst.add.f32.msk $0xffff, v9  }
0x6e0: {  	[tilespmem:s14+$0x420] =	vst.add.f32.msk $0xffff, v10  }
0x6e1: {  	[tilespmem:s14+$0x430] =	vst.add.f32.msk $0xffff, v11  }
0x6e2: {  	[tilespmem:s14+$0x440] =	vst.add.f32.msk $0xffff, v12  }
0x6e3: {  	[tilespmem:s14+$0x450] =	vst.add.f32.msk $0xffff, v13  }
0x6e4: {  	[tilespmem:s14+$0x460] =	vst.add.f32.msk $0xffff, v14  }
0x6e5: {  	s12 =	simm.s32 $0x0;
	s13 =	sadd.s32 $0x800, s13;
	[tilespmem:s14+$0x60] =	vst.add.f32.msk $0xffff, v1  }
.LBB2_79:
0x6e6: {  	v1 =	vld.idx.msk [tilespmem:v0+s13+$0x0 ss:$0x1], $0xffff;
	s12 =	sadd.s32 $0x100, s12  }
0x6e7: {  	v2 =	vld.idx.msk [tilespmem:v0+s13+$0xFFFFFBA0 ss:$0x1], $0xffff;
	p0 =	slt.u32 s12, $0x300  }
0x6e8: {  	v3 =	vld.idx.msk [tilespmem:v0+s13+$0xFFFFFBB0 ss:$0x1], $0xffff  }
0x6e9: {  	v4 =	vld.idx.msk [tilespmem:v0+s13+$0xFFFFFBC0 ss:$0x1], $0xffff  }
0x6ea: {  	s11 =	sadd.s32 $0x800, s11;
	v5 =	vld.idx.msk [tilespmem:v0+s13+$0xFFFFFBD0 ss:$0x1], $0xffff  }
0x6eb: {  	s14 =	sadd.s32 s10, s11;
	v6 =	vld.idx.msk [tilespmem:v0+s13+$0xFFFFFBE0 ss:$0x1], $0xffff  }
0x6ec: {  	[tilespmem:s14+$0x470] =	vst.add.f32.msk $0xffff, v1  }
0x6ed: {  	v1 =	vld.idx.msk [tilespmem:v0+s13+$0xFFFFFBF0 ss:$0x1], $0xffff  }
0x6ee: {  	v7 =	vld.idx.msk [tilespmem:v0+s13+$0xFFFFFC00 ss:$0x1], $0xffff  }
0x6ef: {  	v8 =	vld.idx.msk [tilespmem:v0+s13+$0xFFFFFF90 ss:$0x1], $0xffff  }
0x6f0: {  	v9 =	vld.idx.msk [tilespmem:v0+s13+$0xFFFFFFA0 ss:$0x1], $0xffff  }
0x6f1: {  	v10 =	vld.idx.msk [tilespmem:v0+s13+$0xFFFFFFB0 ss:$0x1], $0xffff  }
0x6f2: {  	v11 =	vld.idx.msk [tilespmem:v0+s13+$0xFFFFFFC0 ss:$0x1], $0xffff  }
0x6f3: {  	v12 =	vld.idx.msk [tilespmem:v0+s13+$0xFFFFFFD0 ss:$0x1], $0xffff  }
0x6f4: {  	v13 =	vld.idx.msk [tilespmem:v0+s13+$0xFFFFFFE0 ss:$0x1], $0xffff  }
0x6f5: {  	v14 =	vld.idx.msk [tilespmem:v0+s13+$0xFFFFFFF0 ss:$0x1], $0xffff  }
0x6f6: {  	v15 =	vld.idx.msk [tilespmem:v0+s13+$0xFFFFFB90 ss:$0x1], $0xffff  }
0x6f7: {  	[tilespmem:s14+$0x10] =	vst.add.f32.msk $0xffff, v2  }
0x6f8: {  	[tilespmem:s14+$0x20] =	vst.add.f32.msk $0xffff, v3  }
0x6f9: {  	[tilespmem:s14+$0x30] =	vst.add.f32.msk $0xffff, v4  }
0x6fa: {  	[tilespmem:s14+$0x40] =	vst.add.f32.msk $0xffff, v5  }
0x6fb: {  	[tilespmem:s14+$0x50] =	vst.add.f32.msk $0xffff, v6  }
0x6fc: {  	[tilespmem:s14+$0x0] =	vst.add.f32.msk $0xffff, v15  }
0x6fd: {  	[tilespmem:s14+$0x60] =	vst.add.f32.msk $0xffff, v1  }
0x6fe: {  	[tilespmem:s14+$0x70] =	vst.add.f32.msk $0xffff, v7  }
0x6ff: {  	[tilespmem:s14+$0x400] =	vst.add.f32.msk $0xffff, v8  }
0x700: {  	[tilespmem:s14+$0x410] =	vst.add.f32.msk $0xffff, v9  }
.Ltmp38:
0x701: {  	[tilespmem:s14+$0x420] =	vst.add.f32.msk $0xffff, v10;
	(pc) =	sbr.rel @p0 .LBB2_79-.Ltmp38, $4  }
0x702: {  	[tilespmem:s14+$0x430] =	vst.add.f32.msk $0xffff, v11  }
0x703: {  	[tilespmem:s14+$0x440] =	vst.add.f32.msk $0xffff, v12  }
0x704: {  	[tilespmem:s14+$0x450] =	vst.add.f32.msk $0xffff, v13  }
0x705: {  	s13 =	sadd.s32 $0x800, s13;
	[tilespmem:s14+$0x460] =	vst.add.f32.msk $0xffff, v14  }
0x706: {  	s9 =	sadd.s32 $0x1, s9  }
0x707: {  	p0 =	sne.s32 s9, $0x10  }
.Ltmp39:
0x708: {  	_ = 	snop;
	(pc) =	sbr.rel @p0 .LBB2_78-.Ltmp39, $2  }
0x709: {  	_ =	sdelay $0x2  }
0x70a: {  	s8 =	sadd.s32 $0x1, s8;
	s7 =	sadd.s32 $0x400, s7  }
0x70b: {  	s8 =	sld [smem:$0x7DE];
	_ =	sdelay $0x1  }
0x70c: {  	s7 =	simm.s32 $0x0  }
0x70d: {  	[hbm4b:s8+s7] =	stream.linear.scatter [tilespmem:s16], [sflag:$0xA], $0x4000, $0x38;
	v63 =	vld [tilespmem:$0x0]  }
0x70e: {  	_ =	swait.ge [sflag:s30], $0x4000  }
0x70f: {  	s13 =	sld [smem:$0x7E9]  }
0x710: {  	[sflag:s30] =	ssyncset.done $0x0  }
0x711: {  	[sflag:s30] =	ssyncadd.s32 $0xFFFFC000  }
0x712: {  	[tilespmem:s7], [sflag:$0x1] =	stream.linear.gather [hbm4b:s13+s7], $0x4000, $0x38;
	v63 =	vld [tilespmem:$0x0]  }
0x713: {  	_ =	swait.ge [sflag:s25], $0x4000  }
0x714: {  	[sflag:s25] =	ssyncset.done $0x0  }
0x715: {  	[sflag:s25] =	ssyncadd.s32 $0xFFFFC000  }
0x716: {  	_ =	swait.ge [sflag:s26], $0x4000  }
0x717: {  	s14 =	sld [smem:$0x7EB]  }
0x718: {  	[sflag:s26] =	ssyncset.done $0x0  }
0x719: {  	s9 =	simm.s32 $0x0;
	s8 =	simm.s32 $0x0;
	[sflag:s26] =	ssyncadd.s32 $0xFFFFC000  }
0x71a: {  	[tilespmem:s15], [sflag:$0x3] =	stream.linear.gather [hbm4b:s14+s7], $0x4000, $0x38;
	v63 =	vld [tilespmem:$0x0]  }
.LBB2_82:
0x71b: {  	s10 =	sand.u32 $0x7, s8  }
0x71c: {  	s10 =	sshll.u32 s10, $0x9  }
0x71d: {  	s10 =	sshrl.u32 s10, $0x2  }
0x71e: {  	v0 =	vmov s10;
	_ =	sdelay $0x2  }
0x71f: {  	s11 =	sand.u32 $0x3FFFE000, s7  }
0x720: {  	s13 =	sadd.s32 $0x4470, s11  }
0x721: {  	v1 =	vld.idx.msk [tilespmem:v0+s13+$0x0 ss:$0x1], $0xffff  }
0x722: {  	v2 =	vld.idx.msk [tilespmem:v0+s13+$0xFFFFFBA0 ss:$0x1], $0xffff  }
0x723: {  	v3 =	vld.idx.msk [tilespmem:v0+s13+$0xFFFFFBB0 ss:$0x1], $0xffff  }
0x724: {  	v4 =	vld.idx.msk [tilespmem:v0+s13+$0xFFFFFBC0 ss:$0x1], $0xffff  }
0x725: {  	v5 =	vld.idx.msk [tilespmem:v0+s13+$0xFFFFFBD0 ss:$0x1], $0xffff  }
0x726: {  	v6 =	vld.idx.msk [tilespmem:v0+s13+$0xFFFFFBE0 ss:$0x1], $0xffff  }
0x727: {  	v7 =	vld.idx.msk [tilespmem:v0+s13+$0xFFFFFC00 ss:$0x1], $0xffff  }
0x728: {  	v8 =	vld.idx.msk [tilespmem:v0+s13+$0xFFFFFF90 ss:$0x1], $0xffff  }
0x729: {  	v9 =	vld.idx.msk [tilespmem:v0+s13+$0xFFFFFFA0 ss:$0x1], $0xffff  }
0x72a: {  	v10 =	vld.idx.msk [tilespmem:v0+s13+$0xFFFFFFB0 ss:$0x1], $0xffff  }
0x72b: {  	v11 =	vld.idx.msk [tilespmem:v0+s13+$0xFFFFFFC0 ss:$0x1], $0xffff  }
0x72c: {  	v12 =	vld.idx.msk [tilespmem:v0+s13+$0xFFFFFFD0 ss:$0x1], $0xffff  }
0x72d: {  	v13 =	vld.idx.msk [tilespmem:v0+s13+$0xFFFFFFE0 ss:$0x1], $0xffff  }
0x72e: {  	s11 =	sadd.s32 $0x10000, s11;
	v14 =	vld.idx.msk [tilespmem:v0+s13+$0xFFFFFFF0 ss:$0x1], $0xffff  }
0x72f: {  	s14 =	sadd.s32 s10, s11;
	v15 =	vld.idx.msk [tilespmem:v0+s13+$0xFFFFFB90 ss:$0x1], $0xffff  }
0x730: {  	[tilespmem:s14+$0x470] =	vst.add.f32.msk $0xffff, v1  }
0x731: {  	v1 =	vld.idx.msk [tilespmem:v0+s13+$0xFFFFFBF0 ss:$0x1], $0xffff  }
0x732: {  	[tilespmem:s14+$0x10] =	vst.add.f32.msk $0xffff, v2  }
0x733: {  	[tilespmem:s14+$0x20] =	vst.add.f32.msk $0xffff, v3  }
0x734: {  	[tilespmem:s14+$0x30] =	vst.add.f32.msk $0xffff, v4  }
0x735: {  	[tilespmem:s14+$0x40] =	vst.add.f32.msk $0xffff, v5  }
0x736: {  	[tilespmem:s14+$0x50] =	vst.add.f32.msk $0xffff, v6  }
0x737: {  	[tilespmem:s14+$0x0] =	vst.add.f32.msk $0xffff, v15  }
0x738: {  	[tilespmem:s14+$0x70] =	vst.add.f32.msk $0xffff, v7  }
0x739: {  	[tilespmem:s14+$0x400] =	vst.add.f32.msk $0xffff, v8  }
0x73a: {  	[tilespmem:s14+$0x410] =	vst.add.f32.msk $0xffff, v9  }
0x73b: {  	[tilespmem:s14+$0x420] =	vst.add.f32.msk $0xffff, v10  }
0x73c: {  	[tilespmem:s14+$0x430] =	vst.add.f32.msk $0xffff, v11  }
0x73d: {  	[tilespmem:s14+$0x440] =	vst.add.f32.msk $0xffff, v12  }
0x73e: {  	[tilespmem:s14+$0x450] =	vst.add.f32.msk $0xffff, v13  }
0x73f: {  	[tilespmem:s14+$0x460] =	vst.add.f32.msk $0xffff, v14  }
0x740: {  	s12 =	simm.s32 $0x0;
	s13 =	sadd.s32 $0x800, s13;
	[tilespmem:s14+$0x60] =	vst.add.f32.msk $0xffff, v1  }
.LBB2_83:
0x741: {  	v1 =	vld.idx.msk [tilespmem:v0+s13+$0x0 ss:$0x1], $0xffff;
	s12 =	sadd.s32 $0x100, s12  }
0x742: {  	v2 =	vld.idx.msk [tilespmem:v0+s13+$0xFFFFFBA0 ss:$0x1], $0xffff;
	p0 =	slt.u32 s12, $0x300  }
0x743: {  	v3 =	vld.idx.msk [tilespmem:v0+s13+$0xFFFFFBB0 ss:$0x1], $0xffff  }
0x744: {  	v4 =	vld.idx.msk [tilespmem:v0+s13+$0xFFFFFBC0 ss:$0x1], $0xffff  }
0x745: {  	s11 =	sadd.s32 $0x800, s11;
	v5 =	vld.idx.msk [tilespmem:v0+s13+$0xFFFFFBD0 ss:$0x1], $0xffff  }
0x746: {  	s14 =	sadd.s32 s10, s11;
	v6 =	vld.idx.msk [tilespmem:v0+s13+$0xFFFFFBE0 ss:$0x1], $0xffff  }
0x747: {  	[tilespmem:s14+$0x470] =	vst.add.f32.msk $0xffff, v1  }
0x748: {  	v1 =	vld.idx.msk [tilespmem:v0+s13+$0xFFFFFBF0 ss:$0x1], $0xffff  }
0x749: {  	v7 =	vld.idx.msk [tilespmem:v0+s13+$0xFFFFFC00 ss:$0x1], $0xffff  }
0x74a: {  	v8 =	vld.idx.msk [tilespmem:v0+s13+$0xFFFFFF90 ss:$0x1], $0xffff  }
0x74b: {  	v9 =	vld.idx.msk [tilespmem:v0+s13+$0xFFFFFFA0 ss:$0x1], $0xffff  }
0x74c: {  	v10 =	vld.idx.msk [tilespmem:v0+s13+$0xFFFFFFB0 ss:$0x1], $0xffff  }
0x74d: {  	v11 =	vld.idx.msk [tilespmem:v0+s13+$0xFFFFFFC0 ss:$0x1], $0xffff  }
0x74e: {  	v12 =	vld.idx.msk [tilespmem:v0+s13+$0xFFFFFFD0 ss:$0x1], $0xffff  }
0x74f: {  	v13 =	vld.idx.msk [tilespmem:v0+s13+$0xFFFFFFE0 ss:$0x1], $0xffff  }
0x750: {  	v14 =	vld.idx.msk [tilespmem:v0+s13+$0xFFFFFFF0 ss:$0x1], $0xffff  }
0x751: {  	v15 =	vld.idx.msk [tilespmem:v0+s13+$0xFFFFFB90 ss:$0x1], $0xffff  }
0x752: {  	[tilespmem:s14+$0x10] =	vst.add.f32.msk $0xffff, v2  }
0x753: {  	[tilespmem:s14+$0x20] =	vst.add.f32.msk $0xffff, v3  }
0x754: {  	[tilespmem:s14+$0x30] =	vst.add.f32.msk $0xffff, v4  }
0x755: {  	[tilespmem:s14+$0x40] =	vst.add.f32.msk $0xffff, v5  }
0x756: {  	[tilespmem:s14+$0x50] =	vst.add.f32.msk $0xffff, v6  }
0x757: {  	[tilespmem:s14+$0x0] =	vst.add.f32.msk $0xffff, v15  }
0x758: {  	[tilespmem:s14+$0x60] =	vst.add.f32.msk $0xffff, v1  }
0x759: {  	[tilespmem:s14+$0x70] =	vst.add.f32.msk $0xffff, v7  }
0x75a: {  	[tilespmem:s14+$0x400] =	vst.add.f32.msk $0xffff, v8  }
0x75b: {  	[tilespmem:s14+$0x410] =	vst.add.f32.msk $0xffff, v9  }
.Ltmp40:
0x75c: {  	[tilespmem:s14+$0x420] =	vst.add.f32.msk $0xffff, v10;
	(pc) =	sbr.rel @p0 .LBB2_83-.Ltmp40, $4  }
0x75d: {  	[tilespmem:s14+$0x430] =	vst.add.f32.msk $0xffff, v11  }
0x75e: {  	[tilespmem:s14+$0x440] =	vst.add.f32.msk $0xffff, v12  }
0x75f: {  	[tilespmem:s14+$0x450] =	vst.add.f32.msk $0xffff, v13  }
0x760: {  	s13 =	sadd.s32 $0x800, s13;
	[tilespmem:s14+$0x460] =	vst.add.f32.msk $0xffff, v14  }
0x761: {  	s9 =	sadd.s32 $0x1, s9  }
0x762: {  	p0 =	sne.s32 s9, $0x10  }
.Ltmp41:
0x763: {  	_ = 	snop;
	(pc) =	sbr.rel @p0 .LBB2_82-.Ltmp41, $2  }
0x764: {  	_ =	sdelay $0x2  }
0x765: {  	s8 =	sadd.s32 $0x1, s8;
	s7 =	sadd.s32 $0x400, s7  }
0x766: {  	s8 =	sld [smem:$0x7E1];
	_ =	sdelay $0x1  }
0x767: {  	s7 =	simm.s32 $0x0  }
0x768: {  	[hbm4b:s8+s7] =	stream.linear.scatter [tilespmem:s17], [sflag:$0xB], $0x4000, $0x38;
	v63 =	vld [tilespmem:$0x0]  }
0x769: {  	_ =	swait.ge [sflag:s28], $0x4000  }
0x76a: {  	[sflag:s28] =	ssyncset.done $0x0  }
0x76b: {  	[sflag:s28] =	ssyncadd.s32 $0xFFFFC000  }
0x76c: {  	_ =	swait.ge [sflag:s29], $0x4000  }
0x76d: {  	s14 =	sld [smem:$0x7ED]  }
0x76e: {  	[sflag:s29] =	ssyncset.done $0x0  }
0x76f: {  	s9 =	simm.s32 $0x0;
	s8 =	simm.s32 $0x0;
	[sflag:s29] =	ssyncadd.s32 $0xFFFFC000  }
0x770: {  	[tilespmem:s16], [sflag:$0x4] =	stream.linear.gather [hbm4b:s14+s7], $0x4000, $0x38;
	v63 =	vld [tilespmem:$0x0]  }
.LBB2_86:
0x771: {  	s10 =	sand.u32 $0x7, s8  }
0x772: {  	s10 =	sshll.u32 s10, $0x9  }
0x773: {  	s10 =	sshrl.u32 s10, $0x2  }
0x774: {  	v0 =	vmov s10;
	_ =	sdelay $0x2  }
0x775: {  	s11 =	sand.u32 $0x3FFFE000, s7  }
0x776: {  	s13 =	sadd.s32 $0x4470, s11  }
0x777: {  	v1 =	vld.idx.msk [tilespmem:v0+s13+$0x0 ss:$0x1], $0xffff  }
0x778: {  	v2 =	vld.idx.msk [tilespmem:v0+s13+$0xFFFFFBA0 ss:$0x1], $0xffff  }
0x779: {  	v3 =	vld.idx.msk [tilespmem:v0+s13+$0xFFFFFBB0 ss:$0x1], $0xffff  }
0x77a: {  	v4 =	vld.idx.msk [tilespmem:v0+s13+$0xFFFFFBC0 ss:$0x1], $0xffff  }
0x77b: {  	v5 =	vld.idx.msk [tilespmem:v0+s13+$0xFFFFFBD0 ss:$0x1], $0xffff  }
0x77c: {  	v6 =	vld.idx.msk [tilespmem:v0+s13+$0xFFFFFBE0 ss:$0x1], $0xffff  }
0x77d: {  	v7 =	vld.idx.msk [tilespmem:v0+s13+$0xFFFFFC00 ss:$0x1], $0xffff  }
0x77e: {  	v8 =	vld.idx.msk [tilespmem:v0+s13+$0xFFFFFF90 ss:$0x1], $0xffff  }
0x77f: {  	v9 =	vld.idx.msk [tilespmem:v0+s13+$0xFFFFFFA0 ss:$0x1], $0xffff  }
0x780: {  	v10 =	vld.idx.msk [tilespmem:v0+s13+$0xFFFFFFB0 ss:$0x1], $0xffff  }
0x781: {  	v11 =	vld.idx.msk [tilespmem:v0+s13+$0xFFFFFFC0 ss:$0x1], $0xffff  }
0x782: {  	v12 =	vld.idx.msk [tilespmem:v0+s13+$0xFFFFFFD0 ss:$0x1], $0xffff  }
0x783: {  	v13 =	vld.idx.msk [tilespmem:v0+s13+$0xFFFFFFE0 ss:$0x1], $0xffff  }
0x784: {  	s11 =	sadd.s32 $0x14000, s11;
	v14 =	vld.idx.msk [tilespmem:v0+s13+$0xFFFFFFF0 ss:$0x1], $0xffff  }
0x785: {  	s14 =	sadd.s32 s10, s11;
	v15 =	vld.idx.msk [tilespmem:v0+s13+$0xFFFFFB90 ss:$0x1], $0xffff  }
0x786: {  	[tilespmem:s14+$0x470] =	vst.add.f32.msk $0xffff, v1  }
0x787: {  	v1 =	vld.idx.msk [tilespmem:v0+s13+$0xFFFFFBF0 ss:$0x1], $0xffff  }
0x788: {  	[tilespmem:s14+$0x10] =	vst.add.f32.msk $0xffff, v2  }
0x789: {  	[tilespmem:s14+$0x20] =	vst.add.f32.msk $0xffff, v3  }
0x78a: {  	[tilespmem:s14+$0x30] =	vst.add.f32.msk $0xffff, v4  }
0x78b: {  	[tilespmem:s14+$0x40] =	vst.add.f32.msk $0xffff, v5  }
0x78c: {  	[tilespmem:s14+$0x50] =	vst.add.f32.msk $0xffff, v6  }
0x78d: {  	[tilespmem:s14+$0x0] =	vst.add.f32.msk $0xffff, v15  }
0x78e: {  	[tilespmem:s14+$0x70] =	vst.add.f32.msk $0xffff, v7  }
0x78f: {  	[tilespmem:s14+$0x400] =	vst.add.f32.msk $0xffff, v8  }
0x790: {  	[tilespmem:s14+$0x410] =	vst.add.f32.msk $0xffff, v9  }
0x791: {  	[tilespmem:s14+$0x420] =	vst.add.f32.msk $0xffff, v10  }
0x792: {  	[tilespmem:s14+$0x430] =	vst.add.f32.msk $0xffff, v11  }
0x793: {  	[tilespmem:s14+$0x440] =	vst.add.f32.msk $0xffff, v12  }
0x794: {  	[tilespmem:s14+$0x450] =	vst.add.f32.msk $0xffff, v13  }
0x795: {  	[tilespmem:s14+$0x460] =	vst.add.f32.msk $0xffff, v14  }
0x796: {  	s12 =	simm.s32 $0x0;
	s13 =	sadd.s32 $0x800, s13;
	[tilespmem:s14+$0x60] =	vst.add.f32.msk $0xffff, v1  }
.LBB2_87:
0x797: {  	v1 =	vld.idx.msk [tilespmem:v0+s13+$0x0 ss:$0x1], $0xffff;
	s12 =	sadd.s32 $0x100, s12  }
0x798: {  	v2 =	vld.idx.msk [tilespmem:v0+s13+$0xFFFFFBA0 ss:$0x1], $0xffff;
	p0 =	slt.u32 s12, $0x300  }
0x799: {  	v3 =	vld.idx.msk [tilespmem:v0+s13+$0xFFFFFBB0 ss:$0x1], $0xffff  }
0x79a: {  	v4 =	vld.idx.msk [tilespmem:v0+s13+$0xFFFFFBC0 ss:$0x1], $0xffff  }
0x79b: {  	s11 =	sadd.s32 $0x800, s11;
	v5 =	vld.idx.msk [tilespmem:v0+s13+$0xFFFFFBD0 ss:$0x1], $0xffff  }
0x79c: {  	s14 =	sadd.s32 s10, s11;
	v6 =	vld.idx.msk [tilespmem:v0+s13+$0xFFFFFBE0 ss:$0x1], $0xffff  }
0x79d: {  	[tilespmem:s14+$0x470] =	vst.add.f32.msk $0xffff, v1  }
0x79e: {  	v1 =	vld.idx.msk [tilespmem:v0+s13+$0xFFFFFBF0 ss:$0x1], $0xffff  }
0x79f: {  	v7 =	vld.idx.msk [tilespmem:v0+s13+$0xFFFFFC00 ss:$0x1], $0xffff  }
0x7a0: {  	v8 =	vld.idx.msk [tilespmem:v0+s13+$0xFFFFFF90 ss:$0x1], $0xffff  }
0x7a1: {  	v9 =	vld.idx.msk [tilespmem:v0+s13+$0xFFFFFFA0 ss:$0x1], $0xffff  }
0x7a2: {  	v10 =	vld.idx.msk [tilespmem:v0+s13+$0xFFFFFFB0 ss:$0x1], $0xffff  }
0x7a3: {  	v11 =	vld.idx.msk [tilespmem:v0+s13+$0xFFFFFFC0 ss:$0x1], $0xffff  }
0x7a4: {  	v12 =	vld.idx.msk [tilespmem:v0+s13+$0xFFFFFFD0 ss:$0x1], $0xffff  }
0x7a5: {  	v13 =	vld.idx.msk [tilespmem:v0+s13+$0xFFFFFFE0 ss:$0x1], $0xffff  }
0x7a6: {  	v14 =	vld.idx.msk [tilespmem:v0+s13+$0xFFFFFFF0 ss:$0x1], $0xffff  }
0x7a7: {  	v15 =	vld.idx.msk [tilespmem:v0+s13+$0xFFFFFB90 ss:$0x1], $0xffff  }
0x7a8: {  	[tilespmem:s14+$0x10] =	vst.add.f32.msk $0xffff, v2  }
0x7a9: {  	[tilespmem:s14+$0x20] =	vst.add.f32.msk $0xffff, v3  }
0x7aa: {  	[tilespmem:s14+$0x30] =	vst.add.f32.msk $0xffff, v4  }
0x7ab: {  	[tilespmem:s14+$0x40] =	vst.add.f32.msk $0xffff, v5  }
0x7ac: {  	[tilespmem:s14+$0x50] =	vst.add.f32.msk $0xffff, v6  }
0x7ad: {  	[tilespmem:s14+$0x0] =	vst.add.f32.msk $0xffff, v15  }
0x7ae: {  	[tilespmem:s14+$0x60] =	vst.add.f32.msk $0xffff, v1  }
0x7af: {  	[tilespmem:s14+$0x70] =	vst.add.f32.msk $0xffff, v7  }
0x7b0: {  	[tilespmem:s14+$0x400] =	vst.add.f32.msk $0xffff, v8  }
0x7b1: {  	[tilespmem:s14+$0x410] =	vst.add.f32.msk $0xffff, v9  }
.Ltmp42:
0x7b2: {  	[tilespmem:s14+$0x420] =	vst.add.f32.msk $0xffff, v10;
	(pc) =	sbr.rel @p0 .LBB2_87-.Ltmp42, $4  }
0x7b3: {  	[tilespmem:s14+$0x430] =	vst.add.f32.msk $0xffff, v11  }
0x7b4: {  	[tilespmem:s14+$0x440] =	vst.add.f32.msk $0xffff, v12  }
0x7b5: {  	[tilespmem:s14+$0x450] =	vst.add.f32.msk $0xffff, v13  }
0x7b6: {  	s13 =	sadd.s32 $0x800, s13;
	[tilespmem:s14+$0x460] =	vst.add.f32.msk $0xffff, v14  }
0x7b7: {  	s9 =	sadd.s32 $0x1, s9  }
0x7b8: {  	p0 =	sne.s32 s9, $0x10  }
.Ltmp43:
0x7b9: {  	_ = 	snop;
	(pc) =	sbr.rel @p0 .LBB2_86-.Ltmp43, $2  }
0x7ba: {  	_ =	sdelay $0x2  }
0x7bb: {  	s8 =	sadd.s32 $0x1, s8;
	s7 =	sadd.s32 $0x400, s7  }
0x7bc: {  	s8 =	sld [smem:$0x7E3];
	_ =	sdelay $0x1  }
0x7bd: {  	s7 =	simm.s32 $0x0  }
0x7be: {  	[hbm4b:s8+s7] =	stream.linear.scatter [tilespmem:s18], [sflag:$0xC], $0x4000, $0x38;
	v63 =	vld [tilespmem:$0x0]  }
0x7bf: {  	_ =	swait.ge [sflag:s31], $0x4000  }
0x7c0: {  	[sflag:s31] =	ssyncset.done $0x0  }
0x7c1: {  	[sflag:s31] =	ssyncadd.s32 $0xFFFFC000  }
0x7c2: {  	_ =	swait.ge [sflag:s0], $0x4000  }
0x7c3: {  	s14 =	sld [smem:$0x7EF]  }
0x7c4: {  	[sflag:s0] =	ssyncset.done $0x0  }
0x7c5: {  	s9 =	simm.s32 $0x0;
	s8 =	simm.s32 $0x0;
	[sflag:s0] =	ssyncadd.s32 $0xFFFFC000  }
0x7c6: {  	[tilespmem:s17], [sflag:$0x5] =	stream.linear.gather [hbm4b:s14+s7], $0x4000, $0x38;
	v63 =	vld [tilespmem:$0x0]  }
.LBB2_90:
0x7c7: {  	s10 =	sand.u32 $0x7, s8  }
0x7c8: {  	s10 =	sshll.u32 s10, $0x9  }
0x7c9: {  	s10 =	sshrl.u32 s10, $0x2  }
0x7ca: {  	v0 =	vmov s10;
	_ =	sdelay $0x2  }
0x7cb: {  	s11 =	sand.u32 $0x3FFFE000, s7  }
0x7cc: {  	s13 =	sadd.s32 $0x4470, s11  }
0x7cd: {  	v1 =	vld.idx.msk [tilespmem:v0+s13+$0x0 ss:$0x1], $0xffff  }
0x7ce: {  	v2 =	vld.idx.msk [tilespmem:v0+s13+$0xFFFFFBA0 ss:$0x1], $0xffff  }
0x7cf: {  	v3 =	vld.idx.msk [tilespmem:v0+s13+$0xFFFFFBB0 ss:$0x1], $0xffff  }
0x7d0: {  	v4 =	vld.idx.msk [tilespmem:v0+s13+$0xFFFFFBC0 ss:$0x1], $0xffff  }
0x7d1: {  	v5 =	vld.idx.msk [tilespmem:v0+s13+$0xFFFFFBD0 ss:$0x1], $0xffff  }
0x7d2: {  	v6 =	vld.idx.msk [tilespmem:v0+s13+$0xFFFFFBE0 ss:$0x1], $0xffff  }
0x7d3: {  	v7 =	vld.idx.msk [tilespmem:v0+s13+$0xFFFFFC00 ss:$0x1], $0xffff  }
0x7d4: {  	v8 =	vld.idx.msk [tilespmem:v0+s13+$0xFFFFFF90 ss:$0x1], $0xffff  }
0x7d5: {  	v9 =	vld.idx.msk [tilespmem:v0+s13+$0xFFFFFFA0 ss:$0x1], $0xffff  }
0x7d6: {  	v10 =	vld.idx.msk [tilespmem:v0+s13+$0xFFFFFFB0 ss:$0x1], $0xffff  }
0x7d7: {  	v11 =	vld.idx.msk [tilespmem:v0+s13+$0xFFFFFFC0 ss:$0x1], $0xffff  }
0x7d8: {  	v12 =	vld.idx.msk [tilespmem:v0+s13+$0xFFFFFFD0 ss:$0x1], $0xffff  }
0x7d9: {  	v13 =	vld.idx.msk [tilespmem:v0+s13+$0xFFFFFFE0 ss:$0x1], $0xffff  }
0x7da: {  	s11 =	sadd.s32 $0x18000, s11;
	v14 =	vld.idx.msk [tilespmem:v0+s13+$0xFFFFFFF0 ss:$0x1], $0xffff  }
0x7db: {  	s14 =	sadd.s32 s10, s11;
	v15 =	vld.idx.msk [tilespmem:v0+s13+$0xFFFFFB90 ss:$0x1], $0xffff  }
0x7dc: {  	[tilespmem:s14+$0x470] =	vst.add.f32.msk $0xffff, v1  }
0x7dd: {  	v1 =	vld.idx.msk [tilespmem:v0+s13+$0xFFFFFBF0 ss:$0x1], $0xffff  }
0x7de: {  	[tilespmem:s14+$0x10] =	vst.add.f32.msk $0xffff, v2  }
0x7df: {  	[tilespmem:s14+$0x20] =	vst.add.f32.msk $0xffff, v3  }
0x7e0: {  	[tilespmem:s14+$0x30] =	vst.add.f32.msk $0xffff, v4  }
0x7e1: {  	[tilespmem:s14+$0x40] =	vst.add.f32.msk $0xffff, v5  }
0x7e2: {  	[tilespmem:s14+$0x50] =	vst.add.f32.msk $0xffff, v6  }
0x7e3: {  	[tilespmem:s14+$0x0] =	vst.add.f32.msk $0xffff, v15  }
0x7e4: {  	[tilespmem:s14+$0x70] =	vst.add.f32.msk $0xffff, v7  }
0x7e5: {  	[tilespmem:s14+$0x400] =	vst.add.f32.msk $0xffff, v8  }
0x7e6: {  	[tilespmem:s14+$0x410] =	vst.add.f32.msk $0xffff, v9  }
0x7e7: {  	[tilespmem:s14+$0x420] =	vst.add.f32.msk $0xffff, v10  }
0x7e8: {  	[tilespmem:s14+$0x430] =	vst.add.f32.msk $0xffff, v11  }
0x7e9: {  	[tilespmem:s14+$0x440] =	vst.add.f32.msk $0xffff, v12  }
0x7ea: {  	[tilespmem:s14+$0x450] =	vst.add.f32.msk $0xffff, v13  }
0x7eb: {  	[tilespmem:s14+$0x460] =	vst.add.f32.msk $0xffff, v14  }
0x7ec: {  	s12 =	simm.s32 $0x0;
	s13 =	sadd.s32 $0x800, s13;
	[tilespmem:s14+$0x60] =	vst.add.f32.msk $0xffff, v1  }
.LBB2_91:
0x7ed: {  	v1 =	vld.idx.msk [tilespmem:v0+s13+$0x0 ss:$0x1], $0xffff;
	s12 =	sadd.s32 $0x100, s12  }
0x7ee: {  	v2 =	vld.idx.msk [tilespmem:v0+s13+$0xFFFFFBA0 ss:$0x1], $0xffff;
	p0 =	slt.u32 s12, $0x300  }
0x7ef: {  	v3 =	vld.idx.msk [tilespmem:v0+s13+$0xFFFFFBB0 ss:$0x1], $0xffff  }
0x7f0: {  	v4 =	vld.idx.msk [tilespmem:v0+s13+$0xFFFFFBC0 ss:$0x1], $0xffff  }
0x7f1: {  	s11 =	sadd.s32 $0x800, s11;
	v5 =	vld.idx.msk [tilespmem:v0+s13+$0xFFFFFBD0 ss:$0x1], $0xffff  }
0x7f2: {  	s14 =	sadd.s32 s10, s11;
	v6 =	vld.idx.msk [tilespmem:v0+s13+$0xFFFFFBE0 ss:$0x1], $0xffff  }
0x7f3: {  	[tilespmem:s14+$0x470] =	vst.add.f32.msk $0xffff, v1  }
0x7f4: {  	v1 =	vld.idx.msk [tilespmem:v0+s13+$0xFFFFFBF0 ss:$0x1], $0xffff  }
0x7f5: {  	v7 =	vld.idx.msk [tilespmem:v0+s13+$0xFFFFFC00 ss:$0x1], $0xffff  }
0x7f6: {  	v8 =	vld.idx.msk [tilespmem:v0+s13+$0xFFFFFF90 ss:$0x1], $0xffff  }
0x7f7: {  	v9 =	vld.idx.msk [tilespmem:v0+s13+$0xFFFFFFA0 ss:$0x1], $0xffff  }
0x7f8: {  	v10 =	vld.idx.msk [tilespmem:v0+s13+$0xFFFFFFB0 ss:$0x1], $0xffff  }
0x7f9: {  	v11 =	vld.idx.msk [tilespmem:v0+s13+$0xFFFFFFC0 ss:$0x1], $0xffff  }
0x7fa: {  	v12 =	vld.idx.msk [tilespmem:v0+s13+$0xFFFFFFD0 ss:$0x1], $0xffff  }
0x7fb: {  	v13 =	vld.idx.msk [tilespmem:v0+s13+$0xFFFFFFE0 ss:$0x1], $0xffff  }
0x7fc: {  	v14 =	vld.idx.msk [tilespmem:v0+s13+$0xFFFFFFF0 ss:$0x1], $0xffff  }
0x7fd: {  	v15 =	vld.idx.msk [tilespmem:v0+s13+$0xFFFFFB90 ss:$0x1], $0xffff  }
0x7fe: {  	[tilespmem:s14+$0x10] =	vst.add.f32.msk $0xffff, v2  }
0x7ff: {  	[tilespmem:s14+$0x20] =	vst.add.f32.msk $0xffff, v3  }
0x800: {  	[tilespmem:s14+$0x30] =	vst.add.f32.msk $0xffff, v4  }
0x801: {  	[tilespmem:s14+$0x40] =	vst.add.f32.msk $0xffff, v5  }
0x802: {  	[tilespmem:s14+$0x50] =	vst.add.f32.msk $0xffff, v6  }
0x803: {  	[tilespmem:s14+$0x0] =	vst.add.f32.msk $0xffff, v15  }
0x804: {  	[tilespmem:s14+$0x60] =	vst.add.f32.msk $0xffff, v1  }
0x805: {  	[tilespmem:s14+$0x70] =	vst.add.f32.msk $0xffff, v7  }
0x806: {  	[tilespmem:s14+$0x400] =	vst.add.f32.msk $0xffff, v8  }
0x807: {  	[tilespmem:s14+$0x410] =	vst.add.f32.msk $0xffff, v9  }
.Ltmp44:
0x808: {  	[tilespmem:s14+$0x420] =	vst.add.f32.msk $0xffff, v10;
	(pc) =	sbr.rel @p0 .LBB2_91-.Ltmp44, $4  }
0x809: {  	[tilespmem:s14+$0x430] =	vst.add.f32.msk $0xffff, v11  }
0x80a: {  	[tilespmem:s14+$0x440] =	vst.add.f32.msk $0xffff, v12  }
0x80b: {  	[tilespmem:s14+$0x450] =	vst.add.f32.msk $0xffff, v13  }
0x80c: {  	s13 =	sadd.s32 $0x800, s13;
	[tilespmem:s14+$0x460] =	vst.add.f32.msk $0xffff, v14  }
0x80d: {  	s9 =	sadd.s32 $0x1, s9  }
0x80e: {  	p0 =	sne.s32 s9, $0x10  }
.Ltmp45:
0x80f: {  	_ = 	snop;
	(pc) =	sbr.rel @p0 .LBB2_90-.Ltmp45, $2  }
0x810: {  	_ =	sdelay $0x2  }
0x811: {  	s8 =	sadd.s32 $0x1, s8;
	s7 =	sadd.s32 $0x400, s7  }
0x812: {  	s8 =	sld [smem:$0x7E5];
	_ =	sdelay $0x1  }
0x813: {  	s7 =	simm.s32 $0x0  }
0x814: {  	[hbm4b:s8+s7] =	stream.linear.scatter [tilespmem:s22], [sflag:$0xD], $0x4000, $0x38;
	v63 =	vld [tilespmem:$0x0]  }
0x815: {  	_ =	swait.ge [sflag:s2], $0x4000  }
0x816: {  	[sflag:s2] =	ssyncset.done $0x0  }
0x817: {  	[sflag:s2] =	ssyncadd.s32 $0xFFFFC000  }
0x818: {  	_ =	swait.ge [sflag:s3], $0x4000  }
0x819: {  	s14 =	sld [smem:$0x7F3]  }
0x81a: {  	[sflag:s3] =	ssyncset.done $0x0  }
0x81b: {  	s9 =	simm.s32 $0x0;
	s8 =	simm.s32 $0x0;
	[sflag:s3] =	ssyncadd.s32 $0xFFFFC000  }
0x81c: {  	[tilespmem:s18], [sflag:$0x6] =	stream.linear.gather [hbm4b:s14+s7], $0x4000, $0x38;
	v63 =	vld [tilespmem:$0x0]  }
.LBB2_94:
0x81d: {  	s10 =	sand.u32 $0x7, s8  }
0x81e: {  	s10 =	sshll.u32 s10, $0x9  }
0x81f: {  	s10 =	sshrl.u32 s10, $0x2  }
0x820: {  	v0 =	vmov s10;
	_ =	sdelay $0x2  }
0x821: {  	s11 =	sand.u32 $0x3FFFE000, s7  }
0x822: {  	s13 =	sadd.s32 $0x4470, s11  }
0x823: {  	v1 =	vld.idx.msk [tilespmem:v0+s13+$0x0 ss:$0x1], $0xffff  }
0x824: {  	v2 =	vld.idx.msk [tilespmem:v0+s13+$0xFFFFFBA0 ss:$0x1], $0xffff  }
0x825: {  	v3 =	vld.idx.msk [tilespmem:v0+s13+$0xFFFFFBB0 ss:$0x1], $0xffff  }
0x826: {  	v4 =	vld.idx.msk [tilespmem:v0+s13+$0xFFFFFBC0 ss:$0x1], $0xffff  }
0x827: {  	v5 =	vld.idx.msk [tilespmem:v0+s13+$0xFFFFFBD0 ss:$0x1], $0xffff  }
0x828: {  	v6 =	vld.idx.msk [tilespmem:v0+s13+$0xFFFFFBE0 ss:$0x1], $0xffff  }
0x829: {  	v7 =	vld.idx.msk [tilespmem:v0+s13+$0xFFFFFC00 ss:$0x1], $0xffff  }
0x82a: {  	v8 =	vld.idx.msk [tilespmem:v0+s13+$0xFFFFFF90 ss:$0x1], $0xffff  }
0x82b: {  	v9 =	vld.idx.msk [tilespmem:v0+s13+$0xFFFFFFA0 ss:$0x1], $0xffff  }
0x82c: {  	v10 =	vld.idx.msk [tilespmem:v0+s13+$0xFFFFFFB0 ss:$0x1], $0xffff  }
0x82d: {  	v11 =	vld.idx.msk [tilespmem:v0+s13+$0xFFFFFFC0 ss:$0x1], $0xffff  }
0x82e: {  	v12 =	vld.idx.msk [tilespmem:v0+s13+$0xFFFFFFD0 ss:$0x1], $0xffff  }
0x82f: {  	v13 =	vld.idx.msk [tilespmem:v0+s13+$0xFFFFFFE0 ss:$0x1], $0xffff  }
0x830: {  	s11 =	sadd.s32 $0x1C000, s11;
	v14 =	vld.idx.msk [tilespmem:v0+s13+$0xFFFFFFF0 ss:$0x1], $0xffff  }
0x831: {  	s14 =	sadd.s32 s10, s11;
	v15 =	vld.idx.msk [tilespmem:v0+s13+$0xFFFFFB90 ss:$0x1], $0xffff  }
0x832: {  	[tilespmem:s14+$0x470] =	vst.add.f32.msk $0xffff, v1  }
0x833: {  	v1 =	vld.idx.msk [tilespmem:v0+s13+$0xFFFFFBF0 ss:$0x1], $0xffff  }
0x834: {  	[tilespmem:s14+$0x10] =	vst.add.f32.msk $0xffff, v2  }
0x835: {  	[tilespmem:s14+$0x20] =	vst.add.f32.msk $0xffff, v3  }
0x836: {  	[tilespmem:s14+$0x30] =	vst.add.f32.msk $0xffff, v4  }
0x837: {  	[tilespmem:s14+$0x40] =	vst.add.f32.msk $0xffff, v5  }
0x838: {  	[tilespmem:s14+$0x50] =	vst.add.f32.msk $0xffff, v6  }
0x839: {  	[tilespmem:s14+$0x0] =	vst.add.f32.msk $0xffff, v15  }
0x83a: {  	[tilespmem:s14+$0x70] =	vst.add.f32.msk $0xffff, v7  }
0x83b: {  	[tilespmem:s14+$0x400] =	vst.add.f32.msk $0xffff, v8  }
0x83c: {  	[tilespmem:s14+$0x410] =	vst.add.f32.msk $0xffff, v9  }
0x83d: {  	[tilespmem:s14+$0x420] =	vst.add.f32.msk $0xffff, v10  }
0x83e: {  	[tilespmem:s14+$0x430] =	vst.add.f32.msk $0xffff, v11  }
0x83f: {  	[tilespmem:s14+$0x440] =	vst.add.f32.msk $0xffff, v12  }
0x840: {  	[tilespmem:s14+$0x450] =	vst.add.f32.msk $0xffff, v13  }
0x841: {  	[tilespmem:s14+$0x460] =	vst.add.f32.msk $0xffff, v14  }
0x842: {  	s12 =	simm.s32 $0x0;
	s13 =	sadd.s32 $0x800, s13;
	[tilespmem:s14+$0x60] =	vst.add.f32.msk $0xffff, v1  }
.LBB2_95:
0x843: {  	v1 =	vld.idx.msk [tilespmem:v0+s13+$0x0 ss:$0x1], $0xffff;
	s12 =	sadd.s32 $0x100, s12  }
0x844: {  	v2 =	vld.idx.msk [tilespmem:v0+s13+$0xFFFFFBA0 ss:$0x1], $0xffff;
	p0 =	slt.u32 s12, $0x300  }
0x845: {  	v3 =	vld.idx.msk [tilespmem:v0+s13+$0xFFFFFBB0 ss:$0x1], $0xffff  }
0x846: {  	v4 =	vld.idx.msk [tilespmem:v0+s13+$0xFFFFFBC0 ss:$0x1], $0xffff  }
0x847: {  	s11 =	sadd.s32 $0x800, s11;
	v5 =	vld.idx.msk [tilespmem:v0+s13+$0xFFFFFBD0 ss:$0x1], $0xffff  }
0x848: {  	s14 =	sadd.s32 s10, s11;
	v6 =	vld.idx.msk [tilespmem:v0+s13+$0xFFFFFBE0 ss:$0x1], $0xffff  }
0x849: {  	[tilespmem:s14+$0x470] =	vst.add.f32.msk $0xffff, v1  }
0x84a: {  	v1 =	vld.idx.msk [tilespmem:v0+s13+$0xFFFFFBF0 ss:$0x1], $0xffff  }
0x84b: {  	v7 =	vld.idx.msk [tilespmem:v0+s13+$0xFFFFFC00 ss:$0x1], $0xffff  }
0x84c: {  	v8 =	vld.idx.msk [tilespmem:v0+s13+$0xFFFFFF90 ss:$0x1], $0xffff  }
0x84d: {  	v9 =	vld.idx.msk [tilespmem:v0+s13+$0xFFFFFFA0 ss:$0x1], $0xffff  }
0x84e: {  	v10 =	vld.idx.msk [tilespmem:v0+s13+$0xFFFFFFB0 ss:$0x1], $0xffff  }
0x84f: {  	v11 =	vld.idx.msk [tilespmem:v0+s13+$0xFFFFFFC0 ss:$0x1], $0xffff  }
0x850: {  	v12 =	vld.idx.msk [tilespmem:v0+s13+$0xFFFFFFD0 ss:$0x1], $0xffff  }
0x851: {  	v13 =	vld.idx.msk [tilespmem:v0+s13+$0xFFFFFFE0 ss:$0x1], $0xffff  }
0x852: {  	v14 =	vld.idx.msk [tilespmem:v0+s13+$0xFFFFFFF0 ss:$0x1], $0xffff  }
0x853: {  	v15 =	vld.idx.msk [tilespmem:v0+s13+$0xFFFFFB90 ss:$0x1], $0xffff  }
0x854: {  	[tilespmem:s14+$0x10] =	vst.add.f32.msk $0xffff, v2  }
0x855: {  	[tilespmem:s14+$0x20] =	vst.add.f32.msk $0xffff, v3  }
0x856: {  	[tilespmem:s14+$0x30] =	vst.add.f32.msk $0xffff, v4  }
0x857: {  	[tilespmem:s14+$0x40] =	vst.add.f32.msk $0xffff, v5  }
0x858: {  	[tilespmem:s14+$0x50] =	vst.add.f32.msk $0xffff, v6  }
0x859: {  	[tilespmem:s14+$0x0] =	vst.add.f32.msk $0xffff, v15  }
0x85a: {  	[tilespmem:s14+$0x60] =	vst.add.f32.msk $0xffff, v1  }
0x85b: {  	[tilespmem:s14+$0x70] =	vst.add.f32.msk $0xffff, v7  }
0x85c: {  	[tilespmem:s14+$0x400] =	vst.add.f32.msk $0xffff, v8  }
0x85d: {  	[tilespmem:s14+$0x410] =	vst.add.f32.msk $0xffff, v9  }
.Ltmp46:
0x85e: {  	[tilespmem:s14+$0x420] =	vst.add.f32.msk $0xffff, v10;
	(pc) =	sbr.rel @p0 .LBB2_95-.Ltmp46, $4  }
0x85f: {  	[tilespmem:s14+$0x430] =	vst.add.f32.msk $0xffff, v11  }
0x860: {  	[tilespmem:s14+$0x440] =	vst.add.f32.msk $0xffff, v12  }
0x861: {  	[tilespmem:s14+$0x450] =	vst.add.f32.msk $0xffff, v13  }
0x862: {  	s13 =	sadd.s32 $0x800, s13;
	[tilespmem:s14+$0x460] =	vst.add.f32.msk $0xffff, v14  }
0x863: {  	s9 =	sadd.s32 $0x1, s9  }
0x864: {  	p0 =	sne.s32 s9, $0x10  }
.Ltmp47:
0x865: {  	_ = 	snop;
	(pc) =	sbr.rel @p0 .LBB2_94-.Ltmp47, $2  }
0x866: {  	_ =	sdelay $0x2  }
0x867: {  	s8 =	sadd.s32 $0x1, s8;
	s7 =	sadd.s32 $0x400, s7  }
0x868: {  	s8 =	sld [smem:$0x7E7];
	_ =	sdelay $0x1  }
0x869: {  	s7 =	simm.s32 $0x0  }
0x86a: {  	[hbm4b:s8+s7] =	stream.linear.scatter [tilespmem:s24], [sflag:$0xE], $0x4000, $0x38;
	v63 =	vld [tilespmem:$0x0]  }
0x86b: {  	_ =	swait.ge [sflag:s19], $0x4000  }
0x86c: {  	s13 =	sld [smem:$0x7EA]  }
0x86d: {  	[sflag:s19] =	ssyncset.done $0x0  }
0x86e: {  	[sflag:s19] =	ssyncadd.s32 $0xFFFFC000  }
0x86f: {  	[tilespmem:s20], [sflag:$0x2] =	stream.linear.gather [hbm4b:s13+s7], $0x4000, $0x38;
	v63 =	vld [tilespmem:$0x0]  }
0x870: {  	_ =	swait.ge [sflag:s21], $0x4000  }
0x871: {  	[sflag:s21] =	ssyncset.done $0x0  }
0x872: {  	[sflag:s21] =	ssyncadd.s32 $0xFFFFC000  }
0x873: {  	_ =	swait.ge [sflag:s4], $0x4000  }
0x874: {  	s14 =	sld [smem:$0x7F4]  }
0x875: {  	[sflag:s4] =	ssyncset.done $0x0  }
0x876: {  	s9 =	simm.s32 $0x0;
	s8 =	simm.s32 $0x0;
	[sflag:s4] =	ssyncadd.s32 $0xFFFFC000  }
0x877: {  	[tilespmem:s22], [sflag:$0x7] =	stream.linear.gather [hbm4b:s14+s7], $0x4000, $0x38;
	v63 =	vld [tilespmem:$0x0]  }
.LBB2_98:
0x878: {  	s10 =	sand.u32 $0x7, s8  }
0x879: {  	s10 =	sshll.u32 s10, $0x9  }
0x87a: {  	s10 =	sshrl.u32 s10, $0x2  }
0x87b: {  	v0 =	vmov s10;
	_ =	sdelay $0x2  }
0x87c: {  	s11 =	sand.u32 $0x3FFFE000, s7  }
0x87d: {  	s13 =	sor.u32 $0x470, s11  }
0x87e: {  	v1 =	vld.idx.msk [tilespmem:v0+s13+$0x0 ss:$0x1], $0xffff  }
0x87f: {  	v2 =	vld.idx.msk [tilespmem:v0+s13+$0xFFFFFBA0 ss:$0x1], $0xffff  }
0x880: {  	v3 =	vld.idx.msk [tilespmem:v0+s13+$0xFFFFFBB0 ss:$0x1], $0xffff  }
0x881: {  	v4 =	vld.idx.msk [tilespmem:v0+s13+$0xFFFFFBC0 ss:$0x1], $0xffff  }
0x882: {  	v5 =	vld.idx.msk [tilespmem:v0+s13+$0xFFFFFBD0 ss:$0x1], $0xffff  }
0x883: {  	v6 =	vld.idx.msk [tilespmem:v0+s13+$0xFFFFFBE0 ss:$0x1], $0xffff  }
0x884: {  	v7 =	vld.idx.msk [tilespmem:v0+s13+$0xFFFFFC00 ss:$0x1], $0xffff  }
0x885: {  	v8 =	vld.idx.msk [tilespmem:v0+s13+$0xFFFFFF90 ss:$0x1], $0xffff  }
0x886: {  	v9 =	vld.idx.msk [tilespmem:v0+s13+$0xFFFFFFA0 ss:$0x1], $0xffff  }
0x887: {  	v10 =	vld.idx.msk [tilespmem:v0+s13+$0xFFFFFFB0 ss:$0x1], $0xffff  }
0x888: {  	v11 =	vld.idx.msk [tilespmem:v0+s13+$0xFFFFFFC0 ss:$0x1], $0xffff  }
0x889: {  	v12 =	vld.idx.msk [tilespmem:v0+s13+$0xFFFFFFD0 ss:$0x1], $0xffff  }
0x88a: {  	v13 =	vld.idx.msk [tilespmem:v0+s13+$0xFFFFFFE0 ss:$0x1], $0xffff  }
0x88b: {  	s11 =	sadd.s32 $0x8000, s11;
	v14 =	vld.idx.msk [tilespmem:v0+s13+$0xFFFFFFF0 ss:$0x1], $0xffff  }
0x88c: {  	s14 =	sadd.s32 s10, s11;
	v15 =	vld.idx.msk [tilespmem:v0+s13+$0xFFFFFB90 ss:$0x1], $0xffff  }
0x88d: {  	[tilespmem:s14+$0x470] =	vst.add.f32.msk $0xffff, v1  }
0x88e: {  	v1 =	vld.idx.msk [tilespmem:v0+s13+$0xFFFFFBF0 ss:$0x1], $0xffff  }
0x88f: {  	[tilespmem:s14+$0x10] =	vst.add.f32.msk $0xffff, v2  }
0x890: {  	[tilespmem:s14+$0x20] =	vst.add.f32.msk $0xffff, v3  }
0x891: {  	[tilespmem:s14+$0x30] =	vst.add.f32.msk $0xffff, v4  }
0x892: {  	[tilespmem:s14+$0x40] =	vst.add.f32.msk $0xffff, v5  }
0x893: {  	[tilespmem:s14+$0x50] =	vst.add.f32.msk $0xffff, v6  }
0x894: {  	[tilespmem:s14+$0x0] =	vst.add.f32.msk $0xffff, v15  }
0x895: {  	[tilespmem:s14+$0x70] =	vst.add.f32.msk $0xffff, v7  }
0x896: {  	[tilespmem:s14+$0x400] =	vst.add.f32.msk $0xffff, v8  }
0x897: {  	[tilespmem:s14+$0x410] =	vst.add.f32.msk $0xffff, v9  }
0x898: {  	[tilespmem:s14+$0x420] =	vst.add.f32.msk $0xffff, v10  }
0x899: {  	[tilespmem:s14+$0x430] =	vst.add.f32.msk $0xffff, v11  }
0x89a: {  	[tilespmem:s14+$0x440] =	vst.add.f32.msk $0xffff, v12  }
0x89b: {  	[tilespmem:s14+$0x450] =	vst.add.f32.msk $0xffff, v13  }
0x89c: {  	[tilespmem:s14+$0x460] =	vst.add.f32.msk $0xffff, v14  }
0x89d: {  	s12 =	simm.s32 $0x0;
	s13 =	sadd.s32 $0x800, s13;
	[tilespmem:s14+$0x60] =	vst.add.f32.msk $0xffff, v1  }
.LBB2_99:
0x89e: {  	v1 =	vld.idx.msk [tilespmem:v0+s13+$0x0 ss:$0x1], $0xffff;
	s12 =	sadd.s32 $0x100, s12  }
0x89f: {  	v2 =	vld.idx.msk [tilespmem:v0+s13+$0xFFFFFBA0 ss:$0x1], $0xffff;
	p0 =	slt.u32 s12, $0x300  }
0x8a0: {  	v3 =	vld.idx.msk [tilespmem:v0+s13+$0xFFFFFBB0 ss:$0x1], $0xffff  }
0x8a1: {  	v4 =	vld.idx.msk [tilespmem:v0+s13+$0xFFFFFBC0 ss:$0x1], $0xffff  }
0x8a2: {  	s11 =	sadd.s32 $0x800, s11;
	v5 =	vld.idx.msk [tilespmem:v0+s13+$0xFFFFFBD0 ss:$0x1], $0xffff  }
0x8a3: {  	s14 =	sadd.s32 s10, s11;
	v6 =	vld.idx.msk [tilespmem:v0+s13+$0xFFFFFBE0 ss:$0x1], $0xffff  }
0x8a4: {  	[tilespmem:s14+$0x470] =	vst.add.f32.msk $0xffff, v1  }
0x8a5: {  	v1 =	vld.idx.msk [tilespmem:v0+s13+$0xFFFFFBF0 ss:$0x1], $0xffff  }
0x8a6: {  	v7 =	vld.idx.msk [tilespmem:v0+s13+$0xFFFFFC00 ss:$0x1], $0xffff  }
0x8a7: {  	v8 =	vld.idx.msk [tilespmem:v0+s13+$0xFFFFFF90 ss:$0x1], $0xffff  }
0x8a8: {  	v9 =	vld.idx.msk [tilespmem:v0+s13+$0xFFFFFFA0 ss:$0x1], $0xffff  }
0x8a9: {  	v10 =	vld.idx.msk [tilespmem:v0+s13+$0xFFFFFFB0 ss:$0x1], $0xffff  }
0x8aa: {  	v11 =	vld.idx.msk [tilespmem:v0+s13+$0xFFFFFFC0 ss:$0x1], $0xffff  }
0x8ab: {  	v12 =	vld.idx.msk [tilespmem:v0+s13+$0xFFFFFFD0 ss:$0x1], $0xffff  }
0x8ac: {  	v13 =	vld.idx.msk [tilespmem:v0+s13+$0xFFFFFFE0 ss:$0x1], $0xffff  }
0x8ad: {  	v14 =	vld.idx.msk [tilespmem:v0+s13+$0xFFFFFFF0 ss:$0x1], $0xffff  }
0x8ae: {  	v15 =	vld.idx.msk [tilespmem:v0+s13+$0xFFFFFB90 ss:$0x1], $0xffff  }
0x8af: {  	[tilespmem:s14+$0x10] =	vst.add.f32.msk $0xffff, v2  }
0x8b0: {  	[tilespmem:s14+$0x20] =	vst.add.f32.msk $0xffff, v3  }
0x8b1: {  	[tilespmem:s14+$0x30] =	vst.add.f32.msk $0xffff, v4  }
0x8b2: {  	[tilespmem:s14+$0x40] =	vst.add.f32.msk $0xffff, v5  }
0x8b3: {  	[tilespmem:s14+$0x50] =	vst.add.f32.msk $0xffff, v6  }
0x8b4: {  	[tilespmem:s14+$0x0] =	vst.add.f32.msk $0xffff, v15  }
0x8b5: {  	[tilespmem:s14+$0x60] =	vst.add.f32.msk $0xffff, v1  }
0x8b6: {  	[tilespmem:s14+$0x70] =	vst.add.f32.msk $0xffff, v7  }
0x8b7: {  	[tilespmem:s14+$0x400] =	vst.add.f32.msk $0xffff, v8  }
0x8b8: {  	[tilespmem:s14+$0x410] =	vst.add.f32.msk $0xffff, v9  }
.Ltmp48:
0x8b9: {  	[tilespmem:s14+$0x420] =	vst.add.f32.msk $0xffff, v10;
	(pc) =	sbr.rel @p0 .LBB2_99-.Ltmp48, $4  }
0x8ba: {  	[tilespmem:s14+$0x430] =	vst.add.f32.msk $0xffff, v11  }
0x8bb: {  	[tilespmem:s14+$0x440] =	vst.add.f32.msk $0xffff, v12  }
0x8bc: {  	[tilespmem:s14+$0x450] =	vst.add.f32.msk $0xffff, v13  }
0x8bd: {  	s13 =	sadd.s32 $0x800, s13;
	[tilespmem:s14+$0x460] =	vst.add.f32.msk $0xffff, v14  }
0x8be: {  	s9 =	sadd.s32 $0x1, s9  }
0x8bf: {  	p0 =	sne.s32 s9, $0x10  }
.Ltmp49:
0x8c0: {  	_ = 	snop;
	(pc) =	sbr.rel @p0 .LBB2_98-.Ltmp49, $2  }
0x8c1: {  	_ =	sdelay $0x2  }
0x8c2: {  	s8 =	sadd.s32 $0x1, s8;
	s7 =	sadd.s32 $0x400, s7  }
0x8c3: {  	s8 =	sld [smem:$0x7EC];
	_ =	sdelay $0x1  }
0x8c4: {  	s7 =	simm.s32 $0x0  }
0x8c5: {  	[hbm4b:s8+s7] =	stream.linear.scatter [tilespmem:s15], [sflag:$0x9], $0x4000, $0x38;
	v63 =	vld [tilespmem:$0x0]  }
0x8c6: {  	_ =	swait.ge [sflag:s23], $0x4000  }
0x8c7: {  	[sflag:s23] =	ssyncset.done $0x0  }
0x8c8: {  	[sflag:s23] =	ssyncadd.s32 $0xFFFFC000  }
0x8c9: {  	_ =	swait.ge [sflag:s5], $0x4000  }
0x8ca: {  	s14 =	sld [smem:$0x7F5]  }
0x8cb: {  	[sflag:s5] =	ssyncset.done $0x0  }
0x8cc: {  	s9 =	simm.s32 $0x0;
	s8 =	simm.s32 $0x0;
	[sflag:s5] =	ssyncadd.s32 $0xFFFFC000  }
0x8cd: {  	[tilespmem:s24], [sflag:$0x8] =	stream.linear.gather [hbm4b:s14+s7], $0x4000, $0x38;
	v63 =	vld [tilespmem:$0x0]  }
.LBB2_102:
0x8ce: {  	s10 =	sand.u32 $0x7, s8  }
0x8cf: {  	s10 =	sshll.u32 s10, $0x9  }
0x8d0: {  	s10 =	sshrl.u32 s10, $0x2  }
0x8d1: {  	v0 =	vmov s10;
	_ =	sdelay $0x2  }
0x8d2: {  	s11 =	sand.u32 $0x3FFFE000, s7  }
0x8d3: {  	s13 =	sor.u32 $0x470, s11  }
0x8d4: {  	v1 =	vld.idx.msk [tilespmem:v0+s13+$0x0 ss:$0x1], $0xffff  }
0x8d5: {  	v2 =	vld.idx.msk [tilespmem:v0+s13+$0xFFFFFBA0 ss:$0x1], $0xffff  }
0x8d6: {  	v3 =	vld.idx.msk [tilespmem:v0+s13+$0xFFFFFBB0 ss:$0x1], $0xffff  }
0x8d7: {  	v4 =	vld.idx.msk [tilespmem:v0+s13+$0xFFFFFBC0 ss:$0x1], $0xffff  }
0x8d8: {  	v5 =	vld.idx.msk [tilespmem:v0+s13+$0xFFFFFBD0 ss:$0x1], $0xffff  }
0x8d9: {  	v6 =	vld.idx.msk [tilespmem:v0+s13+$0xFFFFFBE0 ss:$0x1], $0xffff  }
0x8da: {  	v7 =	vld.idx.msk [tilespmem:v0+s13+$0xFFFFFC00 ss:$0x1], $0xffff  }
0x8db: {  	v8 =	vld.idx.msk [tilespmem:v0+s13+$0xFFFFFF90 ss:$0x1], $0xffff  }
0x8dc: {  	v9 =	vld.idx.msk [tilespmem:v0+s13+$0xFFFFFFA0 ss:$0x1], $0xffff  }
0x8dd: {  	v10 =	vld.idx.msk [tilespmem:v0+s13+$0xFFFFFFB0 ss:$0x1], $0xffff  }
0x8de: {  	v11 =	vld.idx.msk [tilespmem:v0+s13+$0xFFFFFFC0 ss:$0x1], $0xffff  }
0x8df: {  	v12 =	vld.idx.msk [tilespmem:v0+s13+$0xFFFFFFD0 ss:$0x1], $0xffff  }
0x8e0: {  	v13 =	vld.idx.msk [tilespmem:v0+s13+$0xFFFFFFE0 ss:$0x1], $0xffff  }
0x8e1: {  	s11 =	sadd.s32 $0xC000, s11;
	v14 =	vld.idx.msk [tilespmem:v0+s13+$0xFFFFFFF0 ss:$0x1], $0xffff  }
0x8e2: {  	s14 =	sadd.s32 s10, s11;
	v15 =	vld.idx.msk [tilespmem:v0+s13+$0xFFFFFB90 ss:$0x1], $0xffff  }
0x8e3: {  	[tilespmem:s14+$0x470] =	vst.add.f32.msk $0xffff, v1  }
0x8e4: {  	v1 =	vld.idx.msk [tilespmem:v0+s13+$0xFFFFFBF0 ss:$0x1], $0xffff  }
0x8e5: {  	[tilespmem:s14+$0x10] =	vst.add.f32.msk $0xffff, v2  }
0x8e6: {  	[tilespmem:s14+$0x20] =	vst.add.f32.msk $0xffff, v3  }
0x8e7: {  	[tilespmem:s14+$0x30] =	vst.add.f32.msk $0xffff, v4  }
0x8e8: {  	[tilespmem:s14+$0x40] =	vst.add.f32.msk $0xffff, v5  }
0x8e9: {  	[tilespmem:s14+$0x50] =	vst.add.f32.msk $0xffff, v6  }
0x8ea: {  	[tilespmem:s14+$0x0] =	vst.add.f32.msk $0xffff, v15  }
0x8eb: {  	[tilespmem:s14+$0x70] =	vst.add.f32.msk $0xffff, v7  }
0x8ec: {  	[tilespmem:s14+$0x400] =	vst.add.f32.msk $0xffff, v8  }
0x8ed: {  	[tilespmem:s14+$0x410] =	vst.add.f32.msk $0xffff, v9  }
0x8ee: {  	[tilespmem:s14+$0x420] =	vst.add.f32.msk $0xffff, v10  }
0x8ef: {  	[tilespmem:s14+$0x430] =	vst.add.f32.msk $0xffff, v11  }
0x8f0: {  	[tilespmem:s14+$0x440] =	vst.add.f32.msk $0xffff, v12  }
0x8f1: {  	[tilespmem:s14+$0x450] =	vst.add.f32.msk $0xffff, v13  }
0x8f2: {  	[tilespmem:s14+$0x460] =	vst.add.f32.msk $0xffff, v14  }
0x8f3: {  	s12 =	simm.s32 $0x0;
	s13 =	sadd.s32 $0x800, s13;
	[tilespmem:s14+$0x60] =	vst.add.f32.msk $0xffff, v1  }
.LBB2_103:
0x8f4: {  	v1 =	vld.idx.msk [tilespmem:v0+s13+$0x0 ss:$0x1], $0xffff;
	s12 =	sadd.s32 $0x100, s12  }
0x8f5: {  	v2 =	vld.idx.msk [tilespmem:v0+s13+$0xFFFFFBA0 ss:$0x1], $0xffff;
	p0 =	slt.u32 s12, $0x300  }
0x8f6: {  	v3 =	vld.idx.msk [tilespmem:v0+s13+$0xFFFFFBB0 ss:$0x1], $0xffff  }
0x8f7: {  	v4 =	vld.idx.msk [tilespmem:v0+s13+$0xFFFFFBC0 ss:$0x1], $0xffff  }
0x8f8: {  	s11 =	sadd.s32 $0x800, s11;
	v5 =	vld.idx.msk [tilespmem:v0+s13+$0xFFFFFBD0 ss:$0x1], $0xffff  }
0x8f9: {  	s14 =	sadd.s32 s10, s11;
	v6 =	vld.idx.msk [tilespmem:v0+s13+$0xFFFFFBE0 ss:$0x1], $0xffff  }
0x8fa: {  	[tilespmem:s14+$0x470] =	vst.add.f32.msk $0xffff, v1  }
0x8fb: {  	v1 =	vld.idx.msk [tilespmem:v0+s13+$0xFFFFFBF0 ss:$0x1], $0xffff  }
0x8fc: {  	v7 =	vld.idx.msk [tilespmem:v0+s13+$0xFFFFFC00 ss:$0x1], $0xffff  }
0x8fd: {  	v8 =	vld.idx.msk [tilespmem:v0+s13+$0xFFFFFF90 ss:$0x1], $0xffff  }
0x8fe: {  	v9 =	vld.idx.msk [tilespmem:v0+s13+$0xFFFFFFA0 ss:$0x1], $0xffff  }
0x8ff: {  	v10 =	vld.idx.msk [tilespmem:v0+s13+$0xFFFFFFB0 ss:$0x1], $0xffff  }
0x900: {  	v11 =	vld.idx.msk [tilespmem:v0+s13+$0xFFFFFFC0 ss:$0x1], $0xffff  }
0x901: {  	v12 =	vld.idx.msk [tilespmem:v0+s13+$0xFFFFFFD0 ss:$0x1], $0xffff  }
0x902: {  	v13 =	vld.idx.msk [tilespmem:v0+s13+$0xFFFFFFE0 ss:$0x1], $0xffff  }
0x903: {  	v14 =	vld.idx.msk [tilespmem:v0+s13+$0xFFFFFFF0 ss:$0x1], $0xffff  }
0x904: {  	v15 =	vld.idx.msk [tilespmem:v0+s13+$0xFFFFFB90 ss:$0x1], $0xffff  }
0x905: {  	[tilespmem:s14+$0x10] =	vst.add.f32.msk $0xffff, v2  }
0x906: {  	[tilespmem:s14+$0x20] =	vst.add.f32.msk $0xffff, v3  }
0x907: {  	[tilespmem:s14+$0x30] =	vst.add.f32.msk $0xffff, v4  }
0x908: {  	[tilespmem:s14+$0x40] =	vst.add.f32.msk $0xffff, v5  }
0x909: {  	[tilespmem:s14+$0x50] =	vst.add.f32.msk $0xffff, v6  }
0x90a: {  	[tilespmem:s14+$0x0] =	vst.add.f32.msk $0xffff, v15  }
0x90b: {  	[tilespmem:s14+$0x60] =	vst.add.f32.msk $0xffff, v1  }
0x90c: {  	[tilespmem:s14+$0x70] =	vst.add.f32.msk $0xffff, v7  }
0x90d: {  	[tilespmem:s14+$0x400] =	vst.add.f32.msk $0xffff, v8  }
0x90e: {  	[tilespmem:s14+$0x410] =	vst.add.f32.msk $0xffff, v9  }
.Ltmp50:
0x90f: {  	[tilespmem:s14+$0x420] =	vst.add.f32.msk $0xffff, v10;
	(pc) =	sbr.rel @p0 .LBB2_103-.Ltmp50, $4  }
0x910: {  	[tilespmem:s14+$0x430] =	vst.add.f32.msk $0xffff, v11  }
0x911: {  	[tilespmem:s14+$0x440] =	vst.add.f32.msk $0xffff, v12  }
0x912: {  	[tilespmem:s14+$0x450] =	vst.add.f32.msk $0xffff, v13  }
0x913: {  	s13 =	sadd.s32 $0x800, s13;
	[tilespmem:s14+$0x460] =	vst.add.f32.msk $0xffff, v14  }
0x914: {  	s9 =	sadd.s32 $0x1, s9  }
0x915: {  	p0 =	sne.s32 s9, $0x10  }
.Ltmp51:
0x916: {  	_ = 	snop;
	(pc) =	sbr.rel @p0 .LBB2_102-.Ltmp51, $2  }
0x917: {  	_ =	sdelay $0x2  }
0x918: {  	s8 =	sadd.s32 $0x1, s8;
	s7 =	sadd.s32 $0x400, s7  }
0x919: {  	s8 =	sld [smem:$0x7EE];
	_ =	sdelay $0x1  }
0x91a: {  	s7 =	simm.s32 $0x0  }
0x91b: {  	[hbm4b:s8+s7] =	stream.linear.scatter [tilespmem:s16], [sflag:$0xA], $0x4000, $0x38;
	v63 =	vld [tilespmem:$0x0]  }
0x91c: {  	_ =	swait.ge [sflag:s25], $0x4000  }
0x91d: {  	[sflag:s25] =	ssyncset.done $0x0  }
0x91e: {  	[sflag:s25] =	ssyncadd.s32 $0xFFFFC000  }
0x91f: {  	_ =	swait.ge [sflag:s26], $0x4000  }
0x920: {  	s14 =	sld [smem:$0x7F6]  }
0x921: {  	[sflag:s26] =	ssyncset.done $0x0  }
0x922: {  	s9 =	simm.s32 $0x0;
	s8 =	simm.s32 $0x0;
	[sflag:s26] =	ssyncadd.s32 $0xFFFFC000  }
0x923: {  	[tilespmem:s15], [sflag:$0x3] =	stream.linear.gather [hbm4b:s14+s7], $0x4000, $0x38;
	v63 =	vld [tilespmem:$0x0]  }
.LBB2_106:
0x924: {  	s10 =	sand.u32 $0x7, s8  }
0x925: {  	s10 =	sshll.u32 s10, $0x9  }
0x926: {  	s10 =	sshrl.u32 s10, $0x2  }
0x927: {  	v0 =	vmov s10;
	_ =	sdelay $0x2  }
0x928: {  	s11 =	sand.u32 $0x3FFFE000, s7  }
0x929: {  	s13 =	sor.u32 $0x470, s11  }
0x92a: {  	v1 =	vld.idx.msk [tilespmem:v0+s13+$0x0 ss:$0x1], $0xffff  }
0x92b: {  	v2 =	vld.idx.msk [tilespmem:v0+s13+$0xFFFFFBA0 ss:$0x1], $0xffff  }
0x92c: {  	v3 =	vld.idx.msk [tilespmem:v0+s13+$0xFFFFFBB0 ss:$0x1], $0xffff  }
0x92d: {  	v4 =	vld.idx.msk [tilespmem:v0+s13+$0xFFFFFBC0 ss:$0x1], $0xffff  }
0x92e: {  	v5 =	vld.idx.msk [tilespmem:v0+s13+$0xFFFFFBD0 ss:$0x1], $0xffff  }
0x92f: {  	v6 =	vld.idx.msk [tilespmem:v0+s13+$0xFFFFFBE0 ss:$0x1], $0xffff  }
0x930: {  	v7 =	vld.idx.msk [tilespmem:v0+s13+$0xFFFFFC00 ss:$0x1], $0xffff  }
0x931: {  	v8 =	vld.idx.msk [tilespmem:v0+s13+$0xFFFFFF90 ss:$0x1], $0xffff  }
0x932: {  	v9 =	vld.idx.msk [tilespmem:v0+s13+$0xFFFFFFA0 ss:$0x1], $0xffff  }
0x933: {  	v10 =	vld.idx.msk [tilespmem:v0+s13+$0xFFFFFFB0 ss:$0x1], $0xffff  }
0x934: {  	v11 =	vld.idx.msk [tilespmem:v0+s13+$0xFFFFFFC0 ss:$0x1], $0xffff  }
0x935: {  	v12 =	vld.idx.msk [tilespmem:v0+s13+$0xFFFFFFD0 ss:$0x1], $0xffff  }
0x936: {  	v13 =	vld.idx.msk [tilespmem:v0+s13+$0xFFFFFFE0 ss:$0x1], $0xffff  }
0x937: {  	s11 =	sadd.s32 $0x10000, s11;
	v14 =	vld.idx.msk [tilespmem:v0+s13+$0xFFFFFFF0 ss:$0x1], $0xffff  }
0x938: {  	s14 =	sadd.s32 s10, s11;
	v15 =	vld.idx.msk [tilespmem:v0+s13+$0xFFFFFB90 ss:$0x1], $0xffff  }
0x939: {  	[tilespmem:s14+$0x470] =	vst.add.f32.msk $0xffff, v1  }
0x93a: {  	v1 =	vld.idx.msk [tilespmem:v0+s13+$0xFFFFFBF0 ss:$0x1], $0xffff  }
0x93b: {  	[tilespmem:s14+$0x10] =	vst.add.f32.msk $0xffff, v2  }
0x93c: {  	[tilespmem:s14+$0x20] =	vst.add.f32.msk $0xffff, v3  }
0x93d: {  	[tilespmem:s14+$0x30] =	vst.add.f32.msk $0xffff, v4  }
0x93e: {  	[tilespmem:s14+$0x40] =	vst.add.f32.msk $0xffff, v5  }
0x93f: {  	[tilespmem:s14+$0x50] =	vst.add.f32.msk $0xffff, v6  }
0x940: {  	[tilespmem:s14+$0x0] =	vst.add.f32.msk $0xffff, v15  }
0x941: {  	[tilespmem:s14+$0x70] =	vst.add.f32.msk $0xffff, v7  }
0x942: {  	[tilespmem:s14+$0x400] =	vst.add.f32.msk $0xffff, v8  }
0x943: {  	[tilespmem:s14+$0x410] =	vst.add.f32.msk $0xffff, v9  }
0x944: {  	[tilespmem:s14+$0x420] =	vst.add.f32.msk $0xffff, v10  }
0x945: {  	[tilespmem:s14+$0x430] =	vst.add.f32.msk $0xffff, v11  }
0x946: {  	[tilespmem:s14+$0x440] =	vst.add.f32.msk $0xffff, v12  }
0x947: {  	[tilespmem:s14+$0x450] =	vst.add.f32.msk $0xffff, v13  }
0x948: {  	[tilespmem:s14+$0x460] =	vst.add.f32.msk $0xffff, v14  }
0x949: {  	s12 =	simm.s32 $0x0;
	s13 =	sadd.s32 $0x800, s13;
	[tilespmem:s14+$0x60] =	vst.add.f32.msk $0xffff, v1  }
.LBB2_107:
0x94a: {  	v1 =	vld.idx.msk [tilespmem:v0+s13+$0x0 ss:$0x1], $0xffff;
	s12 =	sadd.s32 $0x100, s12  }
0x94b: {  	v2 =	vld.idx.msk [tilespmem:v0+s13+$0xFFFFFBA0 ss:$0x1], $0xffff;
	p0 =	slt.u32 s12, $0x300  }
0x94c: {  	v3 =	vld.idx.msk [tilespmem:v0+s13+$0xFFFFFBB0 ss:$0x1], $0xffff  }
0x94d: {  	v4 =	vld.idx.msk [tilespmem:v0+s13+$0xFFFFFBC0 ss:$0x1], $0xffff  }
0x94e: {  	s11 =	sadd.s32 $0x800, s11;
	v5 =	vld.idx.msk [tilespmem:v0+s13+$0xFFFFFBD0 ss:$0x1], $0xffff  }
0x94f: {  	s14 =	sadd.s32 s10, s11;
	v6 =	vld.idx.msk [tilespmem:v0+s13+$0xFFFFFBE0 ss:$0x1], $0xffff  }
0x950: {  	[tilespmem:s14+$0x470] =	vst.add.f32.msk $0xffff, v1  }
0x951: {  	v1 =	vld.idx.msk [tilespmem:v0+s13+$0xFFFFFBF0 ss:$0x1], $0xffff  }
0x952: {  	v7 =	vld.idx.msk [tilespmem:v0+s13+$0xFFFFFC00 ss:$0x1], $0xffff  }
0x953: {  	v8 =	vld.idx.msk [tilespmem:v0+s13+$0xFFFFFF90 ss:$0x1], $0xffff  }
0x954: {  	v9 =	vld.idx.msk [tilespmem:v0+s13+$0xFFFFFFA0 ss:$0x1], $0xffff  }
0x955: {  	v10 =	vld.idx.msk [tilespmem:v0+s13+$0xFFFFFFB0 ss:$0x1], $0xffff  }
0x956: {  	v11 =	vld.idx.msk [tilespmem:v0+s13+$0xFFFFFFC0 ss:$0x1], $0xffff  }
0x957: {  	v12 =	vld.idx.msk [tilespmem:v0+s13+$0xFFFFFFD0 ss:$0x1], $0xffff  }
0x958: {  	v13 =	vld.idx.msk [tilespmem:v0+s13+$0xFFFFFFE0 ss:$0x1], $0xffff  }
0x959: {  	v14 =	vld.idx.msk [tilespmem:v0+s13+$0xFFFFFFF0 ss:$0x1], $0xffff  }
0x95a: {  	v15 =	vld.idx.msk [tilespmem:v0+s13+$0xFFFFFB90 ss:$0x1], $0xffff  }
0x95b: {  	[tilespmem:s14+$0x10] =	vst.add.f32.msk $0xffff, v2  }
0x95c: {  	[tilespmem:s14+$0x20] =	vst.add.f32.msk $0xffff, v3  }
0x95d: {  	[tilespmem:s14+$0x30] =	vst.add.f32.msk $0xffff, v4  }
0x95e: {  	[tilespmem:s14+$0x40] =	vst.add.f32.msk $0xffff, v5  }
0x95f: {  	[tilespmem:s14+$0x50] =	vst.add.f32.msk $0xffff, v6  }
0x960: {  	[tilespmem:s14+$0x0] =	vst.add.f32.msk $0xffff, v15  }
0x961: {  	[tilespmem:s14+$0x60] =	vst.add.f32.msk $0xffff, v1  }
0x962: {  	[tilespmem:s14+$0x70] =	vst.add.f32.msk $0xffff, v7  }
0x963: {  	[tilespmem:s14+$0x400] =	vst.add.f32.msk $0xffff, v8  }
0x964: {  	[tilespmem:s14+$0x410] =	vst.add.f32.msk $0xffff, v9  }
.Ltmp52:
0x965: {  	[tilespmem:s14+$0x420] =	vst.add.f32.msk $0xffff, v10;
	(pc) =	sbr.rel @p0 .LBB2_107-.Ltmp52, $4  }
0x966: {  	[tilespmem:s14+$0x430] =	vst.add.f32.msk $0xffff, v11  }
0x967: {  	[tilespmem:s14+$0x440] =	vst.add.f32.msk $0xffff, v12  }
0x968: {  	[tilespmem:s14+$0x450] =	vst.add.f32.msk $0xffff, v13  }
0x969: {  	s13 =	sadd.s32 $0x800, s13;
	[tilespmem:s14+$0x460] =	vst.add.f32.msk $0xffff, v14  }
0x96a: {  	s9 =	sadd.s32 $0x1, s9  }
0x96b: {  	p0 =	sne.s32 s9, $0x10  }
.Ltmp53:
0x96c: {  	_ = 	snop;
	(pc) =	sbr.rel @p0 .LBB2_106-.Ltmp53, $2  }
0x96d: {  	_ =	sdelay $0x2  }
0x96e: {  	s8 =	sadd.s32 $0x1, s8;
	s7 =	sadd.s32 $0x400, s7  }
0x96f: {  	s8 =	sld [smem:$0x7F0];
	_ =	sdelay $0x1  }
0x970: {  	s7 =	simm.s32 $0x0  }
0x971: {  	[hbm4b:s8+s7] =	stream.linear.scatter [tilespmem:s17], [sflag:$0xB], $0x4000, $0x38;
	v63 =	vld [tilespmem:$0x0]  }
0x972: {  	_ =	swait.ge [sflag:s28], $0x4000  }
0x973: {  	[sflag:s28] =	ssyncset.done $0x0  }
0x974: {  	[sflag:s28] =	ssyncadd.s32 $0xFFFFC000  }
0x975: {  	_ =	swait.ge [sflag:s29], $0x4000  }
0x976: {  	s14 =	sld [smem:$0x7F7]  }
0x977: {  	[sflag:s29] =	ssyncset.done $0x0  }
0x978: {  	s9 =	simm.s32 $0x0;
	s8 =	simm.s32 $0x0;
	[sflag:s29] =	ssyncadd.s32 $0xFFFFC000  }
0x979: {  	[tilespmem:s16], [sflag:$0x4] =	stream.linear.gather [hbm4b:s14+s7], $0x4000, $0x38;
	v63 =	vld [tilespmem:$0x0]  }
.LBB2_110:
0x97a: {  	s10 =	sand.u32 $0x7, s8  }
0x97b: {  	s10 =	sshll.u32 s10, $0x9  }
0x97c: {  	s10 =	sshrl.u32 s10, $0x2  }
0x97d: {  	v0 =	vmov s10;
	_ =	sdelay $0x2  }
0x97e: {  	s11 =	sand.u32 $0x3FFFE000, s7  }
0x97f: {  	s13 =	sor.u32 $0x470, s11  }
0x980: {  	v1 =	vld.idx.msk [tilespmem:v0+s13+$0x0 ss:$0x1], $0xffff  }
0x981: {  	v2 =	vld.idx.msk [tilespmem:v0+s13+$0xFFFFFBA0 ss:$0x1], $0xffff  }
0x982: {  	v3 =	vld.idx.msk [tilespmem:v0+s13+$0xFFFFFBB0 ss:$0x1], $0xffff  }
0x983: {  	v4 =	vld.idx.msk [tilespmem:v0+s13+$0xFFFFFBC0 ss:$0x1], $0xffff  }
0x984: {  	v5 =	vld.idx.msk [tilespmem:v0+s13+$0xFFFFFBD0 ss:$0x1], $0xffff  }
0x985: {  	v6 =	vld.idx.msk [tilespmem:v0+s13+$0xFFFFFBE0 ss:$0x1], $0xffff  }
0x986: {  	v7 =	vld.idx.msk [tilespmem:v0+s13+$0xFFFFFC00 ss:$0x1], $0xffff  }
0x987: {  	v8 =	vld.idx.msk [tilespmem:v0+s13+$0xFFFFFF90 ss:$0x1], $0xffff  }
0x988: {  	v9 =	vld.idx.msk [tilespmem:v0+s13+$0xFFFFFFA0 ss:$0x1], $0xffff  }
0x989: {  	v10 =	vld.idx.msk [tilespmem:v0+s13+$0xFFFFFFB0 ss:$0x1], $0xffff  }
0x98a: {  	v11 =	vld.idx.msk [tilespmem:v0+s13+$0xFFFFFFC0 ss:$0x1], $0xffff  }
0x98b: {  	v12 =	vld.idx.msk [tilespmem:v0+s13+$0xFFFFFFD0 ss:$0x1], $0xffff  }
0x98c: {  	v13 =	vld.idx.msk [tilespmem:v0+s13+$0xFFFFFFE0 ss:$0x1], $0xffff  }
0x98d: {  	s11 =	sadd.s32 $0x14000, s11;
	v14 =	vld.idx.msk [tilespmem:v0+s13+$0xFFFFFFF0 ss:$0x1], $0xffff  }
0x98e: {  	s14 =	sadd.s32 s10, s11;
	v15 =	vld.idx.msk [tilespmem:v0+s13+$0xFFFFFB90 ss:$0x1], $0xffff  }
0x98f: {  	[tilespmem:s14+$0x470] =	vst.add.f32.msk $0xffff, v1  }
0x990: {  	v1 =	vld.idx.msk [tilespmem:v0+s13+$0xFFFFFBF0 ss:$0x1], $0xffff  }
0x991: {  	[tilespmem:s14+$0x10] =	vst.add.f32.msk $0xffff, v2  }
0x992: {  	[tilespmem:s14+$0x20] =	vst.add.f32.msk $0xffff, v3  }
0x993: {  	[tilespmem:s14+$0x30] =	vst.add.f32.msk $0xffff, v4  }
0x994: {  	[tilespmem:s14+$0x40] =	vst.add.f32.msk $0xffff, v5  }
0x995: {  	[tilespmem:s14+$0x50] =	vst.add.f32.msk $0xffff, v6  }
0x996: {  	[tilespmem:s14+$0x0] =	vst.add.f32.msk $0xffff, v15  }
0x997: {  	[tilespmem:s14+$0x70] =	vst.add.f32.msk $0xffff, v7  }
0x998: {  	[tilespmem:s14+$0x400] =	vst.add.f32.msk $0xffff, v8  }
0x999: {  	[tilespmem:s14+$0x410] =	vst.add.f32.msk $0xffff, v9  }
0x99a: {  	[tilespmem:s14+$0x420] =	vst.add.f32.msk $0xffff, v10  }
0x99b: {  	[tilespmem:s14+$0x430] =	vst.add.f32.msk $0xffff, v11  }
0x99c: {  	[tilespmem:s14+$0x440] =	vst.add.f32.msk $0xffff, v12  }
0x99d: {  	[tilespmem:s14+$0x450] =	vst.add.f32.msk $0xffff, v13  }
0x99e: {  	[tilespmem:s14+$0x460] =	vst.add.f32.msk $0xffff, v14  }
0x99f: {  	s12 =	simm.s32 $0x0;
	s13 =	sadd.s32 $0x800, s13;
	[tilespmem:s14+$0x60] =	vst.add.f32.msk $0xffff, v1  }
.LBB2_111:
0x9a0: {  	v1 =	vld.idx.msk [tilespmem:v0+s13+$0x0 ss:$0x1], $0xffff;
	s12 =	sadd.s32 $0x100, s12  }
0x9a1: {  	v2 =	vld.idx.msk [tilespmem:v0+s13+$0xFFFFFBA0 ss:$0x1], $0xffff;
	p0 =	slt.u32 s12, $0x300  }
0x9a2: {  	v3 =	vld.idx.msk [tilespmem:v0+s13+$0xFFFFFBB0 ss:$0x1], $0xffff  }
0x9a3: {  	v4 =	vld.idx.msk [tilespmem:v0+s13+$0xFFFFFBC0 ss:$0x1], $0xffff  }
0x9a4: {  	s11 =	sadd.s32 $0x800, s11;
	v5 =	vld.idx.msk [tilespmem:v0+s13+$0xFFFFFBD0 ss:$0x1], $0xffff  }
0x9a5: {  	s14 =	sadd.s32 s10, s11;
	v6 =	vld.idx.msk [tilespmem:v0+s13+$0xFFFFFBE0 ss:$0x1], $0xffff  }
0x9a6: {  	[tilespmem:s14+$0x470] =	vst.add.f32.msk $0xffff, v1  }
0x9a7: {  	v1 =	vld.idx.msk [tilespmem:v0+s13+$0xFFFFFBF0 ss:$0x1], $0xffff  }
0x9a8: {  	v7 =	vld.idx.msk [tilespmem:v0+s13+$0xFFFFFC00 ss:$0x1], $0xffff  }
0x9a9: {  	v8 =	vld.idx.msk [tilespmem:v0+s13+$0xFFFFFF90 ss:$0x1], $0xffff  }
0x9aa: {  	v9 =	vld.idx.msk [tilespmem:v0+s13+$0xFFFFFFA0 ss:$0x1], $0xffff  }
0x9ab: {  	v10 =	vld.idx.msk [tilespmem:v0+s13+$0xFFFFFFB0 ss:$0x1], $0xffff  }
0x9ac: {  	v11 =	vld.idx.msk [tilespmem:v0+s13+$0xFFFFFFC0 ss:$0x1], $0xffff  }
0x9ad: {  	v12 =	vld.idx.msk [tilespmem:v0+s13+$0xFFFFFFD0 ss:$0x1], $0xffff  }
0x9ae: {  	v13 =	vld.idx.msk [tilespmem:v0+s13+$0xFFFFFFE0 ss:$0x1], $0xffff  }
0x9af: {  	v14 =	vld.idx.msk [tilespmem:v0+s13+$0xFFFFFFF0 ss:$0x1], $0xffff  }
0x9b0: {  	v15 =	vld.idx.msk [tilespmem:v0+s13+$0xFFFFFB90 ss:$0x1], $0xffff  }
0x9b1: {  	[tilespmem:s14+$0x10] =	vst.add.f32.msk $0xffff, v2  }
0x9b2: {  	[tilespmem:s14+$0x20] =	vst.add.f32.msk $0xffff, v3  }
0x9b3: {  	[tilespmem:s14+$0x30] =	vst.add.f32.msk $0xffff, v4  }
0x9b4: {  	[tilespmem:s14+$0x40] =	vst.add.f32.msk $0xffff, v5  }
0x9b5: {  	[tilespmem:s14+$0x50] =	vst.add.f32.msk $0xffff, v6  }
0x9b6: {  	[tilespmem:s14+$0x0] =	vst.add.f32.msk $0xffff, v15  }
0x9b7: {  	[tilespmem:s14+$0x60] =	vst.add.f32.msk $0xffff, v1  }
0x9b8: {  	[tilespmem:s14+$0x70] =	vst.add.f32.msk $0xffff, v7  }
0x9b9: {  	[tilespmem:s14+$0x400] =	vst.add.f32.msk $0xffff, v8  }
0x9ba: {  	[tilespmem:s14+$0x410] =	vst.add.f32.msk $0xffff, v9  }
.Ltmp54:
0x9bb: {  	[tilespmem:s14+$0x420] =	vst.add.f32.msk $0xffff, v10;
	(pc) =	sbr.rel @p0 .LBB2_111-.Ltmp54, $4  }
0x9bc: {  	[tilespmem:s14+$0x430] =	vst.add.f32.msk $0xffff, v11  }
0x9bd: {  	[tilespmem:s14+$0x440] =	vst.add.f32.msk $0xffff, v12  }
0x9be: {  	[tilespmem:s14+$0x450] =	vst.add.f32.msk $0xffff, v13  }
0x9bf: {  	s13 =	sadd.s32 $0x800, s13;
	[tilespmem:s14+$0x460] =	vst.add.f32.msk $0xffff, v14  }
0x9c0: {  	s9 =	sadd.s32 $0x1, s9  }
0x9c1: {  	p0 =	sne.s32 s9, $0x10  }
.Ltmp55:
0x9c2: {  	_ = 	snop;
	(pc) =	sbr.rel @p0 .LBB2_110-.Ltmp55, $2  }
0x9c3: {  	_ =	sdelay $0x2  }
0x9c4: {  	s8 =	sadd.s32 $0x1, s8;
	s7 =	sadd.s32 $0x400, s7  }
0x9c5: {  	s8 =	sld [smem:$0x7F8];
	_ =	sdelay $0x1  }
0x9c6: {  	s7 =	simm.s32 $0x0  }
0x9c7: {  	[hbm4b:s8+s7] =	stream.linear.scatter [tilespmem:s18], [sflag:$0xC], $0x4000, $0x38;
	v63 =	vld [tilespmem:$0x0]  }
0x9c8: {  	_ =	swait.ge [sflag:s30], $0x4000  }
0x9c9: {  	[sflag:s30] =	ssyncset.done $0x0  }
0x9ca: {  	[sflag:s30] =	ssyncadd.s32 $0xFFFFC000  }
0x9cb: {  	_ =	swait.ge [sflag:s31], $0x4000  }
0x9cc: {  	[sflag:s31] =	ssyncset.done $0x0  }
0x9cd: {  	s9 =	simm.s32 $0x0;
	s8 =	simm.s32 $0x0;
	[sflag:s31] =	ssyncadd.s32 $0xFFFFC000  }
.LBB2_114:
0x9ce: {  	s10 =	sand.u32 $0x7, s8  }
0x9cf: {  	s10 =	sshll.u32 s10, $0x9  }
0x9d0: {  	s10 =	sshrl.u32 s10, $0x2  }
0x9d1: {  	v0 =	vmov s10;
	_ =	sdelay $0x2  }
0x9d2: {  	s11 =	sand.u32 $0x3FFFE000, s7  }
0x9d3: {  	s13 =	sadd.s32 $0x4470, s11  }
0x9d4: {  	v1 =	vld.idx.msk [tilespmem:v0+s13+$0x0 ss:$0x1], $0xffff  }
0x9d5: {  	v2 =	vld.idx.msk [tilespmem:v0+s13+$0xFFFFFBA0 ss:$0x1], $0xffff  }
0x9d6: {  	v3 =	vld.idx.msk [tilespmem:v0+s13+$0xFFFFFBB0 ss:$0x1], $0xffff  }
0x9d7: {  	v4 =	vld.idx.msk [tilespmem:v0+s13+$0xFFFFFBC0 ss:$0x1], $0xffff  }
0x9d8: {  	v5 =	vld.idx.msk [tilespmem:v0+s13+$0xFFFFFBD0 ss:$0x1], $0xffff  }
0x9d9: {  	v6 =	vld.idx.msk [tilespmem:v0+s13+$0xFFFFFBE0 ss:$0x1], $0xffff  }
0x9da: {  	v7 =	vld.idx.msk [tilespmem:v0+s13+$0xFFFFFC00 ss:$0x1], $0xffff  }
0x9db: {  	v8 =	vld.idx.msk [tilespmem:v0+s13+$0xFFFFFF90 ss:$0x1], $0xffff  }
0x9dc: {  	v9 =	vld.idx.msk [tilespmem:v0+s13+$0xFFFFFFA0 ss:$0x1], $0xffff  }
0x9dd: {  	v10 =	vld.idx.msk [tilespmem:v0+s13+$0xFFFFFFB0 ss:$0x1], $0xffff  }
0x9de: {  	v11 =	vld.idx.msk [tilespmem:v0+s13+$0xFFFFFFC0 ss:$0x1], $0xffff  }
0x9df: {  	v12 =	vld.idx.msk [tilespmem:v0+s13+$0xFFFFFFD0 ss:$0x1], $0xffff  }
0x9e0: {  	v13 =	vld.idx.msk [tilespmem:v0+s13+$0xFFFFFFE0 ss:$0x1], $0xffff  }
0x9e1: {  	s11 =	sadd.s32 $0x18000, s11;
	v14 =	vld.idx.msk [tilespmem:v0+s13+$0xFFFFFFF0 ss:$0x1], $0xffff  }
0x9e2: {  	s14 =	sadd.s32 s10, s11;
	v15 =	vld.idx.msk [tilespmem:v0+s13+$0xFFFFFB90 ss:$0x1], $0xffff  }
0x9e3: {  	[tilespmem:s14+$0x470] =	vst.add.f32.msk $0xffff, v1  }
0x9e4: {  	v1 =	vld.idx.msk [tilespmem:v0+s13+$0xFFFFFBF0 ss:$0x1], $0xffff  }
0x9e5: {  	[tilespmem:s14+$0x10] =	vst.add.f32.msk $0xffff, v2  }
0x9e6: {  	[tilespmem:s14+$0x20] =	vst.add.f32.msk $0xffff, v3  }
0x9e7: {  	[tilespmem:s14+$0x30] =	vst.add.f32.msk $0xffff, v4  }
0x9e8: {  	[tilespmem:s14+$0x40] =	vst.add.f32.msk $0xffff, v5  }
0x9e9: {  	[tilespmem:s14+$0x50] =	vst.add.f32.msk $0xffff, v6  }
0x9ea: {  	[tilespmem:s14+$0x0] =	vst.add.f32.msk $0xffff, v15  }
0x9eb: {  	[tilespmem:s14+$0x70] =	vst.add.f32.msk $0xffff, v7  }
0x9ec: {  	[tilespmem:s14+$0x400] =	vst.add.f32.msk $0xffff, v8  }
0x9ed: {  	[tilespmem:s14+$0x410] =	vst.add.f32.msk $0xffff, v9  }
0x9ee: {  	[tilespmem:s14+$0x420] =	vst.add.f32.msk $0xffff, v10  }
0x9ef: {  	[tilespmem:s14+$0x430] =	vst.add.f32.msk $0xffff, v11  }
0x9f0: {  	[tilespmem:s14+$0x440] =	vst.add.f32.msk $0xffff, v12  }
0x9f1: {  	[tilespmem:s14+$0x450] =	vst.add.f32.msk $0xffff, v13  }
0x9f2: {  	[tilespmem:s14+$0x460] =	vst.add.f32.msk $0xffff, v14  }
0x9f3: {  	s12 =	simm.s32 $0x0;
	s13 =	sadd.s32 $0x800, s13;
	[tilespmem:s14+$0x60] =	vst.add.f32.msk $0xffff, v1  }
.LBB2_115:
0x9f4: {  	v1 =	vld.idx.msk [tilespmem:v0+s13+$0x0 ss:$0x1], $0xffff;
	s12 =	sadd.s32 $0x100, s12  }
0x9f5: {  	v2 =	vld.idx.msk [tilespmem:v0+s13+$0xFFFFFBA0 ss:$0x1], $0xffff;
	p0 =	slt.u32 s12, $0x300  }
0x9f6: {  	v3 =	vld.idx.msk [tilespmem:v0+s13+$0xFFFFFBB0 ss:$0x1], $0xffff  }
0x9f7: {  	v4 =	vld.idx.msk [tilespmem:v0+s13+$0xFFFFFBC0 ss:$0x1], $0xffff  }
0x9f8: {  	s11 =	sadd.s32 $0x800, s11;
	v5 =	vld.idx.msk [tilespmem:v0+s13+$0xFFFFFBD0 ss:$0x1], $0xffff  }
0x9f9: {  	s14 =	sadd.s32 s10, s11;
	v6 =	vld.idx.msk [tilespmem:v0+s13+$0xFFFFFBE0 ss:$0x1], $0xffff  }
0x9fa: {  	[tilespmem:s14+$0x470] =	vst.add.f32.msk $0xffff, v1  }
0x9fb: {  	v1 =	vld.idx.msk [tilespmem:v0+s13+$0xFFFFFBF0 ss:$0x1], $0xffff  }
0x9fc: {  	v7 =	vld.idx.msk [tilespmem:v0+s13+$0xFFFFFC00 ss:$0x1], $0xffff  }
0x9fd: {  	v8 =	vld.idx.msk [tilespmem:v0+s13+$0xFFFFFF90 ss:$0x1], $0xffff  }
0x9fe: {  	v9 =	vld.idx.msk [tilespmem:v0+s13+$0xFFFFFFA0 ss:$0x1], $0xffff  }
0x9ff: {  	v10 =	vld.idx.msk [tilespmem:v0+s13+$0xFFFFFFB0 ss:$0x1], $0xffff  }
0xa00: {  	v11 =	vld.idx.msk [tilespmem:v0+s13+$0xFFFFFFC0 ss:$0x1], $0xffff  }
0xa01: {  	v12 =	vld.idx.msk [tilespmem:v0+s13+$0xFFFFFFD0 ss:$0x1], $0xffff  }
0xa02: {  	v13 =	vld.idx.msk [tilespmem:v0+s13+$0xFFFFFFE0 ss:$0x1], $0xffff  }
0xa03: {  	v14 =	vld.idx.msk [tilespmem:v0+s13+$0xFFFFFFF0 ss:$0x1], $0xffff  }
0xa04: {  	v15 =	vld.idx.msk [tilespmem:v0+s13+$0xFFFFFB90 ss:$0x1], $0xffff  }
0xa05: {  	[tilespmem:s14+$0x10] =	vst.add.f32.msk $0xffff, v2  }
0xa06: {  	[tilespmem:s14+$0x20] =	vst.add.f32.msk $0xffff, v3  }
0xa07: {  	[tilespmem:s14+$0x30] =	vst.add.f32.msk $0xffff, v4  }
0xa08: {  	[tilespmem:s14+$0x40] =	vst.add.f32.msk $0xffff, v5  }
0xa09: {  	[tilespmem:s14+$0x50] =	vst.add.f32.msk $0xffff, v6  }
0xa0a: {  	[tilespmem:s14+$0x0] =	vst.add.f32.msk $0xffff, v15  }
0xa0b: {  	[tilespmem:s14+$0x60] =	vst.add.f32.msk $0xffff, v1  }
0xa0c: {  	[tilespmem:s14+$0x70] =	vst.add.f32.msk $0xffff, v7  }
0xa0d: {  	[tilespmem:s14+$0x400] =	vst.add.f32.msk $0xffff, v8  }
0xa0e: {  	[tilespmem:s14+$0x410] =	vst.add.f32.msk $0xffff, v9  }
.Ltmp56:
0xa0f: {  	[tilespmem:s14+$0x420] =	vst.add.f32.msk $0xffff, v10;
	(pc) =	sbr.rel @p0 .LBB2_115-.Ltmp56, $4  }
0xa10: {  	[tilespmem:s14+$0x430] =	vst.add.f32.msk $0xffff, v11  }
0xa11: {  	[tilespmem:s14+$0x440] =	vst.add.f32.msk $0xffff, v12  }
0xa12: {  	[tilespmem:s14+$0x450] =	vst.add.f32.msk $0xffff, v13  }
0xa13: {  	s13 =	sadd.s32 $0x800, s13;
	[tilespmem:s14+$0x460] =	vst.add.f32.msk $0xffff, v14  }
0xa14: {  	s9 =	sadd.s32 $0x1, s9  }
0xa15: {  	p0 =	sne.s32 s9, $0x10  }
.Ltmp57:
0xa16: {  	_ = 	snop;
	(pc) =	sbr.rel @p0 .LBB2_114-.Ltmp57, $2  }
0xa17: {  	_ =	sdelay $0x2  }
0xa18: {  	s8 =	sadd.s32 $0x1, s8;
	s7 =	sadd.s32 $0x400, s7  }
0xa19: {  	s8 =	sld [smem:$0x7F9];
	_ =	sdelay $0x1  }
0xa1a: {  	s7 =	simm.s32 $0x0  }
0xa1b: {  	[hbm4b:s8+s7] =	stream.linear.scatter [tilespmem:s22], [sflag:$0xD], $0x4000, $0x38;
	v63 =	vld [tilespmem:$0x0]  }
0xa1c: {  	_ =	swait.ge [sflag:s2], $0x4000  }
0xa1d: {  	[sflag:s2] =	ssyncset.done $0x0  }
0xa1e: {  	s9 =	simm.s32 $0x0;
	s8 =	simm.s32 $0x0;
	[sflag:s2] =	ssyncadd.s32 $0xFFFFC000  }
.LBB2_118:
0xa1f: {  	s10 =	sand.u32 $0x7, s8  }
0xa20: {  	s10 =	sshll.u32 s10, $0x9  }
0xa21: {  	s10 =	sshrl.u32 s10, $0x2  }
0xa22: {  	v0 =	vmov s10;
	_ =	sdelay $0x2  }
0xa23: {  	s11 =	sand.u32 $0x3FFFE000, s7  }
0xa24: {  	s13 =	sadd.s32 $0x4470, s11  }
0xa25: {  	v1 =	vld.idx.msk [tilespmem:v0+s13+$0x0 ss:$0x1], $0xffff  }
0xa26: {  	v2 =	vld.idx.msk [tilespmem:v0+s13+$0xFFFFFBA0 ss:$0x1], $0xffff  }
0xa27: {  	v3 =	vld.idx.msk [tilespmem:v0+s13+$0xFFFFFBB0 ss:$0x1], $0xffff  }
0xa28: {  	v4 =	vld.idx.msk [tilespmem:v0+s13+$0xFFFFFBC0 ss:$0x1], $0xffff  }
0xa29: {  	v5 =	vld.idx.msk [tilespmem:v0+s13+$0xFFFFFBD0 ss:$0x1], $0xffff  }
0xa2a: {  	v6 =	vld.idx.msk [tilespmem:v0+s13+$0xFFFFFBE0 ss:$0x1], $0xffff  }
0xa2b: {  	v7 =	vld.idx.msk [tilespmem:v0+s13+$0xFFFFFC00 ss:$0x1], $0xffff  }
0xa2c: {  	v8 =	vld.idx.msk [tilespmem:v0+s13+$0xFFFFFF90 ss:$0x1], $0xffff  }
0xa2d: {  	v9 =	vld.idx.msk [tilespmem:v0+s13+$0xFFFFFFA0 ss:$0x1], $0xffff  }
0xa2e: {  	v10 =	vld.idx.msk [tilespmem:v0+s13+$0xFFFFFFB0 ss:$0x1], $0xffff  }
0xa2f: {  	v11 =	vld.idx.msk [tilespmem:v0+s13+$0xFFFFFFC0 ss:$0x1], $0xffff  }
0xa30: {  	v12 =	vld.idx.msk [tilespmem:v0+s13+$0xFFFFFFD0 ss:$0x1], $0xffff  }
0xa31: {  	v13 =	vld.idx.msk [tilespmem:v0+s13+$0xFFFFFFE0 ss:$0x1], $0xffff  }
0xa32: {  	s11 =	sadd.s32 $0x1C000, s11;
	v14 =	vld.idx.msk [tilespmem:v0+s13+$0xFFFFFFF0 ss:$0x1], $0xffff  }
0xa33: {  	s14 =	sadd.s32 s10, s11;
	v15 =	vld.idx.msk [tilespmem:v0+s13+$0xFFFFFB90 ss:$0x1], $0xffff  }
0xa34: {  	[tilespmem:s14+$0x470] =	vst.add.f32.msk $0xffff, v1  }
0xa35: {  	v1 =	vld.idx.msk [tilespmem:v0+s13+$0xFFFFFBF0 ss:$0x1], $0xffff  }
0xa36: {  	[tilespmem:s14+$0x10] =	vst.add.f32.msk $0xffff, v2  }
0xa37: {  	[tilespmem:s14+$0x20] =	vst.add.f32.msk $0xffff, v3  }
0xa38: {  	[tilespmem:s14+$0x30] =	vst.add.f32.msk $0xffff, v4  }
0xa39: {  	[tilespmem:s14+$0x40] =	vst.add.f32.msk $0xffff, v5  }
0xa3a: {  	[tilespmem:s14+$0x50] =	vst.add.f32.msk $0xffff, v6  }
0xa3b: {  	[tilespmem:s14+$0x0] =	vst.add.f32.msk $0xffff, v15  }
0xa3c: {  	[tilespmem:s14+$0x70] =	vst.add.f32.msk $0xffff, v7  }
0xa3d: {  	[tilespmem:s14+$0x400] =	vst.add.f32.msk $0xffff, v8  }
0xa3e: {  	[tilespmem:s14+$0x410] =	vst.add.f32.msk $0xffff, v9  }
0xa3f: {  	[tilespmem:s14+$0x420] =	vst.add.f32.msk $0xffff, v10  }
0xa40: {  	[tilespmem:s14+$0x430] =	vst.add.f32.msk $0xffff, v11  }
0xa41: {  	[tilespmem:s14+$0x440] =	vst.add.f32.msk $0xffff, v12  }
0xa42: {  	[tilespmem:s14+$0x450] =	vst.add.f32.msk $0xffff, v13  }
0xa43: {  	[tilespmem:s14+$0x460] =	vst.add.f32.msk $0xffff, v14  }
0xa44: {  	s12 =	simm.s32 $0x0;
	s13 =	sadd.s32 $0x800, s13;
	[tilespmem:s14+$0x60] =	vst.add.f32.msk $0xffff, v1  }
.LBB2_119:
0xa45: {  	v1 =	vld.idx.msk [tilespmem:v0+s13+$0x0 ss:$0x1], $0xffff;
	s12 =	sadd.s32 $0x100, s12  }
0xa46: {  	v2 =	vld.idx.msk [tilespmem:v0+s13+$0xFFFFFBA0 ss:$0x1], $0xffff;
	p0 =	slt.u32 s12, $0x300  }
0xa47: {  	v3 =	vld.idx.msk [tilespmem:v0+s13+$0xFFFFFBB0 ss:$0x1], $0xffff  }
0xa48: {  	v4 =	vld.idx.msk [tilespmem:v0+s13+$0xFFFFFBC0 ss:$0x1], $0xffff  }
0xa49: {  	s11 =	sadd.s32 $0x800, s11;
	v5 =	vld.idx.msk [tilespmem:v0+s13+$0xFFFFFBD0 ss:$0x1], $0xffff  }
0xa4a: {  	s14 =	sadd.s32 s10, s11;
	v6 =	vld.idx.msk [tilespmem:v0+s13+$0xFFFFFBE0 ss:$0x1], $0xffff  }
0xa4b: {  	[tilespmem:s14+$0x470] =	vst.add.f32.msk $0xffff, v1  }
0xa4c: {  	v1 =	vld.idx.msk [tilespmem:v0+s13+$0xFFFFFBF0 ss:$0x1], $0xffff  }
0xa4d: {  	v7 =	vld.idx.msk [tilespmem:v0+s13+$0xFFFFFC00 ss:$0x1], $0xffff  }
0xa4e: {  	v8 =	vld.idx.msk [tilespmem:v0+s13+$0xFFFFFF90 ss:$0x1], $0xffff  }
0xa4f: {  	v9 =	vld.idx.msk [tilespmem:v0+s13+$0xFFFFFFA0 ss:$0x1], $0xffff  }
0xa50: {  	v10 =	vld.idx.msk [tilespmem:v0+s13+$0xFFFFFFB0 ss:$0x1], $0xffff  }
0xa51: {  	v11 =	vld.idx.msk [tilespmem:v0+s13+$0xFFFFFFC0 ss:$0x1], $0xffff  }
0xa52: {  	v12 =	vld.idx.msk [tilespmem:v0+s13+$0xFFFFFFD0 ss:$0x1], $0xffff  }
0xa53: {  	v13 =	vld.idx.msk [tilespmem:v0+s13+$0xFFFFFFE0 ss:$0x1], $0xffff  }
0xa54: {  	v14 =	vld.idx.msk [tilespmem:v0+s13+$0xFFFFFFF0 ss:$0x1], $0xffff  }
0xa55: {  	v15 =	vld.idx.msk [tilespmem:v0+s13+$0xFFFFFB90 ss:$0x1], $0xffff  }
0xa56: {  	[tilespmem:s14+$0x10] =	vst.add.f32.msk $0xffff, v2  }
0xa57: {  	[tilespmem:s14+$0x20] =	vst.add.f32.msk $0xffff, v3  }
0xa58: {  	[tilespmem:s14+$0x30] =	vst.add.f32.msk $0xffff, v4  }
0xa59: {  	[tilespmem:s14+$0x40] =	vst.add.f32.msk $0xffff, v5  }
0xa5a: {  	[tilespmem:s14+$0x50] =	vst.add.f32.msk $0xffff, v6  }
0xa5b: {  	[tilespmem:s14+$0x0] =	vst.add.f32.msk $0xffff, v15  }
0xa5c: {  	[tilespmem:s14+$0x60] =	vst.add.f32.msk $0xffff, v1  }
0xa5d: {  	[tilespmem:s14+$0x70] =	vst.add.f32.msk $0xffff, v7  }
0xa5e: {  	[tilespmem:s14+$0x400] =	vst.add.f32.msk $0xffff, v8  }
0xa5f: {  	[tilespmem:s14+$0x410] =	vst.add.f32.msk $0xffff, v9  }
.Ltmp58:
0xa60: {  	[tilespmem:s14+$0x420] =	vst.add.f32.msk $0xffff, v10;
	(pc) =	sbr.rel @p0 .LBB2_119-.Ltmp58, $4  }
0xa61: {  	[tilespmem:s14+$0x430] =	vst.add.f32.msk $0xffff, v11  }
0xa62: {  	[tilespmem:s14+$0x440] =	vst.add.f32.msk $0xffff, v12  }
0xa63: {  	[tilespmem:s14+$0x450] =	vst.add.f32.msk $0xffff, v13  }
0xa64: {  	s13 =	sadd.s32 $0x800, s13;
	[tilespmem:s14+$0x460] =	vst.add.f32.msk $0xffff, v14  }
0xa65: {  	s9 =	sadd.s32 $0x1, s9  }
0xa66: {  	p0 =	sne.s32 s9, $0x10  }
.Ltmp59:
0xa67: {  	_ = 	snop;
	(pc) =	sbr.rel @p0 .LBB2_118-.Ltmp59, $2  }
0xa68: {  	_ =	sdelay $0x2  }
0xa69: {  	s8 =	sadd.s32 $0x1, s8;
	s7 =	sadd.s32 $0x400, s7  }
0xa6a: {  	s8 =	sld [smem:$0x7FA];
	_ =	sdelay $0x1  }
0xa6b: {  	s7 =	simm.s32 $0x0  }
0xa6c: {  	[hbm4b:s8+s7] =	stream.linear.scatter [tilespmem:s24], [sflag:$0xE], $0x4000, $0x38;
	v63 =	vld [tilespmem:$0x0]  }
0xa6d: {  	_ =	swait.ge [sflag:s21], $0x4000  }
0xa6e: {  	[sflag:s21] =	ssyncset.done $0x0  }
0xa6f: {  	s9 =	simm.s32 $0x0;
	s8 =	simm.s32 $0x0;
	[sflag:s21] =	ssyncadd.s32 $0xFFFFC000  }
.LBB2_122:
0xa70: {  	s10 =	sand.u32 $0x7, s8  }
0xa71: {  	s10 =	sshll.u32 s10, $0x9  }
0xa72: {  	s10 =	sshrl.u32 s10, $0x2  }
0xa73: {  	v0 =	vmov s10;
	_ =	sdelay $0x2  }
0xa74: {  	s11 =	sand.u32 $0x3FFFE000, s7  }
0xa75: {  	s13 =	sadd.s32 $0x4470, s11  }
0xa76: {  	v1 =	vld.idx.msk [tilespmem:v0+s13+$0x0 ss:$0x1], $0xffff  }
0xa77: {  	v2 =	vld.idx.msk [tilespmem:v0+s13+$0xFFFFFBA0 ss:$0x1], $0xffff  }
0xa78: {  	v3 =	vld.idx.msk [tilespmem:v0+s13+$0xFFFFFBB0 ss:$0x1], $0xffff  }
0xa79: {  	v4 =	vld.idx.msk [tilespmem:v0+s13+$0xFFFFFBC0 ss:$0x1], $0xffff  }
0xa7a: {  	v5 =	vld.idx.msk [tilespmem:v0+s13+$0xFFFFFBD0 ss:$0x1], $0xffff  }
0xa7b: {  	v6 =	vld.idx.msk [tilespmem:v0+s13+$0xFFFFFBE0 ss:$0x1], $0xffff  }
0xa7c: {  	v7 =	vld.idx.msk [tilespmem:v0+s13+$0xFFFFFC00 ss:$0x1], $0xffff  }
0xa7d: {  	v8 =	vld.idx.msk [tilespmem:v0+s13+$0xFFFFFF90 ss:$0x1], $0xffff  }
0xa7e: {  	v9 =	vld.idx.msk [tilespmem:v0+s13+$0xFFFFFFA0 ss:$0x1], $0xffff  }
0xa7f: {  	v10 =	vld.idx.msk [tilespmem:v0+s13+$0xFFFFFFB0 ss:$0x1], $0xffff  }
0xa80: {  	v11 =	vld.idx.msk [tilespmem:v0+s13+$0xFFFFFFC0 ss:$0x1], $0xffff  }
0xa81: {  	v12 =	vld.idx.msk [tilespmem:v0+s13+$0xFFFFFFD0 ss:$0x1], $0xffff  }
0xa82: {  	v13 =	vld.idx.msk [tilespmem:v0+s13+$0xFFFFFFE0 ss:$0x1], $0xffff  }
0xa83: {  	s11 =	sadd.s32 $0x8000, s11;
	v14 =	vld.idx.msk [tilespmem:v0+s13+$0xFFFFFFF0 ss:$0x1], $0xffff  }
0xa84: {  	s14 =	sadd.s32 s10, s11;
	v15 =	vld.idx.msk [tilespmem:v0+s13+$0xFFFFFB90 ss:$0x1], $0xffff  }
0xa85: {  	[tilespmem:s14+$0x470] =	vst.add.f32.msk $0xffff, v1  }
0xa86: {  	v1 =	vld.idx.msk [tilespmem:v0+s13+$0xFFFFFBF0 ss:$0x1], $0xffff  }
0xa87: {  	[tilespmem:s14+$0x10] =	vst.add.f32.msk $0xffff, v2  }
0xa88: {  	[tilespmem:s14+$0x20] =	vst.add.f32.msk $0xffff, v3  }
0xa89: {  	[tilespmem:s14+$0x30] =	vst.add.f32.msk $0xffff, v4  }
0xa8a: {  	[tilespmem:s14+$0x40] =	vst.add.f32.msk $0xffff, v5  }
0xa8b: {  	[tilespmem:s14+$0x50] =	vst.add.f32.msk $0xffff, v6  }
0xa8c: {  	[tilespmem:s14+$0x0] =	vst.add.f32.msk $0xffff, v15  }
0xa8d: {  	[tilespmem:s14+$0x70] =	vst.add.f32.msk $0xffff, v7  }
0xa8e: {  	[tilespmem:s14+$0x400] =	vst.add.f32.msk $0xffff, v8  }
0xa8f: {  	[tilespmem:s14+$0x410] =	vst.add.f32.msk $0xffff, v9  }
0xa90: {  	[tilespmem:s14+$0x420] =	vst.add.f32.msk $0xffff, v10  }
0xa91: {  	[tilespmem:s14+$0x430] =	vst.add.f32.msk $0xffff, v11  }
0xa92: {  	[tilespmem:s14+$0x440] =	vst.add.f32.msk $0xffff, v12  }
0xa93: {  	[tilespmem:s14+$0x450] =	vst.add.f32.msk $0xffff, v13  }
0xa94: {  	[tilespmem:s14+$0x460] =	vst.add.f32.msk $0xffff, v14  }
0xa95: {  	s12 =	simm.s32 $0x0;
	s13 =	sadd.s32 $0x800, s13;
	[tilespmem:s14+$0x60] =	vst.add.f32.msk $0xffff, v1  }
.LBB2_123:
0xa96: {  	v1 =	vld.idx.msk [tilespmem:v0+s13+$0x0 ss:$0x1], $0xffff;
	s12 =	sadd.s32 $0x100, s12  }
0xa97: {  	v2 =	vld.idx.msk [tilespmem:v0+s13+$0xFFFFFBA0 ss:$0x1], $0xffff;
	p0 =	slt.u32 s12, $0x300  }
0xa98: {  	v3 =	vld.idx.msk [tilespmem:v0+s13+$0xFFFFFBB0 ss:$0x1], $0xffff  }
0xa99: {  	v4 =	vld.idx.msk [tilespmem:v0+s13+$0xFFFFFBC0 ss:$0x1], $0xffff  }
0xa9a: {  	s11 =	sadd.s32 $0x800, s11;
	v5 =	vld.idx.msk [tilespmem:v0+s13+$0xFFFFFBD0 ss:$0x1], $0xffff  }
0xa9b: {  	s14 =	sadd.s32 s10, s11;
	v6 =	vld.idx.msk [tilespmem:v0+s13+$0xFFFFFBE0 ss:$0x1], $0xffff  }
0xa9c: {  	[tilespmem:s14+$0x470] =	vst.add.f32.msk $0xffff, v1  }
0xa9d: {  	v1 =	vld.idx.msk [tilespmem:v0+s13+$0xFFFFFBF0 ss:$0x1], $0xffff  }
0xa9e: {  	v7 =	vld.idx.msk [tilespmem:v0+s13+$0xFFFFFC00 ss:$0x1], $0xffff  }
0xa9f: {  	v8 =	vld.idx.msk [tilespmem:v0+s13+$0xFFFFFF90 ss:$0x1], $0xffff  }
0xaa0: {  	v9 =	vld.idx.msk [tilespmem:v0+s13+$0xFFFFFFA0 ss:$0x1], $0xffff  }
0xaa1: {  	v10 =	vld.idx.msk [tilespmem:v0+s13+$0xFFFFFFB0 ss:$0x1], $0xffff  }
0xaa2: {  	v11 =	vld.idx.msk [tilespmem:v0+s13+$0xFFFFFFC0 ss:$0x1], $0xffff  }
0xaa3: {  	v12 =	vld.idx.msk [tilespmem:v0+s13+$0xFFFFFFD0 ss:$0x1], $0xffff  }
0xaa4: {  	v13 =	vld.idx.msk [tilespmem:v0+s13+$0xFFFFFFE0 ss:$0x1], $0xffff  }
0xaa5: {  	v14 =	vld.idx.msk [tilespmem:v0+s13+$0xFFFFFFF0 ss:$0x1], $0xffff  }
0xaa6: {  	v15 =	vld.idx.msk [tilespmem:v0+s13+$0xFFFFFB90 ss:$0x1], $0xffff  }
0xaa7: {  	[tilespmem:s14+$0x10] =	vst.add.f32.msk $0xffff, v2  }
0xaa8: {  	[tilespmem:s14+$0x20] =	vst.add.f32.msk $0xffff, v3  }
0xaa9: {  	[tilespmem:s14+$0x30] =	vst.add.f32.msk $0xffff, v4  }
0xaaa: {  	[tilespmem:s14+$0x40] =	vst.add.f32.msk $0xffff, v5  }
0xaab: {  	[tilespmem:s14+$0x50] =	vst.add.f32.msk $0xffff, v6  }
0xaac: {  	[tilespmem:s14+$0x0] =	vst.add.f32.msk $0xffff, v15  }
0xaad: {  	[tilespmem:s14+$0x60] =	vst.add.f32.msk $0xffff, v1  }
0xaae: {  	[tilespmem:s14+$0x70] =	vst.add.f32.msk $0xffff, v7  }
0xaaf: {  	[tilespmem:s14+$0x400] =	vst.add.f32.msk $0xffff, v8  }
0xab0: {  	[tilespmem:s14+$0x410] =	vst.add.f32.msk $0xffff, v9  }
.Ltmp60:
0xab1: {  	[tilespmem:s14+$0x420] =	vst.add.f32.msk $0xffff, v10;
	(pc) =	sbr.rel @p0 .LBB2_123-.Ltmp60, $4  }
0xab2: {  	[tilespmem:s14+$0x430] =	vst.add.f32.msk $0xffff, v11  }
0xab3: {  	[tilespmem:s14+$0x440] =	vst.add.f32.msk $0xffff, v12  }
0xab4: {  	[tilespmem:s14+$0x450] =	vst.add.f32.msk $0xffff, v13  }
0xab5: {  	s13 =	sadd.s32 $0x800, s13;
	[tilespmem:s14+$0x460] =	vst.add.f32.msk $0xffff, v14  }
0xab6: {  	s9 =	sadd.s32 $0x1, s9  }
0xab7: {  	p0 =	sne.s32 s9, $0x10  }
.Ltmp61:
0xab8: {  	_ = 	snop;
	(pc) =	sbr.rel @p0 .LBB2_122-.Ltmp61, $2  }
0xab9: {  	_ =	sdelay $0x2  }
0xaba: {  	s8 =	sadd.s32 $0x1, s8;
	s7 =	sadd.s32 $0x400, s7  }
0xabb: {  	s8 =	sld [smem:$0x7FB];
	_ =	sdelay $0x1  }
0xabc: {  	s7 =	simm.s32 $0x0  }
0xabd: {  	[hbm4b:s8+s7] =	stream.linear.scatter [tilespmem:s15], [sflag:$0x9], $0x4000, $0x38;
	v63 =	vld [tilespmem:$0x0]  }
0xabe: {  	_ =	swait.ge [sflag:s23], $0x4000  }
0xabf: {  	[sflag:s23] =	ssyncset.done $0x0  }
0xac0: {  	s9 =	simm.s32 $0x0;
	s8 =	simm.s32 $0x0;
	[sflag:s23] =	ssyncadd.s32 $0xFFFFC000  }
.LBB2_126:
0xac1: {  	s10 =	sand.u32 $0x7, s8  }
0xac2: {  	s10 =	sshll.u32 s10, $0x9  }
0xac3: {  	s10 =	sshrl.u32 s10, $0x2  }
0xac4: {  	v0 =	vmov s10;
	_ =	sdelay $0x2  }
0xac5: {  	s11 =	sand.u32 $0x3FFFE000, s7  }
0xac6: {  	s13 =	sadd.s32 $0x4470, s11  }
0xac7: {  	v1 =	vld.idx.msk [tilespmem:v0+s13+$0x0 ss:$0x1], $0xffff  }
0xac8: {  	v2 =	vld.idx.msk [tilespmem:v0+s13+$0xFFFFFBA0 ss:$0x1], $0xffff  }
0xac9: {  	v3 =	vld.idx.msk [tilespmem:v0+s13+$0xFFFFFBB0 ss:$0x1], $0xffff  }
0xaca: {  	v4 =	vld.idx.msk [tilespmem:v0+s13+$0xFFFFFBC0 ss:$0x1], $0xffff  }
0xacb: {  	v5 =	vld.idx.msk [tilespmem:v0+s13+$0xFFFFFBD0 ss:$0x1], $0xffff  }
0xacc: {  	v6 =	vld.idx.msk [tilespmem:v0+s13+$0xFFFFFBE0 ss:$0x1], $0xffff  }
0xacd: {  	v7 =	vld.idx.msk [tilespmem:v0+s13+$0xFFFFFC00 ss:$0x1], $0xffff  }
0xace: {  	v8 =	vld.idx.msk [tilespmem:v0+s13+$0xFFFFFF90 ss:$0x1], $0xffff  }
0xacf: {  	v9 =	vld.idx.msk [tilespmem:v0+s13+$0xFFFFFFA0 ss:$0x1], $0xffff  }
0xad0: {  	v10 =	vld.idx.msk [tilespmem:v0+s13+$0xFFFFFFB0 ss:$0x1], $0xffff  }
0xad1: {  	v11 =	vld.idx.msk [tilespmem:v0+s13+$0xFFFFFFC0 ss:$0x1], $0xffff  }
0xad2: {  	v12 =	vld.idx.msk [tilespmem:v0+s13+$0xFFFFFFD0 ss:$0x1], $0xffff  }
0xad3: {  	v13 =	vld.idx.msk [tilespmem:v0+s13+$0xFFFFFFE0 ss:$0x1], $0xffff  }
0xad4: {  	s11 =	sadd.s32 $0xC000, s11;
	v14 =	vld.idx.msk [tilespmem:v0+s13+$0xFFFFFFF0 ss:$0x1], $0xffff  }
0xad5: {  	s14 =	sadd.s32 s10, s11;
	v15 =	vld.idx.msk [tilespmem:v0+s13+$0xFFFFFB90 ss:$0x1], $0xffff  }
0xad6: {  	[tilespmem:s14+$0x470] =	vst.add.f32.msk $0xffff, v1  }
0xad7: {  	v1 =	vld.idx.msk [tilespmem:v0+s13+$0xFFFFFBF0 ss:$0x1], $0xffff  }
0xad8: {  	[tilespmem:s14+$0x10] =	vst.add.f32.msk $0xffff, v2  }
0xad9: {  	[tilespmem:s14+$0x20] =	vst.add.f32.msk $0xffff, v3  }
0xada: {  	[tilespmem:s14+$0x30] =	vst.add.f32.msk $0xffff, v4  }
0xadb: {  	[tilespmem:s14+$0x40] =	vst.add.f32.msk $0xffff, v5  }
0xadc: {  	[tilespmem:s14+$0x50] =	vst.add.f32.msk $0xffff, v6  }
0xadd: {  	[tilespmem:s14+$0x0] =	vst.add.f32.msk $0xffff, v15  }
0xade: {  	[tilespmem:s14+$0x70] =	vst.add.f32.msk $0xffff, v7  }
0xadf: {  	[tilespmem:s14+$0x400] =	vst.add.f32.msk $0xffff, v8  }
0xae0: {  	[tilespmem:s14+$0x410] =	vst.add.f32.msk $0xffff, v9  }
0xae1: {  	[tilespmem:s14+$0x420] =	vst.add.f32.msk $0xffff, v10  }
0xae2: {  	[tilespmem:s14+$0x430] =	vst.add.f32.msk $0xffff, v11  }
0xae3: {  	[tilespmem:s14+$0x440] =	vst.add.f32.msk $0xffff, v12  }
0xae4: {  	[tilespmem:s14+$0x450] =	vst.add.f32.msk $0xffff, v13  }
0xae5: {  	[tilespmem:s14+$0x460] =	vst.add.f32.msk $0xffff, v14  }
0xae6: {  	s12 =	simm.s32 $0x0;
	s13 =	sadd.s32 $0x800, s13;
	[tilespmem:s14+$0x60] =	vst.add.f32.msk $0xffff, v1  }
.LBB2_127:
0xae7: {  	v1 =	vld.idx.msk [tilespmem:v0+s13+$0x0 ss:$0x1], $0xffff;
	s12 =	sadd.s32 $0x100, s12  }
0xae8: {  	v2 =	vld.idx.msk [tilespmem:v0+s13+$0xFFFFFBA0 ss:$0x1], $0xffff;
	p0 =	slt.u32 s12, $0x300  }
0xae9: {  	v3 =	vld.idx.msk [tilespmem:v0+s13+$0xFFFFFBB0 ss:$0x1], $0xffff  }
0xaea: {  	v4 =	vld.idx.msk [tilespmem:v0+s13+$0xFFFFFBC0 ss:$0x1], $0xffff  }
0xaeb: {  	s11 =	sadd.s32 $0x800, s11;
	v5 =	vld.idx.msk [tilespmem:v0+s13+$0xFFFFFBD0 ss:$0x1], $0xffff  }
0xaec: {  	s14 =	sadd.s32 s10, s11;
	v6 =	vld.idx.msk [tilespmem:v0+s13+$0xFFFFFBE0 ss:$0x1], $0xffff  }
0xaed: {  	[tilespmem:s14+$0x470] =	vst.add.f32.msk $0xffff, v1  }
0xaee: {  	v1 =	vld.idx.msk [tilespmem:v0+s13+$0xFFFFFBF0 ss:$0x1], $0xffff  }
0xaef: {  	v7 =	vld.idx.msk [tilespmem:v0+s13+$0xFFFFFC00 ss:$0x1], $0xffff  }
0xaf0: {  	v8 =	vld.idx.msk [tilespmem:v0+s13+$0xFFFFFF90 ss:$0x1], $0xffff  }
0xaf1: {  	v9 =	vld.idx.msk [tilespmem:v0+s13+$0xFFFFFFA0 ss:$0x1], $0xffff  }
0xaf2: {  	v10 =	vld.idx.msk [tilespmem:v0+s13+$0xFFFFFFB0 ss:$0x1], $0xffff  }
0xaf3: {  	v11 =	vld.idx.msk [tilespmem:v0+s13+$0xFFFFFFC0 ss:$0x1], $0xffff  }
0xaf4: {  	v12 =	vld.idx.msk [tilespmem:v0+s13+$0xFFFFFFD0 ss:$0x1], $0xffff  }
0xaf5: {  	v13 =	vld.idx.msk [tilespmem:v0+s13+$0xFFFFFFE0 ss:$0x1], $0xffff  }
0xaf6: {  	v14 =	vld.idx.msk [tilespmem:v0+s13+$0xFFFFFFF0 ss:$0x1], $0xffff  }
0xaf7: {  	v15 =	vld.idx.msk [tilespmem:v0+s13+$0xFFFFFB90 ss:$0x1], $0xffff  }
0xaf8: {  	[tilespmem:s14+$0x10] =	vst.add.f32.msk $0xffff, v2  }
0xaf9: {  	[tilespmem:s14+$0x20] =	vst.add.f32.msk $0xffff, v3  }
0xafa: {  	[tilespmem:s14+$0x30] =	vst.add.f32.msk $0xffff, v4  }
0xafb: {  	[tilespmem:s14+$0x40] =	vst.add.f32.msk $0xffff, v5  }
0xafc: {  	[tilespmem:s14+$0x50] =	vst.add.f32.msk $0xffff, v6  }
0xafd: {  	[tilespmem:s14+$0x0] =	vst.add.f32.msk $0xffff, v15  }
0xafe: {  	[tilespmem:s14+$0x60] =	vst.add.f32.msk $0xffff, v1  }
0xaff: {  	[tilespmem:s14+$0x70] =	vst.add.f32.msk $0xffff, v7  }
0xb00: {  	[tilespmem:s14+$0x400] =	vst.add.f32.msk $0xffff, v8  }
0xb01: {  	[tilespmem:s14+$0x410] =	vst.add.f32.msk $0xffff, v9  }
.Ltmp62:
0xb02: {  	[tilespmem:s14+$0x420] =	vst.add.f32.msk $0xffff, v10;
	(pc) =	sbr.rel @p0 .LBB2_127-.Ltmp62, $4  }
0xb03: {  	[tilespmem:s14+$0x430] =	vst.add.f32.msk $0xffff, v11  }
0xb04: {  	[tilespmem:s14+$0x440] =	vst.add.f32.msk $0xffff, v12  }
0xb05: {  	[tilespmem:s14+$0x450] =	vst.add.f32.msk $0xffff, v13  }
0xb06: {  	s13 =	sadd.s32 $0x800, s13;
	[tilespmem:s14+$0x460] =	vst.add.f32.msk $0xffff, v14  }
0xb07: {  	s9 =	sadd.s32 $0x1, s9  }
0xb08: {  	p0 =	sne.s32 s9, $0x10  }
.Ltmp63:
0xb09: {  	_ = 	snop;
	(pc) =	sbr.rel @p0 .LBB2_126-.Ltmp63, $2  }
0xb0a: {  	_ =	sdelay $0x2  }
0xb0b: {  	s8 =	sadd.s32 $0x1, s8;
	s7 =	sadd.s32 $0x400, s7  }
0xb0c: {  	s7 =	sld [smem:$0x7FC];
	_ =	sdelay $0x2  }
0xb0d: {  	[hbm4b:s7+s1] =	stream.linear.scatter [tilespmem:s16], [sflag:$0xA], $0x4000, $0x38;
	v63 =	vld [tilespmem:$0x0]  }
0xb0e: {  	_ =	swait.ge [sflag:s26], $0x4000  }
0xb0f: {  	[sflag:s26] =	ssyncset.done $0x0  }
0xb10: {  	[sflag:s26] =	ssyncadd.s32 $0xFFFFC000  }
0xb11: {  	_ =	swait.ge [sflag:s29], $0x4000  }
0xb12: {  	s14 =	sld [smem:$0x7FD];
	_ =	sdelay $0x1  }
0xb13: {  	s6 =	sadd.s32 $0x1, s6  }
0xb14: {  	p0 =	sne.s32 s6, s14  }
.Ltmp64:
0xb15: {  	_ = 	snop;
	(pc) =	sbr.rel @p0 .LBB2_1-.Ltmp64, $3  }
0xb16: {  	_ =	sdelay $0x1  }
0xb17: {  	[sflag:s29] =	ssyncset.done $0x0  }
0xb18: {  	[sflag:s29] =	ssyncadd.s32 $0xFFFFC000  }
0xb19: {  	_ =	sfence.sel $0x180000  }
0xb1a: {  	[bflag:$0x0] =	sbarrier.arrive $0xFFFF  }
0xb1b: {  	_ =	strace $0x90000047  }
0xb1c: {  	s0 =	stileid.u32;
	[bflag:$0x2] =	sbarrier.arrive $0xFFFF  }
0xb1d: {  	p0 =	sne.s32 s0, $0x0;
	s0 =	rddreg [dreg:$0x3]  }
0xb1e: {  	s0 =	sadd.s32 @!p0 $0x100000, s0  }
0xb1f: {  	[sflag:s0] =	ssyncadd.tile.s32 @!p0 $0x1;
	_ =	shalt  }
.Lfunc_end2:
_tile_overlayer_lowered:
.L_overlay_start_2:
0xb20: {  	(tag) =	ssettag $0x2  }
0xb21: {  	s0 =	rddreg [dreg:$0x0];
	s2 =	stileid.u32  }
0xb22: {  	s1 =	rddreg [dreg:$0x1];
	p0 =	sne.s32 s2, $0x0  }
0xb23: {  	s3 =	rddreg [dreg:$0x2];
	[bflag:$0x3] =	sbarrier.arrive $0xFFFF;
	s2 =	simm.s32 @!p0 $0x1C0F  }
0xb24: {  	[timem:s3], [sflag:s2] =	dma.local @!p0 [hbm:s0], s1  }
0xb25: {  	s0 =	simm.s32 @!p0 $0xF  }
0xb26: {  	_ =	swait.ge @!p0 [sflag:s0], s1  }
0xb27: {  	s1 =	ssub.s32 @!p0 $0x0, s1;
	[sflag:s0] =	ssyncset.done @!p0 $0x0  }
0xb28: {  	[sflag:s0] =	ssyncadd.s32 @!p0 s1  }
0xb29: {  	[bflag:$0x3] =	sbarrier.arrive $0xFFFF  }
0xb2a: {  	_ =	shalt  }

</sc_bundles>
